<compile_context>
chip_gen: v7x
topology: tpu7x:2x2x1
jax: 0.10.2.dev20260603
libtpu: 0.0.44.dev20260713+nightly
codegen_flags: <defaults>
</compile_context>

<pallas_src>
import functools

import jax
import jax.numpy as jnp
from jax import lax
from jax.experimental import pallas as pl
from jax.experimental.pallas import tpu as pltpu
from jax.experimental.pallas import tpu_sc as plsc

N = 10000
NP = 10240
E = 320000
D_IN = 128
DH = 256
DHH = 128
NT = 16
ROWS_PT = NP // NT

EB = 80
EDGES_PT = E // NT
NBLK = EDGES_PT // EB
_MESH = plsc.VectorSubcoreMesh(core_axis_name="c", subcore_axis_name="s")


DEGW = 128
DEG_NT = 2 * NT
DEG_EB = 100
DEG_NPAIR = E // (DEG_NT * 2 * DEG_EB)
DEG_NBODY = DEG_NPAIR // 2


@functools.partial(
    pl.kernel,
    out_type=jax.ShapeDtypeStruct((2 * NP, DEGW), jnp.float32),
    mesh=_MESH,
    scratch_types=[
        pltpu.VMEM_SHARED((NP, DEGW), jnp.float32),
        pltpu.VMEM((2, 2, DEG_EB), jnp.int32),
        pltpu.VMEM((DEG_EB, DEGW), jnp.float32),
        pltpu.SemaphoreType.DMA,
        pltpu.SemaphoreType.DMA,
    ],
)
def _deg_kernel(dst_hbm, ones_hbm, zeros_hbm, deg_out, deg_sh, idxb, ones_v,
                semi0, semi1):
    c = lax.axis_index("c")
    s = lax.axis_index("s")
    w = c * NT + s
    r0 = s * ROWS_PT
    semi = (semi0, semi1)

    def load_idx(p, b):
        pltpu.async_copy(dst_hbm.at[w, p], idxb.at[b], semi[b])

    def wait_idx(p, b):
        pltpu.make_async_copy(dst_hbm.at[w, p], idxb.at[b], semi[b]).wait()

    pltpu.sync_copy(zeros_hbm.at[pl.ds(r0, ROWS_PT)], deg_sh.at[pl.ds(r0, ROWS_PT)])
    pltpu.sync_copy(ones_hbm, ones_v)
    load_idx(0, 0)
    load_idx(1, 1)
    plsc.subcore_barrier()

    def body(t, carry):
        for b in range(2):
            p = 2 * t + b
            wait_idx(p, b)
            pltpu.sync_copy(ones_v, deg_sh.at[idxb.at[b, 0]], add=True)
            pltpu.sync_copy(ones_v, deg_sh.at[idxb.at[b, 1]], add=True)

            @pl.when(p + 2 < DEG_NPAIR)
            def _():
                load_idx(p + 2, b)

        return carry

    lax.fori_loop(0, DEG_NBODY, body, 0)
    plsc.subcore_barrier()
    pltpu.sync_copy(deg_sh.at[pl.ds(r0, ROWS_PT)],
                    deg_out.at[pl.ds(c * NP + r0, ROWS_PT)])


NPAIR = NBLK // 2
NBODY = (NPAIR - 1) // 2


@functools.partial(
    pl.kernel,
    out_type=jax.ShapeDtypeStruct((2 * NP, DHH), jnp.float32),
    mesh=_MESH,
    scratch_types=[
        pltpu.VMEM_SHARED((NP, DHH), jnp.float32),
        pltpu.VMEM((2, 2, EB), jnp.int32),
        pltpu.VMEM((2, 2, EB), jnp.int32),
        pltpu.VMEM((EB, DHH), jnp.float32),
        pltpu.VMEM((EB, DHH), jnp.float32),
        pltpu.VMEM((EB, DHH), jnp.float32),
        pltpu.VMEM((EB, DHH), jnp.float32),
        pltpu.SemaphoreType.DMA,
        pltpu.SemaphoreType.DMA,
        pltpu.SemaphoreType.DMA,
        pltpu.SemaphoreType.DMA,
        pltpu.SemaphoreType.DMA,
        pltpu.SemaphoreType.DMA,
        pltpu.SemaphoreType.DMA,
        pltpu.SemaphoreType.DMA,
    ],
)
def _prop_kernel(y_hbm, src_hbm, dst_hbm, out_hbm, acc_sh, srcp, dstp,
                 rows0, rows1, rows2, rows3,
                 semg0, semg1, semg2, semg3, semis0, semis1, semid0, semid1):
    c = lax.axis_index("c")
    s = lax.axis_index("s")
    r0 = s * ROWS_PT
    off = c * NP
    rows = (rows0, rows1, rows2, rows3)
    semg = (semg0, semg1, semg2, semg3)
    semis = (semis0, semis1)
    semid = (semid0, semid1)

    def load_src(p, q):
        pltpu.async_copy(src_hbm.at[s, p], srcp.at[q], semis[q])

    def wait_src(p, q):
        pltpu.make_async_copy(src_hbm.at[s, p], srcp.at[q], semis[q]).wait()

    def load_dst(p, q):
        pltpu.async_copy(dst_hbm.at[s, p], dstp.at[q], semid[q])

    def wait_dst(p, q):
        pltpu.make_async_copy(dst_hbm.at[s, p], dstp.at[q], semid[q]).wait()

    def add_off(q):
        for j in range(2):
            for k in range(EB // 16):
                sl = pl.ds(k * 16, 16)
                srcp[q, j, sl] = srcp[q, j, sl] + off

    def gather(q, j, r):
        pltpu.async_copy(y_hbm.at[srcp.at[q, j]], rows[r], semg[r])

    def wait_gather(q, j, r):
        pltpu.make_async_copy(y_hbm.at[srcp.at[q, j]], rows[r], semg[r]).wait()

    def scatter(q, j, r):
        pltpu.sync_copy(rows[r], acc_sh.at[dstp.at[q, j]], add=True)

    pltpu.sync_copy(y_hbm.at[pl.ds(off + r0, ROWS_PT)], acc_sh.at[pl.ds(r0, ROWS_PT)])

    load_src(0, 0)
    load_dst(0, 0)
    load_src(1, 1)
    load_dst(1, 1)
    wait_src(0, 0)
    add_off(0)
    gather(0, 0, 0)
    gather(0, 1, 1)
    wait_src(1, 1)
    add_off(1)
    gather(1, 0, 2)
    gather(1, 1, 3)
    plsc.subcore_barrier()

    def body(t, carry):
        for q in range(2):
            p = 2 * t + q
            pnext = p + 2
            wait_dst(p, q)
            wait_gather(q, 0, 2 * q)
            scatter(q, 0, 2 * q)
            wait_gather(q, 1, 2 * q + 1)

            @pl.when(pnext < NPAIR)
            def _():
                load_src(pnext, q)

            scatter(q, 1, 2 * q + 1)

            @pl.when(pnext < NPAIR)
            def _():
                load_dst(pnext, q)
                wait_src(pnext, q)
                add_off(q)
                gather(q, 0, 2 * q)
                gather(q, 1, 2 * q + 1)

        return carry

    lax.fori_loop(0, NBODY, body, 0)
    wait_dst(NPAIR - 1, 0)
    wait_gather(0, 0, 0)
    scatter(0, 0, 0)
    wait_gather(0, 1, 1)
    scatter(0, 1, 1)
    plsc.subcore_barrier()
    pltpu.sync_copy(acc_sh.at[pl.ds(r0, ROWS_PT)],
                    out_hbm.at[pl.ds(off + r0, ROWS_PT)])


BM = 2000
GRID = N // BM


def _dis(deg_ref):
    d = deg_ref[:, 0:1] + deg_ref[:, 1:2] + 1.0
    return lax.rsqrt(d)


def _elu(v):
    return jnp.where(v > 0, v, jnp.exp(v) - 1.0)


def _mm1_body(x_ref, w_ref, deg_ref, o_ref):
    dis = _dis(deg_ref)
    xw = jnp.dot(x_ref[...], w_ref[...], preferred_element_type=jnp.float32,
                 precision=lax.Precision.HIGHEST)
    y = dis * xw
    o_ref[0] = y[:, 0:DHH]
    o_ref[1] = y[:, DHH:DH]


def _mm2_body(acc_ref, deg_ref, b1_ref, w2_ref, o_ref):
    dis = _dis(deg_ref)
    h0 = _elu(dis * acc_ref[0] + b1_ref[:, 0:DHH])
    h1 = _elu(dis * acc_ref[1] + b1_ref[:, DHH:DH])
    y = dis * (jnp.dot(h0, w2_ref[0:DHH, :], preferred_element_type=jnp.float32,
                       precision=lax.Precision.HIGHEST)
               + jnp.dot(h1, w2_ref[DHH:DH, :], preferred_element_type=jnp.float32,
                         precision=lax.Precision.HIGHEST))
    o_ref[0] = y[:, 0:DHH]
    o_ref[1] = y[:, DHH:DH]


def _out_body(acc_ref, deg_ref, b2_ref, o_ref):
    dis = _dis(deg_ref)
    o_ref[:, 0:DHH] = _elu(dis * acc_ref[0] + b2_ref[:, 0:DHH])
    o_ref[:, DHH:DH] = _elu(dis * acc_ref[1] + b2_ref[:, DHH:DH])


_half_spec = pl.BlockSpec((2, BM, DHH), lambda i: (0, i, 0))
_deg_spec = pl.BlockSpec((BM, 2), lambda i: (i, 0))

_mm1 = pl.pallas_call(
    _mm1_body,
    grid=(GRID,),
    in_specs=[pl.BlockSpec((BM, D_IN), lambda i: (i, 0)),
              pl.BlockSpec((D_IN, DH), lambda i: (0, 0)),
              _deg_spec],
    out_specs=_half_spec,
    out_shape=jax.ShapeDtypeStruct((2, NP, DHH), jnp.float32))

_mm2 = pl.pallas_call(
    _mm2_body,
    grid=(GRID,),
    in_specs=[_half_spec, _deg_spec,
              pl.BlockSpec((1, DH), lambda i: (0, 0)),
              pl.BlockSpec((DH, DH), lambda i: (0, 0))],
    out_specs=_half_spec,
    out_shape=jax.ShapeDtypeStruct((2, NP, DHH), jnp.float32))

_out = pl.pallas_call(
    _out_body,
    grid=(GRID,),
    in_specs=[_half_spec, _deg_spec,
              pl.BlockSpec((1, DH), lambda i: (0, 0))],
    out_specs=pl.BlockSpec((BM, DH), lambda i: (i, 0)),
    out_shape=jax.ShapeDtypeStruct((N, DH), jnp.float32))


def kernel(x, edge_index, W1, b1, W2, b2):
    src = edge_index[0].astype(jnp.int32)
    dst = edge_index[1].astype(jnp.int32)
    srcr = src.reshape(NT, NPAIR, 2, EB)
    dstr = dst.reshape(NT, NPAIR, 2, EB)
    x = x.astype(jnp.float32)
    ones = jnp.ones((DEG_EB, DEGW), jnp.float32)
    zeros = jnp.zeros((NP, DEGW), jnp.float32)

    deg = _deg_kernel(dst.reshape(DEG_NT, DEG_NPAIR, 2, DEG_EB), ones, zeros).reshape(2, NP, DEGW)[:, :, 0].T
    y1 = _mm1(x, W1, deg)
    acc1 = _prop_kernel(y1.reshape(2 * NP, DHH), srcr, dstr)
    y2 = _mm2(acc1.reshape(2, NP, DHH), deg, b1.reshape(1, DH), W2)
    acc2 = _prop_kernel(y2.reshape(2 * NP, DHH), srcr, dstr)
    return _out(acc2.reshape(2, NP, DHH), deg, b2.reshape(1, DH))

# --- scband reference (transcript-rebuilt; emitter-appended) ---
"""Pipeline reference for scband-gnnencoder-57071525430147 (READ-ONLY COPY).

The authoritative reference and input builder live on the scoring server;
editing this copy changes nothing except your own understanding.
"""

import jax, jax.numpy as jnp
import numpy as np

N = 10000
E = 320000
D_IN = 128
D_H = 256
D_OUT = 256


def setup_inputs(seed: int = 0) -> dict:
    key = jax.random.key(seed)
    k1, k2, k3, k4 = jax.random.split(key, 4)
    x = jax.random.normal(k1, (N, D_IN), dtype=jnp.float32)
    edge_index = jax.random.randint(k2, (2, E), 0, N, dtype=jnp.int64)
    W1 = jax.random.normal(k3, (D_IN, D_H), dtype=jnp.float32) * (1.0 / np.sqrt(D_IN))
    b1 = jnp.zeros((D_H,), dtype=jnp.float32)
    W2 = jax.random.normal(k4, (D_H, D_OUT), dtype=jnp.float32) * (1.0 / np.sqrt(D_H))
    b2 = jnp.zeros((D_OUT,), dtype=jnp.float32)
    return {"x": x, "edge_index": edge_index, "W1": W1, "b1": b1, "W2": W2, "b2": b2}


def _gcn_conv(x, src, dst, W, b, n):
    # x' = D^{-1/2} (A + I) D^{-1/2} (x W) + b  (PyG GCNConv with self-loops)
    xw = x @ W
    loop = jnp.arange(n, dtype=src.dtype)
    s = jnp.concatenate([src, loop])
    d = jnp.concatenate([dst, loop])
    deg = jnp.zeros((n,), dtype=xw.dtype).at[d].add(1.0)
    deg_inv_sqrt = jnp.where(deg > 0, jax.lax.rsqrt(jnp.maximum(deg, 1.0)), 0.0)
    norm = deg_inv_sqrt[s] * deg_inv_sqrt[d]
    out = jnp.zeros((n, xw.shape[1]), dtype=xw.dtype).at[d].add(norm[:, None] * xw[s])
    return out + b


def reference(x, edge_index, W1, b1, W2, b2):
    # eval-mode forward: dropout is identity
    src = edge_index[0]
    dst = edge_index[1]
    n = x.shape[0]
    x = x.astype(jnp.float32)
    h = _gcn_conv(x, src, dst, W1, b1, n)
    h = jax.nn.elu(h)
    h = _gcn_conv(h, src, dst, W2, b2, n)
    h = jax.nn.elu(h)
    return h

if __name__ == "__main__":
    import jax
    _d = setup_inputs()
    print(jax.jit(kernel)(*tuple(_d.values())))

</pallas_src>

<mosaic_0001>
#map = affine_map<(d0, d1) -> (0, 0)>
#map1 = affine_map<(d0, d1) -> (0, 0, 0, 0)>
module attributes {stable_mosaic.version = 14 : i64} {
  func.func @_prop_kernel(%arg0: i32, %arg1: i32, %arg2: memref<20480x128xf32, #tpu.memory_space<hbm>>, %arg3: memref<16x125x2x80xi32, #tpu.memory_space<hbm>>, %arg4: memref<16x125x2x80xi32, #tpu.memory_space<hbm>>, %arg5: memref<20480x128xf32, #tpu.memory_space<hbm>>, %arg6: memref<10240x128xf32, #tpu.memory_space<vmem_shared>>, %arg7: memref<2x2x80xi32, #tpu.memory_space<vmem>>, %arg8: memref<2x2x80xi32, #tpu.memory_space<vmem>>, %arg9: memref<80x128xf32, #tpu.memory_space<vmem>>, %arg10: memref<80x128xf32, #tpu.memory_space<vmem>>, %arg11: memref<80x128xf32, #tpu.memory_space<vmem>>, %arg12: memref<80x128xf32, #tpu.memory_space<vmem>>, %arg13: memref<!tpu.dma_semaphore, #tpu.memory_space<semaphore_mem>>, %arg14: memref<!tpu.dma_semaphore, #tpu.memory_space<semaphore_mem>>, %arg15: memref<!tpu.dma_semaphore, #tpu.memory_space<semaphore_mem>>, %arg16: memref<!tpu.dma_semaphore, #tpu.memory_space<semaphore_mem>>, %arg17: memref<!tpu.dma_semaphore, #tpu.memory_space<semaphore_mem>>, %arg18: memref<!tpu.dma_semaphore, #tpu.memory_space<semaphore_mem>>, %arg19: memref<!tpu.dma_semaphore, #tpu.memory_space<semaphore_mem>>, %arg20: memref<!tpu.dma_semaphore, #tpu.memory_space<semaphore_mem>>) attributes {dimension_semantics = [#tpu.dimension_semantics<core_parallel>, #tpu.dimension_semantics<subcore_parallel>], iteration_bounds = array<i64: 2, 16>, scalar_prefetch = 0 : i64, scratch_operands = 15 : i64, tpu.core_type = #tpu.core_type<sc_vector_subcore>, window_params = [{transform_indices = #map}, {transform_indices = #map1}, {transform_indices = #map1}, {transform_indices = #map}]} {
    %mul3A = arith.constant 640 : i32
    %mul3A_0 = arith.muli %arg1, %mul3A : i32
    %mul3A_1 = arith.constant 10240 : i32
    %mul3A_2 = arith.muli %arg0, %mul3A_1 : i32
    %add3A = arith.addi %mul3A_2, %mul3A_0 : i32
    "tpu.region"() ({
      %run_scoped3A_523 = tpu.sem_alloc : memref<!tpu.dma_semaphore, #tpu.memory_space<semaphore_mem>>
      %dma_start3A_524 = arith.constant 0 : i32
      %dma_start3A_525 = tpu.memref_slice %arg6[%mul3A_0, %dma_start3A_524] : memref<10240x128xf32, #tpu.memory_space<vmem_shared>> -> memref<640x128xf32, #tpu.memory_space<vmem_shared>>
      %dma_start3A_526 = arith.constant 0 : i32
      %dma_start3A_527 = tpu.memref_slice %arg2[%add3A, %dma_start3A_526] : memref<20480x128xf32, #tpu.memory_space<hbm>> -> memref<640x128xf32, #tpu.memory_space<hbm>>
      tpu.enqueue_dma source(%dma_start3A_527 : memref<640x128xf32, #tpu.memory_space<hbm>>) target(%dma_start3A_525 : memref<640x128xf32, #tpu.memory_space<vmem_shared>>) target_semaphore(%run_scoped3A_523 : memref<!tpu.dma_semaphore, #tpu.memory_space<semaphore_mem>>)
      %dma_wait3A_528 = arith.constant 0 : i32
      %dma_wait3A_529 = tpu.memref_slice %arg6[%mul3A_0, %dma_wait3A_528] : memref<10240x128xf32, #tpu.memory_space<vmem_shared>> -> memref<640x128xf32, #tpu.memory_space<vmem_shared>>
      %dma_wait3A_530 = arith.constant 0 : i32
      %dma_wait3A_531 = tpu.memref_slice %arg2[%add3A, %dma_wait3A_530] : memref<20480x128xf32, #tpu.memory_space<hbm>> -> memref<640x128xf32, #tpu.memory_space<hbm>>
      tpu.wait_dma2 semaphore(%run_scoped3A_523 : memref<!tpu.dma_semaphore, #tpu.memory_space<semaphore_mem>>) src(%dma_wait3A_531 : memref<640x128xf32, #tpu.memory_space<hbm>>) dst(%dma_wait3A_529 : memref<640x128xf32, #tpu.memory_space<vmem_shared>>)
      tpu.yield
    }) : () -> ()
    %dma_start3A = arith.constant 0 : i32
    %dma_start3A_3 = arith.constant 0 : i32
    %dma_start3A_4 = arith.constant 0 : i32
    %dma_start3A_5 = arith.constant 0 : i32
    %dma_start3A_6 = tpu.memref_slice %arg7[%dma_start3A_3, %dma_start3A_4, %dma_start3A_5] : memref<2x2x80xi32, #tpu.memory_space<vmem>> -> memref<1x2x80xi32, #tpu.memory_space<vmem>>
    %dma_start3A_7 = tpu.memref_squeeze %dma_start3A_6 : memref<1x2x80xi32, #tpu.memory_space<vmem>> -> memref<2x80xi32, #tpu.memory_space<vmem>>
    %dma_start3A_8 = arith.constant 0 : i32
    %dma_start3A_9 = arith.constant 0 : i32
    %dma_start3A_10 = tpu.memref_slice %arg3[%arg1, %dma_start3A, %dma_start3A_8, %dma_start3A_9] : memref<16x125x2x80xi32, #tpu.memory_space<hbm>> -> memref<1x1x2x80xi32, #tpu.memory_space<hbm>>
    %dma_start3A_11 = tpu.memref_squeeze %dma_start3A_10 : memref<1x1x2x80xi32, #tpu.memory_space<hbm>> -> memref<2x80xi32, #tpu.memory_space<hbm>>
    %dma_start3A_12 = arith.constant 0 : i32
    %dma_start3A_13 = arith.constant 0 : i32
    %dma_start3A_14 = tpu.memref_slice %arg7[%dma_start3A_3, %dma_start3A_12, %dma_start3A_13] : memref<2x2x80xi32, #tpu.memory_space<vmem>> -> memref<1x2x80xi32, #tpu.memory_space<vmem>>
    %dma_start3A_15 = tpu.memref_squeeze %dma_start3A_14 : memref<1x2x80xi32, #tpu.memory_space<vmem>> -> memref<2x80xi32, #tpu.memory_space<vmem>>
    %dma_start3A_16 = arith.constant 0 : i32
    %dma_start3A_17 = arith.constant 0 : i32
    %dma_start3A_18 = tpu.memref_slice %arg3[%arg1, %dma_start3A, %dma_start3A_16, %dma_start3A_17] : memref<16x125x2x80xi32, #tpu.memory_space<hbm>> -> memref<1x1x2x80xi32, #tpu.memory_space<hbm>>
    %dma_start3A_19 = tpu.memref_squeeze %dma_start3A_18 : memref<1x1x2x80xi32, #tpu.memory_space<hbm>> -> memref<2x80xi32, #tpu.memory_space<hbm>>
    tpu.enqueue_dma source(%dma_start3A_19 : memref<2x80xi32, #tpu.memory_space<hbm>>) target(%dma_start3A_15 : memref<2x80xi32, #tpu.memory_space<vmem>>) target_semaphore(%arg17 : memref<!tpu.dma_semaphore, #tpu.memory_space<semaphore_mem>>)
    %dma_start3A_20 = arith.constant 0 : i32
    %dma_start3A_21 = arith.constant 0 : i32
    %dma_start3A_22 = arith.constant 0 : i32
    %dma_start3A_23 = arith.constant 0 : i32
    %dma_start3A_24 = tpu.memref_slice %arg8[%dma_start3A_21, %dma_start3A_22, %dma_start3A_23] : memref<2x2x80xi32, #tpu.memory_space<vmem>> -> memref<1x2x80xi32, #tpu.memory_space<vmem>>
    %dma_start3A_25 = tpu.memref_squeeze %dma_start3A_24 : memref<1x2x80xi32, #tpu.memory_space<vmem>> -> memref<2x80xi32, #tpu.memory_space<vmem>>
    %dma_start3A_26 = arith.constant 0 : i32
    %dma_start3A_27 = arith.constant 0 : i32
    %dma_start3A_28 = tpu.memref_slice %arg4[%arg1, %dma_start3A_20, %dma_start3A_26, %dma_start3A_27] : memref<16x125x2x80xi32, #tpu.memory_space<hbm>> -> memref<1x1x2x80xi32, #tpu.memory_space<hbm>>
    %dma_start3A_29 = tpu.memref_squeeze %dma_start3A_28 : memref<1x1x2x80xi32, #tpu.memory_space<hbm>> -> memref<2x80xi32, #tpu.memory_space<hbm>>
    %dma_start3A_30 = arith.constant 0 : i32
    %dma_start3A_31 = arith.constant 0 : i32
    %dma_start3A_32 = tpu.memref_slice %arg8[%dma_start3A_21, %dma_start3A_30, %dma_start3A_31] : memref<2x2x80xi32, #tpu.memory_space<vmem>> -> memref<1x2x80xi32, #tpu.memory_space<vmem>>
    %dma_start3A_33 = tpu.memref_squeeze %dma_start3A_32 : memref<1x2x80xi32, #tpu.memory_space<vmem>> -> memref<2x80xi32, #tpu.memory_space<vmem>>
    %dma_start3A_34 = arith.constant 0 : i32
    %dma_start3A_35 = arith.constant 0 : i32
    %dma_start3A_36 = tpu.memref_slice %arg4[%arg1, %dma_start3A_20, %dma_start3A_34, %dma_start3A_35] : memref<16x125x2x80xi32, #tpu.memory_space<hbm>> -> memref<1x1x2x80xi32, #tpu.memory_space<hbm>>
    %dma_start3A_37 = tpu.memref_squeeze %dma_start3A_36 : memref<1x1x2x80xi32, #tpu.memory_space<hbm>> -> memref<2x80xi32, #tpu.memory_space<hbm>>
    tpu.enqueue_dma source(%dma_start3A_37 : memref<2x80xi32, #tpu.memory_space<hbm>>) target(%dma_start3A_33 : memref<2x80xi32, #tpu.memory_space<vmem>>) target_semaphore(%arg19 : memref<!tpu.dma_semaphore, #tpu.memory_space<semaphore_mem>>)
    %dma_start3A_38 = arith.constant 1 : i32
    %dma_start3A_39 = arith.constant 1 : i32
    %dma_start3A_40 = arith.constant 0 : i32
    %dma_start3A_41 = arith.constant 0 : i32
    %dma_start3A_42 = tpu.memref_slice %arg7[%dma_start3A_39, %dma_start3A_40, %dma_start3A_41] : memref<2x2x80xi32, #tpu.memory_space<vmem>> -> memref<1x2x80xi32, #tpu.memory_space<vmem>>
    %dma_start3A_43 = tpu.memref_squeeze %dma_start3A_42 : memref<1x2x80xi32, #tpu.memory_space<vmem>> -> memref<2x80xi32, #tpu.memory_space<vmem>>
    %dma_start3A_44 = arith.constant 0 : i32
    %dma_start3A_45 = arith.constant 0 : i32
    %dma_start3A_46 = tpu.memref_slice %arg3[%arg1, %dma_start3A_38, %dma_start3A_44, %dma_start3A_45] : memref<16x125x2x80xi32, #tpu.memory_space<hbm>> -> memref<1x1x2x80xi32, #tpu.memory_space<hbm>>
    %dma_start3A_47 = tpu.memref_squeeze %dma_start3A_46 : memref<1x1x2x80xi32, #tpu.memory_space<hbm>> -> memref<2x80xi32, #tpu.memory_space<hbm>>
    %dma_start3A_48 = arith.constant 0 : i32
    %dma_start3A_49 = arith.constant 0 : i32
    %dma_start3A_50 = tpu.memref_slice %arg7[%dma_start3A_39, %dma_start3A_48, %dma_start3A_49] : memref<2x2x80xi32, #tpu.memory_space<vmem>> -> memref<1x2x80xi32, #tpu.memory_space<vmem>>
    %dma_start3A_51 = tpu.memref_squeeze %dma_start3A_50 : memref<1x2x80xi32, #tpu.memory_space<vmem>> -> memref<2x80xi32, #tpu.memory_space<vmem>>
    %dma_start3A_52 = arith.constant 0 : i32
    %dma_start3A_53 = arith.constant 0 : i32
    %dma_start3A_54 = tpu.memref_slice %arg3[%arg1, %dma_start3A_38, %dma_start3A_52, %dma_start3A_53] : memref<16x125x2x80xi32, #tpu.memory_space<hbm>> -> memref<1x1x2x80xi32, #tpu.memory_space<hbm>>
    %dma_start3A_55 = tpu.memref_squeeze %dma_start3A_54 : memref<1x1x2x80xi32, #tpu.memory_space<hbm>> -> memref<2x80xi32, #tpu.memory_space<hbm>>
    tpu.enqueue_dma source(%dma_start3A_55 : memref<2x80xi32, #tpu.memory_space<hbm>>) target(%dma_start3A_51 : memref<2x80xi32, #tpu.memory_space<vmem>>) target_semaphore(%arg18 : memref<!tpu.dma_semaphore, #tpu.memory_space<semaphore_mem>>)
    %dma_start3A_56 = arith.constant 1 : i32
    %dma_start3A_57 = arith.constant 1 : i32
    %dma_start3A_58 = arith.constant 0 : i32
    %dma_start3A_59 = arith.constant 0 : i32
    %dma_start3A_60 = tpu.memref_slice %arg8[%dma_start3A_57, %dma_start3A_58, %dma_start3A_59] : memref<2x2x80xi32, #tpu.memory_space<vmem>> -> memref<1x2x80xi32, #tpu.memory_space<vmem>>
    %dma_start3A_61 = tpu.memref_squeeze %dma_start3A_60 : memref<1x2x80xi32, #tpu.memory_space<vmem>> -> memref<2x80xi32, #tpu.memory_space<vmem>>
    %dma_start3A_62 = arith.constant 0 : i32
    %dma_start3A_63 = arith.constant 0 : i32
    %dma_start3A_64 = tpu.memref_slice %arg4[%arg1, %dma_start3A_56, %dma_start3A_62, %dma_start3A_63] : memref<16x125x2x80xi32, #tpu.memory_space<hbm>> -> memref<1x1x2x80xi32, #tpu.memory_space<hbm>>
    %dma_start3A_65 = tpu.memref_squeeze %dma_start3A_64 : memref<1x1x2x80xi32, #tpu.memory_space<hbm>> -> memref<2x80xi32, #tpu.memory_space<hbm>>
    %dma_start3A_66 = arith.constant 0 : i32
    %dma_start3A_67 = arith.constant 0 : i32
    %dma_start3A_68 = tpu.memref_slice %arg8[%dma_start3A_57, %dma_start3A_66, %dma_start3A_67] : memref<2x2x80xi32, #tpu.memory_space<vmem>> -> memref<1x2x80xi32, #tpu.memory_space<vmem>>
    %dma_start3A_69 = tpu.memref_squeeze %dma_start3A_68 : memref<1x2x80xi32, #tpu.memory_space<vmem>> -> memref<2x80xi32, #tpu.memory_space<vmem>>
    %dma_start3A_70 = arith.constant 0 : i32
    %dma_start3A_71 = arith.constant 0 : i32
    %dma_start3A_72 = tpu.memref_slice %arg4[%arg1, %dma_start3A_56, %dma_start3A_70, %dma_start3A_71] : memref<16x125x2x80xi32, #tpu.memory_space<hbm>> -> memref<1x1x2x80xi32, #tpu.memory_space<hbm>>
    %dma_start3A_73 = tpu.memref_squeeze %dma_start3A_72 : memref<1x1x2x80xi32, #tpu.memory_space<hbm>> -> memref<2x80xi32, #tpu.memory_space<hbm>>
    tpu.enqueue_dma source(%dma_start3A_73 : memref<2x80xi32, #tpu.memory_space<hbm>>) target(%dma_start3A_69 : memref<2x80xi32, #tpu.memory_space<vmem>>) target_semaphore(%arg20 : memref<!tpu.dma_semaphore, #tpu.memory_space<semaphore_mem>>)
    %dma_wait3A = arith.constant 0 : i32
    %dma_wait3A_74 = arith.constant 0 : i32
    %dma_wait3A_75 = arith.constant 0 : i32
    %dma_wait3A_76 = arith.constant 0 : i32
    %dma_wait3A_77 = tpu.memref_slice %arg7[%dma_wait3A_74, %dma_wait3A_75, %dma_wait3A_76] : memref<2x2x80xi32, #tpu.memory_space<vmem>> -> memref<1x2x80xi32, #tpu.memory_space<vmem>>
    %dma_wait3A_78 = tpu.memref_squeeze %dma_wait3A_77 : memref<1x2x80xi32, #tpu.memory_space<vmem>> -> memref<2x80xi32, #tpu.memory_space<vmem>>
    %dma_wait3A_79 = arith.constant 0 : i32
    %dma_wait3A_80 = arith.constant 0 : i32
    %dma_wait3A_81 = tpu.memref_slice %arg3[%arg1, %dma_wait3A, %dma_wait3A_79, %dma_wait3A_80] : memref<16x125x2x80xi32, #tpu.memory_space<hbm>> -> memref<1x1x2x80xi32, #tpu.memory_space<hbm>>
    %dma_wait3A_82 = tpu.memref_squeeze %dma_wait3A_81 : memref<1x1x2x80xi32, #tpu.memory_space<hbm>> -> memref<2x80xi32, #tpu.memory_space<hbm>>
    %dma_wait3A_83 = arith.constant 0 : i32
    %dma_wait3A_84 = arith.constant 0 : i32
    %dma_wait3A_85 = tpu.memref_slice %arg7[%dma_wait3A_74, %dma_wait3A_83, %dma_wait3A_84] : memref<2x2x80xi32, #tpu.memory_space<vmem>> -> memref<1x2x80xi32, #tpu.memory_space<vmem>>
    %dma_wait3A_86 = tpu.memref_squeeze %dma_wait3A_85 : memref<1x2x80xi32, #tpu.memory_space<vmem>> -> memref<2x80xi32, #tpu.memory_space<vmem>>
    %dma_wait3A_87 = arith.constant 0 : i32
    %dma_wait3A_88 = arith.constant 0 : i32
    %dma_wait3A_89 = tpu.memref_slice %arg3[%arg1, %dma_wait3A, %dma_wait3A_87, %dma_wait3A_88] : memref<16x125x2x80xi32, #tpu.memory_space<hbm>> -> memref<1x1x2x80xi32, #tpu.memory_space<hbm>>
    %dma_wait3A_90 = tpu.memref_squeeze %dma_wait3A_89 : memref<1x1x2x80xi32, #tpu.memory_space<hbm>> -> memref<2x80xi32, #tpu.memory_space<hbm>>
    tpu.wait_dma2 semaphore(%arg17 : memref<!tpu.dma_semaphore, #tpu.memory_space<semaphore_mem>>) src(%dma_wait3A_90 : memref<2x80xi32, #tpu.memory_space<hbm>>) dst(%dma_wait3A_86 : memref<2x80xi32, #tpu.memory_space<vmem>>)
    %get3A = arith.constant 0 : i32
    %get3A_91 = arith.constant 0 : i32
    %get3A_92 = arith.index_cast %get3A : i32 to index
    %get3A_93 = arith.index_cast %get3A_91 : i32 to index
    %get3A_94 = arith.constant 0 : index
    %get3A_95 = tpu.vector_load %arg7[%get3A_92, %get3A_93, %get3A_94] {strides = array<i32>} : memref<2x2x80xi32, #tpu.memory_space<vmem>>, vector<1x1x16xi32>,
    %get3A_96 = vector.shape_cast %get3A_95 : vector<1x1x16xi32> to vector<16xi32>
    %add3A_97 = vector.broadcast %mul3A_2 : i32 to vector<16xi32>
    %add3A_98 = arith.addi %get3A_96, %add3A_97 : vector<16xi32>
    %swap3A = arith.constant 0 : i32
    %swap3A_99 = arith.constant 0 : i32
    %swap3A_100 = arith.index_cast %swap3A : i32 to index
    %swap3A_101 = arith.index_cast %swap3A_99 : i32 to index
    %swap3A_102 = arith.constant 0 : index
    %swap3A_103 = tpu.vector_load %arg7[%swap3A_100, %swap3A_101, %swap3A_102] {strides = array<i32>} : memref<2x2x80xi32, #tpu.memory_space<vmem>>, vector<1x1x16xi32>,
    %swap3A_104 = vector.shape_cast %swap3A_103 : vector<1x1x16xi32> to vector<16xi32>
    %swap3A_105 = vector.shape_cast %add3A_98 : vector<16xi32> to vector<1x1x16xi32>
    tpu.vector_store %arg7[%swap3A_100, %swap3A_101, %swap3A_102], %swap3A_105 {strides = array<i32>} : memref<2x2x80xi32, #tpu.memory_space<vmem>>, vector<1x1x16xi32>,
    %get3A_106 = arith.constant 0 : i32
    %get3A_107 = arith.constant 0 : i32
    %get3A_108 = arith.index_cast %get3A_106 : i32 to index
    %get3A_109 = arith.index_cast %get3A_107 : i32 to index
    %get3A_110 = arith.constant 16 : index
    %get3A_111 = tpu.vector_load %arg7[%get3A_108, %get3A_109, %get3A_110] {strides = array<i32>} : memref<2x2x80xi32, #tpu.memory_space<vmem>>, vector<1x1x16xi32>,
    %get3A_112 = vector.shape_cast %get3A_111 : vector<1x1x16xi32> to vector<16xi32>
    %add3A_113 = vector.broadcast %mul3A_2 : i32 to vector<16xi32>
    %add3A_114 = arith.addi %get3A_112, %add3A_113 : vector<16xi32>
    %swap3A_115 = arith.constant 0 : i32
    %swap3A_116 = arith.constant 0 : i32
    %swap3A_117 = arith.index_cast %swap3A_115 : i32 to index
    %swap3A_118 = arith.index_cast %swap3A_116 : i32 to index
    %swap3A_119 = arith.constant 16 : index
    %swap3A_120 = tpu.vector_load %arg7[%swap3A_117, %swap3A_118, %swap3A_119] {strides = array<i32>} : memref<2x2x80xi32, #tpu.memory_space<vmem>>, vector<1x1x16xi32>,
    %swap3A_121 = vector.shape_cast %swap3A_120 : vector<1x1x16xi32> to vector<16xi32>
    %swap3A_122 = vector.shape_cast %add3A_114 : vector<16xi32> to vector<1x1x16xi32>
    tpu.vector_store %arg7[%swap3A_117, %swap3A_118, %swap3A_119], %swap3A_122 {strides = array<i32>} : memref<2x2x80xi32, #tpu.memory_space<vmem>>, vector<1x1x16xi32>,
    %get3A_123 = arith.constant 0 : i32
    %get3A_124 = arith.constant 0 : i32
    %get3A_125 = arith.index_cast %get3A_123 : i32 to index
    %get3A_126 = arith.index_cast %get3A_124 : i32 to index
    %get3A_127 = arith.constant 32 : index
    %get3A_128 = tpu.vector_load %arg7[%get3A_125, %get3A_126, %get3A_127] {strides = array<i32>} : memref<2x2x80xi32, #tpu.memory_space<vmem>>, vector<1x1x16xi32>,
    %get3A_129 = vector.shape_cast %get3A_128 : vector<1x1x16xi32> to vector<16xi32>
    %add3A_130 = vector.broadcast %mul3A_2 : i32 to vector<16xi32>
    %add3A_131 = arith.addi %get3A_129, %add3A_130 : vector<16xi32>
    %swap3A_132 = arith.constant 0 : i32
    %swap3A_133 = arith.constant 0 : i32
    %swap3A_134 = arith.index_cast %swap3A_132 : i32 to index
    %swap3A_135 = arith.index_cast %swap3A_133 : i32 to index
    %swap3A_136 = arith.constant 32 : index
    %swap3A_137 = tpu.vector_load %arg7[%swap3A_134, %swap3A_135, %swap3A_136] {strides = array<i32>} : memref<2x2x80xi32, #tpu.memory_space<vmem>>, vector<1x1x16xi32>,
    %swap3A_138 = vector.shape_cast %swap3A_137 : vector<1x1x16xi32> to vector<16xi32>
    %swap3A_139 = vector.shape_cast %add3A_131 : vector<16xi32> to vector<1x1x16xi32>
    tpu.vector_store %arg7[%swap3A_134, %swap3A_135, %swap3A_136], %swap3A_139 {strides = array<i32>} : memref<2x2x80xi32, #tpu.memory_space<vmem>>, vector<1x1x16xi32>,
    %get3A_140 = arith.constant 0 : i32
    %get3A_141 = arith.constant 0 : i32
    %get3A_142 = arith.index_cast %get3A_140 : i32 to index
    %get3A_143 = arith.index_cast %get3A_141 : i32 to index
    %get3A_144 = arith.constant 48 : index
    %get3A_145 = tpu.vector_load %arg7[%get3A_142, %get3A_143, %get3A_144] {strides = array<i32>} : memref<2x2x80xi32, #tpu.memory_space<vmem>>, vector<1x1x16xi32>,
    %get3A_146 = vector.shape_cast %get3A_145 : vector<1x1x16xi32> to vector<16xi32>
    %add3A_147 = vector.broadcast %mul3A_2 : i32 to vector<16xi32>
    %add3A_148 = arith.addi %get3A_146, %add3A_147 : vector<16xi32>
    %swap3A_149 = arith.constant 0 : i32
    %swap3A_150 = arith.constant 0 : i32
    %swap3A_151 = arith.index_cast %swap3A_149 : i32 to index
    %swap3A_152 = arith.index_cast %swap3A_150 : i32 to index
    %swap3A_153 = arith.constant 48 : index
    %swap3A_154 = tpu.vector_load %arg7[%swap3A_151, %swap3A_152, %swap3A_153] {strides = array<i32>} : memref<2x2x80xi32, #tpu.memory_space<vmem>>, vector<1x1x16xi32>,
    %swap3A_155 = vector.shape_cast %swap3A_154 : vector<1x1x16xi32> to vector<16xi32>
    %swap3A_156 = vector.shape_cast %add3A_148 : vector<16xi32> to vector<1x1x16xi32>
    tpu.vector_store %arg7[%swap3A_151, %swap3A_152, %swap3A_153], %swap3A_156 {strides = array<i32>} : memref<2x2x80xi32, #tpu.memory_space<vmem>>, vector<1x1x16xi32>,
    %get3A_157 = arith.constant 0 : i32
    %get3A_158 = arith.constant 0 : i32
    %get3A_159 = arith.index_cast %get3A_157 : i32 to index
    %get3A_160 = arith.index_cast %get3A_158 : i32 to index
    %get3A_161 = arith.constant 64 : index
    %get3A_162 = tpu.vector_load %arg7[%get3A_159, %get3A_160, %get3A_161] {strides = array<i32>} : memref<2x2x80xi32, #tpu.memory_space<vmem>>, vector<1x1x16xi32>,
    %get3A_163 = vector.shape_cast %get3A_162 : vector<1x1x16xi32> to vector<16xi32>
    %add3A_164 = vector.broadcast %mul3A_2 : i32 to vector<16xi32>
    %add3A_165 = arith.addi %get3A_163, %add3A_164 : vector<16xi32>
    %swap3A_166 = arith.constant 0 : i32
    %swap3A_167 = arith.constant 0 : i32
    %swap3A_168 = arith.index_cast %swap3A_166 : i32 to index
    %swap3A_169 = arith.index_cast %swap3A_167 : i32 to index
    %swap3A_170 = arith.constant 64 : index
    %swap3A_171 = tpu.vector_load %arg7[%swap3A_168, %swap3A_169, %swap3A_170] {strides = array<i32>} : memref<2x2x80xi32, #tpu.memory_space<vmem>>, vector<1x1x16xi32>,
    %swap3A_172 = vector.shape_cast %swap3A_171 : vector<1x1x16xi32> to vector<16xi32>
    %swap3A_173 = vector.shape_cast %add3A_165 : vector<16xi32> to vector<1x1x16xi32>
    tpu.vector_store %arg7[%swap3A_168, %swap3A_169, %swap3A_170], %swap3A_173 {strides = array<i32>} : memref<2x2x80xi32, #tpu.memory_space<vmem>>, vector<1x1x16xi32>,
    %get3A_174 = arith.constant 0 : i32
    %get3A_175 = arith.constant 1 : i32
    %get3A_176 = arith.index_cast %get3A_174 : i32 to index
    %get3A_177 = arith.index_cast %get3A_175 : i32 to index
    %get3A_178 = arith.constant 0 : index
    %get3A_179 = tpu.vector_load %arg7[%get3A_176, %get3A_177, %get3A_178] {strides = array<i32>} : memref<2x2x80xi32, #tpu.memory_space<vmem>>, vector<1x1x16xi32>,
    %get3A_180 = vector.shape_cast %get3A_179 : vector<1x1x16xi32> to vector<16xi32>
    %add3A_181 = vector.broadcast %mul3A_2 : i32 to vector<16xi32>
    %add3A_182 = arith.addi %get3A_180, %add3A_181 : vector<16xi32>
    %swap3A_183 = arith.constant 0 : i32
    %swap3A_184 = arith.constant 1 : i32
    %swap3A_185 = arith.index_cast %swap3A_183 : i32 to index
    %swap3A_186 = arith.index_cast %swap3A_184 : i32 to index
    %swap3A_187 = arith.constant 0 : index
    %swap3A_188 = tpu.vector_load %arg7[%swap3A_185, %swap3A_186, %swap3A_187] {strides = array<i32>} : memref<2x2x80xi32, #tpu.memory_space<vmem>>, vector<1x1x16xi32>,
    %swap3A_189 = vector.shape_cast %swap3A_188 : vector<1x1x16xi32> to vector<16xi32>
    %swap3A_190 = vector.shape_cast %add3A_182 : vector<16xi32> to vector<1x1x16xi32>
    tpu.vector_store %arg7[%swap3A_185, %swap3A_186, %swap3A_187], %swap3A_190 {strides = array<i32>} : memref<2x2x80xi32, #tpu.memory_space<vmem>>, vector<1x1x16xi32>,
    %get3A_191 = arith.constant 0 : i32
    %get3A_192 = arith.constant 1 : i32
    %get3A_193 = arith.index_cast %get3A_191 : i32 to index
    %get3A_194 = arith.index_cast %get3A_192 : i32 to index
    %get3A_195 = arith.constant 16 : index
    %get3A_196 = tpu.vector_load %arg7[%get3A_193, %get3A_194, %get3A_195] {strides = array<i32>} : memref<2x2x80xi32, #tpu.memory_space<vmem>>, vector<1x1x16xi32>,
    %get3A_197 = vector.shape_cast %get3A_196 : vector<1x1x16xi32> to vector<16xi32>
    %add3A_198 = vector.broadcast %mul3A_2 : i32 to vector<16xi32>
    %add3A_199 = arith.addi %get3A_197, %add3A_198 : vector<16xi32>
    %swap3A_200 = arith.constant 0 : i32
    %swap3A_201 = arith.constant 1 : i32
    %swap3A_202 = arith.index_cast %swap3A_200 : i32 to index
    %swap3A_203 = arith.index_cast %swap3A_201 : i32 to index
    %swap3A_204 = arith.constant 16 : index
    %swap3A_205 = tpu.vector_load %arg7[%swap3A_202, %swap3A_203, %swap3A_204] {strides = array<i32>} : memref<2x2x80xi32, #tpu.memory_space<vmem>>, vector<1x1x16xi32>,
    %swap3A_206 = vector.shape_cast %swap3A_205 : vector<1x1x16xi32> to vector<16xi32>
    %swap3A_207 = vector.shape_cast %add3A_199 : vector<16xi32> to vector<1x1x16xi32>
    tpu.vector_store %arg7[%swap3A_202, %swap3A_203, %swap3A_204], %swap3A_207 {strides = array<i32>} : memref<2x2x80xi32, #tpu.memory_space<vmem>>, vector<1x1x16xi32>,
    %get3A_208 = arith.constant 0 : i32
    %get3A_209 = arith.constant 1 : i32
    %get3A_210 = arith.index_cast %get3A_208 : i32 to index
    %get3A_211 = arith.index_cast %get3A_209 : i32 to index
    %get3A_212 = arith.constant 32 : index
    %get3A_213 = tpu.vector_load %arg7[%get3A_210, %get3A_211, %get3A_212] {strides = array<i32>} : memref<2x2x80xi32, #tpu.memory_space<vmem>>, vector<1x1x16xi32>,
    %get3A_214 = vector.shape_cast %get3A_213 : vector<1x1x16xi32> to vector<16xi32>
    %add3A_215 = vector.broadcast %mul3A_2 : i32 to vector<16xi32>
    %add3A_216 = arith.addi %get3A_214, %add3A_215 : vector<16xi32>
    %swap3A_217 = arith.constant 0 : i32
    %swap3A_218 = arith.constant 1 : i32
    %swap3A_219 = arith.index_cast %swap3A_217 : i32 to index
    %swap3A_220 = arith.index_cast %swap3A_218 : i32 to index
    %swap3A_221 = arith.constant 32 : index
    %swap3A_222 = tpu.vector_load %arg7[%swap3A_219, %swap3A_220, %swap3A_221] {strides = array<i32>} : memref<2x2x80xi32, #tpu.memory_space<vmem>>, vector<1x1x16xi32>,
    %swap3A_223 = vector.shape_cast %swap3A_222 : vector<1x1x16xi32> to vector<16xi32>
    %swap3A_224 = vector.shape_cast %add3A_216 : vector<16xi32> to vector<1x1x16xi32>
    tpu.vector_store %arg7[%swap3A_219, %swap3A_220, %swap3A_221], %swap3A_224 {strides = array<i32>} : memref<2x2x80xi32, #tpu.memory_space<vmem>>, vector<1x1x16xi32>,
    %get3A_225 = arith.constant 0 : i32
    %get3A_226 = arith.constant 1 : i32
    %get3A_227 = arith.index_cast %get3A_225 : i32 to index
    %get3A_228 = arith.index_cast %get3A_226 : i32 to index
    %get3A_229 = arith.constant 48 : index
    %get3A_230 = tpu.vector_load %arg7[%get3A_227, %get3A_228, %get3A_229] {strides = array<i32>} : memref<2x2x80xi32, #tpu.memory_space<vmem>>, vector<1x1x16xi32>,
    %get3A_231 = vector.shape_cast %get3A_230 : vector<1x1x16xi32> to vector<16xi32>
    %add3A_232 = vector.broadcast %mul3A_2 : i32 to vector<16xi32>
    %add3A_233 = arith.addi %get3A_231, %add3A_232 : vector<16xi32>
    %swap3A_234 = arith.constant 0 : i32
    %swap3A_235 = arith.constant 1 : i32
    %swap3A_236 = arith.index_cast %swap3A_234 : i32 to index
    %swap3A_237 = arith.index_cast %swap3A_235 : i32 to index
    %swap3A_238 = arith.constant 48 : index
    %swap3A_239 = tpu.vector_load %arg7[%swap3A_236, %swap3A_237, %swap3A_238] {strides = array<i32>} : memref<2x2x80xi32, #tpu.memory_space<vmem>>, vector<1x1x16xi32>,
    %swap3A_240 = vector.shape_cast %swap3A_239 : vector<1x1x16xi32> to vector<16xi32>
    %swap3A_241 = vector.shape_cast %add3A_233 : vector<16xi32> to vector<1x1x16xi32>
    tpu.vector_store %arg7[%swap3A_236, %swap3A_237, %swap3A_238], %swap3A_241 {strides = array<i32>} : memref<2x2x80xi32, #tpu.memory_space<vmem>>, vector<1x1x16xi32>,
    %get3A_242 = arith.constant 0 : i32
    %get3A_243 = arith.constant 1 : i32
    %get3A_244 = arith.index_cast %get3A_242 : i32 to index
    %get3A_245 = arith.index_cast %get3A_243 : i32 to index
    %get3A_246 = arith.constant 64 : index
    %get3A_247 = tpu.vector_load %arg7[%get3A_244, %get3A_245, %get3A_246] {strides = array<i32>} : memref<2x2x80xi32, #tpu.memory_space<vmem>>, vector<1x1x16xi32>,
    %get3A_248 = vector.shape_cast %get3A_247 : vector<1x1x16xi32> to vector<16xi32>
    %add3A_249 = vector.broadcast %mul3A_2 : i32 to vector<16xi32>
    %add3A_250 = arith.addi %get3A_248, %add3A_249 : vector<16xi32>
    %swap3A_251 = arith.constant 0 : i32
    %swap3A_252 = arith.constant 1 : i32
    %swap3A_253 = arith.index_cast %swap3A_251 : i32 to index
    %swap3A_254 = arith.index_cast %swap3A_252 : i32 to index
    %swap3A_255 = arith.constant 64 : index
    %swap3A_256 = tpu.vector_load %arg7[%swap3A_253, %swap3A_254, %swap3A_255] {strides = array<i32>} : memref<2x2x80xi32, #tpu.memory_space<vmem>>, vector<1x1x16xi32>,
    %swap3A_257 = vector.shape_cast %swap3A_256 : vector<1x1x16xi32> to vector<16xi32>
    %swap3A_258 = vector.shape_cast %add3A_250 : vector<16xi32> to vector<1x1x16xi32>
    tpu.vector_store %arg7[%swap3A_253, %swap3A_254, %swap3A_255], %swap3A_258 {strides = array<i32>} : memref<2x2x80xi32, #tpu.memory_space<vmem>>, vector<1x1x16xi32>,
    %dma_start3A_259 = arith.constant 0 : i32
    %dma_start3A_260 = arith.constant 0 : i32
    %dma_start3A_261 = arith.constant 0 : i32
    %dma_start3A_262 = tpu.memref_slice %arg7[%dma_start3A_259, %dma_start3A_260, %dma_start3A_261] : memref<2x2x80xi32, #tpu.memory_space<vmem>> -> memref<1x1x80xi32, #tpu.memory_space<vmem>>
    %dma_start3A_263 = tpu.memref_squeeze %dma_start3A_262 : memref<1x1x80xi32, #tpu.memory_space<vmem>> -> memref<80xi32, #tpu.memory_space<vmem>>
    %dma_start3A_264 = arith.constant 0 : i32
    %dma_start3A_265 = arith.constant 0 : i32
    %dma_start3A_266 = tpu.memref_slice %arg2[%dma_start3A_264, %dma_start3A_265] : memref<20480x128xf32, #tpu.memory_space<hbm>> -> memref<20480x128xf32, #tpu.memory_space<hbm>>
    tpu.enqueue_indirect_dma source(%dma_start3A_266 : memref<20480x128xf32, #tpu.memory_space<hbm>>) target(%arg9 : memref<80x128xf32, #tpu.memory_space<vmem>>) offsets(%dma_start3A_263 : memref<80xi32, #tpu.memory_space<vmem>>) semaphore(%arg13 : memref<!tpu.dma_semaphore, #tpu.memory_space<semaphore_mem>>)
    %dma_start3A_267 = arith.constant 0 : i32
    %dma_start3A_268 = arith.constant 1 : i32
    %dma_start3A_269 = arith.constant 0 : i32
    %dma_start3A_270 = tpu.memref_slice %arg7[%dma_start3A_267, %dma_start3A_268, %dma_start3A_269] : memref<2x2x80xi32, #tpu.memory_space<vmem>> -> memref<1x1x80xi32, #tpu.memory_space<vmem>>
    %dma_start3A_271 = tpu.memref_squeeze %dma_start3A_270 : memref<1x1x80xi32, #tpu.memory_space<vmem>> -> memref<80xi32, #tpu.memory_space<vmem>>
    %dma_start3A_272 = arith.constant 0 : i32
    %dma_start3A_273 = arith.constant 0 : i32
    %dma_start3A_274 = tpu.memref_slice %arg2[%dma_start3A_272, %dma_start3A_273] : memref<20480x128xf32, #tpu.memory_space<hbm>> -> memref<20480x128xf32, #tpu.memory_space<hbm>>
    tpu.enqueue_indirect_dma source(%dma_start3A_274 : memref<20480x128xf32, #tpu.memory_space<hbm>>) target(%arg10 : memref<80x128xf32, #tpu.memory_space<vmem>>) offsets(%dma_start3A_271 : memref<80xi32, #tpu.memory_space<vmem>>) semaphore(%arg14 : memref<!tpu.dma_semaphore, #tpu.memory_space<semaphore_mem>>)
    %dma_wait3A_275 = arith.constant 1 : i32
    %dma_wait3A_276 = arith.constant 1 : i32
    %dma_wait3A_277 = arith.constant 0 : i32
    %dma_wait3A_278 = arith.constant 0 : i32
    %dma_wait3A_279 = tpu.memref_slice %arg7[%dma_wait3A_276, %dma_wait3A_277, %dma_wait3A_278] : memref<2x2x80xi32, #tpu.memory_space<vmem>> -> memref<1x2x80xi32, #tpu.memory_space<vmem>>
    %dma_wait3A_280 = tpu.memref_squeeze %dma_wait3A_279 : memref<1x2x80xi32, #tpu.memory_space<vmem>> -> memref<2x80xi32, #tpu.memory_space<vmem>>
    %dma_wait3A_281 = arith.constant 0 : i32
    %dma_wait3A_282 = arith.constant 0 : i32
    %dma_wait3A_283 = tpu.memref_slice %arg3[%arg1, %dma_wait3A_275, %dma_wait3A_281, %dma_wait3A_282] : memref<16x125x2x80xi32, #tpu.memory_space<hbm>> -> memref<1x1x2x80xi32, #tpu.memory_space<hbm>>
    %dma_wait3A_284 = tpu.memref_squeeze %dma_wait3A_283 : memref<1x1x2x80xi32, #tpu.memory_space<hbm>> -> memref<2x80xi32, #tpu.memory_space<hbm>>
    %dma_wait3A_285 = arith.constant 0 : i32
    %dma_wait3A_286 = arith.constant 0 : i32
    %dma_wait3A_287 = tpu.memref_slice %arg7[%dma_wait3A_276, %dma_wait3A_285, %dma_wait3A_286] : memref<2x2x80xi32, #tpu.memory_space<vmem>> -> memref<1x2x80xi32, #tpu.memory_space<vmem>>
    %dma_wait3A_288 = tpu.memref_squeeze %dma_wait3A_287 : memref<1x2x80xi32, #tpu.memory_space<vmem>> -> memref<2x80xi32, #tpu.memory_space<vmem>>
    %dma_wait3A_289 = arith.constant 0 : i32
    %dma_wait3A_290 = arith.constant 0 : i32
    %dma_wait3A_291 = tpu.memref_slice %arg3[%arg1, %dma_wait3A_275, %dma_wait3A_289, %dma_wait3A_290] : memref<16x125x2x80xi32, #tpu.memory_space<hbm>> -> memref<1x1x2x80xi32, #tpu.memory_space<hbm>>
    %dma_wait3A_292 = tpu.memref_squeeze %dma_wait3A_291 : memref<1x1x2x80xi32, #tpu.memory_space<hbm>> -> memref<2x80xi32, #tpu.memory_space<hbm>>
    tpu.wait_dma2 semaphore(%arg18 : memref<!tpu.dma_semaphore, #tpu.memory_space<semaphore_mem>>) src(%dma_wait3A_292 : memref<2x80xi32, #tpu.memory_space<hbm>>) dst(%dma_wait3A_288 : memref<2x80xi32, #tpu.memory_space<vmem>>)
    %get3A_293 = arith.constant 1 : i32
    %get3A_294 = arith.constant 0 : i32
    %get3A_295 = arith.index_cast %get3A_293 : i32 to index
    %get3A_296 = arith.index_cast %get3A_294 : i32 to index
    %get3A_297 = arith.constant 0 : index
    %get3A_298 = tpu.vector_load %arg7[%get3A_295, %get3A_296, %get3A_297] {strides = array<i32>} : memref<2x2x80xi32, #tpu.memory_space<vmem>>, vector<1x1x16xi32>,
    %get3A_299 = vector.shape_cast %get3A_298 : vector<1x1x16xi32> to vector<16xi32>
    %add3A_300 = vector.broadcast %mul3A_2 : i32 to vector<16xi32>
    %add3A_301 = arith.addi %get3A_299, %add3A_300 : vector<16xi32>
    %swap3A_302 = arith.constant 1 : i32
    %swap3A_303 = arith.constant 0 : i32
    %swap3A_304 = arith.index_cast %swap3A_302 : i32 to index
    %swap3A_305 = arith.index_cast %swap3A_303 : i32 to index
    %swap3A_306 = arith.constant 0 : index
    %swap3A_307 = tpu.vector_load %arg7[%swap3A_304, %swap3A_305, %swap3A_306] {strides = array<i32>} : memref<2x2x80xi32, #tpu.memory_space<vmem>>, vector<1x1x16xi32>,
    %swap3A_308 = vector.shape_cast %swap3A_307 : vector<1x1x16xi32> to vector<16xi32>
    %swap3A_309 = vector.shape_cast %add3A_301 : vector<16xi32> to vector<1x1x16xi32>
    tpu.vector_store %arg7[%swap3A_304, %swap3A_305, %swap3A_306], %swap3A_309 {strides = array<i32>} : memref<2x2x80xi32, #tpu.memory_space<vmem>>, vector<1x1x16xi32>,
    %get3A_310 = arith.constant 1 : i32
    %get3A_311 = arith.constant 0 : i32
    %get3A_312 = arith.index_cast %get3A_310 : i32 to index
    %get3A_313 = arith.index_cast %get3A_311 : i32 to index
    %get3A_314 = arith.constant 16 : index
    %get3A_315 = tpu.vector_load %arg7[%get3A_312, %get3A_313, %get3A_314] {strides = array<i32>} : memref<2x2x80xi32, #tpu.memory_space<vmem>>, vector<1x1x16xi32>,
    %get3A_316 = vector.shape_cast %get3A_315 : vector<1x1x16xi32> to vector<16xi32>
    %add3A_317 = vector.broadcast %mul3A_2 : i32 to vector<16xi32>
    %add3A_318 = arith.addi %get3A_316, %add3A_317 : vector<16xi32>
    %swap3A_319 = arith.constant 1 : i32
    %swap3A_320 = arith.constant 0 : i32
    %swap3A_321 = arith.index_cast %swap3A_319 : i32 to index
    %swap3A_322 = arith.index_cast %swap3A_320 : i32 to index
    %swap3A_323 = arith.constant 16 : index
    %swap3A_324 = tpu.vector_load %arg7[%swap3A_321, %swap3A_322, %swap3A_323] {strides = array<i32>} : memref<2x2x80xi32, #tpu.memory_space<vmem>>, vector<1x1x16xi32>,
    %swap3A_325 = vector.shape_cast %swap3A_324 : vector<1x1x16xi32> to vector<16xi32>
    %swap3A_326 = vector.shape_cast %add3A_318 : vector<16xi32> to vector<1x1x16xi32>
    tpu.vector_store %arg7[%swap3A_321, %swap3A_322, %swap3A_323], %swap3A_326 {strides = array<i32>} : memref<2x2x80xi32, #tpu.memory_space<vmem>>, vector<1x1x16xi32>,
    %get3A_327 = arith.constant 1 : i32
    %get3A_328 = arith.constant 0 : i32
    %get3A_329 = arith.index_cast %get3A_327 : i32 to index
    %get3A_330 = arith.index_cast %get3A_328 : i32 to index
    %get3A_331 = arith.constant 32 : index
    %get3A_332 = tpu.vector_load %arg7[%get3A_329, %get3A_330, %get3A_331] {strides = array<i32>} : memref<2x2x80xi32, #tpu.memory_space<vmem>>, vector<1x1x16xi32>,
    %get3A_333 = vector.shape_cast %get3A_332 : vector<1x1x16xi32> to vector<16xi32>
    %add3A_334 = vector.broadcast %mul3A_2 : i32 to vector<16xi32>
    %add3A_335 = arith.addi %get3A_333, %add3A_334 : vector<16xi32>
    %swap3A_336 = arith.constant 1 : i32
    %swap3A_337 = arith.constant 0 : i32
    %swap3A_338 = arith.index_cast %swap3A_336 : i32 to index
    %swap3A_339 = arith.index_cast %swap3A_337 : i32 to index
    %swap3A_340 = arith.constant 32 : index
    %swap3A_341 = tpu.vector_load %arg7[%swap3A_338, %swap3A_339, %swap3A_340] {strides = array<i32>} : memref<2x2x80xi32, #tpu.memory_space<vmem>>, vector<1x1x16xi32>,
    %swap3A_342 = vector.shape_cast %swap3A_341 : vector<1x1x16xi32> to vector<16xi32>
    %swap3A_343 = vector.shape_cast %add3A_335 : vector<16xi32> to vector<1x1x16xi32>
    tpu.vector_store %arg7[%swap3A_338, %swap3A_339, %swap3A_340], %swap3A_343 {strides = array<i32>} : memref<2x2x80xi32, #tpu.memory_space<vmem>>, vector<1x1x16xi32>,
    %get3A_344 = arith.constant 1 : i32
    %get3A_345 = arith.constant 0 : i32
    %get3A_346 = arith.index_cast %get3A_344 : i32 to index
    %get3A_347 = arith.index_cast %get3A_345 : i32 to index
    %get3A_348 = arith.constant 48 : index
    %get3A_349 = tpu.vector_load %arg7[%get3A_346, %get3A_347, %get3A_348] {strides = array<i32>} : memref<2x2x80xi32, #tpu.memory_space<vmem>>, vector<1x1x16xi32>,
    %get3A_350 = vector.shape_cast %get3A_349 : vector<1x1x16xi32> to vector<16xi32>
    %add3A_351 = vector.broadcast %mul3A_2 : i32 to vector<16xi32>
    %add3A_352 = arith.addi %get3A_350, %add3A_351 : vector<16xi32>
    %swap3A_353 = arith.constant 1 : i32
    %swap3A_354 = arith.constant 0 : i32
    %swap3A_355 = arith.index_cast %swap3A_353 : i32 to index
    %swap3A_356 = arith.index_cast %swap3A_354 : i32 to index
    %swap3A_357 = arith.constant 48 : index
    %swap3A_358 = tpu.vector_load %arg7[%swap3A_355, %swap3A_356, %swap3A_357] {strides = array<i32>} : memref<2x2x80xi32, #tpu.memory_space<vmem>>, vector<1x1x16xi32>,
    %swap3A_359 = vector.shape_cast %swap3A_358 : vector<1x1x16xi32> to vector<16xi32>
    %swap3A_360 = vector.shape_cast %add3A_352 : vector<16xi32> to vector<1x1x16xi32>
    tpu.vector_store %arg7[%swap3A_355, %swap3A_356, %swap3A_357], %swap3A_360 {strides = array<i32>} : memref<2x2x80xi32, #tpu.memory_space<vmem>>, vector<1x1x16xi32>,
    %get3A_361 = arith.constant 1 : i32
    %get3A_362 = arith.constant 0 : i32
    %get3A_363 = arith.index_cast %get3A_361 : i32 to index
    %get3A_364 = arith.index_cast %get3A_362 : i32 to index
    %get3A_365 = arith.constant 64 : index
    %get3A_366 = tpu.vector_load %arg7[%get3A_363, %get3A_364, %get3A_365] {strides = array<i32>} : memref<2x2x80xi32, #tpu.memory_space<vmem>>, vector<1x1x16xi32>,
    %get3A_367 = vector.shape_cast %get3A_366 : vector<1x1x16xi32> to vector<16xi32>
    %add3A_368 = vector.broadcast %mul3A_2 : i32 to vector<16xi32>
    %add3A_369 = arith.addi %get3A_367, %add3A_368 : vector<16xi32>
    %swap3A_370 = arith.constant 1 : i32
    %swap3A_371 = arith.constant 0 : i32
    %swap3A_372 = arith.index_cast %swap3A_370 : i32 to index
    %swap3A_373 = arith.index_cast %swap3A_371 : i32 to index
    %swap3A_374 = arith.constant 64 : index
    %swap3A_375 = tpu.vector_load %arg7[%swap3A_372, %swap3A_373, %swap3A_374] {strides = array<i32>} : memref<2x2x80xi32, #tpu.memory_space<vmem>>, vector<1x1x16xi32>,
    %swap3A_376 = vector.shape_cast %swap3A_375 : vector<1x1x16xi32> to vector<16xi32>
    %swap3A_377 = vector.shape_cast %add3A_369 : vector<16xi32> to vector<1x1x16xi32>
    tpu.vector_store %arg7[%swap3A_372, %swap3A_373, %swap3A_374], %swap3A_377 {strides = array<i32>} : memref<2x2x80xi32, #tpu.memory_space<vmem>>, vector<1x1x16xi32>,
    %get3A_378 = arith.constant 1 : i32
    %get3A_379 = arith.constant 1 : i32
    %get3A_380 = arith.index_cast %get3A_378 : i32 to index
    %get3A_381 = arith.index_cast %get3A_379 : i32 to index
    %get3A_382 = arith.constant 0 : index
    %get3A_383 = tpu.vector_load %arg7[%get3A_380, %get3A_381, %get3A_382] {strides = array<i32>} : memref<2x2x80xi32, #tpu.memory_space<vmem>>, vector<1x1x16xi32>,
    %get3A_384 = vector.shape_cast %get3A_383 : vector<1x1x16xi32> to vector<16xi32>
    %add3A_385 = vector.broadcast %mul3A_2 : i32 to vector<16xi32>
    %add3A_386 = arith.addi %get3A_384, %add3A_385 : vector<16xi32>
    %swap3A_387 = arith.constant 1 : i32
    %swap3A_388 = arith.constant 1 : i32
    %swap3A_389 = arith.index_cast %swap3A_387 : i32 to index
    %swap3A_390 = arith.index_cast %swap3A_388 : i32 to index
    %swap3A_391 = arith.constant 0 : index
    %swap3A_392 = tpu.vector_load %arg7[%swap3A_389, %swap3A_390, %swap3A_391] {strides = array<i32>} : memref<2x2x80xi32, #tpu.memory_space<vmem>>, vector<1x1x16xi32>,
    %swap3A_393 = vector.shape_cast %swap3A_392 : vector<1x1x16xi32> to vector<16xi32>
    %swap3A_394 = vector.shape_cast %add3A_386 : vector<16xi32> to vector<1x1x16xi32>
    tpu.vector_store %arg7[%swap3A_389, %swap3A_390, %swap3A_391], %swap3A_394 {strides = array<i32>} : memref<2x2x80xi32, #tpu.memory_space<vmem>>, vector<1x1x16xi32>,
    %get3A_395 = arith.constant 1 : i32
    %get3A_396 = arith.constant 1 : i32
    %get3A_397 = arith.index_cast %get3A_395 : i32 to index
    %get3A_398 = arith.index_cast %get3A_396 : i32 to index
    %get3A_399 = arith.constant 16 : index
    %get3A_400 = tpu.vector_load %arg7[%get3A_397, %get3A_398, %get3A_399] {strides = array<i32>} : memref<2x2x80xi32, #tpu.memory_space<vmem>>, vector<1x1x16xi32>,
    %get3A_401 = vector.shape_cast %get3A_400 : vector<1x1x16xi32> to vector<16xi32>
    %add3A_402 = vector.broadcast %mul3A_2 : i32 to vector<16xi32>
    %add3A_403 = arith.addi %get3A_401, %add3A_402 : vector<16xi32>
    %swap3A_404 = arith.constant 1 : i32
    %swap3A_405 = arith.constant 1 : i32
    %swap3A_406 = arith.index_cast %swap3A_404 : i32 to index
    %swap3A_407 = arith.index_cast %swap3A_405 : i32 to index
    %swap3A_408 = arith.constant 16 : index
    %swap3A_409 = tpu.vector_load %arg7[%swap3A_406, %swap3A_407, %swap3A_408] {strides = array<i32>} : memref<2x2x80xi32, #tpu.memory_space<vmem>>, vector<1x1x16xi32>,
    %swap3A_410 = vector.shape_cast %swap3A_409 : vector<1x1x16xi32> to vector<16xi32>
    %swap3A_411 = vector.shape_cast %add3A_403 : vector<16xi32> to vector<1x1x16xi32>
    tpu.vector_store %arg7[%swap3A_406, %swap3A_407, %swap3A_408], %swap3A_411 {strides = array<i32>} : memref<2x2x80xi32, #tpu.memory_space<vmem>>, vector<1x1x16xi32>,
    %get3A_412 = arith.constant 1 : i32
    %get3A_413 = arith.constant 1 : i32
    %get3A_414 = arith.index_cast %get3A_412 : i32 to index
    %get3A_415 = arith.index_cast %get3A_413 : i32 to index
    %get3A_416 = arith.constant 32 : index
    %get3A_417 = tpu.vector_load %arg7[%get3A_414, %get3A_415, %get3A_416] {strides = array<i32>} : memref<2x2x80xi32, #tpu.memory_space<vmem>>, vector<1x1x16xi32>,
    %get3A_418 = vector.shape_cast %get3A_417 : vector<1x1x16xi32> to vector<16xi32>
    %add3A_419 = vector.broadcast %mul3A_2 : i32 to vector<16xi32>
    %add3A_420 = arith.addi %get3A_418, %add3A_419 : vector<16xi32>
    %swap3A_421 = arith.constant 1 : i32
    %swap3A_422 = arith.constant 1 : i32
    %swap3A_423 = arith.index_cast %swap3A_421 : i32 to index
    %swap3A_424 = arith.index_cast %swap3A_422 : i32 to index
    %swap3A_425 = arith.constant 32 : index
    %swap3A_426 = tpu.vector_load %arg7[%swap3A_423, %swap3A_424, %swap3A_425] {strides = array<i32>} : memref<2x2x80xi32, #tpu.memory_space<vmem>>, vector<1x1x16xi32>,
    %swap3A_427 = vector.shape_cast %swap3A_426 : vector<1x1x16xi32> to vector<16xi32>
    %swap3A_428 = vector.shape_cast %add3A_420 : vector<16xi32> to vector<1x1x16xi32>
    tpu.vector_store %arg7[%swap3A_423, %swap3A_424, %swap3A_425], %swap3A_428 {strides = array<i32>} : memref<2x2x80xi32, #tpu.memory_space<vmem>>, vector<1x1x16xi32>,
    %get3A_429 = arith.constant 1 : i32
    %get3A_430 = arith.constant 1 : i32
    %get3A_431 = arith.index_cast %get3A_429 : i32 to index
    %get3A_432 = arith.index_cast %get3A_430 : i32 to index
    %get3A_433 = arith.constant 48 : index
    %get3A_434 = tpu.vector_load %arg7[%get3A_431, %get3A_432, %get3A_433] {strides = array<i32>} : memref<2x2x80xi32, #tpu.memory_space<vmem>>, vector<1x1x16xi32>,
    %get3A_435 = vector.shape_cast %get3A_434 : vector<1x1x16xi32> to vector<16xi32>
    %add3A_436 = vector.broadcast %mul3A_2 : i32 to vector<16xi32>
    %add3A_437 = arith.addi %get3A_435, %add3A_436 : vector<16xi32>
    %swap3A_438 = arith.constant 1 : i32
    %swap3A_439 = arith.constant 1 : i32
    %swap3A_440 = arith.index_cast %swap3A_438 : i32 to index
    %swap3A_441 = arith.index_cast %swap3A_439 : i32 to index
    %swap3A_442 = arith.constant 48 : index
    %swap3A_443 = tpu.vector_load %arg7[%swap3A_440, %swap3A_441, %swap3A_442] {strides = array<i32>} : memref<2x2x80xi32, #tpu.memory_space<vmem>>, vector<1x1x16xi32>,
    %swap3A_444 = vector.shape_cast %swap3A_443 : vector<1x1x16xi32> to vector<16xi32>
    %swap3A_445 = vector.shape_cast %add3A_437 : vector<16xi32> to vector<1x1x16xi32>
    tpu.vector_store %arg7[%swap3A_440, %swap3A_441, %swap3A_442], %swap3A_445 {strides = array<i32>} : memref<2x2x80xi32, #tpu.memory_space<vmem>>, vector<1x1x16xi32>,
    %get3A_446 = arith.constant 1 : i32
    %get3A_447 = arith.constant 1 : i32
    %get3A_448 = arith.index_cast %get3A_446 : i32 to index
    %get3A_449 = arith.index_cast %get3A_447 : i32 to index
    %get3A_450 = arith.constant 64 : index
    %get3A_451 = tpu.vector_load %arg7[%get3A_448, %get3A_449, %get3A_450] {strides = array<i32>} : memref<2x2x80xi32, #tpu.memory_space<vmem>>, vector<1x1x16xi32>,
    %get3A_452 = vector.shape_cast %get3A_451 : vector<1x1x16xi32> to vector<16xi32>
    %add3A_453 = vector.broadcast %mul3A_2 : i32 to vector<16xi32>
    %add3A_454 = arith.addi %get3A_452, %add3A_453 : vector<16xi32>
    %swap3A_455 = arith.constant 1 : i32
    %swap3A_456 = arith.constant 1 : i32
    %swap3A_457 = arith.index_cast %swap3A_455 : i32 to index
    %swap3A_458 = arith.index_cast %swap3A_456 : i32 to index
    %swap3A_459 = arith.constant 64 : index
    %swap3A_460 = tpu.vector_load %arg7[%swap3A_457, %swap3A_458, %swap3A_459] {strides = array<i32>} : memref<2x2x80xi32, #tpu.memory_space<vmem>>, vector<1x1x16xi32>,
    %swap3A_461 = vector.shape_cast %swap3A_460 : vector<1x1x16xi32> to vector<16xi32>
    %swap3A_462 = vector.shape_cast %add3A_454 : vector<16xi32> to vector<1x1x16xi32>
    tpu.vector_store %arg7[%swap3A_457, %swap3A_458, %swap3A_459], %swap3A_462 {strides = array<i32>} : memref<2x2x80xi32, #tpu.memory_space<vmem>>, vector<1x1x16xi32>,
    %dma_start3A_463 = arith.constant 1 : i32
    %dma_start3A_464 = arith.constant 0 : i32
    %dma_start3A_465 = arith.constant 0 : i32
    %dma_start3A_466 = tpu.memref_slice %arg7[%dma_start3A_463, %dma_start3A_464, %dma_start3A_465] : memref<2x2x80xi32, #tpu.memory_space<vmem>> -> memref<1x1x80xi32, #tpu.memory_space<vmem>>
    %dma_start3A_467 = tpu.memref_squeeze %dma_start3A_466 : memref<1x1x80xi32, #tpu.memory_space<vmem>> -> memref<80xi32, #tpu.memory_space<vmem>>
    %dma_start3A_468 = arith.constant 0 : i32
    %dma_start3A_469 = arith.constant 0 : i32
    %dma_start3A_470 = tpu.memref_slice %arg2[%dma_start3A_468, %dma_start3A_469] : memref<20480x128xf32, #tpu.memory_space<hbm>> -> memref<20480x128xf32, #tpu.memory_space<hbm>>
    tpu.enqueue_indirect_dma source(%dma_start3A_470 : memref<20480x128xf32, #tpu.memory_space<hbm>>) target(%arg11 : memref<80x128xf32, #tpu.memory_space<vmem>>) offsets(%dma_start3A_467 : memref<80xi32, #tpu.memory_space<vmem>>) semaphore(%arg15 : memref<!tpu.dma_semaphore, #tpu.memory_space<semaphore_mem>>)
    %dma_start3A_471 = arith.constant 1 : i32
    %dma_start3A_472 = arith.constant 1 : i32
    %dma_start3A_473 = arith.constant 0 : i32
    %dma_start3A_474 = tpu.memref_slice %arg7[%dma_start3A_471, %dma_start3A_472, %dma_start3A_473] : memref<2x2x80xi32, #tpu.memory_space<vmem>> -> memref<1x1x80xi32, #tpu.memory_space<vmem>>
    %dma_start3A_475 = tpu.memref_squeeze %dma_start3A_474 : memref<1x1x80xi32, #tpu.memory_space<vmem>> -> memref<80xi32, #tpu.memory_space<vmem>>
    %dma_start3A_476 = arith.constant 0 : i32
    %dma_start3A_477 = arith.constant 0 : i32
    %dma_start3A_478 = tpu.memref_slice %arg2[%dma_start3A_476, %dma_start3A_477] : memref<20480x128xf32, #tpu.memory_space<hbm>> -> memref<20480x128xf32, #tpu.memory_space<hbm>>
    tpu.enqueue_indirect_dma source(%dma_start3A_478 : memref<20480x128xf32, #tpu.memory_space<hbm>>) target(%arg12 : memref<80x128xf32, #tpu.memory_space<vmem>>) offsets(%dma_start3A_475 : memref<80xi32, #tpu.memory_space<vmem>>) semaphore(%arg16 : memref<!tpu.dma_semaphore, #tpu.memory_space<semaphore_mem>>)
    %barrier3A = arith.constant 0 : index
    tpu.barrier barrier_id(%barrier3A)
    %scan3A = arith.constant 0 : i32
    %scan3A_479 = arith.constant 0 : i32
    %scan3A_480 = arith.constant 62 : i32
    %scan3A_481 = arith.addi %scan3A_479, %scan3A_480 : i32
    %scan3A_482 = arith.constant 1 : i32
    scf.for %scan3A_523 = %scan3A_479 to %scan3A_481 step %scan3A_482  : i32 {
      %mul3A_524 = arith.constant 2 : i32
      %mul3A_525 = arith.muli %mul3A_524, %scan3A_523 : i32
      %add3A_526 = arith.constant 0 : i32
      %add3A_527 = arith.addi %mul3A_525, %add3A_526 : i32
      %add3A_528 = arith.constant 2 : i32
      %add3A_529 = arith.addi %add3A_527, %add3A_528 : i32
      %dma_wait3A_530 = arith.constant 0 : i32
      %dma_wait3A_531 = arith.constant 0 : i32
      %dma_wait3A_532 = arith.constant 0 : i32
      %dma_wait3A_533 = tpu.memref_slice %arg8[%dma_wait3A_530, %dma_wait3A_531, %dma_wait3A_532] : memref<2x2x80xi32, #tpu.memory_space<vmem>> -> memref<1x2x80xi32, #tpu.memory_space<vmem>>
      %dma_wait3A_534 = tpu.memref_squeeze %dma_wait3A_533 : memref<1x2x80xi32, #tpu.memory_space<vmem>> -> memref<2x80xi32, #tpu.memory_space<vmem>>
      %dma_wait3A_535 = arith.constant 0 : i32
      %dma_wait3A_536 = arith.constant 0 : i32
      %dma_wait3A_537 = tpu.memref_slice %arg4[%arg1, %add3A_527, %dma_wait3A_535, %dma_wait3A_536] : memref<16x125x2x80xi32, #tpu.memory_space<hbm>> -> memref<1x1x2x80xi32, #tpu.memory_space<hbm>>
      %dma_wait3A_538 = tpu.memref_squeeze %dma_wait3A_537 : memref<1x1x2x80xi32, #tpu.memory_space<hbm>> -> memref<2x80xi32, #tpu.memory_space<hbm>>
      %dma_wait3A_539 = arith.constant 0 : i32
      %dma_wait3A_540 = arith.constant 0 : i32
      %dma_wait3A_541 = tpu.memref_slice %arg8[%dma_wait3A_530, %dma_wait3A_539, %dma_wait3A_540] : memref<2x2x80xi32, #tpu.memory_space<vmem>> -> memref<1x2x80xi32, #tpu.memory_space<vmem>>
      %dma_wait3A_542 = tpu.memref_squeeze %dma_wait3A_541 : memref<1x2x80xi32, #tpu.memory_space<vmem>> -> memref<2x80xi32, #tpu.memory_space<vmem>>
      %dma_wait3A_543 = arith.constant 0 : i32
      %dma_wait3A_544 = arith.constant 0 : i32
      %dma_wait3A_545 = tpu.memref_slice %arg4[%arg1, %add3A_527, %dma_wait3A_543, %dma_wait3A_544] : memref<16x125x2x80xi32, #tpu.memory_space<hbm>> -> memref<1x1x2x80xi32, #tpu.memory_space<hbm>>
      %dma_wait3A_546 = tpu.memref_squeeze %dma_wait3A_545 : memref<1x1x2x80xi32, #tpu.memory_space<hbm>> -> memref<2x80xi32, #tpu.memory_space<hbm>>
      tpu.wait_dma2 semaphore(%arg19 : memref<!tpu.dma_semaphore, #tpu.memory_space<semaphore_mem>>) src(%dma_wait3A_546 : memref<2x80xi32, #tpu.memory_space<hbm>>) dst(%dma_wait3A_542 : memref<2x80xi32, #tpu.memory_space<vmem>>)
      %dma_wait3A_547 = arith.constant 0 : i32
      %dma_wait3A_548 = arith.constant 0 : i32
      %dma_wait3A_549 = arith.constant 0 : i32
      %dma_wait3A_550 = tpu.memref_slice %arg7[%dma_wait3A_547, %dma_wait3A_548, %dma_wait3A_549] : memref<2x2x80xi32, #tpu.memory_space<vmem>> -> memref<1x1x80xi32, #tpu.memory_space<vmem>>
      %dma_wait3A_551 = tpu.memref_squeeze %dma_wait3A_550 : memref<1x1x80xi32, #tpu.memory_space<vmem>> -> memref<80xi32, #tpu.memory_space<vmem>>
      %dma_wait3A_552 = arith.constant 0 : i32
      %dma_wait3A_553 = arith.constant 0 : i32
      %dma_wait3A_554 = tpu.memref_slice %arg2[%dma_wait3A_552, %dma_wait3A_553] : memref<20480x128xf32, #tpu.memory_space<hbm>> -> memref<20480x128xf32, #tpu.memory_space<hbm>>
      tpu.wait_indirect_dma semaphore(%arg13 : memref<!tpu.dma_semaphore, #tpu.memory_space<semaphore_mem>>) src(%dma_wait3A_554 : memref<20480x128xf32, #tpu.memory_space<hbm>>) dst(%arg9 : memref<80x128xf32, #tpu.memory_space<vmem>>)
      %run_scoped3A_555 = arith.constant 0 : i32
      %run_scoped3A_556 = arith.constant 0 : i32
      "tpu.region"() ({
        %run_scoped3A_627 = tpu.sem_alloc : memref<!tpu.dma_semaphore, #tpu.memory_space<semaphore_mem>>
        %dma_start3A_628 = arith.constant 0 : i32
        %dma_start3A_629 = tpu.memref_slice %arg8[%run_scoped3A_555, %run_scoped3A_556, %dma_start3A_628] : memref<2x2x80xi32, #tpu.memory_space<vmem>> -> memref<1x1x80xi32, #tpu.memory_space<vmem>>
        %dma_start3A_630 = tpu.memref_squeeze %dma_start3A_629 : memref<1x1x80xi32, #tpu.memory_space<vmem>> -> memref<80xi32, #tpu.memory_space<vmem>>
        %dma_start3A_631 = arith.constant 0 : i32
        %dma_start3A_632 = arith.constant 0 : i32
        %dma_start3A_633 = tpu.memref_slice %arg6[%dma_start3A_631, %dma_start3A_632] : memref<10240x128xf32, #tpu.memory_space<vmem_shared>> -> memref<10240x128xf32, #tpu.memory_space<vmem_shared>>
        tpu.enqueue_indirect_dma source(%arg9 : memref<80x128xf32, #tpu.memory_space<vmem>>) target(%dma_start3A_633 : memref<10240x128xf32, #tpu.memory_space<vmem_shared>>) offsets(%dma_start3A_630 : memref<80xi32, #tpu.memory_space<vmem>>) semaphore(%run_scoped3A_627 : memref<!tpu.dma_semaphore, #tpu.memory_space<semaphore_mem>>) {add = true}
        %dma_wait3A_634 = arith.constant 0 : i32
        %dma_wait3A_635 = tpu.memref_slice %arg8[%run_scoped3A_555, %run_scoped3A_556, %dma_wait3A_634] : memref<2x2x80xi32, #tpu.memory_space<vmem>> -> memref<1x1x80xi32, #tpu.memory_space<vmem>>
        %dma_wait3A_636 = tpu.memref_squeeze %dma_wait3A_635 : memref<1x1x80xi32, #tpu.memory_space<vmem>> -> memref<80xi32, #tpu.memory_space<vmem>>
        %dma_wait3A_637 = arith.constant 0 : i32
        %dma_wait3A_638 = arith.constant 0 : i32
        %dma_wait3A_639 = tpu.memref_slice %arg6[%dma_wait3A_637, %dma_wait3A_638] : memref<10240x128xf32, #tpu.memory_space<vmem_shared>> -> memref<10240x128xf32, #tpu.memory_space<vmem_shared>>
        tpu.wait_indirect_dma semaphore(%run_scoped3A_627 : memref<!tpu.dma_semaphore, #tpu.memory_space<semaphore_mem>>) src(%arg9 : memref<80x128xf32, #tpu.memory_space<vmem>>) dst(%dma_wait3A_639 : memref<10240x128xf32, #tpu.memory_space<vmem_shared>>)
        tpu.yield
      }) : () -> ()
      %dma_wait3A_557 = arith.constant 0 : i32
      %dma_wait3A_558 = arith.constant 1 : i32
      %dma_wait3A_559 = arith.constant 0 : i32
      %dma_wait3A_560 = tpu.memref_slice %arg7[%dma_wait3A_557, %dma_wait3A_558, %dma_wait3A_559] : memref<2x2x80xi32, #tpu.memory_space<vmem>> -> memref<1x1x80xi32, #tpu.memory_space<vmem>>
      %dma_wait3A_561 = tpu.memref_squeeze %dma_wait3A_560 : memref<1x1x80xi32, #tpu.memory_space<vmem>> -> memref<80xi32, #tpu.memory_space<vmem>>
      %dma_wait3A_562 = arith.constant 0 : i32
      %dma_wait3A_563 = arith.constant 0 : i32
      %dma_wait3A_564 = tpu.memref_slice %arg2[%dma_wait3A_562, %dma_wait3A_563] : memref<20480x128xf32, #tpu.memory_space<hbm>> -> memref<20480x128xf32, #tpu.memory_space<hbm>>
      tpu.wait_indirect_dma semaphore(%arg14 : memref<!tpu.dma_semaphore, #tpu.memory_space<semaphore_mem>>) src(%dma_wait3A_564 : memref<20480x128xf32, #tpu.memory_space<hbm>>) dst(%arg10 : memref<80x128xf32, #tpu.memory_space<vmem>>)
      %lt3A = arith.constant 125 : i32
      %lt3A_565 = arith.cmpi slt, %add3A_529, %lt3A : i32
      %convert_element_type3A = arith.extui %lt3A_565 : i1 to i32
      %cond3A = arith.constant 0 : i32
      %cond3A_566 = arith.cmpi ne, %convert_element_type3A, %cond3A : i32
      scf.if %cond3A_566 {
        %dma_start3A_627 = arith.constant 0 : i32
        %dma_start3A_628 = arith.constant 0 : i32
        %dma_start3A_629 = arith.constant 0 : i32
        %dma_start3A_630 = tpu.memref_slice %arg7[%dma_start3A_627, %dma_start3A_628, %dma_start3A_629] : memref<2x2x80xi32, #tpu.memory_space<vmem>> -> memref<1x2x80xi32, #tpu.memory_space<vmem>>
        %dma_start3A_631 = tpu.memref_squeeze %dma_start3A_630 : memref<1x2x80xi32, #tpu.memory_space<vmem>> -> memref<2x80xi32, #tpu.memory_space<vmem>>
        %dma_start3A_632 = arith.constant 0 : i32
        %dma_start3A_633 = arith.constant 0 : i32
        %dma_start3A_634 = tpu.memref_slice %arg3[%arg1, %add3A_529, %dma_start3A_632, %dma_start3A_633] : memref<16x125x2x80xi32, #tpu.memory_space<hbm>> -> memref<1x1x2x80xi32, #tpu.memory_space<hbm>>
        %dma_start3A_635 = tpu.memref_squeeze %dma_start3A_634 : memref<1x1x2x80xi32, #tpu.memory_space<hbm>> -> memref<2x80xi32, #tpu.memory_space<hbm>>
        %dma_start3A_636 = arith.constant 0 : i32
        %dma_start3A_637 = arith.constant 0 : i32
        %dma_start3A_638 = tpu.memref_slice %arg7[%dma_start3A_627, %dma_start3A_636, %dma_start3A_637] : memref<2x2x80xi32, #tpu.memory_space<vmem>> -> memref<1x2x80xi32, #tpu.memory_space<vmem>>
        %dma_start3A_639 = tpu.memref_squeeze %dma_start3A_638 : memref<1x2x80xi32, #tpu.memory_space<vmem>> -> memref<2x80xi32, #tpu.memory_space<vmem>>
        %dma_start3A_640 = arith.constant 0 : i32
        %dma_start3A_641 = arith.constant 0 : i32
        %dma_start3A_642 = tpu.memref_slice %arg3[%arg1, %add3A_529, %dma_start3A_640, %dma_start3A_641] : memref<16x125x2x80xi32, #tpu.memory_space<hbm>> -> memref<1x1x2x80xi32, #tpu.memory_space<hbm>>
        %dma_start3A_643 = tpu.memref_squeeze %dma_start3A_642 : memref<1x1x2x80xi32, #tpu.memory_space<hbm>> -> memref<2x80xi32, #tpu.memory_space<hbm>>
        tpu.enqueue_dma source(%dma_start3A_643 : memref<2x80xi32, #tpu.memory_space<hbm>>) target(%dma_start3A_639 : memref<2x80xi32, #tpu.memory_space<vmem>>) target_semaphore(%arg17 : memref<!tpu.dma_semaphore, #tpu.memory_space<semaphore_mem>>)
      } else {
      }
      %run_scoped3A_567 = arith.constant 0 : i32
      %run_scoped3A_568 = arith.constant 1 : i32
      "tpu.region"() ({
        %run_scoped3A_627 = tpu.sem_alloc : memref<!tpu.dma_semaphore, #tpu.memory_space<semaphore_mem>>
        %dma_start3A_628 = arith.constant 0 : i32
        %dma_start3A_629 = tpu.memref_slice %arg8[%run_scoped3A_567, %run_scoped3A_568, %dma_start3A_628] : memref<2x2x80xi32, #tpu.memory_space<vmem>> -> memref<1x1x80xi32, #tpu.memory_space<vmem>>
        %dma_start3A_630 = tpu.memref_squeeze %dma_start3A_629 : memref<1x1x80xi32, #tpu.memory_space<vmem>> -> memref<80xi32, #tpu.memory_space<vmem>>
        %dma_start3A_631 = arith.constant 0 : i32
        %dma_start3A_632 = arith.constant 0 : i32
        %dma_start3A_633 = tpu.memref_slice %arg6[%dma_start3A_631, %dma_start3A_632] : memref<10240x128xf32, #tpu.memory_space<vmem_shared>> -> memref<10240x128xf32, #tpu.memory_space<vmem_shared>>
        tpu.enqueue_indirect_dma source(%arg10 : memref<80x128xf32, #tpu.memory_space<vmem>>) target(%dma_start3A_633 : memref<10240x128xf32, #tpu.memory_space<vmem_shared>>) offsets(%dma_start3A_630 : memref<80xi32, #tpu.memory_space<vmem>>) semaphore(%run_scoped3A_627 : memref<!tpu.dma_semaphore, #tpu.memory_space<semaphore_mem>>) {add = true}
        %dma_wait3A_634 = arith.constant 0 : i32
        %dma_wait3A_635 = tpu.memref_slice %arg8[%run_scoped3A_567, %run_scoped3A_568, %dma_wait3A_634] : memref<2x2x80xi32, #tpu.memory_space<vmem>> -> memref<1x1x80xi32, #tpu.memory_space<vmem>>
        %dma_wait3A_636 = tpu.memref_squeeze %dma_wait3A_635 : memref<1x1x80xi32, #tpu.memory_space<vmem>> -> memref<80xi32, #tpu.memory_space<vmem>>
        %dma_wait3A_637 = arith.constant 0 : i32
        %dma_wait3A_638 = arith.constant 0 : i32
        %dma_wait3A_639 = tpu.memref_slice %arg6[%dma_wait3A_637, %dma_wait3A_638] : memref<10240x128xf32, #tpu.memory_space<vmem_shared>> -> memref<10240x128xf32, #tpu.memory_space<vmem_shared>>
        tpu.wait_indirect_dma semaphore(%run_scoped3A_627 : memref<!tpu.dma_semaphore, #tpu.memory_space<semaphore_mem>>) src(%arg10 : memref<80x128xf32, #tpu.memory_space<vmem>>) dst(%dma_wait3A_639 : memref<10240x128xf32, #tpu.memory_space<vmem_shared>>)
        tpu.yield
      }) : () -> ()
      %lt3A_569 = arith.constant 125 : i32
      %lt3A_570 = arith.cmpi slt, %add3A_529, %lt3A_569 : i32
      %convert_element_type3A_571 = arith.extui %lt3A_570 : i1 to i32
      %cond3A_572 = arith.constant 0 : i32
      %cond3A_573 = arith.cmpi ne, %convert_element_type3A_571, %cond3A_572 : i32
      scf.if %cond3A_573 {
        %dma_start3A_627 = arith.constant 0 : i32
        %dma_start3A_628 = arith.constant 0 : i32
        %dma_start3A_629 = arith.constant 0 : i32
        %dma_start3A_630 = tpu.memref_slice %arg8[%dma_start3A_627, %dma_start3A_628, %dma_start3A_629] : memref<2x2x80xi32, #tpu.memory_space<vmem>> -> memref<1x2x80xi32, #tpu.memory_space<vmem>>
        %dma_start3A_631 = tpu.memref_squeeze %dma_start3A_630 : memref<1x2x80xi32, #tpu.memory_space<vmem>> -> memref<2x80xi32, #tpu.memory_space<vmem>>
        %dma_start3A_632 = arith.constant 0 : i32
        %dma_start3A_633 = arith.constant 0 : i32
        %dma_start3A_634 = tpu.memref_slice %arg4[%arg1, %add3A_529, %dma_start3A_632, %dma_start3A_633] : memref<16x125x2x80xi32, #tpu.memory_space<hbm>> -> memref<1x1x2x80xi32, #tpu.memory_space<hbm>>
        %dma_start3A_635 = tpu.memref_squeeze %dma_start3A_634 : memref<1x1x2x80xi32, #tpu.memory_space<hbm>> -> memref<2x80xi32, #tpu.memory_space<hbm>>
        %dma_start3A_636 = arith.constant 0 : i32
        %dma_start3A_637 = arith.constant 0 : i32
        %dma_start3A_638 = tpu.memref_slice %arg8[%dma_start3A_627, %dma_start3A_636, %dma_start3A_637] : memref<2x2x80xi32, #tpu.memory_space<vmem>> -> memref<1x2x80xi32, #tpu.memory_space<vmem>>
        %dma_start3A_639 = tpu.memref_squeeze %dma_start3A_638 : memref<1x2x80xi32, #tpu.memory_space<vmem>> -> memref<2x80xi32, #tpu.memory_space<vmem>>
        %dma_start3A_640 = arith.constant 0 : i32
        %dma_start3A_641 = arith.constant 0 : i32
        %dma_start3A_642 = tpu.memref_slice %arg4[%arg1, %add3A_529, %dma_start3A_640, %dma_start3A_641] : memref<16x125x2x80xi32, #tpu.memory_space<hbm>> -> memref<1x1x2x80xi32, #tpu.memory_space<hbm>>
        %dma_start3A_643 = tpu.memref_squeeze %dma_start3A_642 : memref<1x1x2x80xi32, #tpu.memory_space<hbm>> -> memref<2x80xi32, #tpu.memory_space<hbm>>
        tpu.enqueue_dma source(%dma_start3A_643 : memref<2x80xi32, #tpu.memory_space<hbm>>) target(%dma_start3A_639 : memref<2x80xi32, #tpu.memory_space<vmem>>) target_semaphore(%arg19 : memref<!tpu.dma_semaphore, #tpu.memory_space<semaphore_mem>>)
        %dma_wait3A_644 = arith.constant 0 : i32
        %dma_wait3A_645 = arith.constant 0 : i32
        %dma_wait3A_646 = arith.constant 0 : i32
        %dma_wait3A_647 = tpu.memref_slice %arg7[%dma_wait3A_644, %dma_wait3A_645, %dma_wait3A_646] : memref<2x2x80xi32, #tpu.memory_space<vmem>> -> memref<1x2x80xi32, #tpu.memory_space<vmem>>
        %dma_wait3A_648 = tpu.memref_squeeze %dma_wait3A_647 : memref<1x2x80xi32, #tpu.memory_space<vmem>> -> memref<2x80xi32, #tpu.memory_space<vmem>>
        %dma_wait3A_649 = arith.constant 0 : i32
        %dma_wait3A_650 = arith.constant 0 : i32
        %dma_wait3A_651 = tpu.memref_slice %arg3[%arg1, %add3A_529, %dma_wait3A_649, %dma_wait3A_650] : memref<16x125x2x80xi32, #tpu.memory_space<hbm>> -> memref<1x1x2x80xi32, #tpu.memory_space<hbm>>
        %dma_wait3A_652 = tpu.memref_squeeze %dma_wait3A_651 : memref<1x1x2x80xi32, #tpu.memory_space<hbm>> -> memref<2x80xi32, #tpu.memory_space<hbm>>
        %dma_wait3A_653 = arith.constant 0 : i32
        %dma_wait3A_654 = arith.constant 0 : i32
        %dma_wait3A_655 = tpu.memref_slice %arg7[%dma_wait3A_644, %dma_wait3A_653, %dma_wait3A_654] : memref<2x2x80xi32, #tpu.memory_space<vmem>> -> memref<1x2x80xi32, #tpu.memory_space<vmem>>
        %dma_wait3A_656 = tpu.memref_squeeze %dma_wait3A_655 : memref<1x2x80xi32, #tpu.memory_space<vmem>> -> memref<2x80xi32, #tpu.memory_space<vmem>>
        %dma_wait3A_657 = arith.constant 0 : i32
        %dma_wait3A_658 = arith.constant 0 : i32
        %dma_wait3A_659 = tpu.memref_slice %arg3[%arg1, %add3A_529, %dma_wait3A_657, %dma_wait3A_658] : memref<16x125x2x80xi32, #tpu.memory_space<hbm>> -> memref<1x1x2x80xi32, #tpu.memory_space<hbm>>
        %dma_wait3A_660 = tpu.memref_squeeze %dma_wait3A_659 : memref<1x1x2x80xi32, #tpu.memory_space<hbm>> -> memref<2x80xi32, #tpu.memory_space<hbm>>
        tpu.wait_dma2 semaphore(%arg17 : memref<!tpu.dma_semaphore, #tpu.memory_space<semaphore_mem>>) src(%dma_wait3A_660 : memref<2x80xi32, #tpu.memory_space<hbm>>) dst(%dma_wait3A_656 : memref<2x80xi32, #tpu.memory_space<vmem>>)
        %get3A_661 = arith.constant 0 : i32
        %get3A_662 = arith.constant 0 : i32
        %get3A_663 = arith.index_cast %get3A_661 : i32 to index
        %get3A_664 = arith.index_cast %get3A_662 : i32 to index
        %get3A_665 = arith.constant 0 : index
        %get3A_666 = tpu.vector_load %arg7[%get3A_663, %get3A_664, %get3A_665] {strides = array<i32>} : memref<2x2x80xi32, #tpu.memory_space<vmem>>, vector<1x1x16xi32>,
        %get3A_667 = vector.shape_cast %get3A_666 : vector<1x1x16xi32> to vector<16xi32>
        %add3A_668 = vector.broadcast %mul3A_2 : i32 to vector<16xi32>
        %add3A_669 = arith.addi %get3A_667, %add3A_668 : vector<16xi32>
        %swap3A_670 = arith.constant 0 : i32
        %swap3A_671 = arith.constant 0 : i32
        %swap3A_672 = arith.index_cast %swap3A_670 : i32 to index
        %swap3A_673 = arith.index_cast %swap3A_671 : i32 to index
        %swap3A_674 = arith.constant 0 : index
        %swap3A_675 = tpu.vector_load %arg7[%swap3A_672, %swap3A_673, %swap3A_674] {strides = array<i32>} : memref<2x2x80xi32, #tpu.memory_space<vmem>>, vector<1x1x16xi32>,
        %swap3A_676 = vector.shape_cast %swap3A_675 : vector<1x1x16xi32> to vector<16xi32>
        %swap3A_677 = vector.shape_cast %add3A_669 : vector<16xi32> to vector<1x1x16xi32>
        tpu.vector_store %arg7[%swap3A_672, %swap3A_673, %swap3A_674], %swap3A_677 {strides = array<i32>} : memref<2x2x80xi32, #tpu.memory_space<vmem>>, vector<1x1x16xi32>,
        %get3A_678 = arith.constant 0 : i32
        %get3A_679 = arith.constant 0 : i32
        %get3A_680 = arith.index_cast %get3A_678 : i32 to index
        %get3A_681 = arith.index_cast %get3A_679 : i32 to index
        %get3A_682 = arith.constant 16 : index
        %get3A_683 = tpu.vector_load %arg7[%get3A_680, %get3A_681, %get3A_682] {strides = array<i32>} : memref<2x2x80xi32, #tpu.memory_space<vmem>>, vector<1x1x16xi32>,
        %get3A_684 = vector.shape_cast %get3A_683 : vector<1x1x16xi32> to vector<16xi32>
        %add3A_685 = vector.broadcast %mul3A_2 : i32 to vector<16xi32>
        %add3A_686 = arith.addi %get3A_684, %add3A_685 : vector<16xi32>
        %swap3A_687 = arith.constant 0 : i32
        %swap3A_688 = arith.constant 0 : i32
        %swap3A_689 = arith.index_cast %swap3A_687 : i32 to index
        %swap3A_690 = arith.index_cast %swap3A_688 : i32 to index
        %swap3A_691 = arith.constant 16 : index
        %swap3A_692 = tpu.vector_load %arg7[%swap3A_689, %swap3A_690, %swap3A_691] {strides = array<i32>} : memref<2x2x80xi32, #tpu.memory_space<vmem>>, vector<1x1x16xi32>,
        %swap3A_693 = vector.shape_cast %swap3A_692 : vector<1x1x16xi32> to vector<16xi32>
        %swap3A_694 = vector.shape_cast %add3A_686 : vector<16xi32> to vector<1x1x16xi32>
        tpu.vector_store %arg7[%swap3A_689, %swap3A_690, %swap3A_691], %swap3A_694 {strides = array<i32>} : memref<2x2x80xi32, #tpu.memory_space<vmem>>, vector<1x1x16xi32>,
        %get3A_695 = arith.constant 0 : i32
        %get3A_696 = arith.constant 0 : i32
        %get3A_697 = arith.index_cast %get3A_695 : i32 to index
        %get3A_698 = arith.index_cast %get3A_696 : i32 to index
        %get3A_699 = arith.constant 32 : index
        %get3A_700 = tpu.vector_load %arg7[%get3A_697, %get3A_698, %get3A_699] {strides = array<i32>} : memref<2x2x80xi32, #tpu.memory_space<vmem>>, vector<1x1x16xi32>,
        %get3A_701 = vector.shape_cast %get3A_700 : vector<1x1x16xi32> to vector<16xi32>
        %add3A_702 = vector.broadcast %mul3A_2 : i32 to vector<16xi32>
        %add3A_703 = arith.addi %get3A_701, %add3A_702 : vector<16xi32>
        %swap3A_704 = arith.constant 0 : i32
        %swap3A_705 = arith.constant 0 : i32
        %swap3A_706 = arith.index_cast %swap3A_704 : i32 to index
        %swap3A_707 = arith.index_cast %swap3A_705 : i32 to index
        %swap3A_708 = arith.constant 32 : index
        %swap3A_709 = tpu.vector_load %arg7[%swap3A_706, %swap3A_707, %swap3A_708] {strides = array<i32>} : memref<2x2x80xi32, #tpu.memory_space<vmem>>, vector<1x1x16xi32>,
        %swap3A_710 = vector.shape_cast %swap3A_709 : vector<1x1x16xi32> to vector<16xi32>
        %swap3A_711 = vector.shape_cast %add3A_703 : vector<16xi32> to vector<1x1x16xi32>
        tpu.vector_store %arg7[%swap3A_706, %swap3A_707, %swap3A_708], %swap3A_711 {strides = array<i32>} : memref<2x2x80xi32, #tpu.memory_space<vmem>>, vector<1x1x16xi32>,
        %get3A_712 = arith.constant 0 : i32
        %get3A_713 = arith.constant 0 : i32
        %get3A_714 = arith.index_cast %get3A_712 : i32 to index
        %get3A_715 = arith.index_cast %get3A_713 : i32 to index
        %get3A_716 = arith.constant 48 : index
        %get3A_717 = tpu.vector_load %arg7[%get3A_714, %get3A_715, %get3A_716] {strides = array<i32>} : memref<2x2x80xi32, #tpu.memory_space<vmem>>, vector<1x1x16xi32>,
        %get3A_718 = vector.shape_cast %get3A_717 : vector<1x1x16xi32> to vector<16xi32>
        %add3A_719 = vector.broadcast %mul3A_2 : i32 to vector<16xi32>
        %add3A_720 = arith.addi %get3A_718, %add3A_719 : vector<16xi32>
        %swap3A_721 = arith.constant 0 : i32
        %swap3A_722 = arith.constant 0 : i32
        %swap3A_723 = arith.index_cast %swap3A_721 : i32 to index
        %swap3A_724 = arith.index_cast %swap3A_722 : i32 to index
        %swap3A_725 = arith.constant 48 : index
        %swap3A_726 = tpu.vector_load %arg7[%swap3A_723, %swap3A_724, %swap3A_725] {strides = array<i32>} : memref<2x2x80xi32, #tpu.memory_space<vmem>>, vector<1x1x16xi32>,
        %swap3A_727 = vector.shape_cast %swap3A_726 : vector<1x1x16xi32> to vector<16xi32>
        %swap3A_728 = vector.shape_cast %add3A_720 : vector<16xi32> to vector<1x1x16xi32>
        tpu.vector_store %arg7[%swap3A_723, %swap3A_724, %swap3A_725], %swap3A_728 {strides = array<i32>} : memref<2x2x80xi32, #tpu.memory_space<vmem>>, vector<1x1x16xi32>,
        %get3A_729 = arith.constant 0 : i32
        %get3A_730 = arith.constant 0 : i32
        %get3A_731 = arith.index_cast %get3A_729 : i32 to index
        %get3A_732 = arith.index_cast %get3A_730 : i32 to index
        %get3A_733 = arith.constant 64 : index
        %get3A_734 = tpu.vector_load %arg7[%get3A_731, %get3A_732, %get3A_733] {strides = array<i32>} : memref<2x2x80xi32, #tpu.memory_space<vmem>>, vector<1x1x16xi32>,
        %get3A_735 = vector.shape_cast %get3A_734 : vector<1x1x16xi32> to vector<16xi32>
        %add3A_736 = vector.broadcast %mul3A_2 : i32 to vector<16xi32>
        %add3A_737 = arith.addi %get3A_735, %add3A_736 : vector<16xi32>
        %swap3A_738 = arith.constant 0 : i32
        %swap3A_739 = arith.constant 0 : i32
        %swap3A_740 = arith.index_cast %swap3A_738 : i32 to index
        %swap3A_741 = arith.index_cast %swap3A_739 : i32 to index
        %swap3A_742 = arith.constant 64 : index
        %swap3A_743 = tpu.vector_load %arg7[%swap3A_740, %swap3A_741, %swap3A_742] {strides = array<i32>} : memref<2x2x80xi32, #tpu.memory_space<vmem>>, vector<1x1x16xi32>,
        %swap3A_744 = vector.shape_cast %swap3A_743 : vector<1x1x16xi32> to vector<16xi32>
        %swap3A_745 = vector.shape_cast %add3A_737 : vector<16xi32> to vector<1x1x16xi32>
        tpu.vector_store %arg7[%swap3A_740, %swap3A_741, %swap3A_742], %swap3A_745 {strides = array<i32>} : memref<2x2x80xi32, #tpu.memory_space<vmem>>, vector<1x1x16xi32>,
        %get3A_746 = arith.constant 0 : i32
        %get3A_747 = arith.constant 1 : i32
        %get3A_748 = arith.index_cast %get3A_746 : i32 to index
        %get3A_749 = arith.index_cast %get3A_747 : i32 to index
        %get3A_750 = arith.constant 0 : index
        %get3A_751 = tpu.vector_load %arg7[%get3A_748, %get3A_749, %get3A_750] {strides = array<i32>} : memref<2x2x80xi32, #tpu.memory_space<vmem>>, vector<1x1x16xi32>,
        %get3A_752 = vector.shape_cast %get3A_751 : vector<1x1x16xi32> to vector<16xi32>
        %add3A_753 = vector.broadcast %mul3A_2 : i32 to vector<16xi32>
        %add3A_754 = arith.addi %get3A_752, %add3A_753 : vector<16xi32>
        %swap3A_755 = arith.constant 0 : i32
        %swap3A_756 = arith.constant 1 : i32
        %swap3A_757 = arith.index_cast %swap3A_755 : i32 to index
        %swap3A_758 = arith.index_cast %swap3A_756 : i32 to index
        %swap3A_759 = arith.constant 0 : index
        %swap3A_760 = tpu.vector_load %arg7[%swap3A_757, %swap3A_758, %swap3A_759] {strides = array<i32>} : memref<2x2x80xi32, #tpu.memory_space<vmem>>, vector<1x1x16xi32>,
        %swap3A_761 = vector.shape_cast %swap3A_760 : vector<1x1x16xi32> to vector<16xi32>
        %swap3A_762 = vector.shape_cast %add3A_754 : vector<16xi32> to vector<1x1x16xi32>
        tpu.vector_store %arg7[%swap3A_757, %swap3A_758, %swap3A_759], %swap3A_762 {strides = array<i32>} : memref<2x2x80xi32, #tpu.memory_space<vmem>>, vector<1x1x16xi32>,
        %get3A_763 = arith.constant 0 : i32
        %get3A_764 = arith.constant 1 : i32
        %get3A_765 = arith.index_cast %get3A_763 : i32 to index
        %get3A_766 = arith.index_cast %get3A_764 : i32 to index
        %get3A_767 = arith.constant 16 : index
        %get3A_768 = tpu.vector_load %arg7[%get3A_765, %get3A_766, %get3A_767] {strides = array<i32>} : memref<2x2x80xi32, #tpu.memory_space<vmem>>, vector<1x1x16xi32>,
        %get3A_769 = vector.shape_cast %get3A_768 : vector<1x1x16xi32> to vector<16xi32>
        %add3A_770 = vector.broadcast %mul3A_2 : i32 to vector<16xi32>
        %add3A_771 = arith.addi %get3A_769, %add3A_770 : vector<16xi32>
        %swap3A_772 = arith.constant 0 : i32
        %swap3A_773 = arith.constant 1 : i32
        %swap3A_774 = arith.index_cast %swap3A_772 : i32 to index
        %swap3A_775 = arith.index_cast %swap3A_773 : i32 to index
        %swap3A_776 = arith.constant 16 : index
        %swap3A_777 = tpu.vector_load %arg7[%swap3A_774, %swap3A_775, %swap3A_776] {strides = array<i32>} : memref<2x2x80xi32, #tpu.memory_space<vmem>>, vector<1x1x16xi32>,
        %swap3A_778 = vector.shape_cast %swap3A_777 : vector<1x1x16xi32> to vector<16xi32>
        %swap3A_779 = vector.shape_cast %add3A_771 : vector<16xi32> to vector<1x1x16xi32>
        tpu.vector_store %arg7[%swap3A_774, %swap3A_775, %swap3A_776], %swap3A_779 {strides = array<i32>} : memref<2x2x80xi32, #tpu.memory_space<vmem>>, vector<1x1x16xi32>,
        %get3A_780 = arith.constant 0 : i32
        %get3A_781 = arith.constant 1 : i32
        %get3A_782 = arith.index_cast %get3A_780 : i32 to index
        %get3A_783 = arith.index_cast %get3A_781 : i32 to index
        %get3A_784 = arith.constant 32 : index
        %get3A_785 = tpu.vector_load %arg7[%get3A_782, %get3A_783, %get3A_784] {strides = array<i32>} : memref<2x2x80xi32, #tpu.memory_space<vmem>>, vector<1x1x16xi32>,
        %get3A_786 = vector.shape_cast %get3A_785 : vector<1x1x16xi32> to vector<16xi32>
        %add3A_787 = vector.broadcast %mul3A_2 : i32 to vector<16xi32>
        %add3A_788 = arith.addi %get3A_786, %add3A_787 : vector<16xi32>
        %swap3A_789 = arith.constant 0 : i32
        %swap3A_790 = arith.constant 1 : i32
        %swap3A_791 = arith.index_cast %swap3A_789 : i32 to index
        %swap3A_792 = arith.index_cast %swap3A_790 : i32 to index
        %swap3A_793 = arith.constant 32 : index
        %swap3A_794 = tpu.vector_load %arg7[%swap3A_791, %swap3A_792, %swap3A_793] {strides = array<i32>} : memref<2x2x80xi32, #tpu.memory_space<vmem>>, vector<1x1x16xi32>,
        %swap3A_795 = vector.shape_cast %swap3A_794 : vector<1x1x16xi32> to vector<16xi32>
        %swap3A_796 = vector.shape_cast %add3A_788 : vector<16xi32> to vector<1x1x16xi32>
        tpu.vector_store %arg7[%swap3A_791, %swap3A_792, %swap3A_793], %swap3A_796 {strides = array<i32>} : memref<2x2x80xi32, #tpu.memory_space<vmem>>, vector<1x1x16xi32>,
        %get3A_797 = arith.constant 0 : i32
        %get3A_798 = arith.constant 1 : i32
        %get3A_799 = arith.index_cast %get3A_797 : i32 to index
        %get3A_800 = arith.index_cast %get3A_798 : i32 to index
        %get3A_801 = arith.constant 48 : index
        %get3A_802 = tpu.vector_load %arg7[%get3A_799, %get3A_800, %get3A_801] {strides = array<i32>} : memref<2x2x80xi32, #tpu.memory_space<vmem>>, vector<1x1x16xi32>,
        %get3A_803 = vector.shape_cast %get3A_802 : vector<1x1x16xi32> to vector<16xi32>
        %add3A_804 = vector.broadcast %mul3A_2 : i32 to vector<16xi32>
        %add3A_805 = arith.addi %get3A_803, %add3A_804 : vector<16xi32>
        %swap3A_806 = arith.constant 0 : i32
        %swap3A_807 = arith.constant 1 : i32
        %swap3A_808 = arith.index_cast %swap3A_806 : i32 to index
        %swap3A_809 = arith.index_cast %swap3A_807 : i32 to index
        %swap3A_810 = arith.constant 48 : index
        %swap3A_811 = tpu.vector_load %arg7[%swap3A_808, %swap3A_809, %swap3A_810] {strides = array<i32>} : memref<2x2x80xi32, #tpu.memory_space<vmem>>, vector<1x1x16xi32>,
        %swap3A_812 = vector.shape_cast %swap3A_811 : vector<1x1x16xi32> to vector<16xi32>
        %swap3A_813 = vector.shape_cast %add3A_805 : vector<16xi32> to vector<1x1x16xi32>
        tpu.vector_store %arg7[%swap3A_808, %swap3A_809, %swap3A_810], %swap3A_813 {strides = array<i32>} : memref<2x2x80xi32, #tpu.memory_space<vmem>>, vector<1x1x16xi32>,
        %get3A_814 = arith.constant 0 : i32
        %get3A_815 = arith.constant 1 : i32
        %get3A_816 = arith.index_cast %get3A_814 : i32 to index
        %get3A_817 = arith.index_cast %get3A_815 : i32 to index
        %get3A_818 = arith.constant 64 : index
        %get3A_819 = tpu.vector_load %arg7[%get3A_816, %get3A_817, %get3A_818] {strides = array<i32>} : memref<2x2x80xi32, #tpu.memory_space<vmem>>, vector<1x1x16xi32>,
        %get3A_820 = vector.shape_cast %get3A_819 : vector<1x1x16xi32> to vector<16xi32>
        %add3A_821 = vector.broadcast %mul3A_2 : i32 to vector<16xi32>
        %add3A_822 = arith.addi %get3A_820, %add3A_821 : vector<16xi32>
        %swap3A_823 = arith.constant 0 : i32
        %swap3A_824 = arith.constant 1 : i32
        %swap3A_825 = arith.index_cast %swap3A_823 : i32 to index
        %swap3A_826 = arith.index_cast %swap3A_824 : i32 to index
        %swap3A_827 = arith.constant 64 : index
        %swap3A_828 = tpu.vector_load %arg7[%swap3A_825, %swap3A_826, %swap3A_827] {strides = array<i32>} : memref<2x2x80xi32, #tpu.memory_space<vmem>>, vector<1x1x16xi32>,
        %swap3A_829 = vector.shape_cast %swap3A_828 : vector<1x1x16xi32> to vector<16xi32>
        %swap3A_830 = vector.shape_cast %add3A_822 : vector<16xi32> to vector<1x1x16xi32>
        tpu.vector_store %arg7[%swap3A_825, %swap3A_826, %swap3A_827], %swap3A_830 {strides = array<i32>} : memref<2x2x80xi32, #tpu.memory_space<vmem>>, vector<1x1x16xi32>,
        %dma_start3A_831 = arith.constant 0 : i32
        %dma_start3A_832 = arith.constant 0 : i32
        %dma_start3A_833 = arith.constant 0 : i32
        %dma_start3A_834 = tpu.memref_slice %arg7[%dma_start3A_831, %dma_start3A_832, %dma_start3A_833] : memref<2x2x80xi32, #tpu.memory_space<vmem>> -> memref<1x1x80xi32, #tpu.memory_space<vmem>>
        %dma_start3A_835 = tpu.memref_squeeze %dma_start3A_834 : memref<1x1x80xi32, #tpu.memory_space<vmem>> -> memref<80xi32, #tpu.memory_space<vmem>>
        %dma_start3A_836 = arith.constant 0 : i32
        %dma_start3A_837 = arith.constant 0 : i32
        %dma_start3A_838 = tpu.memref_slice %arg2[%dma_start3A_836, %dma_start3A_837] : memref<20480x128xf32, #tpu.memory_space<hbm>> -> memref<20480x128xf32, #tpu.memory_space<hbm>>
        tpu.enqueue_indirect_dma source(%dma_start3A_838 : memref<20480x128xf32, #tpu.memory_space<hbm>>) target(%arg9 : memref<80x128xf32, #tpu.memory_space<vmem>>) offsets(%dma_start3A_835 : memref<80xi32, #tpu.memory_space<vmem>>) semaphore(%arg13 : memref<!tpu.dma_semaphore, #tpu.memory_space<semaphore_mem>>)
        %dma_start3A_839 = arith.constant 0 : i32
        %dma_start3A_840 = arith.constant 1 : i32
        %dma_start3A_841 = arith.constant 0 : i32
        %dma_start3A_842 = tpu.memref_slice %arg7[%dma_start3A_839, %dma_start3A_840, %dma_start3A_841] : memref<2x2x80xi32, #tpu.memory_space<vmem>> -> memref<1x1x80xi32, #tpu.memory_space<vmem>>
        %dma_start3A_843 = tpu.memref_squeeze %dma_start3A_842 : memref<1x1x80xi32, #tpu.memory_space<vmem>> -> memref<80xi32, #tpu.memory_space<vmem>>
        %dma_start3A_844 = arith.constant 0 : i32
        %dma_start3A_845 = arith.constant 0 : i32
        %dma_start3A_846 = tpu.memref_slice %arg2[%dma_start3A_844, %dma_start3A_845] : memref<20480x128xf32, #tpu.memory_space<hbm>> -> memref<20480x128xf32, #tpu.memory_space<hbm>>
        tpu.enqueue_indirect_dma source(%dma_start3A_846 : memref<20480x128xf32, #tpu.memory_space<hbm>>) target(%arg10 : memref<80x128xf32, #tpu.memory_space<vmem>>) offsets(%dma_start3A_843 : memref<80xi32, #tpu.memory_space<vmem>>) semaphore(%arg14 : memref<!tpu.dma_semaphore, #tpu.memory_space<semaphore_mem>>)
      } else {
      }
      %mul3A_574 = arith.constant 2 : i32
      %mul3A_575 = arith.muli %mul3A_574, %scan3A_523 : i32
      %add3A_576 = arith.constant 1 : i32
      %add3A_577 = arith.addi %mul3A_575, %add3A_576 : i32
      %add3A_578 = arith.constant 2 : i32
      %add3A_579 = arith.addi %add3A_577, %add3A_578 : i32
      %dma_wait3A_580 = arith.constant 1 : i32
      %dma_wait3A_581 = arith.constant 0 : i32
      %dma_wait3A_582 = arith.constant 0 : i32
      %dma_wait3A_583 = tpu.memref_slice %arg8[%dma_wait3A_580, %dma_wait3A_581, %dma_wait3A_582] : memref<2x2x80xi32, #tpu.memory_space<vmem>> -> memref<1x2x80xi32, #tpu.memory_space<vmem>>
      %dma_wait3A_584 = tpu.memref_squeeze %dma_wait3A_583 : memref<1x2x80xi32, #tpu.memory_space<vmem>> -> memref<2x80xi32, #tpu.memory_space<vmem>>
      %dma_wait3A_585 = arith.constant 0 : i32
      %dma_wait3A_586 = arith.constant 0 : i32
      %dma_wait3A_587 = tpu.memref_slice %arg4[%arg1, %add3A_577, %dma_wait3A_585, %dma_wait3A_586] : memref<16x125x2x80xi32, #tpu.memory_space<hbm>> -> memref<1x1x2x80xi32, #tpu.memory_space<hbm>>
      %dma_wait3A_588 = tpu.memref_squeeze %dma_wait3A_587 : memref<1x1x2x80xi32, #tpu.memory_space<hbm>> -> memref<2x80xi32, #tpu.memory_space<hbm>>
      %dma_wait3A_589 = arith.constant 0 : i32
      %dma_wait3A_590 = arith.constant 0 : i32
      %dma_wait3A_591 = tpu.memref_slice %arg8[%dma_wait3A_580, %dma_wait3A_589, %dma_wait3A_590] : memref<2x2x80xi32, #tpu.memory_space<vmem>> -> memref<1x2x80xi32, #tpu.memory_space<vmem>>
      %dma_wait3A_592 = tpu.memref_squeeze %dma_wait3A_591 : memref<1x2x80xi32, #tpu.memory_space<vmem>> -> memref<2x80xi32, #tpu.memory_space<vmem>>
      %dma_wait3A_593 = arith.constant 0 : i32
      %dma_wait3A_594 = arith.constant 0 : i32
      %dma_wait3A_595 = tpu.memref_slice %arg4[%arg1, %add3A_577, %dma_wait3A_593, %dma_wait3A_594] : memref<16x125x2x80xi32, #tpu.memory_space<hbm>> -> memref<1x1x2x80xi32, #tpu.memory_space<hbm>>
      %dma_wait3A_596 = tpu.memref_squeeze %dma_wait3A_595 : memref<1x1x2x80xi32, #tpu.memory_space<hbm>> -> memref<2x80xi32, #tpu.memory_space<hbm>>
      tpu.wait_dma2 semaphore(%arg20 : memref<!tpu.dma_semaphore, #tpu.memory_space<semaphore_mem>>) src(%dma_wait3A_596 : memref<2x80xi32, #tpu.memory_space<hbm>>) dst(%dma_wait3A_592 : memref<2x80xi32, #tpu.memory_space<vmem>>)
      %dma_wait3A_597 = arith.constant 1 : i32
      %dma_wait3A_598 = arith.constant 0 : i32
      %dma_wait3A_599 = arith.constant 0 : i32
      %dma_wait3A_600 = tpu.memref_slice %arg7[%dma_wait3A_597, %dma_wait3A_598, %dma_wait3A_599] : memref<2x2x80xi32, #tpu.memory_space<vmem>> -> memref<1x1x80xi32, #tpu.memory_space<vmem>>
      %dma_wait3A_601 = tpu.memref_squeeze %dma_wait3A_600 : memref<1x1x80xi32, #tpu.memory_space<vmem>> -> memref<80xi32, #tpu.memory_space<vmem>>
      %dma_wait3A_602 = arith.constant 0 : i32
      %dma_wait3A_603 = arith.constant 0 : i32
      %dma_wait3A_604 = tpu.memref_slice %arg2[%dma_wait3A_602, %dma_wait3A_603] : memref<20480x128xf32, #tpu.memory_space<hbm>> -> memref<20480x128xf32, #tpu.memory_space<hbm>>
      tpu.wait_indirect_dma semaphore(%arg15 : memref<!tpu.dma_semaphore, #tpu.memory_space<semaphore_mem>>) src(%dma_wait3A_604 : memref<20480x128xf32, #tpu.memory_space<hbm>>) dst(%arg11 : memref<80x128xf32, #tpu.memory_space<vmem>>)
      %run_scoped3A_605 = arith.constant 1 : i32
      %run_scoped3A_606 = arith.constant 0 : i32
      "tpu.region"() ({
        %run_scoped3A_627 = tpu.sem_alloc : memref<!tpu.dma_semaphore, #tpu.memory_space<semaphore_mem>>
        %dma_start3A_628 = arith.constant 0 : i32
        %dma_start3A_629 = tpu.memref_slice %arg8[%run_scoped3A_605, %run_scoped3A_606, %dma_start3A_628] : memref<2x2x80xi32, #tpu.memory_space<vmem>> -> memref<1x1x80xi32, #tpu.memory_space<vmem>>
        %dma_start3A_630 = tpu.memref_squeeze %dma_start3A_629 : memref<1x1x80xi32, #tpu.memory_space<vmem>> -> memref<80xi32, #tpu.memory_space<vmem>>
        %dma_start3A_631 = arith.constant 0 : i32
        %dma_start3A_632 = arith.constant 0 : i32
        %dma_start3A_633 = tpu.memref_slice %arg6[%dma_start3A_631, %dma_start3A_632] : memref<10240x128xf32, #tpu.memory_space<vmem_shared>> -> memref<10240x128xf32, #tpu.memory_space<vmem_shared>>
        tpu.enqueue_indirect_dma source(%arg11 : memref<80x128xf32, #tpu.memory_space<vmem>>) target(%dma_start3A_633 : memref<10240x128xf32, #tpu.memory_space<vmem_shared>>) offsets(%dma_start3A_630 : memref<80xi32, #tpu.memory_space<vmem>>) semaphore(%run_scoped3A_627 : memref<!tpu.dma_semaphore, #tpu.memory_space<semaphore_mem>>) {add = true}
        %dma_wait3A_634 = arith.constant 0 : i32
        %dma_wait3A_635 = tpu.memref_slice %arg8[%run_scoped3A_605, %run_scoped3A_606, %dma_wait3A_634] : memref<2x2x80xi32, #tpu.memory_space<vmem>> -> memref<1x1x80xi32, #tpu.memory_space<vmem>>
        %dma_wait3A_636 = tpu.memref_squeeze %dma_wait3A_635 : memref<1x1x80xi32, #tpu.memory_space<vmem>> -> memref<80xi32, #tpu.memory_space<vmem>>
        %dma_wait3A_637 = arith.constant 0 : i32
        %dma_wait3A_638 = arith.constant 0 : i32
        %dma_wait3A_639 = tpu.memref_slice %arg6[%dma_wait3A_637, %dma_wait3A_638] : memref<10240x128xf32, #tpu.memory_space<vmem_shared>> -> memref<10240x128xf32, #tpu.memory_space<vmem_shared>>
        tpu.wait_indirect_dma semaphore(%run_scoped3A_627 : memref<!tpu.dma_semaphore, #tpu.memory_space<semaphore_mem>>) src(%arg11 : memref<80x128xf32, #tpu.memory_space<vmem>>) dst(%dma_wait3A_639 : memref<10240x128xf32, #tpu.memory_space<vmem_shared>>)
        tpu.yield
      }) : () -> ()
      %dma_wait3A_607 = arith.constant 1 : i32
      %dma_wait3A_608 = arith.constant 1 : i32
      %dma_wait3A_609 = arith.constant 0 : i32
      %dma_wait3A_610 = tpu.memref_slice %arg7[%dma_wait3A_607, %dma_wait3A_608, %dma_wait3A_609] : memref<2x2x80xi32, #tpu.memory_space<vmem>> -> memref<1x1x80xi32, #tpu.memory_space<vmem>>
      %dma_wait3A_611 = tpu.memref_squeeze %dma_wait3A_610 : memref<1x1x80xi32, #tpu.memory_space<vmem>> -> memref<80xi32, #tpu.memory_space<vmem>>
      %dma_wait3A_612 = arith.constant 0 : i32
      %dma_wait3A_613 = arith.constant 0 : i32
      %dma_wait3A_614 = tpu.memref_slice %arg2[%dma_wait3A_612, %dma_wait3A_613] : memref<20480x128xf32, #tpu.memory_space<hbm>> -> memref<20480x128xf32, #tpu.memory_space<hbm>>
      tpu.wait_indirect_dma semaphore(%arg16 : memref<!tpu.dma_semaphore, #tpu.memory_space<semaphore_mem>>) src(%dma_wait3A_614 : memref<20480x128xf32, #tpu.memory_space<hbm>>) dst(%arg12 : memref<80x128xf32, #tpu.memory_space<vmem>>)
      %lt3A_615 = arith.constant 125 : i32
      %lt3A_616 = arith.cmpi slt, %add3A_579, %lt3A_615 : i32
      %convert_element_type3A_617 = arith.extui %lt3A_616 : i1 to i32
      %cond3A_618 = arith.constant 0 : i32
      %cond3A_619 = arith.cmpi ne, %convert_element_type3A_617, %cond3A_618 : i32
      scf.if %cond3A_619 {
        %dma_start3A_627 = arith.constant 1 : i32
        %dma_start3A_628 = arith.constant 0 : i32
        %dma_start3A_629 = arith.constant 0 : i32
        %dma_start3A_630 = tpu.memref_slice %arg7[%dma_start3A_627, %dma_start3A_628, %dma_start3A_629] : memref<2x2x80xi32, #tpu.memory_space<vmem>> -> memref<1x2x80xi32, #tpu.memory_space<vmem>>
        %dma_start3A_631 = tpu.memref_squeeze %dma_start3A_630 : memref<1x2x80xi32, #tpu.memory_space<vmem>> -> memref<2x80xi32, #tpu.memory_space<vmem>>
        %dma_start3A_632 = arith.constant 0 : i32
        %dma_start3A_633 = arith.constant 0 : i32
        %dma_start3A_634 = tpu.memref_slice %arg3[%arg1, %add3A_579, %dma_start3A_632, %dma_start3A_633] : memref<16x125x2x80xi32, #tpu.memory_space<hbm>> -> memref<1x1x2x80xi32, #tpu.memory_space<hbm>>
        %dma_start3A_635 = tpu.memref_squeeze %dma_start3A_634 : memref<1x1x2x80xi32, #tpu.memory_space<hbm>> -> memref<2x80xi32, #tpu.memory_space<hbm>>
        %dma_start3A_636 = arith.constant 0 : i32
        %dma_start3A_637 = arith.constant 0 : i32
        %dma_start3A_638 = tpu.memref_slice %arg7[%dma_start3A_627, %dma_start3A_636, %dma_start3A_637] : memref<2x2x80xi32, #tpu.memory_space<vmem>> -> memref<1x2x80xi32, #tpu.memory_space<vmem>>
        %dma_start3A_639 = tpu.memref_squeeze %dma_start3A_638 : memref<1x2x80xi32, #tpu.memory_space<vmem>> -> memref<2x80xi32, #tpu.memory_space<vmem>>
        %dma_start3A_640 = arith.constant 0 : i32
        %dma_start3A_641 = arith.constant 0 : i32
        %dma_start3A_642 = tpu.memref_slice %arg3[%arg1, %add3A_579, %dma_start3A_640, %dma_start3A_641] : memref<16x125x2x80xi32, #tpu.memory_space<hbm>> -> memref<1x1x2x80xi32, #tpu.memory_space<hbm>>
        %dma_start3A_643 = tpu.memref_squeeze %dma_start3A_642 : memref<1x1x2x80xi32, #tpu.memory_space<hbm>> -> memref<2x80xi32, #tpu.memory_space<hbm>>
        tpu.enqueue_dma source(%dma_start3A_643 : memref<2x80xi32, #tpu.memory_space<hbm>>) target(%dma_start3A_639 : memref<2x80xi32, #tpu.memory_space<vmem>>) target_semaphore(%arg18 : memref<!tpu.dma_semaphore, #tpu.memory_space<semaphore_mem>>)
      } else {
      }
      %run_scoped3A_620 = arith.constant 1 : i32
      %run_scoped3A_621 = arith.constant 1 : i32
      "tpu.region"() ({
        %run_scoped3A_627 = tpu.sem_alloc : memref<!tpu.dma_semaphore, #tpu.memory_space<semaphore_mem>>
        %dma_start3A_628 = arith.constant 0 : i32
        %dma_start3A_629 = tpu.memref_slice %arg8[%run_scoped3A_620, %run_scoped3A_621, %dma_start3A_628] : memref<2x2x80xi32, #tpu.memory_space<vmem>> -> memref<1x1x80xi32, #tpu.memory_space<vmem>>
        %dma_start3A_630 = tpu.memref_squeeze %dma_start3A_629 : memref<1x1x80xi32, #tpu.memory_space<vmem>> -> memref<80xi32, #tpu.memory_space<vmem>>
        %dma_start3A_631 = arith.constant 0 : i32
        %dma_start3A_632 = arith.constant 0 : i32
        %dma_start3A_633 = tpu.memref_slice %arg6[%dma_start3A_631, %dma_start3A_632] : memref<10240x128xf32, #tpu.memory_space<vmem_shared>> -> memref<10240x128xf32, #tpu.memory_space<vmem_shared>>
        tpu.enqueue_indirect_dma source(%arg12 : memref<80x128xf32, #tpu.memory_space<vmem>>) target(%dma_start3A_633 : memref<10240x128xf32, #tpu.memory_space<vmem_shared>>) offsets(%dma_start3A_630 : memref<80xi32, #tpu.memory_space<vmem>>) semaphore(%run_scoped3A_627 : memref<!tpu.dma_semaphore, #tpu.memory_space<semaphore_mem>>) {add = true}
        %dma_wait3A_634 = arith.constant 0 : i32
        %dma_wait3A_635 = tpu.memref_slice %arg8[%run_scoped3A_620, %run_scoped3A_621, %dma_wait3A_634] : memref<2x2x80xi32, #tpu.memory_space<vmem>> -> memref<1x1x80xi32, #tpu.memory_space<vmem>>
        %dma_wait3A_636 = tpu.memref_squeeze %dma_wait3A_635 : memref<1x1x80xi32, #tpu.memory_space<vmem>> -> memref<80xi32, #tpu.memory_space<vmem>>
        %dma_wait3A_637 = arith.constant 0 : i32
        %dma_wait3A_638 = arith.constant 0 : i32
        %dma_wait3A_639 = tpu.memref_slice %arg6[%dma_wait3A_637, %dma_wait3A_638] : memref<10240x128xf32, #tpu.memory_space<vmem_shared>> -> memref<10240x128xf32, #tpu.memory_space<vmem_shared>>
        tpu.wait_indirect_dma semaphore(%run_scoped3A_627 : memref<!tpu.dma_semaphore, #tpu.memory_space<semaphore_mem>>) src(%arg12 : memref<80x128xf32, #tpu.memory_space<vmem>>) dst(%dma_wait3A_639 : memref<10240x128xf32, #tpu.memory_space<vmem_shared>>)
        tpu.yield
      }) : () -> ()
      %lt3A_622 = arith.constant 125 : i32
      %lt3A_623 = arith.cmpi slt, %add3A_579, %lt3A_622 : i32
      %convert_element_type3A_624 = arith.extui %lt3A_623 : i1 to i32
      %cond3A_625 = arith.constant 0 : i32
      %cond3A_626 = arith.cmpi ne, %convert_element_type3A_624, %cond3A_625 : i32
      scf.if %cond3A_626 {
        %dma_start3A_627 = arith.constant 1 : i32
        %dma_start3A_628 = arith.constant 0 : i32
        %dma_start3A_629 = arith.constant 0 : i32
        %dma_start3A_630 = tpu.memref_slice %arg8[%dma_start3A_627, %dma_start3A_628, %dma_start3A_629] : memref<2x2x80xi32, #tpu.memory_space<vmem>> -> memref<1x2x80xi32, #tpu.memory_space<vmem>>
        %dma_start3A_631 = tpu.memref_squeeze %dma_start3A_630 : memref<1x2x80xi32, #tpu.memory_space<vmem>> -> memref<2x80xi32, #tpu.memory_space<vmem>>
        %dma_start3A_632 = arith.constant 0 : i32
        %dma_start3A_633 = arith.constant 0 : i32
        %dma_start3A_634 = tpu.memref_slice %arg4[%arg1, %add3A_579, %dma_start3A_632, %dma_start3A_633] : memref<16x125x2x80xi32, #tpu.memory_space<hbm>> -> memref<1x1x2x80xi32, #tpu.memory_space<hbm>>
        %dma_start3A_635 = tpu.memref_squeeze %dma_start3A_634 : memref<1x1x2x80xi32, #tpu.memory_space<hbm>> -> memref<2x80xi32, #tpu.memory_space<hbm>>
        %dma_start3A_636 = arith.constant 0 : i32
        %dma_start3A_637 = arith.constant 0 : i32
        %dma_start3A_638 = tpu.memref_slice %arg8[%dma_start3A_627, %dma_start3A_636, %dma_start3A_637] : memref<2x2x80xi32, #tpu.memory_space<vmem>> -> memref<1x2x80xi32, #tpu.memory_space<vmem>>
        %dma_start3A_639 = tpu.memref_squeeze %dma_start3A_638 : memref<1x2x80xi32, #tpu.memory_space<vmem>> -> memref<2x80xi32, #tpu.memory_space<vmem>>
        %dma_start3A_640 = arith.constant 0 : i32
        %dma_start3A_641 = arith.constant 0 : i32
        %dma_start3A_642 = tpu.memref_slice %arg4[%arg1, %add3A_579, %dma_start3A_640, %dma_start3A_641] : memref<16x125x2x80xi32, #tpu.memory_space<hbm>> -> memref<1x1x2x80xi32, #tpu.memory_space<hbm>>
        %dma_start3A_643 = tpu.memref_squeeze %dma_start3A_642 : memref<1x1x2x80xi32, #tpu.memory_space<hbm>> -> memref<2x80xi32, #tpu.memory_space<hbm>>
        tpu.enqueue_dma source(%dma_start3A_643 : memref<2x80xi32, #tpu.memory_space<hbm>>) target(%dma_start3A_639 : memref<2x80xi32, #tpu.memory_space<vmem>>) target_semaphore(%arg20 : memref<!tpu.dma_semaphore, #tpu.memory_space<semaphore_mem>>)
        %dma_wait3A_644 = arith.constant 1 : i32
        %dma_wait3A_645 = arith.constant 0 : i32
        %dma_wait3A_646 = arith.constant 0 : i32
        %dma_wait3A_647 = tpu.memref_slice %arg7[%dma_wait3A_644, %dma_wait3A_645, %dma_wait3A_646] : memref<2x2x80xi32, #tpu.memory_space<vmem>> -> memref<1x2x80xi32, #tpu.memory_space<vmem>>
        %dma_wait3A_648 = tpu.memref_squeeze %dma_wait3A_647 : memref<1x2x80xi32, #tpu.memory_space<vmem>> -> memref<2x80xi32, #tpu.memory_space<vmem>>
        %dma_wait3A_649 = arith.constant 0 : i32
        %dma_wait3A_650 = arith.constant 0 : i32
        %dma_wait3A_651 = tpu.memref_slice %arg3[%arg1, %add3A_579, %dma_wait3A_649, %dma_wait3A_650] : memref<16x125x2x80xi32, #tpu.memory_space<hbm>> -> memref<1x1x2x80xi32, #tpu.memory_space<hbm>>
        %dma_wait3A_652 = tpu.memref_squeeze %dma_wait3A_651 : memref<1x1x2x80xi32, #tpu.memory_space<hbm>> -> memref<2x80xi32, #tpu.memory_space<hbm>>
        %dma_wait3A_653 = arith.constant 0 : i32
        %dma_wait3A_654 = arith.constant 0 : i32
        %dma_wait3A_655 = tpu.memref_slice %arg7[%dma_wait3A_644, %dma_wait3A_653, %dma_wait3A_654] : memref<2x2x80xi32, #tpu.memory_space<vmem>> -> memref<1x2x80xi32, #tpu.memory_space<vmem>>
        %dma_wait3A_656 = tpu.memref_squeeze %dma_wait3A_655 : memref<1x2x80xi32, #tpu.memory_space<vmem>> -> memref<2x80xi32, #tpu.memory_space<vmem>>
        %dma_wait3A_657 = arith.constant 0 : i32
        %dma_wait3A_658 = arith.constant 0 : i32
        %dma_wait3A_659 = tpu.memref_slice %arg3[%arg1, %add3A_579, %dma_wait3A_657, %dma_wait3A_658] : memref<16x125x2x80xi32, #tpu.memory_space<hbm>> -> memref<1x1x2x80xi32, #tpu.memory_space<hbm>>
        %dma_wait3A_660 = tpu.memref_squeeze %dma_wait3A_659 : memref<1x1x2x80xi32, #tpu.memory_space<hbm>> -> memref<2x80xi32, #tpu.memory_space<hbm>>
        tpu.wait_dma2 semaphore(%arg18 : memref<!tpu.dma_semaphore, #tpu.memory_space<semaphore_mem>>) src(%dma_wait3A_660 : memref<2x80xi32, #tpu.memory_space<hbm>>) dst(%dma_wait3A_656 : memref<2x80xi32, #tpu.memory_space<vmem>>)
        %get3A_661 = arith.constant 1 : i32
        %get3A_662 = arith.constant 0 : i32
        %get3A_663 = arith.index_cast %get3A_661 : i32 to index
        %get3A_664 = arith.index_cast %get3A_662 : i32 to index
        %get3A_665 = arith.constant 0 : index
        %get3A_666 = tpu.vector_load %arg7[%get3A_663, %get3A_664, %get3A_665] {strides = array<i32>} : memref<2x2x80xi32, #tpu.memory_space<vmem>>, vector<1x1x16xi32>,
        %get3A_667 = vector.shape_cast %get3A_666 : vector<1x1x16xi32> to vector<16xi32>
        %add3A_668 = vector.broadcast %mul3A_2 : i32 to vector<16xi32>
        %add3A_669 = arith.addi %get3A_667, %add3A_668 : vector<16xi32>
        %swap3A_670 = arith.constant 1 : i32
        %swap3A_671 = arith.constant 0 : i32
        %swap3A_672 = arith.index_cast %swap3A_670 : i32 to index
        %swap3A_673 = arith.index_cast %swap3A_671 : i32 to index
        %swap3A_674 = arith.constant 0 : index
        %swap3A_675 = tpu.vector_load %arg7[%swap3A_672, %swap3A_673, %swap3A_674] {strides = array<i32>} : memref<2x2x80xi32, #tpu.memory_space<vmem>>, vector<1x1x16xi32>,
        %swap3A_676 = vector.shape_cast %swap3A_675 : vector<1x1x16xi32> to vector<16xi32>
        %swap3A_677 = vector.shape_cast %add3A_669 : vector<16xi32> to vector<1x1x16xi32>
        tpu.vector_store %arg7[%swap3A_672, %swap3A_673, %swap3A_674], %swap3A_677 {strides = array<i32>} : memref<2x2x80xi32, #tpu.memory_space<vmem>>, vector<1x1x16xi32>,
        %get3A_678 = arith.constant 1 : i32
        %get3A_679 = arith.constant 0 : i32
        %get3A_680 = arith.index_cast %get3A_678 : i32 to index
        %get3A_681 = arith.index_cast %get3A_679 : i32 to index
        %get3A_682 = arith.constant 16 : index
        %get3A_683 = tpu.vector_load %arg7[%get3A_680, %get3A_681, %get3A_682] {strides = array<i32>} : memref<2x2x80xi32, #tpu.memory_space<vmem>>, vector<1x1x16xi32>,
        %get3A_684 = vector.shape_cast %get3A_683 : vector<1x1x16xi32> to vector<16xi32>
        %add3A_685 = vector.broadcast %mul3A_2 : i32 to vector<16xi32>
        %add3A_686 = arith.addi %get3A_684, %add3A_685 : vector<16xi32>
        %swap3A_687 = arith.constant 1 : i32
        %swap3A_688 = arith.constant 0 : i32
        %swap3A_689 = arith.index_cast %swap3A_687 : i32 to index
        %swap3A_690 = arith.index_cast %swap3A_688 : i32 to index
        %swap3A_691 = arith.constant 16 : index
        %swap3A_692 = tpu.vector_load %arg7[%swap3A_689, %swap3A_690, %swap3A_691] {strides = array<i32>} : memref<2x2x80xi32, #tpu.memory_space<vmem>>, vector<1x1x16xi32>,
        %swap3A_693 = vector.shape_cast %swap3A_692 : vector<1x1x16xi32> to vector<16xi32>
        %swap3A_694 = vector.shape_cast %add3A_686 : vector<16xi32> to vector<1x1x16xi32>
        tpu.vector_store %arg7[%swap3A_689, %swap3A_690, %swap3A_691], %swap3A_694 {strides = array<i32>} : memref<2x2x80xi32, #tpu.memory_space<vmem>>, vector<1x1x16xi32>,
        %get3A_695 = arith.constant 1 : i32
        %get3A_696 = arith.constant 0 : i32
        %get3A_697 = arith.index_cast %get3A_695 : i32 to index
        %get3A_698 = arith.index_cast %get3A_696 : i32 to index
        %get3A_699 = arith.constant 32 : index
        %get3A_700 = tpu.vector_load %arg7[%get3A_697, %get3A_698, %get3A_699] {strides = array<i32>} : memref<2x2x80xi32, #tpu.memory_space<vmem>>, vector<1x1x16xi32>,
        %get3A_701 = vector.shape_cast %get3A_700 : vector<1x1x16xi32> to vector<16xi32>
        %add3A_702 = vector.broadcast %mul3A_2 : i32 to vector<16xi32>
        %add3A_703 = arith.addi %get3A_701, %add3A_702 : vector<16xi32>
        %swap3A_704 = arith.constant 1 : i32
        %swap3A_705 = arith.constant 0 : i32
        %swap3A_706 = arith.index_cast %swap3A_704 : i32 to index
        %swap3A_707 = arith.index_cast %swap3A_705 : i32 to index
        %swap3A_708 = arith.constant 32 : index
        %swap3A_709 = tpu.vector_load %arg7[%swap3A_706, %swap3A_707, %swap3A_708] {strides = array<i32>} : memref<2x2x80xi32, #tpu.memory_space<vmem>>, vector<1x1x16xi32>,
        %swap3A_710 = vector.shape_cast %swap3A_709 : vector<1x1x16xi32> to vector<16xi32>
        %swap3A_711 = vector.shape_cast %add3A_703 : vector<16xi32> to vector<1x1x16xi32>
        tpu.vector_store %arg7[%swap3A_706, %swap3A_707, %swap3A_708], %swap3A_711 {strides = array<i32>} : memref<2x2x80xi32, #tpu.memory_space<vmem>>, vector<1x1x16xi32>,
        %get3A_712 = arith.constant 1 : i32
        %get3A_713 = arith.constant 0 : i32
        %get3A_714 = arith.index_cast %get3A_712 : i32 to index
        %get3A_715 = arith.index_cast %get3A_713 : i32 to index
        %get3A_716 = arith.constant 48 : index
        %get3A_717 = tpu.vector_load %arg7[%get3A_714, %get3A_715, %get3A_716] {strides = array<i32>} : memref<2x2x80xi32, #tpu.memory_space<vmem>>, vector<1x1x16xi32>,
        %get3A_718 = vector.shape_cast %get3A_717 : vector<1x1x16xi32> to vector<16xi32>
        %add3A_719 = vector.broadcast %mul3A_2 : i32 to vector<16xi32>
        %add3A_720 = arith.addi %get3A_718, %add3A_719 : vector<16xi32>
        %swap3A_721 = arith.constant 1 : i32
        %swap3A_722 = arith.constant 0 : i32
        %swap3A_723 = arith.index_cast %swap3A_721 : i32 to index
        %swap3A_724 = arith.index_cast %swap3A_722 : i32 to index
        %swap3A_725 = arith.constant 48 : index
        %swap3A_726 = tpu.vector_load %arg7[%swap3A_723, %swap3A_724, %swap3A_725] {strides = array<i32>} : memref<2x2x80xi32, #tpu.memory_space<vmem>>, vector<1x1x16xi32>,
        %swap3A_727 = vector.shape_cast %swap3A_726 : vector<1x1x16xi32> to vector<16xi32>
        %swap3A_728 = vector.shape_cast %add3A_720 : vector<16xi32> to vector<1x1x16xi32>
        tpu.vector_store %arg7[%swap3A_723, %swap3A_724, %swap3A_725], %swap3A_728 {strides = array<i32>} : memref<2x2x80xi32, #tpu.memory_space<vmem>>, vector<1x1x16xi32>,
        %get3A_729 = arith.constant 1 : i32
        %get3A_730 = arith.constant 0 : i32
        %get3A_731 = arith.index_cast %get3A_729 : i32 to index
        %get3A_732 = arith.index_cast %get3A_730 : i32 to index
        %get3A_733 = arith.constant 64 : index
        %get3A_734 = tpu.vector_load %arg7[%get3A_731, %get3A_732, %get3A_733] {strides = array<i32>} : memref<2x2x80xi32, #tpu.memory_space<vmem>>, vector<1x1x16xi32>,
        %get3A_735 = vector.shape_cast %get3A_734 : vector<1x1x16xi32> to vector<16xi32>
        %add3A_736 = vector.broadcast %mul3A_2 : i32 to vector<16xi32>
        %add3A_737 = arith.addi %get3A_735, %add3A_736 : vector<16xi32>
        %swap3A_738 = arith.constant 1 : i32
        %swap3A_739 = arith.constant 0 : i32
        %swap3A_740 = arith.index_cast %swap3A_738 : i32 to index
        %swap3A_741 = arith.index_cast %swap3A_739 : i32 to index
        %swap3A_742 = arith.constant 64 : index
        %swap3A_743 = tpu.vector_load %arg7[%swap3A_740, %swap3A_741, %swap3A_742] {strides = array<i32>} : memref<2x2x80xi32, #tpu.memory_space<vmem>>, vector<1x1x16xi32>,
        %swap3A_744 = vector.shape_cast %swap3A_743 : vector<1x1x16xi32> to vector<16xi32>
        %swap3A_745 = vector.shape_cast %add3A_737 : vector<16xi32> to vector<1x1x16xi32>
        tpu.vector_store %arg7[%swap3A_740, %swap3A_741, %swap3A_742], %swap3A_745 {strides = array<i32>} : memref<2x2x80xi32, #tpu.memory_space<vmem>>, vector<1x1x16xi32>,
        %get3A_746 = arith.constant 1 : i32
        %get3A_747 = arith.constant 1 : i32
        %get3A_748 = arith.index_cast %get3A_746 : i32 to index
        %get3A_749 = arith.index_cast %get3A_747 : i32 to index
        %get3A_750 = arith.constant 0 : index
        %get3A_751 = tpu.vector_load %arg7[%get3A_748, %get3A_749, %get3A_750] {strides = array<i32>} : memref<2x2x80xi32, #tpu.memory_space<vmem>>, vector<1x1x16xi32>,
        %get3A_752 = vector.shape_cast %get3A_751 : vector<1x1x16xi32> to vector<16xi32>
        %add3A_753 = vector.broadcast %mul3A_2 : i32 to vector<16xi32>
        %add3A_754 = arith.addi %get3A_752, %add3A_753 : vector<16xi32>
        %swap3A_755 = arith.constant 1 : i32
        %swap3A_756 = arith.constant 1 : i32
        %swap3A_757 = arith.index_cast %swap3A_755 : i32 to index
        %swap3A_758 = arith.index_cast %swap3A_756 : i32 to index
        %swap3A_759 = arith.constant 0 : index
        %swap3A_760 = tpu.vector_load %arg7[%swap3A_757, %swap3A_758, %swap3A_759] {strides = array<i32>} : memref<2x2x80xi32, #tpu.memory_space<vmem>>, vector<1x1x16xi32>,
        %swap3A_761 = vector.shape_cast %swap3A_760 : vector<1x1x16xi32> to vector<16xi32>
        %swap3A_762 = vector.shape_cast %add3A_754 : vector<16xi32> to vector<1x1x16xi32>
        tpu.vector_store %arg7[%swap3A_757, %swap3A_758, %swap3A_759], %swap3A_762 {strides = array<i32>} : memref<2x2x80xi32, #tpu.memory_space<vmem>>, vector<1x1x16xi32>,
        %get3A_763 = arith.constant 1 : i32
        %get3A_764 = arith.constant 1 : i32
        %get3A_765 = arith.index_cast %get3A_763 : i32 to index
        %get3A_766 = arith.index_cast %get3A_764 : i32 to index
        %get3A_767 = arith.constant 16 : index
        %get3A_768 = tpu.vector_load %arg7[%get3A_765, %get3A_766, %get3A_767] {strides = array<i32>} : memref<2x2x80xi32, #tpu.memory_space<vmem>>, vector<1x1x16xi32>,
        %get3A_769 = vector.shape_cast %get3A_768 : vector<1x1x16xi32> to vector<16xi32>
        %add3A_770 = vector.broadcast %mul3A_2 : i32 to vector<16xi32>
        %add3A_771 = arith.addi %get3A_769, %add3A_770 : vector<16xi32>
        %swap3A_772 = arith.constant 1 : i32
        %swap3A_773 = arith.constant 1 : i32
        %swap3A_774 = arith.index_cast %swap3A_772 : i32 to index
        %swap3A_775 = arith.index_cast %swap3A_773 : i32 to index
        %swap3A_776 = arith.constant 16 : index
        %swap3A_777 = tpu.vector_load %arg7[%swap3A_774, %swap3A_775, %swap3A_776] {strides = array<i32>} : memref<2x2x80xi32, #tpu.memory_space<vmem>>, vector<1x1x16xi32>,
        %swap3A_778 = vector.shape_cast %swap3A_777 : vector<1x1x16xi32> to vector<16xi32>
        %swap3A_779 = vector.shape_cast %add3A_771 : vector<16xi32> to vector<1x1x16xi32>
        tpu.vector_store %arg7[%swap3A_774, %swap3A_775, %swap3A_776], %swap3A_779 {strides = array<i32>} : memref<2x2x80xi32, #tpu.memory_space<vmem>>, vector<1x1x16xi32>,
        %get3A_780 = arith.constant 1 : i32
        %get3A_781 = arith.constant 1 : i32
        %get3A_782 = arith.index_cast %get3A_780 : i32 to index
        %get3A_783 = arith.index_cast %get3A_781 : i32 to index
        %get3A_784 = arith.constant 32 : index
        %get3A_785 = tpu.vector_load %arg7[%get3A_782, %get3A_783, %get3A_784] {strides = array<i32>} : memref<2x2x80xi32, #tpu.memory_space<vmem>>, vector<1x1x16xi32>,
        %get3A_786 = vector.shape_cast %get3A_785 : vector<1x1x16xi32> to vector<16xi32>
        %add3A_787 = vector.broadcast %mul3A_2 : i32 to vector<16xi32>
        %add3A_788 = arith.addi %get3A_786, %add3A_787 : vector<16xi32>
        %swap3A_789 = arith.constant 1 : i32
        %swap3A_790 = arith.constant 1 : i32
        %swap3A_791 = arith.index_cast %swap3A_789 : i32 to index
        %swap3A_792 = arith.index_cast %swap3A_790 : i32 to index
        %swap3A_793 = arith.constant 32 : index
        %swap3A_794 = tpu.vector_load %arg7[%swap3A_791, %swap3A_792, %swap3A_793] {strides = array<i32>} : memref<2x2x80xi32, #tpu.memory_space<vmem>>, vector<1x1x16xi32>,
        %swap3A_795 = vector.shape_cast %swap3A_794 : vector<1x1x16xi32> to vector<16xi32>
        %swap3A_796 = vector.shape_cast %add3A_788 : vector<16xi32> to vector<1x1x16xi32>
        tpu.vector_store %arg7[%swap3A_791, %swap3A_792, %swap3A_793], %swap3A_796 {strides = array<i32>} : memref<2x2x80xi32, #tpu.memory_space<vmem>>, vector<1x1x16xi32>,
        %get3A_797 = arith.constant 1 : i32
        %get3A_798 = arith.constant 1 : i32
        %get3A_799 = arith.index_cast %get3A_797 : i32 to index
        %get3A_800 = arith.index_cast %get3A_798 : i32 to index
        %get3A_801 = arith.constant 48 : index
        %get3A_802 = tpu.vector_load %arg7[%get3A_799, %get3A_800, %get3A_801] {strides = array<i32>} : memref<2x2x80xi32, #tpu.memory_space<vmem>>, vector<1x1x16xi32>,
        %get3A_803 = vector.shape_cast %get3A_802 : vector<1x1x16xi32> to vector<16xi32>
        %add3A_804 = vector.broadcast %mul3A_2 : i32 to vector<16xi32>
        %add3A_805 = arith.addi %get3A_803, %add3A_804 : vector<16xi32>
        %swap3A_806 = arith.constant 1 : i32
        %swap3A_807 = arith.constant 1 : i32
        %swap3A_808 = arith.index_cast %swap3A_806 : i32 to index
        %swap3A_809 = arith.index_cast %swap3A_807 : i32 to index
        %swap3A_810 = arith.constant 48 : index
        %swap3A_811 = tpu.vector_load %arg7[%swap3A_808, %swap3A_809, %swap3A_810] {strides = array<i32>} : memref<2x2x80xi32, #tpu.memory_space<vmem>>, vector<1x1x16xi32>,
        %swap3A_812 = vector.shape_cast %swap3A_811 : vector<1x1x16xi32> to vector<16xi32>
        %swap3A_813 = vector.shape_cast %add3A_805 : vector<16xi32> to vector<1x1x16xi32>
        tpu.vector_store %arg7[%swap3A_808, %swap3A_809, %swap3A_810], %swap3A_813 {strides = array<i32>} : memref<2x2x80xi32, #tpu.memory_space<vmem>>, vector<1x1x16xi32>,
        %get3A_814 = arith.constant 1 : i32
        %get3A_815 = arith.constant 1 : i32
        %get3A_816 = arith.index_cast %get3A_814 : i32 to index
        %get3A_817 = arith.index_cast %get3A_815 : i32 to index
        %get3A_818 = arith.constant 64 : index
        %get3A_819 = tpu.vector_load %arg7[%get3A_816, %get3A_817, %get3A_818] {strides = array<i32>} : memref<2x2x80xi32, #tpu.memory_space<vmem>>, vector<1x1x16xi32>,
        %get3A_820 = vector.shape_cast %get3A_819 : vector<1x1x16xi32> to vector<16xi32>
        %add3A_821 = vector.broadcast %mul3A_2 : i32 to vector<16xi32>
        %add3A_822 = arith.addi %get3A_820, %add3A_821 : vector<16xi32>
        %swap3A_823 = arith.constant 1 : i32
        %swap3A_824 = arith.constant 1 : i32
        %swap3A_825 = arith.index_cast %swap3A_823 : i32 to index
        %swap3A_826 = arith.index_cast %swap3A_824 : i32 to index
        %swap3A_827 = arith.constant 64 : index
        %swap3A_828 = tpu.vector_load %arg7[%swap3A_825, %swap3A_826, %swap3A_827] {strides = array<i32>} : memref<2x2x80xi32, #tpu.memory_space<vmem>>, vector<1x1x16xi32>,
        %swap3A_829 = vector.shape_cast %swap3A_828 : vector<1x1x16xi32> to vector<16xi32>
        %swap3A_830 = vector.shape_cast %add3A_822 : vector<16xi32> to vector<1x1x16xi32>
        tpu.vector_store %arg7[%swap3A_825, %swap3A_826, %swap3A_827], %swap3A_830 {strides = array<i32>} : memref<2x2x80xi32, #tpu.memory_space<vmem>>, vector<1x1x16xi32>,
        %dma_start3A_831 = arith.constant 1 : i32
        %dma_start3A_832 = arith.constant 0 : i32
        %dma_start3A_833 = arith.constant 0 : i32
        %dma_start3A_834 = tpu.memref_slice %arg7[%dma_start3A_831, %dma_start3A_832, %dma_start3A_833] : memref<2x2x80xi32, #tpu.memory_space<vmem>> -> memref<1x1x80xi32, #tpu.memory_space<vmem>>
        %dma_start3A_835 = tpu.memref_squeeze %dma_start3A_834 : memref<1x1x80xi32, #tpu.memory_space<vmem>> -> memref<80xi32, #tpu.memory_space<vmem>>
        %dma_start3A_836 = arith.constant 0 : i32
        %dma_start3A_837 = arith.constant 0 : i32
        %dma_start3A_838 = tpu.memref_slice %arg2[%dma_start3A_836, %dma_start3A_837] : memref<20480x128xf32, #tpu.memory_space<hbm>> -> memref<20480x128xf32, #tpu.memory_space<hbm>>
        tpu.enqueue_indirect_dma source(%dma_start3A_838 : memref<20480x128xf32, #tpu.memory_space<hbm>>) target(%arg11 : memref<80x128xf32, #tpu.memory_space<vmem>>) offsets(%dma_start3A_835 : memref<80xi32, #tpu.memory_space<vmem>>) semaphore(%arg15 : memref<!tpu.dma_semaphore, #tpu.memory_space<semaphore_mem>>)
        %dma_start3A_839 = arith.constant 1 : i32
        %dma_start3A_840 = arith.constant 1 : i32
        %dma_start3A_841 = arith.constant 0 : i32
        %dma_start3A_842 = tpu.memref_slice %arg7[%dma_start3A_839, %dma_start3A_840, %dma_start3A_841] : memref<2x2x80xi32, #tpu.memory_space<vmem>> -> memref<1x1x80xi32, #tpu.memory_space<vmem>>
        %dma_start3A_843 = tpu.memref_squeeze %dma_start3A_842 : memref<1x1x80xi32, #tpu.memory_space<vmem>> -> memref<80xi32, #tpu.memory_space<vmem>>
        %dma_start3A_844 = arith.constant 0 : i32
        %dma_start3A_845 = arith.constant 0 : i32
        %dma_start3A_846 = tpu.memref_slice %arg2[%dma_start3A_844, %dma_start3A_845] : memref<20480x128xf32, #tpu.memory_space<hbm>> -> memref<20480x128xf32, #tpu.memory_space<hbm>>
        tpu.enqueue_indirect_dma source(%dma_start3A_846 : memref<20480x128xf32, #tpu.memory_space<hbm>>) target(%arg12 : memref<80x128xf32, #tpu.memory_space<vmem>>) offsets(%dma_start3A_843 : memref<80xi32, #tpu.memory_space<vmem>>) semaphore(%arg16 : memref<!tpu.dma_semaphore, #tpu.memory_space<semaphore_mem>>)
      } else {
      }
    }
    %scan3A_483 = arith.constant 62 : i32
    %dma_wait3A_484 = arith.constant 124 : i32
    %dma_wait3A_485 = arith.constant 0 : i32
    %dma_wait3A_486 = arith.constant 0 : i32
    %dma_wait3A_487 = arith.constant 0 : i32
    %dma_wait3A_488 = tpu.memref_slice %arg8[%dma_wait3A_485, %dma_wait3A_486, %dma_wait3A_487] : memref<2x2x80xi32, #tpu.memory_space<vmem>> -> memref<1x2x80xi32, #tpu.memory_space<vmem>>
    %dma_wait3A_489 = tpu.memref_squeeze %dma_wait3A_488 : memref<1x2x80xi32, #tpu.memory_space<vmem>> -> memref<2x80xi32, #tpu.memory_space<vmem>>
    %dma_wait3A_490 = arith.constant 0 : i32
    %dma_wait3A_491 = arith.constant 0 : i32
    %dma_wait3A_492 = tpu.memref_slice %arg4[%arg1, %dma_wait3A_484, %dma_wait3A_490, %dma_wait3A_491] : memref<16x125x2x80xi32, #tpu.memory_space<hbm>> -> memref<1x1x2x80xi32, #tpu.memory_space<hbm>>
    %dma_wait3A_493 = tpu.memref_squeeze %dma_wait3A_492 : memref<1x1x2x80xi32, #tpu.memory_space<hbm>> -> memref<2x80xi32, #tpu.memory_space<hbm>>
    %dma_wait3A_494 = arith.constant 0 : i32
    %dma_wait3A_495 = arith.constant 0 : i32
    %dma_wait3A_496 = tpu.memref_slice %arg8[%dma_wait3A_485, %dma_wait3A_494, %dma_wait3A_495] : memref<2x2x80xi32, #tpu.memory_space<vmem>> -> memref<1x2x80xi32, #tpu.memory_space<vmem>>
    %dma_wait3A_497 = tpu.memref_squeeze %dma_wait3A_496 : memref<1x2x80xi32, #tpu.memory_space<vmem>> -> memref<2x80xi32, #tpu.memory_space<vmem>>
    %dma_wait3A_498 = arith.constant 0 : i32
    %dma_wait3A_499 = arith.constant 0 : i32
    %dma_wait3A_500 = tpu.memref_slice %arg4[%arg1, %dma_wait3A_484, %dma_wait3A_498, %dma_wait3A_499] : memref<16x125x2x80xi32, #tpu.memory_space<hbm>> -> memref<1x1x2x80xi32, #tpu.memory_space<hbm>>
    %dma_wait3A_501 = tpu.memref_squeeze %dma_wait3A_500 : memref<1x1x2x80xi32, #tpu.memory_space<hbm>> -> memref<2x80xi32, #tpu.memory_space<hbm>>
    tpu.wait_dma2 semaphore(%arg19 : memref<!tpu.dma_semaphore, #tpu.memory_space<semaphore_mem>>) src(%dma_wait3A_501 : memref<2x80xi32, #tpu.memory_space<hbm>>) dst(%dma_wait3A_497 : memref<2x80xi32, #tpu.memory_space<vmem>>)
    %dma_wait3A_502 = arith.constant 0 : i32
    %dma_wait3A_503 = arith.constant 0 : i32
    %dma_wait3A_504 = arith.constant 0 : i32
    %dma_wait3A_505 = tpu.memref_slice %arg7[%dma_wait3A_502, %dma_wait3A_503, %dma_wait3A_504] : memref<2x2x80xi32, #tpu.memory_space<vmem>> -> memref<1x1x80xi32, #tpu.memory_space<vmem>>
    %dma_wait3A_506 = tpu.memref_squeeze %dma_wait3A_505 : memref<1x1x80xi32, #tpu.memory_space<vmem>> -> memref<80xi32, #tpu.memory_space<vmem>>
    %dma_wait3A_507 = arith.constant 0 : i32
    %dma_wait3A_508 = arith.constant 0 : i32
    %dma_wait3A_509 = tpu.memref_slice %arg2[%dma_wait3A_507, %dma_wait3A_508] : memref<20480x128xf32, #tpu.memory_space<hbm>> -> memref<20480x128xf32, #tpu.memory_space<hbm>>
    tpu.wait_indirect_dma semaphore(%arg13 : memref<!tpu.dma_semaphore, #tpu.memory_space<semaphore_mem>>) src(%dma_wait3A_509 : memref<20480x128xf32, #tpu.memory_space<hbm>>) dst(%arg9 : memref<80x128xf32, #tpu.memory_space<vmem>>)
    %run_scoped3A = arith.constant 0 : i32
    %run_scoped3A_510 = arith.constant 0 : i32
    "tpu.region"() ({
      %run_scoped3A_523 = tpu.sem_alloc : memref<!tpu.dma_semaphore, #tpu.memory_space<semaphore_mem>>
      %dma_start3A_524 = arith.constant 0 : i32
      %dma_start3A_525 = tpu.memref_slice %arg8[%run_scoped3A, %run_scoped3A_510, %dma_start3A_524] : memref<2x2x80xi32, #tpu.memory_space<vmem>> -> memref<1x1x80xi32, #tpu.memory_space<vmem>>
      %dma_start3A_526 = tpu.memref_squeeze %dma_start3A_525 : memref<1x1x80xi32, #tpu.memory_space<vmem>> -> memref<80xi32, #tpu.memory_space<vmem>>
      %dma_start3A_527 = arith.constant 0 : i32
      %dma_start3A_528 = arith.constant 0 : i32
      %dma_start3A_529 = tpu.memref_slice %arg6[%dma_start3A_527, %dma_start3A_528] : memref<10240x128xf32, #tpu.memory_space<vmem_shared>> -> memref<10240x128xf32, #tpu.memory_space<vmem_shared>>
      tpu.enqueue_indirect_dma source(%arg9 : memref<80x128xf32, #tpu.memory_space<vmem>>) target(%dma_start3A_529 : memref<10240x128xf32, #tpu.memory_space<vmem_shared>>) offsets(%dma_start3A_526 : memref<80xi32, #tpu.memory_space<vmem>>) semaphore(%run_scoped3A_523 : memref<!tpu.dma_semaphore, #tpu.memory_space<semaphore_mem>>) {add = true}
      %dma_wait3A_530 = arith.constant 0 : i32
      %dma_wait3A_531 = tpu.memref_slice %arg8[%run_scoped3A, %run_scoped3A_510, %dma_wait3A_530] : memref<2x2x80xi32, #tpu.memory_space<vmem>> -> memref<1x1x80xi32, #tpu.memory_space<vmem>>
      %dma_wait3A_532 = tpu.memref_squeeze %dma_wait3A_531 : memref<1x1x80xi32, #tpu.memory_space<vmem>> -> memref<80xi32, #tpu.memory_space<vmem>>
      %dma_wait3A_533 = arith.constant 0 : i32
      %dma_wait3A_534 = arith.constant 0 : i32
      %dma_wait3A_535 = tpu.memref_slice %arg6[%dma_wait3A_533, %dma_wait3A_534] : memref<10240x128xf32, #tpu.memory_space<vmem_shared>> -> memref<10240x128xf32, #tpu.memory_space<vmem_shared>>
      tpu.wait_indirect_dma semaphore(%run_scoped3A_523 : memref<!tpu.dma_semaphore, #tpu.memory_space<semaphore_mem>>) src(%arg9 : memref<80x128xf32, #tpu.memory_space<vmem>>) dst(%dma_wait3A_535 : memref<10240x128xf32, #tpu.memory_space<vmem_shared>>)
      tpu.yield
    }) : () -> ()
    %dma_wait3A_511 = arith.constant 0 : i32
    %dma_wait3A_512 = arith.constant 1 : i32
    %dma_wait3A_513 = arith.constant 0 : i32
    %dma_wait3A_514 = tpu.memref_slice %arg7[%dma_wait3A_511, %dma_wait3A_512, %dma_wait3A_513] : memref<2x2x80xi32, #tpu.memory_space<vmem>> -> memref<1x1x80xi32, #tpu.memory_space<vmem>>
    %dma_wait3A_515 = tpu.memref_squeeze %dma_wait3A_514 : memref<1x1x80xi32, #tpu.memory_space<vmem>> -> memref<80xi32, #tpu.memory_space<vmem>>
    %dma_wait3A_516 = arith.constant 0 : i32
    %dma_wait3A_517 = arith.constant 0 : i32
    %dma_wait3A_518 = tpu.memref_slice %arg2[%dma_wait3A_516, %dma_wait3A_517] : memref<20480x128xf32, #tpu.memory_space<hbm>> -> memref<20480x128xf32, #tpu.memory_space<hbm>>
    tpu.wait_indirect_dma semaphore(%arg14 : memref<!tpu.dma_semaphore, #tpu.memory_space<semaphore_mem>>) src(%dma_wait3A_518 : memref<20480x128xf32, #tpu.memory_space<hbm>>) dst(%arg10 : memref<80x128xf32, #tpu.memory_space<vmem>>)
    %run_scoped3A_519 = arith.constant 0 : i32
    %run_scoped3A_520 = arith.constant 1 : i32
    "tpu.region"() ({
      %run_scoped3A_523 = tpu.sem_alloc : memref<!tpu.dma_semaphore, #tpu.memory_space<semaphore_mem>>
      %dma_start3A_524 = arith.constant 0 : i32
      %dma_start3A_525 = tpu.memref_slice %arg8[%run_scoped3A_519, %run_scoped3A_520, %dma_start3A_524] : memref<2x2x80xi32, #tpu.memory_space<vmem>> -> memref<1x1x80xi32, #tpu.memory_space<vmem>>
      %dma_start3A_526 = tpu.memref_squeeze %dma_start3A_525 : memref<1x1x80xi32, #tpu.memory_space<vmem>> -> memref<80xi32, #tpu.memory_space<vmem>>
      %dma_start3A_527 = arith.constant 0 : i32
      %dma_start3A_528 = arith.constant 0 : i32
      %dma_start3A_529 = tpu.memref_slice %arg6[%dma_start3A_527, %dma_start3A_528] : memref<10240x128xf32, #tpu.memory_space<vmem_shared>> -> memref<10240x128xf32, #tpu.memory_space<vmem_shared>>
      tpu.enqueue_indirect_dma source(%arg10 : memref<80x128xf32, #tpu.memory_space<vmem>>) target(%dma_start3A_529 : memref<10240x128xf32, #tpu.memory_space<vmem_shared>>) offsets(%dma_start3A_526 : memref<80xi32, #tpu.memory_space<vmem>>) semaphore(%run_scoped3A_523 : memref<!tpu.dma_semaphore, #tpu.memory_space<semaphore_mem>>) {add = true}
      %dma_wait3A_530 = arith.constant 0 : i32
      %dma_wait3A_531 = tpu.memref_slice %arg8[%run_scoped3A_519, %run_scoped3A_520, %dma_wait3A_530] : memref<2x2x80xi32, #tpu.memory_space<vmem>> -> memref<1x1x80xi32, #tpu.memory_space<vmem>>
      %dma_wait3A_532 = tpu.memref_squeeze %dma_wait3A_531 : memref<1x1x80xi32, #tpu.memory_space<vmem>> -> memref<80xi32, #tpu.memory_space<vmem>>
      %dma_wait3A_533 = arith.constant 0 : i32
      %dma_wait3A_534 = arith.constant 0 : i32
      %dma_wait3A_535 = tpu.memref_slice %arg6[%dma_wait3A_533, %dma_wait3A_534] : memref<10240x128xf32, #tpu.memory_space<vmem_shared>> -> memref<10240x128xf32, #tpu.memory_space<vmem_shared>>
      tpu.wait_indirect_dma semaphore(%run_scoped3A_523 : memref<!tpu.dma_semaphore, #tpu.memory_space<semaphore_mem>>) src(%arg10 : memref<80x128xf32, #tpu.memory_space<vmem>>) dst(%dma_wait3A_535 : memref<10240x128xf32, #tpu.memory_space<vmem_shared>>)
      tpu.yield
    }) : () -> ()
    %barrier3A_521 = arith.constant 0 : index
    tpu.barrier barrier_id(%barrier3A_521)
    %add3A_522 = arith.addi %mul3A_2, %mul3A_0 : i32
    "tpu.region"() ({
      %run_scoped3A_523 = tpu.sem_alloc : memref<!tpu.dma_semaphore, #tpu.memory_space<semaphore_mem>>
      %dma_start3A_524 = arith.constant 0 : i32
      %dma_start3A_525 = tpu.memref_slice %arg5[%add3A_522, %dma_start3A_524] : memref<20480x128xf32, #tpu.memory_space<hbm>> -> memref<640x128xf32, #tpu.memory_space<hbm>>
      %dma_start3A_526 = arith.constant 0 : i32
      %dma_start3A_527 = tpu.memref_slice %arg6[%mul3A_0, %dma_start3A_526] : memref<10240x128xf32, #tpu.memory_space<vmem_shared>> -> memref<640x128xf32, #tpu.memory_space<vmem_shared>>
      tpu.enqueue_dma source(%dma_start3A_527 : memref<640x128xf32, #tpu.memory_space<vmem_shared>>) target(%dma_start3A_525 : memref<640x128xf32, #tpu.memory_space<hbm>>) target_semaphore(%run_scoped3A_523 : memref<!tpu.dma_semaphore, #tpu.memory_space<semaphore_mem>>)
      %dma_wait3A_528 = arith.constant 0 : i32
      %dma_wait3A_529 = tpu.memref_slice %arg5[%add3A_522, %dma_wait3A_528] : memref<20480x128xf32, #tpu.memory_space<hbm>> -> memref<640x128xf32, #tpu.memory_space<hbm>>
      %dma_wait3A_530 = arith.constant 0 : i32
      %dma_wait3A_531 = tpu.memref_slice %arg6[%mul3A_0, %dma_wait3A_530] : memref<10240x128xf32, #tpu.memory_space<vmem_shared>> -> memref<640x128xf32, #tpu.memory_space<vmem_shared>>
      tpu.wait_dma2 semaphore(%run_scoped3A_523 : memref<!tpu.dma_semaphore, #tpu.memory_space<semaphore_mem>>) src(%dma_wait3A_531 : memref<640x128xf32, #tpu.memory_space<vmem_shared>>) dst(%dma_wait3A_529 : memref<640x128xf32, #tpu.memory_space<hbm>>)
      tpu.yield
    }) : () -> ()
    return
  }
}

#map = affine_map<(d0, d1) -> (0, 0, 0, 0)>
#map1 = affine_map<(d0, d1) -> (0, 0)>
module attributes {stable_mosaic.version = 14 : i64} {
  func.func @_deg_kernel(%arg0: i32, %arg1: i32, %arg2: memref<32x50x2x100xi32, #tpu.memory_space<hbm>>, %arg3: memref<100x128xf32, #tpu.memory_space<hbm>>, %arg4: memref<10240x128xf32, #tpu.memory_space<hbm>>, %arg5: memref<20480x128xf32, #tpu.memory_space<hbm>>, %arg6: memref<10240x128xf32, #tpu.memory_space<vmem_shared>>, %arg7: memref<2x2x100xi32, #tpu.memory_space<vmem>>, %arg8: memref<100x128xf32, #tpu.memory_space<vmem>>, %arg9: memref<!tpu.dma_semaphore, #tpu.memory_space<semaphore_mem>>, %arg10: memref<!tpu.dma_semaphore, #tpu.memory_space<semaphore_mem>>) attributes {dimension_semantics = [#tpu.dimension_semantics<core_parallel>, #tpu.dimension_semantics<subcore_parallel>], iteration_bounds = array<i64: 2, 16>, scalar_prefetch = 0 : i64, scratch_operands = 5 : i64, tpu.core_type = #tpu.core_type<sc_vector_subcore>, window_params = [{transform_indices = #map}, {transform_indices = #map1}, {transform_indices = #map1}, {transform_indices = #map1}]} {
    %mul3A = arith.constant 16 : i32
    %mul3A_0 = arith.muli %arg0, %mul3A : i32
    %add3A = arith.addi %mul3A_0, %arg1 : i32
    %mul3A_1 = arith.constant 640 : i32
    %mul3A_2 = arith.muli %arg1, %mul3A_1 : i32
    "tpu.region"() ({
      %run_scoped3A = tpu.sem_alloc : memref<!tpu.dma_semaphore, #tpu.memory_space<semaphore_mem>>
      %dma_start3A_47 = arith.constant 0 : i32
      %dma_start3A_48 = tpu.memref_slice %arg6[%mul3A_2, %dma_start3A_47] : memref<10240x128xf32, #tpu.memory_space<vmem_shared>> -> memref<640x128xf32, #tpu.memory_space<vmem_shared>>
      %dma_start3A_49 = arith.constant 0 : i32
      %dma_start3A_50 = tpu.memref_slice %arg4[%mul3A_2, %dma_start3A_49] : memref<10240x128xf32, #tpu.memory_space<hbm>> -> memref<640x128xf32, #tpu.memory_space<hbm>>
      tpu.enqueue_dma source(%dma_start3A_50 : memref<640x128xf32, #tpu.memory_space<hbm>>) target(%dma_start3A_48 : memref<640x128xf32, #tpu.memory_space<vmem_shared>>) target_semaphore(%run_scoped3A : memref<!tpu.dma_semaphore, #tpu.memory_space<semaphore_mem>>)
      %dma_wait3A = arith.constant 0 : i32
      %dma_wait3A_51 = tpu.memref_slice %arg6[%mul3A_2, %dma_wait3A] : memref<10240x128xf32, #tpu.memory_space<vmem_shared>> -> memref<640x128xf32, #tpu.memory_space<vmem_shared>>
      %dma_wait3A_52 = arith.constant 0 : i32
      %dma_wait3A_53 = tpu.memref_slice %arg4[%mul3A_2, %dma_wait3A_52] : memref<10240x128xf32, #tpu.memory_space<hbm>> -> memref<640x128xf32, #tpu.memory_space<hbm>>
      tpu.wait_dma2 semaphore(%run_scoped3A : memref<!tpu.dma_semaphore, #tpu.memory_space<semaphore_mem>>) src(%dma_wait3A_53 : memref<640x128xf32, #tpu.memory_space<hbm>>) dst(%dma_wait3A_51 : memref<640x128xf32, #tpu.memory_space<vmem_shared>>)
      tpu.yield
    }) : () -> ()
    "tpu.region"() ({
      %run_scoped3A = tpu.sem_alloc : memref<!tpu.dma_semaphore, #tpu.memory_space<semaphore_mem>>
      tpu.enqueue_dma source(%arg3 : memref<100x128xf32, #tpu.memory_space<hbm>>) target(%arg8 : memref<100x128xf32, #tpu.memory_space<vmem>>) target_semaphore(%run_scoped3A : memref<!tpu.dma_semaphore, #tpu.memory_space<semaphore_mem>>)
      tpu.wait_dma2 semaphore(%run_scoped3A : memref<!tpu.dma_semaphore, #tpu.memory_space<semaphore_mem>>) src(%arg3 : memref<100x128xf32, #tpu.memory_space<hbm>>) dst(%arg8 : memref<100x128xf32, #tpu.memory_space<vmem>>)
      tpu.yield
    }) : () -> ()
    %dma_start3A = arith.constant 0 : i32
    %dma_start3A_3 = arith.constant 0 : i32
    %dma_start3A_4 = arith.constant 0 : i32
    %dma_start3A_5 = arith.constant 0 : i32
    %dma_start3A_6 = tpu.memref_slice %arg7[%dma_start3A_3, %dma_start3A_4, %dma_start3A_5] : memref<2x2x100xi32, #tpu.memory_space<vmem>> -> memref<1x2x100xi32, #tpu.memory_space<vmem>>
    %dma_start3A_7 = tpu.memref_squeeze %dma_start3A_6 : memref<1x2x100xi32, #tpu.memory_space<vmem>> -> memref<2x100xi32, #tpu.memory_space<vmem>>
    %dma_start3A_8 = arith.constant 0 : i32
    %dma_start3A_9 = arith.constant 0 : i32
    %dma_start3A_10 = tpu.memref_slice %arg2[%add3A, %dma_start3A, %dma_start3A_8, %dma_start3A_9] : memref<32x50x2x100xi32, #tpu.memory_space<hbm>> -> memref<1x1x2x100xi32, #tpu.memory_space<hbm>>
    %dma_start3A_11 = tpu.memref_squeeze %dma_start3A_10 : memref<1x1x2x100xi32, #tpu.memory_space<hbm>> -> memref<2x100xi32, #tpu.memory_space<hbm>>
    %dma_start3A_12 = arith.constant 0 : i32
    %dma_start3A_13 = arith.constant 0 : i32
    %dma_start3A_14 = tpu.memref_slice %arg7[%dma_start3A_3, %dma_start3A_12, %dma_start3A_13] : memref<2x2x100xi32, #tpu.memory_space<vmem>> -> memref<1x2x100xi32, #tpu.memory_space<vmem>>
    %dma_start3A_15 = tpu.memref_squeeze %dma_start3A_14 : memref<1x2x100xi32, #tpu.memory_space<vmem>> -> memref<2x100xi32, #tpu.memory_space<vmem>>
    %dma_start3A_16 = arith.constant 0 : i32
    %dma_start3A_17 = arith.constant 0 : i32
    %dma_start3A_18 = tpu.memref_slice %arg2[%add3A, %dma_start3A, %dma_start3A_16, %dma_start3A_17] : memref<32x50x2x100xi32, #tpu.memory_space<hbm>> -> memref<1x1x2x100xi32, #tpu.memory_space<hbm>>
    %dma_start3A_19 = tpu.memref_squeeze %dma_start3A_18 : memref<1x1x2x100xi32, #tpu.memory_space<hbm>> -> memref<2x100xi32, #tpu.memory_space<hbm>>
    tpu.enqueue_dma source(%dma_start3A_19 : memref<2x100xi32, #tpu.memory_space<hbm>>) target(%dma_start3A_15 : memref<2x100xi32, #tpu.memory_space<vmem>>) target_semaphore(%arg9 : memref<!tpu.dma_semaphore, #tpu.memory_space<semaphore_mem>>)
    %dma_start3A_20 = arith.constant 1 : i32
    %dma_start3A_21 = arith.constant 1 : i32
    %dma_start3A_22 = arith.constant 0 : i32
    %dma_start3A_23 = arith.constant 0 : i32
    %dma_start3A_24 = tpu.memref_slice %arg7[%dma_start3A_21, %dma_start3A_22, %dma_start3A_23] : memref<2x2x100xi32, #tpu.memory_space<vmem>> -> memref<1x2x100xi32, #tpu.memory_space<vmem>>
    %dma_start3A_25 = tpu.memref_squeeze %dma_start3A_24 : memref<1x2x100xi32, #tpu.memory_space<vmem>> -> memref<2x100xi32, #tpu.memory_space<vmem>>
    %dma_start3A_26 = arith.constant 0 : i32
    %dma_start3A_27 = arith.constant 0 : i32
    %dma_start3A_28 = tpu.memref_slice %arg2[%add3A, %dma_start3A_20, %dma_start3A_26, %dma_start3A_27] : memref<32x50x2x100xi32, #tpu.memory_space<hbm>> -> memref<1x1x2x100xi32, #tpu.memory_space<hbm>>
    %dma_start3A_29 = tpu.memref_squeeze %dma_start3A_28 : memref<1x1x2x100xi32, #tpu.memory_space<hbm>> -> memref<2x100xi32, #tpu.memory_space<hbm>>
    %dma_start3A_30 = arith.constant 0 : i32
    %dma_start3A_31 = arith.constant 0 : i32
    %dma_start3A_32 = tpu.memref_slice %arg7[%dma_start3A_21, %dma_start3A_30, %dma_start3A_31] : memref<2x2x100xi32, #tpu.memory_space<vmem>> -> memref<1x2x100xi32, #tpu.memory_space<vmem>>
    %dma_start3A_33 = tpu.memref_squeeze %dma_start3A_32 : memref<1x2x100xi32, #tpu.memory_space<vmem>> -> memref<2x100xi32, #tpu.memory_space<vmem>>
    %dma_start3A_34 = arith.constant 0 : i32
    %dma_start3A_35 = arith.constant 0 : i32
    %dma_start3A_36 = tpu.memref_slice %arg2[%add3A, %dma_start3A_20, %dma_start3A_34, %dma_start3A_35] : memref<32x50x2x100xi32, #tpu.memory_space<hbm>> -> memref<1x1x2x100xi32, #tpu.memory_space<hbm>>
    %dma_start3A_37 = tpu.memref_squeeze %dma_start3A_36 : memref<1x1x2x100xi32, #tpu.memory_space<hbm>> -> memref<2x100xi32, #tpu.memory_space<hbm>>
    tpu.enqueue_dma source(%dma_start3A_37 : memref<2x100xi32, #tpu.memory_space<hbm>>) target(%dma_start3A_33 : memref<2x100xi32, #tpu.memory_space<vmem>>) target_semaphore(%arg10 : memref<!tpu.dma_semaphore, #tpu.memory_space<semaphore_mem>>)
    %barrier3A = arith.constant 0 : index
    tpu.barrier barrier_id(%barrier3A)
    %scan3A = arith.constant 0 : i32
    %scan3A_38 = arith.constant 0 : i32
    %scan3A_39 = arith.constant 25 : i32
    %scan3A_40 = arith.addi %scan3A_38, %scan3A_39 : i32
    %scan3A_41 = arith.constant 1 : i32
    scf.for %scan3A_47 = %scan3A_38 to %scan3A_40 step %scan3A_41  : i32 {
      %mul3A_48 = arith.constant 2 : i32
      %mul3A_49 = arith.muli %mul3A_48, %scan3A_47 : i32
      %add3A_50 = arith.constant 0 : i32
      %add3A_51 = arith.addi %mul3A_49, %add3A_50 : i32
      %dma_wait3A = arith.constant 0 : i32
      %dma_wait3A_52 = arith.constant 0 : i32
      %dma_wait3A_53 = arith.constant 0 : i32
      %dma_wait3A_54 = tpu.memref_slice %arg7[%dma_wait3A, %dma_wait3A_52, %dma_wait3A_53] : memref<2x2x100xi32, #tpu.memory_space<vmem>> -> memref<1x2x100xi32, #tpu.memory_space<vmem>>
      %dma_wait3A_55 = tpu.memref_squeeze %dma_wait3A_54 : memref<1x2x100xi32, #tpu.memory_space<vmem>> -> memref<2x100xi32, #tpu.memory_space<vmem>>
      %dma_wait3A_56 = arith.constant 0 : i32
      %dma_wait3A_57 = arith.constant 0 : i32
      %dma_wait3A_58 = tpu.memref_slice %arg2[%add3A, %add3A_51, %dma_wait3A_56, %dma_wait3A_57] : memref<32x50x2x100xi32, #tpu.memory_space<hbm>> -> memref<1x1x2x100xi32, #tpu.memory_space<hbm>>
      %dma_wait3A_59 = tpu.memref_squeeze %dma_wait3A_58 : memref<1x1x2x100xi32, #tpu.memory_space<hbm>> -> memref<2x100xi32, #tpu.memory_space<hbm>>
      %dma_wait3A_60 = arith.constant 0 : i32
      %dma_wait3A_61 = arith.constant 0 : i32
      %dma_wait3A_62 = tpu.memref_slice %arg7[%dma_wait3A, %dma_wait3A_60, %dma_wait3A_61] : memref<2x2x100xi32, #tpu.memory_space<vmem>> -> memref<1x2x100xi32, #tpu.memory_space<vmem>>
      %dma_wait3A_63 = tpu.memref_squeeze %dma_wait3A_62 : memref<1x2x100xi32, #tpu.memory_space<vmem>> -> memref<2x100xi32, #tpu.memory_space<vmem>>
      %dma_wait3A_64 = arith.constant 0 : i32
      %dma_wait3A_65 = arith.constant 0 : i32
      %dma_wait3A_66 = tpu.memref_slice %arg2[%add3A, %add3A_51, %dma_wait3A_64, %dma_wait3A_65] : memref<32x50x2x100xi32, #tpu.memory_space<hbm>> -> memref<1x1x2x100xi32, #tpu.memory_space<hbm>>
      %dma_wait3A_67 = tpu.memref_squeeze %dma_wait3A_66 : memref<1x1x2x100xi32, #tpu.memory_space<hbm>> -> memref<2x100xi32, #tpu.memory_space<hbm>>
      tpu.wait_dma2 semaphore(%arg9 : memref<!tpu.dma_semaphore, #tpu.memory_space<semaphore_mem>>) src(%dma_wait3A_67 : memref<2x100xi32, #tpu.memory_space<hbm>>) dst(%dma_wait3A_63 : memref<2x100xi32, #tpu.memory_space<vmem>>)
      %run_scoped3A = arith.constant 0 : i32
      %run_scoped3A_68 = arith.constant 0 : i32
      "tpu.region"() ({
        %run_scoped3A_107 = tpu.sem_alloc : memref<!tpu.dma_semaphore, #tpu.memory_space<semaphore_mem>>
        %dma_start3A_108 = arith.constant 0 : i32
        %dma_start3A_109 = tpu.memref_slice %arg7[%run_scoped3A, %run_scoped3A_68, %dma_start3A_108] : memref<2x2x100xi32, #tpu.memory_space<vmem>> -> memref<1x1x100xi32, #tpu.memory_space<vmem>>
        %dma_start3A_110 = tpu.memref_squeeze %dma_start3A_109 : memref<1x1x100xi32, #tpu.memory_space<vmem>> -> memref<100xi32, #tpu.memory_space<vmem>>
        %dma_start3A_111 = arith.constant 0 : i32
        %dma_start3A_112 = arith.constant 0 : i32
        %dma_start3A_113 = tpu.memref_slice %arg6[%dma_start3A_111, %dma_start3A_112] : memref<10240x128xf32, #tpu.memory_space<vmem_shared>> -> memref<10240x128xf32, #tpu.memory_space<vmem_shared>>
        tpu.enqueue_indirect_dma source(%arg8 : memref<100x128xf32, #tpu.memory_space<vmem>>) target(%dma_start3A_113 : memref<10240x128xf32, #tpu.memory_space<vmem_shared>>) offsets(%dma_start3A_110 : memref<100xi32, #tpu.memory_space<vmem>>) semaphore(%run_scoped3A_107 : memref<!tpu.dma_semaphore, #tpu.memory_space<semaphore_mem>>) {add = true}
        %dma_wait3A_114 = arith.constant 0 : i32
        %dma_wait3A_115 = tpu.memref_slice %arg7[%run_scoped3A, %run_scoped3A_68, %dma_wait3A_114] : memref<2x2x100xi32, #tpu.memory_space<vmem>> -> memref<1x1x100xi32, #tpu.memory_space<vmem>>
        %dma_wait3A_116 = tpu.memref_squeeze %dma_wait3A_115 : memref<1x1x100xi32, #tpu.memory_space<vmem>> -> memref<100xi32, #tpu.memory_space<vmem>>
        %dma_wait3A_117 = arith.constant 0 : i32
        %dma_wait3A_118 = arith.constant 0 : i32
        %dma_wait3A_119 = tpu.memref_slice %arg6[%dma_wait3A_117, %dma_wait3A_118] : memref<10240x128xf32, #tpu.memory_space<vmem_shared>> -> memref<10240x128xf32, #tpu.memory_space<vmem_shared>>
        tpu.wait_indirect_dma semaphore(%run_scoped3A_107 : memref<!tpu.dma_semaphore, #tpu.memory_space<semaphore_mem>>) src(%arg8 : memref<100x128xf32, #tpu.memory_space<vmem>>) dst(%dma_wait3A_119 : memref<10240x128xf32, #tpu.memory_space<vmem_shared>>)
        tpu.yield
      }) : () -> ()
      %run_scoped3A_69 = arith.constant 0 : i32
      %run_scoped3A_70 = arith.constant 1 : i32
      "tpu.region"() ({
        %run_scoped3A_107 = tpu.sem_alloc : memref<!tpu.dma_semaphore, #tpu.memory_space<semaphore_mem>>
        %dma_start3A_108 = arith.constant 0 : i32
        %dma_start3A_109 = tpu.memref_slice %arg7[%run_scoped3A_69, %run_scoped3A_70, %dma_start3A_108] : memref<2x2x100xi32, #tpu.memory_space<vmem>> -> memref<1x1x100xi32, #tpu.memory_space<vmem>>
        %dma_start3A_110 = tpu.memref_squeeze %dma_start3A_109 : memref<1x1x100xi32, #tpu.memory_space<vmem>> -> memref<100xi32, #tpu.memory_space<vmem>>
        %dma_start3A_111 = arith.constant 0 : i32
        %dma_start3A_112 = arith.constant 0 : i32
        %dma_start3A_113 = tpu.memref_slice %arg6[%dma_start3A_111, %dma_start3A_112] : memref<10240x128xf32, #tpu.memory_space<vmem_shared>> -> memref<10240x128xf32, #tpu.memory_space<vmem_shared>>
        tpu.enqueue_indirect_dma source(%arg8 : memref<100x128xf32, #tpu.memory_space<vmem>>) target(%dma_start3A_113 : memref<10240x128xf32, #tpu.memory_space<vmem_shared>>) offsets(%dma_start3A_110 : memref<100xi32, #tpu.memory_space<vmem>>) semaphore(%run_scoped3A_107 : memref<!tpu.dma_semaphore, #tpu.memory_space<semaphore_mem>>) {add = true}
        %dma_wait3A_114 = arith.constant 0 : i32
        %dma_wait3A_115 = tpu.memref_slice %arg7[%run_scoped3A_69, %run_scoped3A_70, %dma_wait3A_114] : memref<2x2x100xi32, #tpu.memory_space<vmem>> -> memref<1x1x100xi32, #tpu.memory_space<vmem>>
        %dma_wait3A_116 = tpu.memref_squeeze %dma_wait3A_115 : memref<1x1x100xi32, #tpu.memory_space<vmem>> -> memref<100xi32, #tpu.memory_space<vmem>>
        %dma_wait3A_117 = arith.constant 0 : i32
        %dma_wait3A_118 = arith.constant 0 : i32
        %dma_wait3A_119 = tpu.memref_slice %arg6[%dma_wait3A_117, %dma_wait3A_118] : memref<10240x128xf32, #tpu.memory_space<vmem_shared>> -> memref<10240x128xf32, #tpu.memory_space<vmem_shared>>
        tpu.wait_indirect_dma semaphore(%run_scoped3A_107 : memref<!tpu.dma_semaphore, #tpu.memory_space<semaphore_mem>>) src(%arg8 : memref<100x128xf32, #tpu.memory_space<vmem>>) dst(%dma_wait3A_119 : memref<10240x128xf32, #tpu.memory_space<vmem_shared>>)
        tpu.yield
      }) : () -> ()
      %add3A_71 = arith.constant 2 : i32
      %add3A_72 = arith.addi %add3A_51, %add3A_71 : i32
      %lt3A = arith.constant 50 : i32
      %lt3A_73 = arith.cmpi slt, %add3A_72, %lt3A : i32
      %convert_element_type3A = arith.extui %lt3A_73 : i1 to i32
      %cond3A = arith.constant 0 : i32
      %cond3A_74 = arith.cmpi ne, %convert_element_type3A, %cond3A : i32
      scf.if %cond3A_74 {
        %add3A_107 = arith.constant 2 : i32
        %add3A_108 = arith.addi %add3A_51, %add3A_107 : i32
        %dma_start3A_109 = arith.constant 0 : i32
        %dma_start3A_110 = arith.constant 0 : i32
        %dma_start3A_111 = arith.constant 0 : i32
        %dma_start3A_112 = tpu.memref_slice %arg7[%dma_start3A_109, %dma_start3A_110, %dma_start3A_111] : memref<2x2x100xi32, #tpu.memory_space<vmem>> -> memref<1x2x100xi32, #tpu.memory_space<vmem>>
        %dma_start3A_113 = tpu.memref_squeeze %dma_start3A_112 : memref<1x2x100xi32, #tpu.memory_space<vmem>> -> memref<2x100xi32, #tpu.memory_space<vmem>>
        %dma_start3A_114 = arith.constant 0 : i32
        %dma_start3A_115 = arith.constant 0 : i32
        %dma_start3A_116 = tpu.memref_slice %arg2[%add3A, %add3A_108, %dma_start3A_114, %dma_start3A_115] : memref<32x50x2x100xi32, #tpu.memory_space<hbm>> -> memref<1x1x2x100xi32, #tpu.memory_space<hbm>>
        %dma_start3A_117 = tpu.memref_squeeze %dma_start3A_116 : memref<1x1x2x100xi32, #tpu.memory_space<hbm>> -> memref<2x100xi32, #tpu.memory_space<hbm>>
        %dma_start3A_118 = arith.constant 0 : i32
        %dma_start3A_119 = arith.constant 0 : i32
        %dma_start3A_120 = tpu.memref_slice %arg7[%dma_start3A_109, %dma_start3A_118, %dma_start3A_119] : memref<2x2x100xi32, #tpu.memory_space<vmem>> -> memref<1x2x100xi32, #tpu.memory_space<vmem>>
        %dma_start3A_121 = tpu.memref_squeeze %dma_start3A_120 : memref<1x2x100xi32, #tpu.memory_space<vmem>> -> memref<2x100xi32, #tpu.memory_space<vmem>>
        %dma_start3A_122 = arith.constant 0 : i32
        %dma_start3A_123 = arith.constant 0 : i32
        %dma_start3A_124 = tpu.memref_slice %arg2[%add3A, %add3A_108, %dma_start3A_122, %dma_start3A_123] : memref<32x50x2x100xi32, #tpu.memory_space<hbm>> -> memref<1x1x2x100xi32, #tpu.memory_space<hbm>>
        %dma_start3A_125 = tpu.memref_squeeze %dma_start3A_124 : memref<1x1x2x100xi32, #tpu.memory_space<hbm>> -> memref<2x100xi32, #tpu.memory_space<hbm>>
        tpu.enqueue_dma source(%dma_start3A_125 : memref<2x100xi32, #tpu.memory_space<hbm>>) target(%dma_start3A_121 : memref<2x100xi32, #tpu.memory_space<vmem>>) target_semaphore(%arg9 : memref<!tpu.dma_semaphore, #tpu.memory_space<semaphore_mem>>)
      } else {
      }
      %mul3A_75 = arith.constant 2 : i32
      %mul3A_76 = arith.muli %mul3A_75, %scan3A_47 : i32
      %add3A_77 = arith.constant 1 : i32
      %add3A_78 = arith.addi %mul3A_76, %add3A_77 : i32
      %dma_wait3A_79 = arith.constant 1 : i32
      %dma_wait3A_80 = arith.constant 0 : i32
      %dma_wait3A_81 = arith.constant 0 : i32
      %dma_wait3A_82 = tpu.memref_slice %arg7[%dma_wait3A_79, %dma_wait3A_80, %dma_wait3A_81] : memref<2x2x100xi32, #tpu.memory_space<vmem>> -> memref<1x2x100xi32, #tpu.memory_space<vmem>>
      %dma_wait3A_83 = tpu.memref_squeeze %dma_wait3A_82 : memref<1x2x100xi32, #tpu.memory_space<vmem>> -> memref<2x100xi32, #tpu.memory_space<vmem>>
      %dma_wait3A_84 = arith.constant 0 : i32
      %dma_wait3A_85 = arith.constant 0 : i32
      %dma_wait3A_86 = tpu.memref_slice %arg2[%add3A, %add3A_78, %dma_wait3A_84, %dma_wait3A_85] : memref<32x50x2x100xi32, #tpu.memory_space<hbm>> -> memref<1x1x2x100xi32, #tpu.memory_space<hbm>>
      %dma_wait3A_87 = tpu.memref_squeeze %dma_wait3A_86 : memref<1x1x2x100xi32, #tpu.memory_space<hbm>> -> memref<2x100xi32, #tpu.memory_space<hbm>>
      %dma_wait3A_88 = arith.constant 0 : i32
      %dma_wait3A_89 = arith.constant 0 : i32
      %dma_wait3A_90 = tpu.memref_slice %arg7[%dma_wait3A_79, %dma_wait3A_88, %dma_wait3A_89] : memref<2x2x100xi32, #tpu.memory_space<vmem>> -> memref<1x2x100xi32, #tpu.memory_space<vmem>>
      %dma_wait3A_91 = tpu.memref_squeeze %dma_wait3A_90 : memref<1x2x100xi32, #tpu.memory_space<vmem>> -> memref<2x100xi32, #tpu.memory_space<vmem>>
      %dma_wait3A_92 = arith.constant 0 : i32
      %dma_wait3A_93 = arith.constant 0 : i32
      %dma_wait3A_94 = tpu.memref_slice %arg2[%add3A, %add3A_78, %dma_wait3A_92, %dma_wait3A_93] : memref<32x50x2x100xi32, #tpu.memory_space<hbm>> -> memref<1x1x2x100xi32, #tpu.memory_space<hbm>>
      %dma_wait3A_95 = tpu.memref_squeeze %dma_wait3A_94 : memref<1x1x2x100xi32, #tpu.memory_space<hbm>> -> memref<2x100xi32, #tpu.memory_space<hbm>>
      tpu.wait_dma2 semaphore(%arg10 : memref<!tpu.dma_semaphore, #tpu.memory_space<semaphore_mem>>) src(%dma_wait3A_95 : memref<2x100xi32, #tpu.memory_space<hbm>>) dst(%dma_wait3A_91 : memref<2x100xi32, #tpu.memory_space<vmem>>)
      %run_scoped3A_96 = arith.constant 1 : i32
      %run_scoped3A_97 = arith.constant 0 : i32
      "tpu.region"() ({
        %run_scoped3A_107 = tpu.sem_alloc : memref<!tpu.dma_semaphore, #tpu.memory_space<semaphore_mem>>
        %dma_start3A_108 = arith.constant 0 : i32
        %dma_start3A_109 = tpu.memref_slice %arg7[%run_scoped3A_96, %run_scoped3A_97, %dma_start3A_108] : memref<2x2x100xi32, #tpu.memory_space<vmem>> -> memref<1x1x100xi32, #tpu.memory_space<vmem>>
        %dma_start3A_110 = tpu.memref_squeeze %dma_start3A_109 : memref<1x1x100xi32, #tpu.memory_space<vmem>> -> memref<100xi32, #tpu.memory_space<vmem>>
        %dma_start3A_111 = arith.constant 0 : i32
        %dma_start3A_112 = arith.constant 0 : i32
        %dma_start3A_113 = tpu.memref_slice %arg6[%dma_start3A_111, %dma_start3A_112] : memref<10240x128xf32, #tpu.memory_space<vmem_shared>> -> memref<10240x128xf32, #tpu.memory_space<vmem_shared>>
        tpu.enqueue_indirect_dma source(%arg8 : memref<100x128xf32, #tpu.memory_space<vmem>>) target(%dma_start3A_113 : memref<10240x128xf32, #tpu.memory_space<vmem_shared>>) offsets(%dma_start3A_110 : memref<100xi32, #tpu.memory_space<vmem>>) semaphore(%run_scoped3A_107 : memref<!tpu.dma_semaphore, #tpu.memory_space<semaphore_mem>>) {add = true}
        %dma_wait3A_114 = arith.constant 0 : i32
        %dma_wait3A_115 = tpu.memref_slice %arg7[%run_scoped3A_96, %run_scoped3A_97, %dma_wait3A_114] : memref<2x2x100xi32, #tpu.memory_space<vmem>> -> memref<1x1x100xi32, #tpu.memory_space<vmem>>
        %dma_wait3A_116 = tpu.memref_squeeze %dma_wait3A_115 : memref<1x1x100xi32, #tpu.memory_space<vmem>> -> memref<100xi32, #tpu.memory_space<vmem>>
        %dma_wait3A_117 = arith.constant 0 : i32
        %dma_wait3A_118 = arith.constant 0 : i32
        %dma_wait3A_119 = tpu.memref_slice %arg6[%dma_wait3A_117, %dma_wait3A_118] : memref<10240x128xf32, #tpu.memory_space<vmem_shared>> -> memref<10240x128xf32, #tpu.memory_space<vmem_shared>>
        tpu.wait_indirect_dma semaphore(%run_scoped3A_107 : memref<!tpu.dma_semaphore, #tpu.memory_space<semaphore_mem>>) src(%arg8 : memref<100x128xf32, #tpu.memory_space<vmem>>) dst(%dma_wait3A_119 : memref<10240x128xf32, #tpu.memory_space<vmem_shared>>)
        tpu.yield
      }) : () -> ()
      %run_scoped3A_98 = arith.constant 1 : i32
      %run_scoped3A_99 = arith.constant 1 : i32
      "tpu.region"() ({
        %run_scoped3A_107 = tpu.sem_alloc : memref<!tpu.dma_semaphore, #tpu.memory_space<semaphore_mem>>
        %dma_start3A_108 = arith.constant 0 : i32
        %dma_start3A_109 = tpu.memref_slice %arg7[%run_scoped3A_98, %run_scoped3A_99, %dma_start3A_108] : memref<2x2x100xi32, #tpu.memory_space<vmem>> -> memref<1x1x100xi32, #tpu.memory_space<vmem>>
        %dma_start3A_110 = tpu.memref_squeeze %dma_start3A_109 : memref<1x1x100xi32, #tpu.memory_space<vmem>> -> memref<100xi32, #tpu.memory_space<vmem>>
        %dma_start3A_111 = arith.constant 0 : i32
        %dma_start3A_112 = arith.constant 0 : i32
        %dma_start3A_113 = tpu.memref_slice %arg6[%dma_start3A_111, %dma_start3A_112] : memref<10240x128xf32, #tpu.memory_space<vmem_shared>> -> memref<10240x128xf32, #tpu.memory_space<vmem_shared>>
        tpu.enqueue_indirect_dma source(%arg8 : memref<100x128xf32, #tpu.memory_space<vmem>>) target(%dma_start3A_113 : memref<10240x128xf32, #tpu.memory_space<vmem_shared>>) offsets(%dma_start3A_110 : memref<100xi32, #tpu.memory_space<vmem>>) semaphore(%run_scoped3A_107 : memref<!tpu.dma_semaphore, #tpu.memory_space<semaphore_mem>>) {add = true}
        %dma_wait3A_114 = arith.constant 0 : i32
        %dma_wait3A_115 = tpu.memref_slice %arg7[%run_scoped3A_98, %run_scoped3A_99, %dma_wait3A_114] : memref<2x2x100xi32, #tpu.memory_space<vmem>> -> memref<1x1x100xi32, #tpu.memory_space<vmem>>
        %dma_wait3A_116 = tpu.memref_squeeze %dma_wait3A_115 : memref<1x1x100xi32, #tpu.memory_space<vmem>> -> memref<100xi32, #tpu.memory_space<vmem>>
        %dma_wait3A_117 = arith.constant 0 : i32
        %dma_wait3A_118 = arith.constant 0 : i32
        %dma_wait3A_119 = tpu.memref_slice %arg6[%dma_wait3A_117, %dma_wait3A_118] : memref<10240x128xf32, #tpu.memory_space<vmem_shared>> -> memref<10240x128xf32, #tpu.memory_space<vmem_shared>>
        tpu.wait_indirect_dma semaphore(%run_scoped3A_107 : memref<!tpu.dma_semaphore, #tpu.memory_space<semaphore_mem>>) src(%arg8 : memref<100x128xf32, #tpu.memory_space<vmem>>) dst(%dma_wait3A_119 : memref<10240x128xf32, #tpu.memory_space<vmem_shared>>)
        tpu.yield
      }) : () -> ()
      %add3A_100 = arith.constant 2 : i32
      %add3A_101 = arith.addi %add3A_78, %add3A_100 : i32
      %lt3A_102 = arith.constant 50 : i32
      %lt3A_103 = arith.cmpi slt, %add3A_101, %lt3A_102 : i32
      %convert_element_type3A_104 = arith.extui %lt3A_103 : i1 to i32
      %cond3A_105 = arith.constant 0 : i32
      %cond3A_106 = arith.cmpi ne, %convert_element_type3A_104, %cond3A_105 : i32
      scf.if %cond3A_106 {
        %add3A_107 = arith.constant 2 : i32
        %add3A_108 = arith.addi %add3A_78, %add3A_107 : i32
        %dma_start3A_109 = arith.constant 1 : i32
        %dma_start3A_110 = arith.constant 0 : i32
        %dma_start3A_111 = arith.constant 0 : i32
        %dma_start3A_112 = tpu.memref_slice %arg7[%dma_start3A_109, %dma_start3A_110, %dma_start3A_111] : memref<2x2x100xi32, #tpu.memory_space<vmem>> -> memref<1x2x100xi32, #tpu.memory_space<vmem>>
        %dma_start3A_113 = tpu.memref_squeeze %dma_start3A_112 : memref<1x2x100xi32, #tpu.memory_space<vmem>> -> memref<2x100xi32, #tpu.memory_space<vmem>>
        %dma_start3A_114 = arith.constant 0 : i32
        %dma_start3A_115 = arith.constant 0 : i32
        %dma_start3A_116 = tpu.memref_slice %arg2[%add3A, %add3A_108, %dma_start3A_114, %dma_start3A_115] : memref<32x50x2x100xi32, #tpu.memory_space<hbm>> -> memref<1x1x2x100xi32, #tpu.memory_space<hbm>>
        %dma_start3A_117 = tpu.memref_squeeze %dma_start3A_116 : memref<1x1x2x100xi32, #tpu.memory_space<hbm>> -> memref<2x100xi32, #tpu.memory_space<hbm>>
        %dma_start3A_118 = arith.constant 0 : i32
        %dma_start3A_119 = arith.constant 0 : i32
        %dma_start3A_120 = tpu.memref_slice %arg7[%dma_start3A_109, %dma_start3A_118, %dma_start3A_119] : memref<2x2x100xi32, #tpu.memory_space<vmem>> -> memref<1x2x100xi32, #tpu.memory_space<vmem>>
        %dma_start3A_121 = tpu.memref_squeeze %dma_start3A_120 : memref<1x2x100xi32, #tpu.memory_space<vmem>> -> memref<2x100xi32, #tpu.memory_space<vmem>>
        %dma_start3A_122 = arith.constant 0 : i32
        %dma_start3A_123 = arith.constant 0 : i32
        %dma_start3A_124 = tpu.memref_slice %arg2[%add3A, %add3A_108, %dma_start3A_122, %dma_start3A_123] : memref<32x50x2x100xi32, #tpu.memory_space<hbm>> -> memref<1x1x2x100xi32, #tpu.memory_space<hbm>>
        %dma_start3A_125 = tpu.memref_squeeze %dma_start3A_124 : memref<1x1x2x100xi32, #tpu.memory_space<hbm>> -> memref<2x100xi32, #tpu.memory_space<hbm>>
        tpu.enqueue_dma source(%dma_start3A_125 : memref<2x100xi32, #tpu.memory_space<hbm>>) target(%dma_start3A_121 : memref<2x100xi32, #tpu.memory_space<vmem>>) target_semaphore(%arg10 : memref<!tpu.dma_semaphore, #tpu.memory_space<semaphore_mem>>)
      } else {
      }
    }
    %scan3A_42 = arith.constant 25 : i32
    %barrier3A_43 = arith.constant 0 : index
    tpu.barrier barrier_id(%barrier3A_43)
    %mul3A_44 = arith.constant 10240 : i32
    %mul3A_45 = arith.muli %arg0, %mul3A_44 : i32
    %add3A_46 = arith.addi %mul3A_45, %mul3A_2 : i32
    "tpu.region"() ({
      %run_scoped3A = tpu.sem_alloc : memref<!tpu.dma_semaphore, #tpu.memory_space<semaphore_mem>>
      %dma_start3A_47 = arith.constant 0 : i32
      %dma_start3A_48 = tpu.memref_slice %arg5[%add3A_46, %dma_start3A_47] : memref<20480x128xf32, #tpu.memory_space<hbm>> -> memref<640x128xf32, #tpu.memory_space<hbm>>
      %dma_start3A_49 = arith.constant 0 : i32
      %dma_start3A_50 = tpu.memref_slice %arg6[%mul3A_2, %dma_start3A_49] : memref<10240x128xf32, #tpu.memory_space<vmem_shared>> -> memref<640x128xf32, #tpu.memory_space<vmem_shared>>
      tpu.enqueue_dma source(%dma_start3A_50 : memref<640x128xf32, #tpu.memory_space<vmem_shared>>) target(%dma_start3A_48 : memref<640x128xf32, #tpu.memory_space<hbm>>) target_semaphore(%run_scoped3A : memref<!tpu.dma_semaphore, #tpu.memory_space<semaphore_mem>>)
      %dma_wait3A = arith.constant 0 : i32
      %dma_wait3A_51 = tpu.memref_slice %arg5[%add3A_46, %dma_wait3A] : memref<20480x128xf32, #tpu.memory_space<hbm>> -> memref<640x128xf32, #tpu.memory_space<hbm>>
      %dma_wait3A_52 = arith.constant 0 : i32
      %dma_wait3A_53 = tpu.memref_slice %arg6[%mul3A_2, %dma_wait3A_52] : memref<10240x128xf32, #tpu.memory_space<vmem_shared>> -> memref<640x128xf32, #tpu.memory_space<vmem_shared>>
      tpu.wait_dma2 semaphore(%run_scoped3A : memref<!tpu.dma_semaphore, #tpu.memory_space<semaphore_mem>>) src(%dma_wait3A_53 : memref<640x128xf32, #tpu.memory_space<vmem_shared>>) dst(%dma_wait3A_51 : memref<640x128xf32, #tpu.memory_space<hbm>>)
      tpu.yield
    }) : () -> ()
    return
  }
}

#map = affine_map<(d0, d1) -> (0, 0)>
#map1 = affine_map<(d0, d1) -> (0, 0, 0, 0)>
module attributes {stable_mosaic.version = 14 : i64} {
  func.func @_prop_kernel(%arg0: i32, %arg1: i32, %arg2: memref<20480x128xf32, #tpu.memory_space<hbm>>, %arg3: memref<16x125x2x80xi32, #tpu.memory_space<hbm>>, %arg4: memref<16x125x2x80xi32, #tpu.memory_space<hbm>>, %arg5: memref<20480x128xf32, #tpu.memory_space<hbm>>, %arg6: memref<10240x128xf32, #tpu.memory_space<vmem_shared>>, %arg7: memref<2x2x80xi32, #tpu.memory_space<vmem>>, %arg8: memref<2x2x80xi32, #tpu.memory_space<vmem>>, %arg9: memref<80x128xf32, #tpu.memory_space<vmem>>, %arg10: memref<80x128xf32, #tpu.memory_space<vmem>>, %arg11: memref<80x128xf32, #tpu.memory_space<vmem>>, %arg12: memref<80x128xf32, #tpu.memory_space<vmem>>, %arg13: memref<!tpu.dma_semaphore, #tpu.memory_space<semaphore_mem>>, %arg14: memref<!tpu.dma_semaphore, #tpu.memory_space<semaphore_mem>>, %arg15: memref<!tpu.dma_semaphore, #tpu.memory_space<semaphore_mem>>, %arg16: memref<!tpu.dma_semaphore, #tpu.memory_space<semaphore_mem>>, %arg17: memref<!tpu.dma_semaphore, #tpu.memory_space<semaphore_mem>>, %arg18: memref<!tpu.dma_semaphore, #tpu.memory_space<semaphore_mem>>, %arg19: memref<!tpu.dma_semaphore, #tpu.memory_space<semaphore_mem>>, %arg20: memref<!tpu.dma_semaphore, #tpu.memory_space<semaphore_mem>>) attributes {dimension_semantics = [#tpu.dimension_semantics<core_parallel>, #tpu.dimension_semantics<subcore_parallel>], iteration_bounds = array<i64: 2, 16>, scalar_prefetch = 0 : i64, scratch_operands = 15 : i64, tpu.core_type = #tpu.core_type<sc_vector_subcore>, window_params = [{transform_indices = #map}, {transform_indices = #map1}, {transform_indices = #map1}, {transform_indices = #map}]} {
    %mul3A = arith.constant 640 : i32
    %mul3A_0 = arith.muli %arg1, %mul3A : i32
    %mul3A_1 = arith.constant 10240 : i32
    %mul3A_2 = arith.muli %arg0, %mul3A_1 : i32
    %add3A = arith.addi %mul3A_2, %mul3A_0 : i32
    "tpu.region"() ({
      %run_scoped3A_523 = tpu.sem_alloc : memref<!tpu.dma_semaphore, #tpu.memory_space<semaphore_mem>>
      %dma_start3A_524 = arith.constant 0 : i32
      %dma_start3A_525 = tpu.memref_slice %arg6[%mul3A_0, %dma_start3A_524] : memref<10240x128xf32, #tpu.memory_space<vmem_shared>> -> memref<640x128xf32, #tpu.memory_space<vmem_shared>>
      %dma_start3A_526 = arith.constant 0 : i32
      %dma_start3A_527 = tpu.memref_slice %arg2[%add3A, %dma_start3A_526] : memref<20480x128xf32, #tpu.memory_space<hbm>> -> memref<640x128xf32, #tpu.memory_space<hbm>>
      tpu.enqueue_dma source(%dma_start3A_527 : memref<640x128xf32, #tpu.memory_space<hbm>>) target(%dma_start3A_525 : memref<640x128xf32, #tpu.memory_space<vmem_shared>>) target_semaphore(%run_scoped3A_523 : memref<!tpu.dma_semaphore, #tpu.memory_space<semaphore_mem>>)
      %dma_wait3A_528 = arith.constant 0 : i32
      %dma_wait3A_529 = tpu.memref_slice %arg6[%mul3A_0, %dma_wait3A_528] : memref<10240x128xf32, #tpu.memory_space<vmem_shared>> -> memref<640x128xf32, #tpu.memory_space<vmem_shared>>
      %dma_wait3A_530 = arith.constant 0 : i32
      %dma_wait3A_531 = tpu.memref_slice %arg2[%add3A, %dma_wait3A_530] : memref<20480x128xf32, #tpu.memory_space<hbm>> -> memref<640x128xf32, #tpu.memory_space<hbm>>
      tpu.wait_dma2 semaphore(%run_scoped3A_523 : memref<!tpu.dma_semaphore, #tpu.memory_space<semaphore_mem>>) src(%dma_wait3A_531 : memref<640x128xf32, #tpu.memory_space<hbm>>) dst(%dma_wait3A_529 : memref<640x128xf32, #tpu.memory_space<vmem_shared>>)
      tpu.yield
    }) : () -> ()
    %dma_start3A = arith.constant 0 : i32
    %dma_start3A_3 = arith.constant 0 : i32
    %dma_start3A_4 = arith.constant 0 : i32
    %dma_start3A_5 = arith.constant 0 : i32
    %dma_start3A_6 = tpu.memref_slice %arg7[%dma_start3A_3, %dma_start3A_4, %dma_start3A_5] : memref<2x2x80xi32, #tpu.memory_space<vmem>> -> memref<1x2x80xi32, #tpu.memory_space<vmem>>
    %dma_start3A_7 = tpu.memref_squeeze %dma_start3A_6 : memref<1x2x80xi32, #tpu.memory_space<vmem>> -> memref<2x80xi32, #tpu.memory_space<vmem>>
    %dma_start3A_8 = arith.constant 0 : i32
    %dma_start3A_9 = arith.constant 0 : i32
    %dma_start3A_10 = tpu.memref_slice %arg3[%arg1, %dma_start3A, %dma_start3A_8, %dma_start3A_9] : memref<16x125x2x80xi32, #tpu.memory_space<hbm>> -> memref<1x1x2x80xi32, #tpu.memory_space<hbm>>
    %dma_start3A_11 = tpu.memref_squeeze %dma_start3A_10 : memref<1x1x2x80xi32, #tpu.memory_space<hbm>> -> memref<2x80xi32, #tpu.memory_space<hbm>>
    %dma_start3A_12 = arith.constant 0 : i32
    %dma_start3A_13 = arith.constant 0 : i32
    %dma_start3A_14 = tpu.memref_slice %arg7[%dma_start3A_3, %dma_start3A_12, %dma_start3A_13] : memref<2x2x80xi32, #tpu.memory_space<vmem>> -> memref<1x2x80xi32, #tpu.memory_space<vmem>>
    %dma_start3A_15 = tpu.memref_squeeze %dma_start3A_14 : memref<1x2x80xi32, #tpu.memory_space<vmem>> -> memref<2x80xi32, #tpu.memory_space<vmem>>
    %dma_start3A_16 = arith.constant 0 : i32
    %dma_start3A_17 = arith.constant 0 : i32
    %dma_start3A_18 = tpu.memref_slice %arg3[%arg1, %dma_start3A, %dma_start3A_16, %dma_start3A_17] : memref<16x125x2x80xi32, #tpu.memory_space<hbm>> -> memref<1x1x2x80xi32, #tpu.memory_space<hbm>>
    %dma_start3A_19 = tpu.memref_squeeze %dma_start3A_18 : memref<1x1x2x80xi32, #tpu.memory_space<hbm>> -> memref<2x80xi32, #tpu.memory_space<hbm>>
    tpu.enqueue_dma source(%dma_start3A_19 : memref<2x80xi32, #tpu.memory_space<hbm>>) target(%dma_start3A_15 : memref<2x80xi32, #tpu.memory_space<vmem>>) target_semaphore(%arg17 : memref<!tpu.dma_semaphore, #tpu.memory_space<semaphore_mem>>)
    %dma_start3A_20 = arith.constant 0 : i32
    %dma_start3A_21 = arith.constant 0 : i32
    %dma_start3A_22 = arith.constant 0 : i32
    %dma_start3A_23 = arith.constant 0 : i32
    %dma_start3A_24 = tpu.memref_slice %arg8[%dma_start3A_21, %dma_start3A_22, %dma_start3A_23] : memref<2x2x80xi32, #tpu.memory_space<vmem>> -> memref<1x2x80xi32, #tpu.memory_space<vmem>>
    %dma_start3A_25 = tpu.memref_squeeze %dma_start3A_24 : memref<1x2x80xi32, #tpu.memory_space<vmem>> -> memref<2x80xi32, #tpu.memory_space<vmem>>
    %dma_start3A_26 = arith.constant 0 : i32
    %dma_start3A_27 = arith.constant 0 : i32
    %dma_start3A_28 = tpu.memref_slice %arg4[%arg1, %dma_start3A_20, %dma_start3A_26, %dma_start3A_27] : memref<16x125x2x80xi32, #tpu.memory_space<hbm>> -> memref<1x1x2x80xi32, #tpu.memory_space<hbm>>
    %dma_start3A_29 = tpu.memref_squeeze %dma_start3A_28 : memref<1x1x2x80xi32, #tpu.memory_space<hbm>> -> memref<2x80xi32, #tpu.memory_space<hbm>>
    %dma_start3A_30 = arith.constant 0 : i32
    %dma_start3A_31 = arith.constant 0 : i32
    %dma_start3A_32 = tpu.memref_slice %arg8[%dma_start3A_21, %dma_start3A_30, %dma_start3A_31] : memref<2x2x80xi32, #tpu.memory_space<vmem>> -> memref<1x2x80xi32, #tpu.memory_space<vmem>>
    %dma_start3A_33 = tpu.memref_squeeze %dma_start3A_32 : memref<1x2x80xi32, #tpu.memory_space<vmem>> -> memref<2x80xi32, #tpu.memory_space<vmem>>
    %dma_start3A_34 = arith.constant 0 : i32
    %dma_start3A_35 = arith.constant 0 : i32
    %dma_start3A_36 = tpu.memref_slice %arg4[%arg1, %dma_start3A_20, %dma_start3A_34, %dma_start3A_35] : memref<16x125x2x80xi32, #tpu.memory_space<hbm>> -> memref<1x1x2x80xi32, #tpu.memory_space<hbm>>
    %dma_start3A_37 = tpu.memref_squeeze %dma_start3A_36 : memref<1x1x2x80xi32, #tpu.memory_space<hbm>> -> memref<2x80xi32, #tpu.memory_space<hbm>>
    tpu.enqueue_dma source(%dma_start3A_37 : memref<2x80xi32, #tpu.memory_space<hbm>>) target(%dma_start3A_33 : memref<2x80xi32, #tpu.memory_space<vmem>>) target_semaphore(%arg19 : memref<!tpu.dma_semaphore, #tpu.memory_space<semaphore_mem>>)
    %dma_start3A_38 = arith.constant 1 : i32
    %dma_start3A_39 = arith.constant 1 : i32
    %dma_start3A_40 = arith.constant 0 : i32
    %dma_start3A_41 = arith.constant 0 : i32
    %dma_start3A_42 = tpu.memref_slice %arg7[%dma_start3A_39, %dma_start3A_40, %dma_start3A_41] : memref<2x2x80xi32, #tpu.memory_space<vmem>> -> memref<1x2x80xi32, #tpu.memory_space<vmem>>
    %dma_start3A_43 = tpu.memref_squeeze %dma_start3A_42 : memref<1x2x80xi32, #tpu.memory_space<vmem>> -> memref<2x80xi32, #tpu.memory_space<vmem>>
    %dma_start3A_44 = arith.constant 0 : i32
    %dma_start3A_45 = arith.constant 0 : i32
    %dma_start3A_46 = tpu.memref_slice %arg3[%arg1, %dma_start3A_38, %dma_start3A_44, %dma_start3A_45] : memref<16x125x2x80xi32, #tpu.memory_space<hbm>> -> memref<1x1x2x80xi32, #tpu.memory_space<hbm>>
    %dma_start3A_47 = tpu.memref_squeeze %dma_start3A_46 : memref<1x1x2x80xi32, #tpu.memory_space<hbm>> -> memref<2x80xi32, #tpu.memory_space<hbm>>
    %dma_start3A_48 = arith.constant 0 : i32
    %dma_start3A_49 = arith.constant 0 : i32
    %dma_start3A_50 = tpu.memref_slice %arg7[%dma_start3A_39, %dma_start3A_48, %dma_start3A_49] : memref<2x2x80xi32, #tpu.memory_space<vmem>> -> memref<1x2x80xi32, #tpu.memory_space<vmem>>
    %dma_start3A_51 = tpu.memref_squeeze %dma_start3A_50 : memref<1x2x80xi32, #tpu.memory_space<vmem>> -> memref<2x80xi32, #tpu.memory_space<vmem>>
    %dma_start3A_52 = arith.constant 0 : i32
    %dma_start3A_53 = arith.constant 0 : i32
    %dma_start3A_54 = tpu.memref_slice %arg3[%arg1, %dma_start3A_38, %dma_start3A_52, %dma_start3A_53] : memref<16x125x2x80xi32, #tpu.memory_space<hbm>> -> memref<1x1x2x80xi32, #tpu.memory_space<hbm>>
    %dma_start3A_55 = tpu.memref_squeeze %dma_start3A_54 : memref<1x1x2x80xi32, #tpu.memory_space<hbm>> -> memref<2x80xi32, #tpu.memory_space<hbm>>
    tpu.enqueue_dma source(%dma_start3A_55 : memref<2x80xi32, #tpu.memory_space<hbm>>) target(%dma_start3A_51 : memref<2x80xi32, #tpu.memory_space<vmem>>) target_semaphore(%arg18 : memref<!tpu.dma_semaphore, #tpu.memory_space<semaphore_mem>>)
    %dma_start3A_56 = arith.constant 1 : i32
    %dma_start3A_57 = arith.constant 1 : i32
    %dma_start3A_58 = arith.constant 0 : i32
    %dma_start3A_59 = arith.constant 0 : i32
    %dma_start3A_60 = tpu.memref_slice %arg8[%dma_start3A_57, %dma_start3A_58, %dma_start3A_59] : memref<2x2x80xi32, #tpu.memory_space<vmem>> -> memref<1x2x80xi32, #tpu.memory_space<vmem>>
    %dma_start3A_61 = tpu.memref_squeeze %dma_start3A_60 : memref<1x2x80xi32, #tpu.memory_space<vmem>> -> memref<2x80xi32, #tpu.memory_space<vmem>>
    %dma_start3A_62 = arith.constant 0 : i32
    %dma_start3A_63 = arith.constant 0 : i32
    %dma_start3A_64 = tpu.memref_slice %arg4[%arg1, %dma_start3A_56, %dma_start3A_62, %dma_start3A_63] : memref<16x125x2x80xi32, #tpu.memory_space<hbm>> -> memref<1x1x2x80xi32, #tpu.memory_space<hbm>>
    %dma_start3A_65 = tpu.memref_squeeze %dma_start3A_64 : memref<1x1x2x80xi32, #tpu.memory_space<hbm>> -> memref<2x80xi32, #tpu.memory_space<hbm>>
    %dma_start3A_66 = arith.constant 0 : i32
    %dma_start3A_67 = arith.constant 0 : i32
    %dma_start3A_68 = tpu.memref_slice %arg8[%dma_start3A_57, %dma_start3A_66, %dma_start3A_67] : memref<2x2x80xi32, #tpu.memory_space<vmem>> -> memref<1x2x80xi32, #tpu.memory_space<vmem>>
    %dma_start3A_69 = tpu.memref_squeeze %dma_start3A_68 : memref<1x2x80xi32, #tpu.memory_space<vmem>> -> memref<2x80xi32, #tpu.memory_space<vmem>>
    %dma_start3A_70 = arith.constant 0 : i32
    %dma_start3A_71 = arith.constant 0 : i32
    %dma_start3A_72 = tpu.memref_slice %arg4[%arg1, %dma_start3A_56, %dma_start3A_70, %dma_start3A_71] : memref<16x125x2x80xi32, #tpu.memory_space<hbm>> -> memref<1x1x2x80xi32, #tpu.memory_space<hbm>>
    %dma_start3A_73 = tpu.memref_squeeze %dma_start3A_72 : memref<1x1x2x80xi32, #tpu.memory_space<hbm>> -> memref<2x80xi32, #tpu.memory_space<hbm>>
    tpu.enqueue_dma source(%dma_start3A_73 : memref<2x80xi32, #tpu.memory_space<hbm>>) target(%dma_start3A_69 : memref<2x80xi32, #tpu.memory_space<vmem>>) target_semaphore(%arg20 : memref<!tpu.dma_semaphore, #tpu.memory_space<semaphore_mem>>)
    %dma_wait3A = arith.constant 0 : i32
    %dma_wait3A_74 = arith.constant 0 : i32
    %dma_wait3A_75 = arith.constant 0 : i32
    %dma_wait3A_76 = arith.constant 0 : i32
    %dma_wait3A_77 = tpu.memref_slice %arg7[%dma_wait3A_74, %dma_wait3A_75, %dma_wait3A_76] : memref<2x2x80xi32, #tpu.memory_space<vmem>> -> memref<1x2x80xi32, #tpu.memory_space<vmem>>
    %dma_wait3A_78 = tpu.memref_squeeze %dma_wait3A_77 : memref<1x2x80xi32, #tpu.memory_space<vmem>> -> memref<2x80xi32, #tpu.memory_space<vmem>>
    %dma_wait3A_79 = arith.constant 0 : i32
    %dma_wait3A_80 = arith.constant 0 : i32
    %dma_wait3A_81 = tpu.memref_slice %arg3[%arg1, %dma_wait3A, %dma_wait3A_79, %dma_wait3A_80] : memref<16x125x2x80xi32, #tpu.memory_space<hbm>> -> memref<1x1x2x80xi32, #tpu.memory_space<hbm>>
    %dma_wait3A_82 = tpu.memref_squeeze %dma_wait3A_81 : memref<1x1x2x80xi32, #tpu.memory_space<hbm>> -> memref<2x80xi32, #tpu.memory_space<hbm>>
    %dma_wait3A_83 = arith.constant 0 : i32
    %dma_wait3A_84 = arith.constant 0 : i32
    %dma_wait3A_85 = tpu.memref_slice %arg7[%dma_wait3A_74, %dma_wait3A_83, %dma_wait3A_84] : memref<2x2x80xi32, #tpu.memory_space<vmem>> -> memref<1x2x80xi32, #tpu.memory_space<vmem>>
    %dma_wait3A_86 = tpu.memref_squeeze %dma_wait3A_85 : memref<1x2x80xi32, #tpu.memory_space<vmem>> -> memref<2x80xi32, #tpu.memory_space<vmem>>
    %dma_wait3A_87 = arith.constant 0 : i32
    %dma_wait3A_88 = arith.constant 0 : i32
    %dma_wait3A_89 = tpu.memref_slice %arg3[%arg1, %dma_wait3A, %dma_wait3A_87, %dma_wait3A_88] : memref<16x125x2x80xi32, #tpu.memory_space<hbm>> -> memref<1x1x2x80xi32, #tpu.memory_space<hbm>>
    %dma_wait3A_90 = tpu.memref_squeeze %dma_wait3A_89 : memref<1x1x2x80xi32, #tpu.memory_space<hbm>> -> memref<2x80xi32, #tpu.memory_space<hbm>>
    tpu.wait_dma2 semaphore(%arg17 : memref<!tpu.dma_semaphore, #tpu.memory_space<semaphore_mem>>) src(%dma_wait3A_90 : memref<2x80xi32, #tpu.memory_space<hbm>>) dst(%dma_wait3A_86 : memref<2x80xi32, #tpu.memory_space<vmem>>)
    %get3A = arith.constant 0 : i32
    %get3A_91 = arith.constant 0 : i32
    %get3A_92 = arith.index_cast %get3A : i32 to index
    %get3A_93 = arith.index_cast %get3A_91 : i32 to index
    %get3A_94 = arith.constant 0 : index
    %get3A_95 = tpu.vector_load %arg7[%get3A_92, %get3A_93, %get3A_94] {strides = array<i32>} : memref<2x2x80xi32, #tpu.memory_space<vmem>>, vector<1x1x16xi32>,
    %get3A_96 = vector.shape_cast %get3A_95 : vector<1x1x16xi32> to vector<16xi32>
    %add3A_97 = vector.broadcast %mul3A_2 : i32 to vector<16xi32>
    %add3A_98 = arith.addi %get3A_96, %add3A_97 : vector<16xi32>
    %swap3A = arith.constant 0 : i32
    %swap3A_99 = arith.constant 0 : i32
    %swap3A_100 = arith.index_cast %swap3A : i32 to index
    %swap3A_101 = arith.index_cast %swap3A_99 : i32 to index
    %swap3A_102 = arith.constant 0 : index
    %swap3A_103 = tpu.vector_load %arg7[%swap3A_100, %swap3A_101, %swap3A_102] {strides = array<i32>} : memref<2x2x80xi32, #tpu.memory_space<vmem>>, vector<1x1x16xi32>,
    %swap3A_104 = vector.shape_cast %swap3A_103 : vector<1x1x16xi32> to vector<16xi32>
    %swap3A_105 = vector.shape_cast %add3A_98 : vector<16xi32> to vector<1x1x16xi32>
    tpu.vector_store %arg7[%swap3A_100, %swap3A_101, %swap3A_102], %swap3A_105 {strides = array<i32>} : memref<2x2x80xi32, #tpu.memory_space<vmem>>, vector<1x1x16xi32>,
    %get3A_106 = arith.constant 0 : i32
    %get3A_107 = arith.constant 0 : i32
    %get3A_108 = arith.index_cast %get3A_106 : i32 to index
    %get3A_109 = arith.index_cast %get3A_107 : i32 to index
    %get3A_110 = arith.constant 16 : index
    %get3A_111 = tpu.vector_load %arg7[%get3A_108, %get3A_109, %get3A_110] {strides = array<i32>} : memref<2x2x80xi32, #tpu.memory_space<vmem>>, vector<1x1x16xi32>,
    %get3A_112 = vector.shape_cast %get3A_111 : vector<1x1x16xi32> to vector<16xi32>
    %add3A_113 = vector.broadcast %mul3A_2 : i32 to vector<16xi32>
    %add3A_114 = arith.addi %get3A_112, %add3A_113 : vector<16xi32>
    %swap3A_115 = arith.constant 0 : i32
    %swap3A_116 = arith.constant 0 : i32
    %swap3A_117 = arith.index_cast %swap3A_115 : i32 to index
    %swap3A_118 = arith.index_cast %swap3A_116 : i32 to index
    %swap3A_119 = arith.constant 16 : index
    %swap3A_120 = tpu.vector_load %arg7[%swap3A_117, %swap3A_118, %swap3A_119] {strides = array<i32>} : memref<2x2x80xi32, #tpu.memory_space<vmem>>, vector<1x1x16xi32>,
    %swap3A_121 = vector.shape_cast %swap3A_120 : vector<1x1x16xi32> to vector<16xi32>
    %swap3A_122 = vector.shape_cast %add3A_114 : vector<16xi32> to vector<1x1x16xi32>
    tpu.vector_store %arg7[%swap3A_117, %swap3A_118, %swap3A_119], %swap3A_122 {strides = array<i32>} : memref<2x2x80xi32, #tpu.memory_space<vmem>>, vector<1x1x16xi32>,
    %get3A_123 = arith.constant 0 : i32
    %get3A_124 = arith.constant 0 : i32
    %get3A_125 = arith.index_cast %get3A_123 : i32 to index
    %get3A_126 = arith.index_cast %get3A_124 : i32 to index
    %get3A_127 = arith.constant 32 : index
    %get3A_128 = tpu.vector_load %arg7[%get3A_125, %get3A_126, %get3A_127] {strides = array<i32>} : memref<2x2x80xi32, #tpu.memory_space<vmem>>, vector<1x1x16xi32>,
    %get3A_129 = vector.shape_cast %get3A_128 : vector<1x1x16xi32> to vector<16xi32>
    %add3A_130 = vector.broadcast %mul3A_2 : i32 to vector<16xi32>
    %add3A_131 = arith.addi %get3A_129, %add3A_130 : vector<16xi32>
    %swap3A_132 = arith.constant 0 : i32
    %swap3A_133 = arith.constant 0 : i32
    %swap3A_134 = arith.index_cast %swap3A_132 : i32 to index
    %swap3A_135 = arith.index_cast %swap3A_133 : i32 to index
    %swap3A_136 = arith.constant 32 : index
    %swap3A_137 = tpu.vector_load %arg7[%swap3A_134, %swap3A_135, %swap3A_136] {strides = array<i32>} : memref<2x2x80xi32, #tpu.memory_space<vmem>>, vector<1x1x16xi32>,
    %swap3A_138 = vector.shape_cast %swap3A_137 : vector<1x1x16xi32> to vector<16xi32>
    %swap3A_139 = vector.shape_cast %add3A_131 : vector<16xi32> to vector<1x1x16xi32>
    tpu.vector_store %arg7[%swap3A_134, %swap3A_135, %swap3A_136], %swap3A_139 {strides = array<i32>} : memref<2x2x80xi32, #tpu.memory_space<vmem>>, vector<1x1x16xi32>,
    %get3A_140 = arith.constant 0 : i32
    %get3A_141 = arith.constant 0 : i32
    %get3A_142 = arith.index_cast %get3A_140 : i32 to index
    %get3A_143 = arith.index_cast %get3A_141 : i32 to index
    %get3A_144 = arith.constant 48 : index
    %get3A_145 = tpu.vector_load %arg7[%get3A_142, %get3A_143, %get3A_144] {strides = array<i32>} : memref<2x2x80xi32, #tpu.memory_space<vmem>>, vector<1x1x16xi32>,
    %get3A_146 = vector.shape_cast %get3A_145 : vector<1x1x16xi32> to vector<16xi32>
    %add3A_147 = vector.broadcast %mul3A_2 : i32 to vector<16xi32>
    %add3A_148 = arith.addi %get3A_146, %add3A_147 : vector<16xi32>
    %swap3A_149 = arith.constant 0 : i32
    %swap3A_150 = arith.constant 0 : i32
    %swap3A_151 = arith.index_cast %swap3A_149 : i32 to index
    %swap3A_152 = arith.index_cast %swap3A_150 : i32 to index
    %swap3A_153 = arith.constant 48 : index
    %swap3A_154 = tpu.vector_load %arg7[%swap3A_151, %swap3A_152, %swap3A_153] {strides = array<i32>} : memref<2x2x80xi32, #tpu.memory_space<vmem>>, vector<1x1x16xi32>,
    %swap3A_155 = vector.shape_cast %swap3A_154 : vector<1x1x16xi32> to vector<16xi32>
    %swap3A_156 = vector.shape_cast %add3A_148 : vector<16xi32> to vector<1x1x16xi32>
    tpu.vector_store %arg7[%swap3A_151, %swap3A_152, %swap3A_153], %swap3A_156 {strides = array<i32>} : memref<2x2x80xi32, #tpu.memory_space<vmem>>, vector<1x1x16xi32>,
    %get3A_157 = arith.constant 0 : i32
    %get3A_158 = arith.constant 0 : i32
    %get3A_159 = arith.index_cast %get3A_157 : i32 to index
    %get3A_160 = arith.index_cast %get3A_158 : i32 to index
    %get3A_161 = arith.constant 64 : index
    %get3A_162 = tpu.vector_load %arg7[%get3A_159, %get3A_160, %get3A_161] {strides = array<i32>} : memref<2x2x80xi32, #tpu.memory_space<vmem>>, vector<1x1x16xi32>,
    %get3A_163 = vector.shape_cast %get3A_162 : vector<1x1x16xi32> to vector<16xi32>
    %add3A_164 = vector.broadcast %mul3A_2 : i32 to vector<16xi32>
    %add3A_165 = arith.addi %get3A_163, %add3A_164 : vector<16xi32>
    %swap3A_166 = arith.constant 0 : i32
    %swap3A_167 = arith.constant 0 : i32
    %swap3A_168 = arith.index_cast %swap3A_166 : i32 to index
    %swap3A_169 = arith.index_cast %swap3A_167 : i32 to index
    %swap3A_170 = arith.constant 64 : index
    %swap3A_171 = tpu.vector_load %arg7[%swap3A_168, %swap3A_169, %swap3A_170] {strides = array<i32>} : memref<2x2x80xi32, #tpu.memory_space<vmem>>, vector<1x1x16xi32>,
    %swap3A_172 = vector.shape_cast %swap3A_171 : vector<1x1x16xi32> to vector<16xi32>
    %swap3A_173 = vector.shape_cast %add3A_165 : vector<16xi32> to vector<1x1x16xi32>
    tpu.vector_store %arg7[%swap3A_168, %swap3A_169, %swap3A_170], %swap3A_173 {strides = array<i32>} : memref<2x2x80xi32, #tpu.memory_space<vmem>>, vector<1x1x16xi32>,
    %get3A_174 = arith.constant 0 : i32
    %get3A_175 = arith.constant 1 : i32
    %get3A_176 = arith.index_cast %get3A_174 : i32 to index
    %get3A_177 = arith.index_cast %get3A_175 : i32 to index
    %get3A_178 = arith.constant 0 : index
    %get3A_179 = tpu.vector_load %arg7[%get3A_176, %get3A_177, %get3A_178] {strides = array<i32>} : memref<2x2x80xi32, #tpu.memory_space<vmem>>, vector<1x1x16xi32>,
    %get3A_180 = vector.shape_cast %get3A_179 : vector<1x1x16xi32> to vector<16xi32>
    %add3A_181 = vector.broadcast %mul3A_2 : i32 to vector<16xi32>
    %add3A_182 = arith.addi %get3A_180, %add3A_181 : vector<16xi32>
    %swap3A_183 = arith.constant 0 : i32
    %swap3A_184 = arith.constant 1 : i32
    %swap3A_185 = arith.index_cast %swap3A_183 : i32 to index
    %swap3A_186 = arith.index_cast %swap3A_184 : i32 to index
    %swap3A_187 = arith.constant 0 : index
    %swap3A_188 = tpu.vector_load %arg7[%swap3A_185, %swap3A_186, %swap3A_187] {strides = array<i32>} : memref<2x2x80xi32, #tpu.memory_space<vmem>>, vector<1x1x16xi32>,
    %swap3A_189 = vector.shape_cast %swap3A_188 : vector<1x1x16xi32> to vector<16xi32>
    %swap3A_190 = vector.shape_cast %add3A_182 : vector<16xi32> to vector<1x1x16xi32>
    tpu.vector_store %arg7[%swap3A_185, %swap3A_186, %swap3A_187], %swap3A_190 {strides = array<i32>} : memref<2x2x80xi32, #tpu.memory_space<vmem>>, vector<1x1x16xi32>,
    %get3A_191 = arith.constant 0 : i32
    %get3A_192 = arith.constant 1 : i32
    %get3A_193 = arith.index_cast %get3A_191 : i32 to index
    %get3A_194 = arith.index_cast %get3A_192 : i32 to index
    %get3A_195 = arith.constant 16 : index
    %get3A_196 = tpu.vector_load %arg7[%get3A_193, %get3A_194, %get3A_195] {strides = array<i32>} : memref<2x2x80xi32, #tpu.memory_space<vmem>>, vector<1x1x16xi32>,
    %get3A_197 = vector.shape_cast %get3A_196 : vector<1x1x16xi32> to vector<16xi32>
    %add3A_198 = vector.broadcast %mul3A_2 : i32 to vector<16xi32>
    %add3A_199 = arith.addi %get3A_197, %add3A_198 : vector<16xi32>
    %swap3A_200 = arith.constant 0 : i32
    %swap3A_201 = arith.constant 1 : i32
    %swap3A_202 = arith.index_cast %swap3A_200 : i32 to index
    %swap3A_203 = arith.index_cast %swap3A_201 : i32 to index
    %swap3A_204 = arith.constant 16 : index
    %swap3A_205 = tpu.vector_load %arg7[%swap3A_202, %swap3A_203, %swap3A_204] {strides = array<i32>} : memref<2x2x80xi32, #tpu.memory_space<vmem>>, vector<1x1x16xi32>,
    %swap3A_206 = vector.shape_cast %swap3A_205 : vector<1x1x16xi32> to vector<16xi32>
    %swap3A_207 = vector.shape_cast %add3A_199 : vector<16xi32> to vector<1x1x16xi32>
    tpu.vector_store %arg7[%swap3A_202, %swap3A_203, %swap3A_204], %swap3A_207 {strides = array<i32>} : memref<2x2x80xi32, #tpu.memory_space<vmem>>, vector<1x1x16xi32>,
    %get3A_208 = arith.constant 0 : i32
    %get3A_209 = arith.constant 1 : i32
    %get3A_210 = arith.index_cast %get3A_208 : i32 to index
    %get3A_211 = arith.index_cast %get3A_209 : i32 to index
    %get3A_212 = arith.constant 32 : index
    %get3A_213 = tpu.vector_load %arg7[%get3A_210, %get3A_211, %get3A_212] {strides = array<i32>} : memref<2x2x80xi32, #tpu.memory_space<vmem>>, vector<1x1x16xi32>,
    %get3A_214 = vector.shape_cast %get3A_213 : vector<1x1x16xi32> to vector<16xi32>
    %add3A_215 = vector.broadcast %mul3A_2 : i32 to vector<16xi32>
    %add3A_216 = arith.addi %get3A_214, %add3A_215 : vector<16xi32>
    %swap3A_217 = arith.constant 0 : i32
    %swap3A_218 = arith.constant 1 : i32
    %swap3A_219 = arith.index_cast %swap3A_217 : i32 to index
    %swap3A_220 = arith.index_cast %swap3A_218 : i32 to index
    %swap3A_221 = arith.constant 32 : index
    %swap3A_222 = tpu.vector_load %arg7[%swap3A_219, %swap3A_220, %swap3A_221] {strides = array<i32>} : memref<2x2x80xi32, #tpu.memory_space<vmem>>, vector<1x1x16xi32>,
    %swap3A_223 = vector.shape_cast %swap3A_222 : vector<1x1x16xi32> to vector<16xi32>
    %swap3A_224 = vector.shape_cast %add3A_216 : vector<16xi32> to vector<1x1x16xi32>
    tpu.vector_store %arg7[%swap3A_219, %swap3A_220, %swap3A_221], %swap3A_224 {strides = array<i32>} : memref<2x2x80xi32, #tpu.memory_space<vmem>>, vector<1x1x16xi32>,
    %get3A_225 = arith.constant 0 : i32
    %get3A_226 = arith.constant 1 : i32
    %get3A_227 = arith.index_cast %get3A_225 : i32 to index
    %get3A_228 = arith.index_cast %get3A_226 : i32 to index
    %get3A_229 = arith.constant 48 : index
    %get3A_230 = tpu.vector_load %arg7[%get3A_227, %get3A_228, %get3A_229] {strides = array<i32>} : memref<2x2x80xi32, #tpu.memory_space<vmem>>, vector<1x1x16xi32>,
    %get3A_231 = vector.shape_cast %get3A_230 : vector<1x1x16xi32> to vector<16xi32>
    %add3A_232 = vector.broadcast %mul3A_2 : i32 to vector<16xi32>
    %add3A_233 = arith.addi %get3A_231, %add3A_232 : vector<16xi32>
    %swap3A_234 = arith.constant 0 : i32
    %swap3A_235 = arith.constant 1 : i32
    %swap3A_236 = arith.index_cast %swap3A_234 : i32 to index
    %swap3A_237 = arith.index_cast %swap3A_235 : i32 to index
    %swap3A_238 = arith.constant 48 : index
    %swap3A_239 = tpu.vector_load %arg7[%swap3A_236, %swap3A_237, %swap3A_238] {strides = array<i32>} : memref<2x2x80xi32, #tpu.memory_space<vmem>>, vector<1x1x16xi32>,
    %swap3A_240 = vector.shape_cast %swap3A_239 : vector<1x1x16xi32> to vector<16xi32>
    %swap3A_241 = vector.shape_cast %add3A_233 : vector<16xi32> to vector<1x1x16xi32>
    tpu.vector_store %arg7[%swap3A_236, %swap3A_237, %swap3A_238], %swap3A_241 {strides = array<i32>} : memref<2x2x80xi32, #tpu.memory_space<vmem>>, vector<1x1x16xi32>,
    %get3A_242 = arith.constant 0 : i32
    %get3A_243 = arith.constant 1 : i32
    %get3A_244 = arith.index_cast %get3A_242 : i32 to index
    %get3A_245 = arith.index_cast %get3A_243 : i32 to index
    %get3A_246 = arith.constant 64 : index
    %get3A_247 = tpu.vector_load %arg7[%get3A_244, %get3A_245, %get3A_246] {strides = array<i32>} : memref<2x2x80xi32, #tpu.memory_space<vmem>>, vector<1x1x16xi32>,
    %get3A_248 = vector.shape_cast %get3A_247 : vector<1x1x16xi32> to vector<16xi32>
    %add3A_249 = vector.broadcast %mul3A_2 : i32 to vector<16xi32>
    %add3A_250 = arith.addi %get3A_248, %add3A_249 : vector<16xi32>
    %swap3A_251 = arith.constant 0 : i32
    %swap3A_252 = arith.constant 1 : i32
    %swap3A_253 = arith.index_cast %swap3A_251 : i32 to index
    %swap3A_254 = arith.index_cast %swap3A_252 : i32 to index
    %swap3A_255 = arith.constant 64 : index
    %swap3A_256 = tpu.vector_load %arg7[%swap3A_253, %swap3A_254, %swap3A_255] {strides = array<i32>} : memref<2x2x80xi32, #tpu.memory_space<vmem>>, vector<1x1x16xi32>,
    %swap3A_257 = vector.shape_cast %swap3A_256 : vector<1x1x16xi32> to vector<16xi32>
    %swap3A_258 = vector.shape_cast %add3A_250 : vector<16xi32> to vector<1x1x16xi32>
    tpu.vector_store %arg7[%swap3A_253, %swap3A_254, %swap3A_255], %swap3A_258 {strides = array<i32>} : memref<2x2x80xi32, #tpu.memory_space<vmem>>, vector<1x1x16xi32>,
    %dma_start3A_259 = arith.constant 0 : i32
    %dma_start3A_260 = arith.constant 0 : i32
    %dma_start3A_261 = arith.constant 0 : i32
    %dma_start3A_262 = tpu.memref_slice %arg7[%dma_start3A_259, %dma_start3A_260, %dma_start3A_261] : memref<2x2x80xi32, #tpu.memory_space<vmem>> -> memref<1x1x80xi32, #tpu.memory_space<vmem>>
    %dma_start3A_263 = tpu.memref_squeeze %dma_start3A_262 : memref<1x1x80xi32, #tpu.memory_space<vmem>> -> memref<80xi32, #tpu.memory_space<vmem>>
    %dma_start3A_264 = arith.constant 0 : i32
    %dma_start3A_265 = arith.constant 0 : i32
    %dma_start3A_266 = tpu.memref_slice %arg2[%dma_start3A_264, %dma_start3A_265] : memref<20480x128xf32, #tpu.memory_space<hbm>> -> memref<20480x128xf32, #tpu.memory_space<hbm>>
    tpu.enqueue_indirect_dma source(%dma_start3A_266 : memref<20480x128xf32, #tpu.memory_space<hbm>>) target(%arg9 : memref<80x128xf32, #tpu.memory_space<vmem>>) offsets(%dma_start3A_263 : memref<80xi32, #tpu.memory_space<vmem>>) semaphore(%arg13 : memref<!tpu.dma_semaphore, #tpu.memory_space<semaphore_mem>>)
    %dma_start3A_267 = arith.constant 0 : i32
    %dma_start3A_268 = arith.constant 1 : i32
    %dma_start3A_269 = arith.constant 0 : i32
    %dma_start3A_270 = tpu.memref_slice %arg7[%dma_start3A_267, %dma_start3A_268, %dma_start3A_269] : memref<2x2x80xi32, #tpu.memory_space<vmem>> -> memref<1x1x80xi32, #tpu.memory_space<vmem>>
    %dma_start3A_271 = tpu.memref_squeeze %dma_start3A_270 : memref<1x1x80xi32, #tpu.memory_space<vmem>> -> memref<80xi32, #tpu.memory_space<vmem>>
    %dma_start3A_272 = arith.constant 0 : i32
    %dma_start3A_273 = arith.constant 0 : i32
    %dma_start3A_274 = tpu.memref_slice %arg2[%dma_start3A_272, %dma_start3A_273] : memref<20480x128xf32, #tpu.memory_space<hbm>> -> memref<20480x128xf32, #tpu.memory_space<hbm>>
    tpu.enqueue_indirect_dma source(%dma_start3A_274 : memref<20480x128xf32, #tpu.memory_space<hbm>>) target(%arg10 : memref<80x128xf32, #tpu.memory_space<vmem>>) offsets(%dma_start3A_271 : memref<80xi32, #tpu.memory_space<vmem>>) semaphore(%arg14 : memref<!tpu.dma_semaphore, #tpu.memory_space<semaphore_mem>>)
    %dma_wait3A_275 = arith.constant 1 : i32
    %dma_wait3A_276 = arith.constant 1 : i32
    %dma_wait3A_277 = arith.constant 0 : i32
    %dma_wait3A_278 = arith.constant 0 : i32
    %dma_wait3A_279 = tpu.memref_slice %arg7[%dma_wait3A_276, %dma_wait3A_277, %dma_wait3A_278] : memref<2x2x80xi32, #tpu.memory_space<vmem>> -> memref<1x2x80xi32, #tpu.memory_space<vmem>>
    %dma_wait3A_280 = tpu.memref_squeeze %dma_wait3A_279 : memref<1x2x80xi32, #tpu.memory_space<vmem>> -> memref<2x80xi32, #tpu.memory_space<vmem>>
    %dma_wait3A_281 = arith.constant 0 : i32
    %dma_wait3A_282 = arith.constant 0 : i32
    %dma_wait3A_283 = tpu.memref_slice %arg3[%arg1, %dma_wait3A_275, %dma_wait3A_281, %dma_wait3A_282] : memref<16x125x2x80xi32, #tpu.memory_space<hbm>> -> memref<1x1x2x80xi32, #tpu.memory_space<hbm>>
    %dma_wait3A_284 = tpu.memref_squeeze %dma_wait3A_283 : memref<1x1x2x80xi32, #tpu.memory_space<hbm>> -> memref<2x80xi32, #tpu.memory_space<hbm>>
    %dma_wait3A_285 = arith.constant 0 : i32
    %dma_wait3A_286 = arith.constant 0 : i32
    %dma_wait3A_287 = tpu.memref_slice %arg7[%dma_wait3A_276, %dma_wait3A_285, %dma_wait3A_286] : memref<2x2x80xi32, #tpu.memory_space<vmem>> -> memref<1x2x80xi32, #tpu.memory_space<vmem>>
    %dma_wait3A_288 = tpu.memref_squeeze %dma_wait3A_287 : memref<1x2x80xi32, #tpu.memory_space<vmem>> -> memref<2x80xi32, #tpu.memory_space<vmem>>
    %dma_wait3A_289 = arith.constant 0 : i32
    %dma_wait3A_290 = arith.constant 0 : i32
    %dma_wait3A_291 = tpu.memref_slice %arg3[%arg1, %dma_wait3A_275, %dma_wait3A_289, %dma_wait3A_290] : memref<16x125x2x80xi32, #tpu.memory_space<hbm>> -> memref<1x1x2x80xi32, #tpu.memory_space<hbm>>
    %dma_wait3A_292 = tpu.memref_squeeze %dma_wait3A_291 : memref<1x1x2x80xi32, #tpu.memory_space<hbm>> -> memref<2x80xi32, #tpu.memory_space<hbm>>
    tpu.wait_dma2 semaphore(%arg18 : memref<!tpu.dma_semaphore, #tpu.memory_space<semaphore_mem>>) src(%dma_wait3A_292 : memref<2x80xi32, #tpu.memory_space<hbm>>) dst(%dma_wait3A_288 : memref<2x80xi32, #tpu.memory_space<vmem>>)
    %get3A_293 = arith.constant 1 : i32
    %get3A_294 = arith.constant 0 : i32
    %get3A_295 = arith.index_cast %get3A_293 : i32 to index
    %get3A_296 = arith.index_cast %get3A_294 : i32 to index
    %get3A_297 = arith.constant 0 : index
    %get3A_298 = tpu.vector_load %arg7[%get3A_295, %get3A_296, %get3A_297] {strides = array<i32>} : memref<2x2x80xi32, #tpu.memory_space<vmem>>, vector<1x1x16xi32>,
    %get3A_299 = vector.shape_cast %get3A_298 : vector<1x1x16xi32> to vector<16xi32>
    %add3A_300 = vector.broadcast %mul3A_2 : i32 to vector<16xi32>
    %add3A_301 = arith.addi %get3A_299, %add3A_300 : vector<16xi32>
    %swap3A_302 = arith.constant 1 : i32
    %swap3A_303 = arith.constant 0 : i32
    %swap3A_304 = arith.index_cast %swap3A_302 : i32 to index
    %swap3A_305 = arith.index_cast %swap3A_303 : i32 to index
    %swap3A_306 = arith.constant 0 : index
    %swap3A_307 = tpu.vector_load %arg7[%swap3A_304, %swap3A_305, %swap3A_306] {strides = array<i32>} : memref<2x2x80xi32, #tpu.memory_space<vmem>>, vector<1x1x16xi32>,
    %swap3A_308 = vector.shape_cast %swap3A_307 : vector<1x1x16xi32> to vector<16xi32>
    %swap3A_309 = vector.shape_cast %add3A_301 : vector<16xi32> to vector<1x1x16xi32>
    tpu.vector_store %arg7[%swap3A_304, %swap3A_305, %swap3A_306], %swap3A_309 {strides = array<i32>} : memref<2x2x80xi32, #tpu.memory_space<vmem>>, vector<1x1x16xi32>,
    %get3A_310 = arith.constant 1 : i32
    %get3A_311 = arith.constant 0 : i32
    %get3A_312 = arith.index_cast %get3A_310 : i32 to index
    %get3A_313 = arith.index_cast %get3A_311 : i32 to index
    %get3A_314 = arith.constant 16 : index
    %get3A_315 = tpu.vector_load %arg7[%get3A_312, %get3A_313, %get3A_314] {strides = array<i32>} : memref<2x2x80xi32, #tpu.memory_space<vmem>>, vector<1x1x16xi32>,
    %get3A_316 = vector.shape_cast %get3A_315 : vector<1x1x16xi32> to vector<16xi32>
    %add3A_317 = vector.broadcast %mul3A_2 : i32 to vector<16xi32>
    %add3A_318 = arith.addi %get3A_316, %add3A_317 : vector<16xi32>
    %swap3A_319 = arith.constant 1 : i32
    %swap3A_320 = arith.constant 0 : i32
    %swap3A_321 = arith.index_cast %swap3A_319 : i32 to index
    %swap3A_322 = arith.index_cast %swap3A_320 : i32 to index
    %swap3A_323 = arith.constant 16 : index
    %swap3A_324 = tpu.vector_load %arg7[%swap3A_321, %swap3A_322, %swap3A_323] {strides = array<i32>} : memref<2x2x80xi32, #tpu.memory_space<vmem>>, vector<1x1x16xi32>,
    %swap3A_325 = vector.shape_cast %swap3A_324 : vector<1x1x16xi32> to vector<16xi32>
    %swap3A_326 = vector.shape_cast %add3A_318 : vector<16xi32> to vector<1x1x16xi32>
    tpu.vector_store %arg7[%swap3A_321, %swap3A_322, %swap3A_323], %swap3A_326 {strides = array<i32>} : memref<2x2x80xi32, #tpu.memory_space<vmem>>, vector<1x1x16xi32>,
    %get3A_327 = arith.constant 1 : i32
    %get3A_328 = arith.constant 0 : i32
    %get3A_329 = arith.index_cast %get3A_327 : i32 to index
    %get3A_330 = arith.index_cast %get3A_328 : i32 to index
    %get3A_331 = arith.constant 32 : index
    %get3A_332 = tpu.vector_load %arg7[%get3A_329, %get3A_330, %get3A_331] {strides = array<i32>} : memref<2x2x80xi32, #tpu.memory_space<vmem>>, vector<1x1x16xi32>,
    %get3A_333 = vector.shape_cast %get3A_332 : vector<1x1x16xi32> to vector<16xi32>
    %add3A_334 = vector.broadcast %mul3A_2 : i32 to vector<16xi32>
    %add3A_335 = arith.addi %get3A_333, %add3A_334 : vector<16xi32>
    %swap3A_336 = arith.constant 1 : i32
    %swap3A_337 = arith.constant 0 : i32
    %swap3A_338 = arith.index_cast %swap3A_336 : i32 to index
    %swap3A_339 = arith.index_cast %swap3A_337 : i32 to index
    %swap3A_340 = arith.constant 32 : index
    %swap3A_341 = tpu.vector_load %arg7[%swap3A_338, %swap3A_339, %swap3A_340] {strides = array<i32>} : memref<2x2x80xi32, #tpu.memory_space<vmem>>, vector<1x1x16xi32>,
    %swap3A_342 = vector.shape_cast %swap3A_341 : vector<1x1x16xi32> to vector<16xi32>
    %swap3A_343 = vector.shape_cast %add3A_335 : vector<16xi32> to vector<1x1x16xi32>
    tpu.vector_store %arg7[%swap3A_338, %swap3A_339, %swap3A_340], %swap3A_343 {strides = array<i32>} : memref<2x2x80xi32, #tpu.memory_space<vmem>>, vector<1x1x16xi32>,
    %get3A_344 = arith.constant 1 : i32
    %get3A_345 = arith.constant 0 : i32
    %get3A_346 = arith.index_cast %get3A_344 : i32 to index
    %get3A_347 = arith.index_cast %get3A_345 : i32 to index
    %get3A_348 = arith.constant 48 : index
    %get3A_349 = tpu.vector_load %arg7[%get3A_346, %get3A_347, %get3A_348] {strides = array<i32>} : memref<2x2x80xi32, #tpu.memory_space<vmem>>, vector<1x1x16xi32>,
    %get3A_350 = vector.shape_cast %get3A_349 : vector<1x1x16xi32> to vector<16xi32>
    %add3A_351 = vector.broadcast %mul3A_2 : i32 to vector<16xi32>
    %add3A_352 = arith.addi %get3A_350, %add3A_351 : vector<16xi32>
    %swap3A_353 = arith.constant 1 : i32
    %swap3A_354 = arith.constant 0 : i32
    %swap3A_355 = arith.index_cast %swap3A_353 : i32 to index
    %swap3A_356 = arith.index_cast %swap3A_354 : i32 to index
    %swap3A_357 = arith.constant 48 : index
    %swap3A_358 = tpu.vector_load %arg7[%swap3A_355, %swap3A_356, %swap3A_357] {strides = array<i32>} : memref<2x2x80xi32, #tpu.memory_space<vmem>>, vector<1x1x16xi32>,
    %swap3A_359 = vector.shape_cast %swap3A_358 : vector<1x1x16xi32> to vector<16xi32>
    %swap3A_360 = vector.shape_cast %add3A_352 : vector<16xi32> to vector<1x1x16xi32>
    tpu.vector_store %arg7[%swap3A_355, %swap3A_356, %swap3A_357], %swap3A_360 {strides = array<i32>} : memref<2x2x80xi32, #tpu.memory_space<vmem>>, vector<1x1x16xi32>,
    %get3A_361 = arith.constant 1 : i32
    %get3A_362 = arith.constant 0 : i32
    %get3A_363 = arith.index_cast %get3A_361 : i32 to index
    %get3A_364 = arith.index_cast %get3A_362 : i32 to index
    %get3A_365 = arith.constant 64 : index
    %get3A_366 = tpu.vector_load %arg7[%get3A_363, %get3A_364, %get3A_365] {strides = array<i32>} : memref<2x2x80xi32, #tpu.memory_space<vmem>>, vector<1x1x16xi32>,
    %get3A_367 = vector.shape_cast %get3A_366 : vector<1x1x16xi32> to vector<16xi32>
    %add3A_368 = vector.broadcast %mul3A_2 : i32 to vector<16xi32>
    %add3A_369 = arith.addi %get3A_367, %add3A_368 : vector<16xi32>
    %swap3A_370 = arith.constant 1 : i32
    %swap3A_371 = arith.constant 0 : i32
    %swap3A_372 = arith.index_cast %swap3A_370 : i32 to index
    %swap3A_373 = arith.index_cast %swap3A_371 : i32 to index
    %swap3A_374 = arith.constant 64 : index
    %swap3A_375 = tpu.vector_load %arg7[%swap3A_372, %swap3A_373, %swap3A_374] {strides = array<i32>} : memref<2x2x80xi32, #tpu.memory_space<vmem>>, vector<1x1x16xi32>,
    %swap3A_376 = vector.shape_cast %swap3A_375 : vector<1x1x16xi32> to vector<16xi32>
    %swap3A_377 = vector.shape_cast %add3A_369 : vector<16xi32> to vector<1x1x16xi32>
    tpu.vector_store %arg7[%swap3A_372, %swap3A_373, %swap3A_374], %swap3A_377 {strides = array<i32>} : memref<2x2x80xi32, #tpu.memory_space<vmem>>, vector<1x1x16xi32>,
    %get3A_378 = arith.constant 1 : i32
    %get3A_379 = arith.constant 1 : i32
    %get3A_380 = arith.index_cast %get3A_378 : i32 to index
    %get3A_381 = arith.index_cast %get3A_379 : i32 to index
    %get3A_382 = arith.constant 0 : index
    %get3A_383 = tpu.vector_load %arg7[%get3A_380, %get3A_381, %get3A_382] {strides = array<i32>} : memref<2x2x80xi32, #tpu.memory_space<vmem>>, vector<1x1x16xi32>,
    %get3A_384 = vector.shape_cast %get3A_383 : vector<1x1x16xi32> to vector<16xi32>
    %add3A_385 = vector.broadcast %mul3A_2 : i32 to vector<16xi32>
    %add3A_386 = arith.addi %get3A_384, %add3A_385 : vector<16xi32>
    %swap3A_387 = arith.constant 1 : i32
    %swap3A_388 = arith.constant 1 : i32
    %swap3A_389 = arith.index_cast %swap3A_387 : i32 to index
    %swap3A_390 = arith.index_cast %swap3A_388 : i32 to index
    %swap3A_391 = arith.constant 0 : index
    %swap3A_392 = tpu.vector_load %arg7[%swap3A_389, %swap3A_390, %swap3A_391] {strides = array<i32>} : memref<2x2x80xi32, #tpu.memory_space<vmem>>, vector<1x1x16xi32>,
    %swap3A_393 = vector.shape_cast %swap3A_392 : vector<1x1x16xi32> to vector<16xi32>
    %swap3A_394 = vector.shape_cast %add3A_386 : vector<16xi32> to vector<1x1x16xi32>
    tpu.vector_store %arg7[%swap3A_389, %swap3A_390, %swap3A_391], %swap3A_394 {strides = array<i32>} : memref<2x2x80xi32, #tpu.memory_space<vmem>>, vector<1x1x16xi32>,
    %get3A_395 = arith.constant 1 : i32
    %get3A_396 = arith.constant 1 : i32
    %get3A_397 = arith.index_cast %get3A_395 : i32 to index
    %get3A_398 = arith.index_cast %get3A_396 : i32 to index
    %get3A_399 = arith.constant 16 : index
    %get3A_400 = tpu.vector_load %arg7[%get3A_397, %get3A_398, %get3A_399] {strides = array<i32>} : memref<2x2x80xi32, #tpu.memory_space<vmem>>, vector<1x1x16xi32>,
    %get3A_401 = vector.shape_cast %get3A_400 : vector<1x1x16xi32> to vector<16xi32>
    %add3A_402 = vector.broadcast %mul3A_2 : i32 to vector<16xi32>
    %add3A_403 = arith.addi %get3A_401, %add3A_402 : vector<16xi32>
    %swap3A_404 = arith.constant 1 : i32
    %swap3A_405 = arith.constant 1 : i32
    %swap3A_406 = arith.index_cast %swap3A_404 : i32 to index
    %swap3A_407 = arith.index_cast %swap3A_405 : i32 to index
    %swap3A_408 = arith.constant 16 : index
    %swap3A_409 = tpu.vector_load %arg7[%swap3A_406, %swap3A_407, %swap3A_408] {strides = array<i32>} : memref<2x2x80xi32, #tpu.memory_space<vmem>>, vector<1x1x16xi32>,
    %swap3A_410 = vector.shape_cast %swap3A_409 : vector<1x1x16xi32> to vector<16xi32>
    %swap3A_411 = vector.shape_cast %add3A_403 : vector<16xi32> to vector<1x1x16xi32>
    tpu.vector_store %arg7[%swap3A_406, %swap3A_407, %swap3A_408], %swap3A_411 {strides = array<i32>} : memref<2x2x80xi32, #tpu.memory_space<vmem>>, vector<1x1x16xi32>,
    %get3A_412 = arith.constant 1 : i32
    %get3A_413 = arith.constant 1 : i32
    %get3A_414 = arith.index_cast %get3A_412 : i32 to index
    %get3A_415 = arith.index_cast %get3A_413 : i32 to index
    %get3A_416 = arith.constant 32 : index
    %get3A_417 = tpu.vector_load %arg7[%get3A_414, %get3A_415, %get3A_416] {strides = array<i32>} : memref<2x2x80xi32, #tpu.memory_space<vmem>>, vector<1x1x16xi32>,
    %get3A_418 = vector.shape_cast %get3A_417 : vector<1x1x16xi32> to vector<16xi32>
    %add3A_419 = vector.broadcast %mul3A_2 : i32 to vector<16xi32>
    %add3A_420 = arith.addi %get3A_418, %add3A_419 : vector<16xi32>
    %swap3A_421 = arith.constant 1 : i32
    %swap3A_422 = arith.constant 1 : i32
    %swap3A_423 = arith.index_cast %swap3A_421 : i32 to index
    %swap3A_424 = arith.index_cast %swap3A_422 : i32 to index
    %swap3A_425 = arith.constant 32 : index
    %swap3A_426 = tpu.vector_load %arg7[%swap3A_423, %swap3A_424, %swap3A_425] {strides = array<i32>} : memref<2x2x80xi32, #tpu.memory_space<vmem>>, vector<1x1x16xi32>,
    %swap3A_427 = vector.shape_cast %swap3A_426 : vector<1x1x16xi32> to vector<16xi32>
    %swap3A_428 = vector.shape_cast %add3A_420 : vector<16xi32> to vector<1x1x16xi32>
    tpu.vector_store %arg7[%swap3A_423, %swap3A_424, %swap3A_425], %swap3A_428 {strides = array<i32>} : memref<2x2x80xi32, #tpu.memory_space<vmem>>, vector<1x1x16xi32>,
    %get3A_429 = arith.constant 1 : i32
    %get3A_430 = arith.constant 1 : i32
    %get3A_431 = arith.index_cast %get3A_429 : i32 to index
    %get3A_432 = arith.index_cast %get3A_430 : i32 to index
    %get3A_433 = arith.constant 48 : index
    %get3A_434 = tpu.vector_load %arg7[%get3A_431, %get3A_432, %get3A_433] {strides = array<i32>} : memref<2x2x80xi32, #tpu.memory_space<vmem>>, vector<1x1x16xi32>,
    %get3A_435 = vector.shape_cast %get3A_434 : vector<1x1x16xi32> to vector<16xi32>
    %add3A_436 = vector.broadcast %mul3A_2 : i32 to vector<16xi32>
    %add3A_437 = arith.addi %get3A_435, %add3A_436 : vector<16xi32>
    %swap3A_438 = arith.constant 1 : i32
    %swap3A_439 = arith.constant 1 : i32
    %swap3A_440 = arith.index_cast %swap3A_438 : i32 to index
    %swap3A_441 = arith.index_cast %swap3A_439 : i32 to index
    %swap3A_442 = arith.constant 48 : index
    %swap3A_443 = tpu.vector_load %arg7[%swap3A_440, %swap3A_441, %swap3A_442] {strides = array<i32>} : memref<2x2x80xi32, #tpu.memory_space<vmem>>, vector<1x1x16xi32>,
    %swap3A_444 = vector.shape_cast %swap3A_443 : vector<1x1x16xi32> to vector<16xi32>
    %swap3A_445 = vector.shape_cast %add3A_437 : vector<16xi32> to vector<1x1x16xi32>
    tpu.vector_store %arg7[%swap3A_440, %swap3A_441, %swap3A_442], %swap3A_445 {strides = array<i32>} : memref<2x2x80xi32, #tpu.memory_space<vmem>>, vector<1x1x16xi32>,
    %get3A_446 = arith.constant 1 : i32
    %get3A_447 = arith.constant 1 : i32
    %get3A_448 = arith.index_cast %get3A_446 : i32 to index
    %get3A_449 = arith.index_cast %get3A_447 : i32 to index
    %get3A_450 = arith.constant 64 : index
    %get3A_451 = tpu.vector_load %arg7[%get3A_448, %get3A_449, %get3A_450] {strides = array<i32>} : memref<2x2x80xi32, #tpu.memory_space<vmem>>, vector<1x1x16xi32>,
    %get3A_452 = vector.shape_cast %get3A_451 : vector<1x1x16xi32> to vector<16xi32>
    %add3A_453 = vector.broadcast %mul3A_2 : i32 to vector<16xi32>
    %add3A_454 = arith.addi %get3A_452, %add3A_453 : vector<16xi32>
    %swap3A_455 = arith.constant 1 : i32
    %swap3A_456 = arith.constant 1 : i32
    %swap3A_457 = arith.index_cast %swap3A_455 : i32 to index
    %swap3A_458 = arith.index_cast %swap3A_456 : i32 to index
    %swap3A_459 = arith.constant 64 : index
    %swap3A_460 = tpu.vector_load %arg7[%swap3A_457, %swap3A_458, %swap3A_459] {strides = array<i32>} : memref<2x2x80xi32, #tpu.memory_space<vmem>>, vector<1x1x16xi32>,
    %swap3A_461 = vector.shape_cast %swap3A_460 : vector<1x1x16xi32> to vector<16xi32>
    %swap3A_462 = vector.shape_cast %add3A_454 : vector<16xi32> to vector<1x1x16xi32>
    tpu.vector_store %arg7[%swap3A_457, %swap3A_458, %swap3A_459], %swap3A_462 {strides = array<i32>} : memref<2x2x80xi32, #tpu.memory_space<vmem>>, vector<1x1x16xi32>,
    %dma_start3A_463 = arith.constant 1 : i32
    %dma_start3A_464 = arith.constant 0 : i32
    %dma_start3A_465 = arith.constant 0 : i32
    %dma_start3A_466 = tpu.memref_slice %arg7[%dma_start3A_463, %dma_start3A_464, %dma_start3A_465] : memref<2x2x80xi32, #tpu.memory_space<vmem>> -> memref<1x1x80xi32, #tpu.memory_space<vmem>>
    %dma_start3A_467 = tpu.memref_squeeze %dma_start3A_466 : memref<1x1x80xi32, #tpu.memory_space<vmem>> -> memref<80xi32, #tpu.memory_space<vmem>>
    %dma_start3A_468 = arith.constant 0 : i32
    %dma_start3A_469 = arith.constant 0 : i32
    %dma_start3A_470 = tpu.memref_slice %arg2[%dma_start3A_468, %dma_start3A_469] : memref<20480x128xf32, #tpu.memory_space<hbm>> -> memref<20480x128xf32, #tpu.memory_space<hbm>>
    tpu.enqueue_indirect_dma source(%dma_start3A_470 : memref<20480x128xf32, #tpu.memory_space<hbm>>) target(%arg11 : memref<80x128xf32, #tpu.memory_space<vmem>>) offsets(%dma_start3A_467 : memref<80xi32, #tpu.memory_space<vmem>>) semaphore(%arg15 : memref<!tpu.dma_semaphore, #tpu.memory_space<semaphore_mem>>)
    %dma_start3A_471 = arith.constant 1 : i32
    %dma_start3A_472 = arith.constant 1 : i32
    %dma_start3A_473 = arith.constant 0 : i32
    %dma_start3A_474 = tpu.memref_slice %arg7[%dma_start3A_471, %dma_start3A_472, %dma_start3A_473] : memref<2x2x80xi32, #tpu.memory_space<vmem>> -> memref<1x1x80xi32, #tpu.memory_space<vmem>>
    %dma_start3A_475 = tpu.memref_squeeze %dma_start3A_474 : memref<1x1x80xi32, #tpu.memory_space<vmem>> -> memref<80xi32, #tpu.memory_space<vmem>>
    %dma_start3A_476 = arith.constant 0 : i32
    %dma_start3A_477 = arith.constant 0 : i32
    %dma_start3A_478 = tpu.memref_slice %arg2[%dma_start3A_476, %dma_start3A_477] : memref<20480x128xf32, #tpu.memory_space<hbm>> -> memref<20480x128xf32, #tpu.memory_space<hbm>>
    tpu.enqueue_indirect_dma source(%dma_start3A_478 : memref<20480x128xf32, #tpu.memory_space<hbm>>) target(%arg12 : memref<80x128xf32, #tpu.memory_space<vmem>>) offsets(%dma_start3A_475 : memref<80xi32, #tpu.memory_space<vmem>>) semaphore(%arg16 : memref<!tpu.dma_semaphore, #tpu.memory_space<semaphore_mem>>)
    %barrier3A = arith.constant 0 : index
    tpu.barrier barrier_id(%barrier3A)
    %scan3A = arith.constant 0 : i32
    %scan3A_479 = arith.constant 0 : i32
    %scan3A_480 = arith.constant 62 : i32
    %scan3A_481 = arith.addi %scan3A_479, %scan3A_480 : i32
    %scan3A_482 = arith.constant 1 : i32
    scf.for %scan3A_523 = %scan3A_479 to %scan3A_481 step %scan3A_482  : i32 {
      %mul3A_524 = arith.constant 2 : i32
      %mul3A_525 = arith.muli %mul3A_524, %scan3A_523 : i32
      %add3A_526 = arith.constant 0 : i32
      %add3A_527 = arith.addi %mul3A_525, %add3A_526 : i32
      %add3A_528 = arith.constant 2 : i32
      %add3A_529 = arith.addi %add3A_527, %add3A_528 : i32
      %dma_wait3A_530 = arith.constant 0 : i32
      %dma_wait3A_531 = arith.constant 0 : i32
      %dma_wait3A_532 = arith.constant 0 : i32
      %dma_wait3A_533 = tpu.memref_slice %arg8[%dma_wait3A_530, %dma_wait3A_531, %dma_wait3A_532] : memref<2x2x80xi32, #tpu.memory_space<vmem>> -> memref<1x2x80xi32, #tpu.memory_space<vmem>>
      %dma_wait3A_534 = tpu.memref_squeeze %dma_wait3A_533 : memref<1x2x80xi32, #tpu.memory_space<vmem>> -> memref<2x80xi32, #tpu.memory_space<vmem>>
      %dma_wait3A_535 = arith.constant 0 : i32
      %dma_wait3A_536 = arith.constant 0 : i32
      %dma_wait3A_537 = tpu.memref_slice %arg4[%arg1, %add3A_527, %dma_wait3A_535, %dma_wait3A_536] : memref<16x125x2x80xi32, #tpu.memory_space<hbm>> -> memref<1x1x2x80xi32, #tpu.memory_space<hbm>>
      %dma_wait3A_538 = tpu.memref_squeeze %dma_wait3A_537 : memref<1x1x2x80xi32, #tpu.memory_space<hbm>> -> memref<2x80xi32, #tpu.memory_space<hbm>>
      %dma_wait3A_539 = arith.constant 0 : i32
      %dma_wait3A_540 = arith.constant 0 : i32
      %dma_wait3A_541 = tpu.memref_slice %arg8[%dma_wait3A_530, %dma_wait3A_539, %dma_wait3A_540] : memref<2x2x80xi32, #tpu.memory_space<vmem>> -> memref<1x2x80xi32, #tpu.memory_space<vmem>>
      %dma_wait3A_542 = tpu.memref_squeeze %dma_wait3A_541 : memref<1x2x80xi32, #tpu.memory_space<vmem>> -> memref<2x80xi32, #tpu.memory_space<vmem>>
      %dma_wait3A_543 = arith.constant 0 : i32
      %dma_wait3A_544 = arith.constant 0 : i32
      %dma_wait3A_545 = tpu.memref_slice %arg4[%arg1, %add3A_527, %dma_wait3A_543, %dma_wait3A_544] : memref<16x125x2x80xi32, #tpu.memory_space<hbm>> -> memref<1x1x2x80xi32, #tpu.memory_space<hbm>>
      %dma_wait3A_546 = tpu.memref_squeeze %dma_wait3A_545 : memref<1x1x2x80xi32, #tpu.memory_space<hbm>> -> memref<2x80xi32, #tpu.memory_space<hbm>>
      tpu.wait_dma2 semaphore(%arg19 : memref<!tpu.dma_semaphore, #tpu.memory_space<semaphore_mem>>) src(%dma_wait3A_546 : memref<2x80xi32, #tpu.memory_space<hbm>>) dst(%dma_wait3A_542 : memref<2x80xi32, #tpu.memory_space<vmem>>)
      %dma_wait3A_547 = arith.constant 0 : i32
      %dma_wait3A_548 = arith.constant 0 : i32
      %dma_wait3A_549 = arith.constant 0 : i32
      %dma_wait3A_550 = tpu.memref_slice %arg7[%dma_wait3A_547, %dma_wait3A_548, %dma_wait3A_549] : memref<2x2x80xi32, #tpu.memory_space<vmem>> -> memref<1x1x80xi32, #tpu.memory_space<vmem>>
      %dma_wait3A_551 = tpu.memref_squeeze %dma_wait3A_550 : memref<1x1x80xi32, #tpu.memory_space<vmem>> -> memref<80xi32, #tpu.memory_space<vmem>>
      %dma_wait3A_552 = arith.constant 0 : i32
      %dma_wait3A_553 = arith.constant 0 : i32
      %dma_wait3A_554 = tpu.memref_slice %arg2[%dma_wait3A_552, %dma_wait3A_553] : memref<20480x128xf32, #tpu.memory_space<hbm>> -> memref<20480x128xf32, #tpu.memory_space<hbm>>
      tpu.wait_indirect_dma semaphore(%arg13 : memref<!tpu.dma_semaphore, #tpu.memory_space<semaphore_mem>>) src(%dma_wait3A_554 : memref<20480x128xf32, #tpu.memory_space<hbm>>) dst(%arg9 : memref<80x128xf32, #tpu.memory_space<vmem>>)
      %run_scoped3A_555 = arith.constant 0 : i32
      %run_scoped3A_556 = arith.constant 0 : i32
      "tpu.region"() ({
        %run_scoped3A_627 = tpu.sem_alloc : memref<!tpu.dma_semaphore, #tpu.memory_space<semaphore_mem>>
        %dma_start3A_628 = arith.constant 0 : i32
        %dma_start3A_629 = tpu.memref_slice %arg8[%run_scoped3A_555, %run_scoped3A_556, %dma_start3A_628] : memref<2x2x80xi32, #tpu.memory_space<vmem>> -> memref<1x1x80xi32, #tpu.memory_space<vmem>>
        %dma_start3A_630 = tpu.memref_squeeze %dma_start3A_629 : memref<1x1x80xi32, #tpu.memory_space<vmem>> -> memref<80xi32, #tpu.memory_space<vmem>>
        %dma_start3A_631 = arith.constant 0 : i32
        %dma_start3A_632 = arith.constant 0 : i32
        %dma_start3A_633 = tpu.memref_slice %arg6[%dma_start3A_631, %dma_start3A_632] : memref<10240x128xf32, #tpu.memory_space<vmem_shared>> -> memref<10240x128xf32, #tpu.memory_space<vmem_shared>>
        tpu.enqueue_indirect_dma source(%arg9 : memref<80x128xf32, #tpu.memory_space<vmem>>) target(%dma_start3A_633 : memref<10240x128xf32, #tpu.memory_space<vmem_shared>>) offsets(%dma_start3A_630 : memref<80xi32, #tpu.memory_space<vmem>>) semaphore(%run_scoped3A_627 : memref<!tpu.dma_semaphore, #tpu.memory_space<semaphore_mem>>) {add = true}
        %dma_wait3A_634 = arith.constant 0 : i32
        %dma_wait3A_635 = tpu.memref_slice %arg8[%run_scoped3A_555, %run_scoped3A_556, %dma_wait3A_634] : memref<2x2x80xi32, #tpu.memory_space<vmem>> -> memref<1x1x80xi32, #tpu.memory_space<vmem>>
        %dma_wait3A_636 = tpu.memref_squeeze %dma_wait3A_635 : memref<1x1x80xi32, #tpu.memory_space<vmem>> -> memref<80xi32, #tpu.memory_space<vmem>>
        %dma_wait3A_637 = arith.constant 0 : i32
        %dma_wait3A_638 = arith.constant 0 : i32
        %dma_wait3A_639 = tpu.memref_slice %arg6[%dma_wait3A_637, %dma_wait3A_638] : memref<10240x128xf32, #tpu.memory_space<vmem_shared>> -> memref<10240x128xf32, #tpu.memory_space<vmem_shared>>
        tpu.wait_indirect_dma semaphore(%run_scoped3A_627 : memref<!tpu.dma_semaphore, #tpu.memory_space<semaphore_mem>>) src(%arg9 : memref<80x128xf32, #tpu.memory_space<vmem>>) dst(%dma_wait3A_639 : memref<10240x128xf32, #tpu.memory_space<vmem_shared>>)
        tpu.yield
      }) : () -> ()
      %dma_wait3A_557 = arith.constant 0 : i32
      %dma_wait3A_558 = arith.constant 1 : i32
      %dma_wait3A_559 = arith.constant 0 : i32
      %dma_wait3A_560 = tpu.memref_slice %arg7[%dma_wait3A_557, %dma_wait3A_558, %dma_wait3A_559] : memref<2x2x80xi32, #tpu.memory_space<vmem>> -> memref<1x1x80xi32, #tpu.memory_space<vmem>>
      %dma_wait3A_561 = tpu.memref_squeeze %dma_wait3A_560 : memref<1x1x80xi32, #tpu.memory_space<vmem>> -> memref<80xi32, #tpu.memory_space<vmem>>
      %dma_wait3A_562 = arith.constant 0 : i32
      %dma_wait3A_563 = arith.constant 0 : i32
      %dma_wait3A_564 = tpu.memref_slice %arg2[%dma_wait3A_562, %dma_wait3A_563] : memref<20480x128xf32, #tpu.memory_space<hbm>> -> memref<20480x128xf32, #tpu.memory_space<hbm>>
      tpu.wait_indirect_dma semaphore(%arg14 : memref<!tpu.dma_semaphore, #tpu.memory_space<semaphore_mem>>) src(%dma_wait3A_564 : memref<20480x128xf32, #tpu.memory_space<hbm>>) dst(%arg10 : memref<80x128xf32, #tpu.memory_space<vmem>>)
      %lt3A = arith.constant 125 : i32
      %lt3A_565 = arith.cmpi slt, %add3A_529, %lt3A : i32
      %convert_element_type3A = arith.extui %lt3A_565 : i1 to i32
      %cond3A = arith.constant 0 : i32
      %cond3A_566 = arith.cmpi ne, %convert_element_type3A, %cond3A : i32
      scf.if %cond3A_566 {
        %dma_start3A_627 = arith.constant 0 : i32
        %dma_start3A_628 = arith.constant 0 : i32
        %dma_start3A_629 = arith.constant 0 : i32
        %dma_start3A_630 = tpu.memref_slice %arg7[%dma_start3A_627, %dma_start3A_628, %dma_start3A_629] : memref<2x2x80xi32, #tpu.memory_space<vmem>> -> memref<1x2x80xi32, #tpu.memory_space<vmem>>
        %dma_start3A_631 = tpu.memref_squeeze %dma_start3A_630 : memref<1x2x80xi32, #tpu.memory_space<vmem>> -> memref<2x80xi32, #tpu.memory_space<vmem>>
        %dma_start3A_632 = arith.constant 0 : i32
        %dma_start3A_633 = arith.constant 0 : i32
        %dma_start3A_634 = tpu.memref_slice %arg3[%arg1, %add3A_529, %dma_start3A_632, %dma_start3A_633] : memref<16x125x2x80xi32, #tpu.memory_space<hbm>> -> memref<1x1x2x80xi32, #tpu.memory_space<hbm>>
        %dma_start3A_635 = tpu.memref_squeeze %dma_start3A_634 : memref<1x1x2x80xi32, #tpu.memory_space<hbm>> -> memref<2x80xi32, #tpu.memory_space<hbm>>
        %dma_start3A_636 = arith.constant 0 : i32
        %dma_start3A_637 = arith.constant 0 : i32
        %dma_start3A_638 = tpu.memref_slice %arg7[%dma_start3A_627, %dma_start3A_636, %dma_start3A_637] : memref<2x2x80xi32, #tpu.memory_space<vmem>> -> memref<1x2x80xi32, #tpu.memory_space<vmem>>
        %dma_start3A_639 = tpu.memref_squeeze %dma_start3A_638 : memref<1x2x80xi32, #tpu.memory_space<vmem>> -> memref<2x80xi32, #tpu.memory_space<vmem>>
        %dma_start3A_640 = arith.constant 0 : i32
        %dma_start3A_641 = arith.constant 0 : i32
        %dma_start3A_642 = tpu.memref_slice %arg3[%arg1, %add3A_529, %dma_start3A_640, %dma_start3A_641] : memref<16x125x2x80xi32, #tpu.memory_space<hbm>> -> memref<1x1x2x80xi32, #tpu.memory_space<hbm>>
        %dma_start3A_643 = tpu.memref_squeeze %dma_start3A_642 : memref<1x1x2x80xi32, #tpu.memory_space<hbm>> -> memref<2x80xi32, #tpu.memory_space<hbm>>
        tpu.enqueue_dma source(%dma_start3A_643 : memref<2x80xi32, #tpu.memory_space<hbm>>) target(%dma_start3A_639 : memref<2x80xi32, #tpu.memory_space<vmem>>) target_semaphore(%arg17 : memref<!tpu.dma_semaphore, #tpu.memory_space<semaphore_mem>>)
      } else {
      }
      %run_scoped3A_567 = arith.constant 0 : i32
      %run_scoped3A_568 = arith.constant 1 : i32
      "tpu.region"() ({
        %run_scoped3A_627 = tpu.sem_alloc : memref<!tpu.dma_semaphore, #tpu.memory_space<semaphore_mem>>
        %dma_start3A_628 = arith.constant 0 : i32
        %dma_start3A_629 = tpu.memref_slice %arg8[%run_scoped3A_567, %run_scoped3A_568, %dma_start3A_628] : memref<2x2x80xi32, #tpu.memory_space<vmem>> -> memref<1x1x80xi32, #tpu.memory_space<vmem>>
        %dma_start3A_630 = tpu.memref_squeeze %dma_start3A_629 : memref<1x1x80xi32, #tpu.memory_space<vmem>> -> memref<80xi32, #tpu.memory_space<vmem>>
        %dma_start3A_631 = arith.constant 0 : i32
        %dma_start3A_632 = arith.constant 0 : i32
        %dma_start3A_633 = tpu.memref_slice %arg6[%dma_start3A_631, %dma_start3A_632] : memref<10240x128xf32, #tpu.memory_space<vmem_shared>> -> memref<10240x128xf32, #tpu.memory_space<vmem_shared>>
        tpu.enqueue_indirect_dma source(%arg10 : memref<80x128xf32, #tpu.memory_space<vmem>>) target(%dma_start3A_633 : memref<10240x128xf32, #tpu.memory_space<vmem_shared>>) offsets(%dma_start3A_630 : memref<80xi32, #tpu.memory_space<vmem>>) semaphore(%run_scoped3A_627 : memref<!tpu.dma_semaphore, #tpu.memory_space<semaphore_mem>>) {add = true}
        %dma_wait3A_634 = arith.constant 0 : i32
        %dma_wait3A_635 = tpu.memref_slice %arg8[%run_scoped3A_567, %run_scoped3A_568, %dma_wait3A_634] : memref<2x2x80xi32, #tpu.memory_space<vmem>> -> memref<1x1x80xi32, #tpu.memory_space<vmem>>
        %dma_wait3A_636 = tpu.memref_squeeze %dma_wait3A_635 : memref<1x1x80xi32, #tpu.memory_space<vmem>> -> memref<80xi32, #tpu.memory_space<vmem>>
        %dma_wait3A_637 = arith.constant 0 : i32
        %dma_wait3A_638 = arith.constant 0 : i32
        %dma_wait3A_639 = tpu.memref_slice %arg6[%dma_wait3A_637, %dma_wait3A_638] : memref<10240x128xf32, #tpu.memory_space<vmem_shared>> -> memref<10240x128xf32, #tpu.memory_space<vmem_shared>>
        tpu.wait_indirect_dma semaphore(%run_scoped3A_627 : memref<!tpu.dma_semaphore, #tpu.memory_space<semaphore_mem>>) src(%arg10 : memref<80x128xf32, #tpu.memory_space<vmem>>) dst(%dma_wait3A_639 : memref<10240x128xf32, #tpu.memory_space<vmem_shared>>)
        tpu.yield
      }) : () -> ()
      %lt3A_569 = arith.constant 125 : i32
      %lt3A_570 = arith.cmpi slt, %add3A_529, %lt3A_569 : i32
      %convert_element_type3A_571 = arith.extui %lt3A_570 : i1 to i32
      %cond3A_572 = arith.constant 0 : i32
      %cond3A_573 = arith.cmpi ne, %convert_element_type3A_571, %cond3A_572 : i32
      scf.if %cond3A_573 {
        %dma_start3A_627 = arith.constant 0 : i32
        %dma_start3A_628 = arith.constant 0 : i32
        %dma_start3A_629 = arith.constant 0 : i32
        %dma_start3A_630 = tpu.memref_slice %arg8[%dma_start3A_627, %dma_start3A_628, %dma_start3A_629] : memref<2x2x80xi32, #tpu.memory_space<vmem>> -> memref<1x2x80xi32, #tpu.memory_space<vmem>>
        %dma_start3A_631 = tpu.memref_squeeze %dma_start3A_630 : memref<1x2x80xi32, #tpu.memory_space<vmem>> -> memref<2x80xi32, #tpu.memory_space<vmem>>
        %dma_start3A_632 = arith.constant 0 : i32
        %dma_start3A_633 = arith.constant 0 : i32
        %dma_start3A_634 = tpu.memref_slice %arg4[%arg1, %add3A_529, %dma_start3A_632, %dma_start3A_633] : memref<16x125x2x80xi32, #tpu.memory_space<hbm>> -> memref<1x1x2x80xi32, #tpu.memory_space<hbm>>
        %dma_start3A_635 = tpu.memref_squeeze %dma_start3A_634 : memref<1x1x2x80xi32, #tpu.memory_space<hbm>> -> memref<2x80xi32, #tpu.memory_space<hbm>>
        %dma_start3A_636 = arith.constant 0 : i32
        %dma_start3A_637 = arith.constant 0 : i32
        %dma_start3A_638 = tpu.memref_slice %arg8[%dma_start3A_627, %dma_start3A_636, %dma_start3A_637] : memref<2x2x80xi32, #tpu.memory_space<vmem>> -> memref<1x2x80xi32, #tpu.memory_space<vmem>>
        %dma_start3A_639 = tpu.memref_squeeze %dma_start3A_638 : memref<1x2x80xi32, #tpu.memory_space<vmem>> -> memref<2x80xi32, #tpu.memory_space<vmem>>
        %dma_start3A_640 = arith.constant 0 : i32
        %dma_start3A_641 = arith.constant 0 : i32
        %dma_start3A_642 = tpu.memref_slice %arg4[%arg1, %add3A_529, %dma_start3A_640, %dma_start3A_641] : memref<16x125x2x80xi32, #tpu.memory_space<hbm>> -> memref<1x1x2x80xi32, #tpu.memory_space<hbm>>
        %dma_start3A_643 = tpu.memref_squeeze %dma_start3A_642 : memref<1x1x2x80xi32, #tpu.memory_space<hbm>> -> memref<2x80xi32, #tpu.memory_space<hbm>>
        tpu.enqueue_dma source(%dma_start3A_643 : memref<2x80xi32, #tpu.memory_space<hbm>>) target(%dma_start3A_639 : memref<2x80xi32, #tpu.memory_space<vmem>>) target_semaphore(%arg19 : memref<!tpu.dma_semaphore, #tpu.memory_space<semaphore_mem>>)
        %dma_wait3A_644 = arith.constant 0 : i32
        %dma_wait3A_645 = arith.constant 0 : i32
        %dma_wait3A_646 = arith.constant 0 : i32
        %dma_wait3A_647 = tpu.memref_slice %arg7[%dma_wait3A_644, %dma_wait3A_645, %dma_wait3A_646] : memref<2x2x80xi32, #tpu.memory_space<vmem>> -> memref<1x2x80xi32, #tpu.memory_space<vmem>>
        %dma_wait3A_648 = tpu.memref_squeeze %dma_wait3A_647 : memref<1x2x80xi32, #tpu.memory_space<vmem>> -> memref<2x80xi32, #tpu.memory_space<vmem>>
        %dma_wait3A_649 = arith.constant 0 : i32
        %dma_wait3A_650 = arith.constant 0 : i32
        %dma_wait3A_651 = tpu.memref_slice %arg3[%arg1, %add3A_529, %dma_wait3A_649, %dma_wait3A_650] : memref<16x125x2x80xi32, #tpu.memory_space<hbm>> -> memref<1x1x2x80xi32, #tpu.memory_space<hbm>>
        %dma_wait3A_652 = tpu.memref_squeeze %dma_wait3A_651 : memref<1x1x2x80xi32, #tpu.memory_space<hbm>> -> memref<2x80xi32, #tpu.memory_space<hbm>>
        %dma_wait3A_653 = arith.constant 0 : i32
        %dma_wait3A_654 = arith.constant 0 : i32
        %dma_wait3A_655 = tpu.memref_slice %arg7[%dma_wait3A_644, %dma_wait3A_653, %dma_wait3A_654] : memref<2x2x80xi32, #tpu.memory_space<vmem>> -> memref<1x2x80xi32, #tpu.memory_space<vmem>>
        %dma_wait3A_656 = tpu.memref_squeeze %dma_wait3A_655 : memref<1x2x80xi32, #tpu.memory_space<vmem>> -> memref<2x80xi32, #tpu.memory_space<vmem>>
        %dma_wait3A_657 = arith.constant 0 : i32
        %dma_wait3A_658 = arith.constant 0 : i32
        %dma_wait3A_659 = tpu.memref_slice %arg3[%arg1, %add3A_529, %dma_wait3A_657, %dma_wait3A_658] : memref<16x125x2x80xi32, #tpu.memory_space<hbm>> -> memref<1x1x2x80xi32, #tpu.memory_space<hbm>>
        %dma_wait3A_660 = tpu.memref_squeeze %dma_wait3A_659 : memref<1x1x2x80xi32, #tpu.memory_space<hbm>> -> memref<2x80xi32, #tpu.memory_space<hbm>>
        tpu.wait_dma2 semaphore(%arg17 : memref<!tpu.dma_semaphore, #tpu.memory_space<semaphore_mem>>) src(%dma_wait3A_660 : memref<2x80xi32, #tpu.memory_space<hbm>>) dst(%dma_wait3A_656 : memref<2x80xi32, #tpu.memory_space<vmem>>)
        %get3A_661 = arith.constant 0 : i32
        %get3A_662 = arith.constant 0 : i32
        %get3A_663 = arith.index_cast %get3A_661 : i32 to index
        %get3A_664 = arith.index_cast %get3A_662 : i32 to index
        %get3A_665 = arith.constant 0 : index
        %get3A_666 = tpu.vector_load %arg7[%get3A_663, %get3A_664, %get3A_665] {strides = array<i32>} : memref<2x2x80xi32, #tpu.memory_space<vmem>>, vector<1x1x16xi32>,
        %get3A_667 = vector.shape_cast %get3A_666 : vector<1x1x16xi32> to vector<16xi32>
        %add3A_668 = vector.broadcast %mul3A_2 : i32 to vector<16xi32>
        %add3A_669 = arith.addi %get3A_667, %add3A_668 : vector<16xi32>
        %swap3A_670 = arith.constant 0 : i32
        %swap3A_671 = arith.constant 0 : i32
        %swap3A_672 = arith.index_cast %swap3A_670 : i32 to index
        %swap3A_673 = arith.index_cast %swap3A_671 : i32 to index
        %swap3A_674 = arith.constant 0 : index
        %swap3A_675 = tpu.vector_load %arg7[%swap3A_672, %swap3A_673, %swap3A_674] {strides = array<i32>} : memref<2x2x80xi32, #tpu.memory_space<vmem>>, vector<1x1x16xi32>,
        %swap3A_676 = vector.shape_cast %swap3A_675 : vector<1x1x16xi32> to vector<16xi32>
        %swap3A_677 = vector.shape_cast %add3A_669 : vector<16xi32> to vector<1x1x16xi32>
        tpu.vector_store %arg7[%swap3A_672, %swap3A_673, %swap3A_674], %swap3A_677 {strides = array<i32>} : memref<2x2x80xi32, #tpu.memory_space<vmem>>, vector<1x1x16xi32>,
        %get3A_678 = arith.constant 0 : i32
        %get3A_679 = arith.constant 0 : i32
        %get3A_680 = arith.index_cast %get3A_678 : i32 to index
        %get3A_681 = arith.index_cast %get3A_679 : i32 to index
        %get3A_682 = arith.constant 16 : index
        %get3A_683 = tpu.vector_load %arg7[%get3A_680, %get3A_681, %get3A_682] {strides = array<i32>} : memref<2x2x80xi32, #tpu.memory_space<vmem>>, vector<1x1x16xi32>,
        %get3A_684 = vector.shape_cast %get3A_683 : vector<1x1x16xi32> to vector<16xi32>
        %add3A_685 = vector.broadcast %mul3A_2 : i32 to vector<16xi32>
        %add3A_686 = arith.addi %get3A_684, %add3A_685 : vector<16xi32>
        %swap3A_687 = arith.constant 0 : i32
        %swap3A_688 = arith.constant 0 : i32
        %swap3A_689 = arith.index_cast %swap3A_687 : i32 to index
        %swap3A_690 = arith.index_cast %swap3A_688 : i32 to index
        %swap3A_691 = arith.constant 16 : index
        %swap3A_692 = tpu.vector_load %arg7[%swap3A_689, %swap3A_690, %swap3A_691] {strides = array<i32>} : memref<2x2x80xi32, #tpu.memory_space<vmem>>, vector<1x1x16xi32>,
        %swap3A_693 = vector.shape_cast %swap3A_692 : vector<1x1x16xi32> to vector<16xi32>
        %swap3A_694 = vector.shape_cast %add3A_686 : vector<16xi32> to vector<1x1x16xi32>
        tpu.vector_store %arg7[%swap3A_689, %swap3A_690, %swap3A_691], %swap3A_694 {strides = array<i32>} : memref<2x2x80xi32, #tpu.memory_space<vmem>>, vector<1x1x16xi32>,
        %get3A_695 = arith.constant 0 : i32
        %get3A_696 = arith.constant 0 : i32
        %get3A_697 = arith.index_cast %get3A_695 : i32 to index
        %get3A_698 = arith.index_cast %get3A_696 : i32 to index
        %get3A_699 = arith.constant 32 : index
        %get3A_700 = tpu.vector_load %arg7[%get3A_697, %get3A_698, %get3A_699] {strides = array<i32>} : memref<2x2x80xi32, #tpu.memory_space<vmem>>, vector<1x1x16xi32>,
        %get3A_701 = vector.shape_cast %get3A_700 : vector<1x1x16xi32> to vector<16xi32>
        %add3A_702 = vector.broadcast %mul3A_2 : i32 to vector<16xi32>
        %add3A_703 = arith.addi %get3A_701, %add3A_702 : vector<16xi32>
        %swap3A_704 = arith.constant 0 : i32
        %swap3A_705 = arith.constant 0 : i32
        %swap3A_706 = arith.index_cast %swap3A_704 : i32 to index
        %swap3A_707 = arith.index_cast %swap3A_705 : i32 to index
        %swap3A_708 = arith.constant 32 : index
        %swap3A_709 = tpu.vector_load %arg7[%swap3A_706, %swap3A_707, %swap3A_708] {strides = array<i32>} : memref<2x2x80xi32, #tpu.memory_space<vmem>>, vector<1x1x16xi32>,
        %swap3A_710 = vector.shape_cast %swap3A_709 : vector<1x1x16xi32> to vector<16xi32>
        %swap3A_711 = vector.shape_cast %add3A_703 : vector<16xi32> to vector<1x1x16xi32>
        tpu.vector_store %arg7[%swap3A_706, %swap3A_707, %swap3A_708], %swap3A_711 {strides = array<i32>} : memref<2x2x80xi32, #tpu.memory_space<vmem>>, vector<1x1x16xi32>,
        %get3A_712 = arith.constant 0 : i32
        %get3A_713 = arith.constant 0 : i32
        %get3A_714 = arith.index_cast %get3A_712 : i32 to index
        %get3A_715 = arith.index_cast %get3A_713 : i32 to index
        %get3A_716 = arith.constant 48 : index
        %get3A_717 = tpu.vector_load %arg7[%get3A_714, %get3A_715, %get3A_716] {strides = array<i32>} : memref<2x2x80xi32, #tpu.memory_space<vmem>>, vector<1x1x16xi32>,
        %get3A_718 = vector.shape_cast %get3A_717 : vector<1x1x16xi32> to vector<16xi32>
        %add3A_719 = vector.broadcast %mul3A_2 : i32 to vector<16xi32>
        %add3A_720 = arith.addi %get3A_718, %add3A_719 : vector<16xi32>
        %swap3A_721 = arith.constant 0 : i32
        %swap3A_722 = arith.constant 0 : i32
        %swap3A_723 = arith.index_cast %swap3A_721 : i32 to index
        %swap3A_724 = arith.index_cast %swap3A_722 : i32 to index
        %swap3A_725 = arith.constant 48 : index
        %swap3A_726 = tpu.vector_load %arg7[%swap3A_723, %swap3A_724, %swap3A_725] {strides = array<i32>} : memref<2x2x80xi32, #tpu.memory_space<vmem>>, vector<1x1x16xi32>,
        %swap3A_727 = vector.shape_cast %swap3A_726 : vector<1x1x16xi32> to vector<16xi32>
        %swap3A_728 = vector.shape_cast %add3A_720 : vector<16xi32> to vector<1x1x16xi32>
        tpu.vector_store %arg7[%swap3A_723, %swap3A_724, %swap3A_725], %swap3A_728 {strides = array<i32>} : memref<2x2x80xi32, #tpu.memory_space<vmem>>, vector<1x1x16xi32>,
        %get3A_729 = arith.constant 0 : i32
        %get3A_730 = arith.constant 0 : i32
        %get3A_731 = arith.index_cast %get3A_729 : i32 to index
        %get3A_732 = arith.index_cast %get3A_730 : i32 to index
        %get3A_733 = arith.constant 64 : index
        %get3A_734 = tpu.vector_load %arg7[%get3A_731, %get3A_732, %get3A_733] {strides = array<i32>} : memref<2x2x80xi32, #tpu.memory_space<vmem>>, vector<1x1x16xi32>,
        %get3A_735 = vector.shape_cast %get3A_734 : vector<1x1x16xi32> to vector<16xi32>
        %add3A_736 = vector.broadcast %mul3A_2 : i32 to vector<16xi32>
        %add3A_737 = arith.addi %get3A_735, %add3A_736 : vector<16xi32>
        %swap3A_738 = arith.constant 0 : i32
        %swap3A_739 = arith.constant 0 : i32
        %swap3A_740 = arith.index_cast %swap3A_738 : i32 to index
        %swap3A_741 = arith.index_cast %swap3A_739 : i32 to index
        %swap3A_742 = arith.constant 64 : index
        %swap3A_743 = tpu.vector_load %arg7[%swap3A_740, %swap3A_741, %swap3A_742] {strides = array<i32>} : memref<2x2x80xi32, #tpu.memory_space<vmem>>, vector<1x1x16xi32>,
        %swap3A_744 = vector.shape_cast %swap3A_743 : vector<1x1x16xi32> to vector<16xi32>
        %swap3A_745 = vector.shape_cast %add3A_737 : vector<16xi32> to vector<1x1x16xi32>
        tpu.vector_store %arg7[%swap3A_740, %swap3A_741, %swap3A_742], %swap3A_745 {strides = array<i32>} : memref<2x2x80xi32, #tpu.memory_space<vmem>>, vector<1x1x16xi32>,
        %get3A_746 = arith.constant 0 : i32
        %get3A_747 = arith.constant 1 : i32
        %get3A_748 = arith.index_cast %get3A_746 : i32 to index
        %get3A_749 = arith.index_cast %get3A_747 : i32 to index
        %get3A_750 = arith.constant 0 : index
        %get3A_751 = tpu.vector_load %arg7[%get3A_748, %get3A_749, %get3A_750] {strides = array<i32>} : memref<2x2x80xi32, #tpu.memory_space<vmem>>, vector<1x1x16xi32>,
        %get3A_752 = vector.shape_cast %get3A_751 : vector<1x1x16xi32> to vector<16xi32>
        %add3A_753 = vector.broadcast %mul3A_2 : i32 to vector<16xi32>
        %add3A_754 = arith.addi %get3A_752, %add3A_753 : vector<16xi32>
        %swap3A_755 = arith.constant 0 : i32
        %swap3A_756 = arith.constant 1 : i32
        %swap3A_757 = arith.index_cast %swap3A_755 : i32 to index
        %swap3A_758 = arith.index_cast %swap3A_756 : i32 to index
        %swap3A_759 = arith.constant 0 : index
        %swap3A_760 = tpu.vector_load %arg7[%swap3A_757, %swap3A_758, %swap3A_759] {strides = array<i32>} : memref<2x2x80xi32, #tpu.memory_space<vmem>>, vector<1x1x16xi32>,
        %swap3A_761 = vector.shape_cast %swap3A_760 : vector<1x1x16xi32> to vector<16xi32>
        %swap3A_762 = vector.shape_cast %add3A_754 : vector<16xi32> to vector<1x1x16xi32>
        tpu.vector_store %arg7[%swap3A_757, %swap3A_758, %swap3A_759], %swap3A_762 {strides = array<i32>} : memref<2x2x80xi32, #tpu.memory_space<vmem>>, vector<1x1x16xi32>,
        %get3A_763 = arith.constant 0 : i32
        %get3A_764 = arith.constant 1 : i32
        %get3A_765 = arith.index_cast %get3A_763 : i32 to index
        %get3A_766 = arith.index_cast %get3A_764 : i32 to index
        %get3A_767 = arith.constant 16 : index
        %get3A_768 = tpu.vector_load %arg7[%get3A_765, %get3A_766, %get3A_767] {strides = array<i32>} : memref<2x2x80xi32, #tpu.memory_space<vmem>>, vector<1x1x16xi32>,
        %get3A_769 = vector.shape_cast %get3A_768 : vector<1x1x16xi32> to vector<16xi32>
        %add3A_770 = vector.broadcast %mul3A_2 : i32 to vector<16xi32>
        %add3A_771 = arith.addi %get3A_769, %add3A_770 : vector<16xi32>
        %swap3A_772 = arith.constant 0 : i32
        %swap3A_773 = arith.constant 1 : i32
        %swap3A_774 = arith.index_cast %swap3A_772 : i32 to index
        %swap3A_775 = arith.index_cast %swap3A_773 : i32 to index
        %swap3A_776 = arith.constant 16 : index
        %swap3A_777 = tpu.vector_load %arg7[%swap3A_774, %swap3A_775, %swap3A_776] {strides = array<i32>} : memref<2x2x80xi32, #tpu.memory_space<vmem>>, vector<1x1x16xi32>,
        %swap3A_778 = vector.shape_cast %swap3A_777 : vector<1x1x16xi32> to vector<16xi32>
        %swap3A_779 = vector.shape_cast %add3A_771 : vector<16xi32> to vector<1x1x16xi32>
        tpu.vector_store %arg7[%swap3A_774, %swap3A_775, %swap3A_776], %swap3A_779 {strides = array<i32>} : memref<2x2x80xi32, #tpu.memory_space<vmem>>, vector<1x1x16xi32>,
        %get3A_780 = arith.constant 0 : i32
        %get3A_781 = arith.constant 1 : i32
        %get3A_782 = arith.index_cast %get3A_780 : i32 to index
        %get3A_783 = arith.index_cast %get3A_781 : i32 to index
        %get3A_784 = arith.constant 32 : index
        %get3A_785 = tpu.vector_load %arg7[%get3A_782, %get3A_783, %get3A_784] {strides = array<i32>} : memref<2x2x80xi32, #tpu.memory_space<vmem>>, vector<1x1x16xi32>,
        %get3A_786 = vector.shape_cast %get3A_785 : vector<1x1x16xi32> to vector<16xi32>
        %add3A_787 = vector.broadcast %mul3A_2 : i32 to vector<16xi32>
        %add3A_788 = arith.addi %get3A_786, %add3A_787 : vector<16xi32>
        %swap3A_789 = arith.constant 0 : i32
        %swap3A_790 = arith.constant 1 : i32
        %swap3A_791 = arith.index_cast %swap3A_789 : i32 to index
        %swap3A_792 = arith.index_cast %swap3A_790 : i32 to index
        %swap3A_793 = arith.constant 32 : index
        %swap3A_794 = tpu.vector_load %arg7[%swap3A_791, %swap3A_792, %swap3A_793] {strides = array<i32>} : memref<2x2x80xi32, #tpu.memory_space<vmem>>, vector<1x1x16xi32>,
        %swap3A_795 = vector.shape_cast %swap3A_794 : vector<1x1x16xi32> to vector<16xi32>
        %swap3A_796 = vector.shape_cast %add3A_788 : vector<16xi32> to vector<1x1x16xi32>
        tpu.vector_store %arg7[%swap3A_791, %swap3A_792, %swap3A_793], %swap3A_796 {strides = array<i32>} : memref<2x2x80xi32, #tpu.memory_space<vmem>>, vector<1x1x16xi32>,
        %get3A_797 = arith.constant 0 : i32
        %get3A_798 = arith.constant 1 : i32
        %get3A_799 = arith.index_cast %get3A_797 : i32 to index
        %get3A_800 = arith.index_cast %get3A_798 : i32 to index
        %get3A_801 = arith.constant 48 : index
        %get3A_802 = tpu.vector_load %arg7[%get3A_799, %get3A_800, %get3A_801] {strides = array<i32>} : memref<2x2x80xi32, #tpu.memory_space<vmem>>, vector<1x1x16xi32>,
        %get3A_803 = vector.shape_cast %get3A_802 : vector<1x1x16xi32> to vector<16xi32>
        %add3A_804 = vector.broadcast %mul3A_2 : i32 to vector<16xi32>
        %add3A_805 = arith.addi %get3A_803, %add3A_804 : vector<16xi32>
        %swap3A_806 = arith.constant 0 : i32
        %swap3A_807 = arith.constant 1 : i32
        %swap3A_808 = arith.index_cast %swap3A_806 : i32 to index
        %swap3A_809 = arith.index_cast %swap3A_807 : i32 to index
        %swap3A_810 = arith.constant 48 : index
        %swap3A_811 = tpu.vector_load %arg7[%swap3A_808, %swap3A_809, %swap3A_810] {strides = array<i32>} : memref<2x2x80xi32, #tpu.memory_space<vmem>>, vector<1x1x16xi32>,
        %swap3A_812 = vector.shape_cast %swap3A_811 : vector<1x1x16xi32> to vector<16xi32>
        %swap3A_813 = vector.shape_cast %add3A_805 : vector<16xi32> to vector<1x1x16xi32>
        tpu.vector_store %arg7[%swap3A_808, %swap3A_809, %swap3A_810], %swap3A_813 {strides = array<i32>} : memref<2x2x80xi32, #tpu.memory_space<vmem>>, vector<1x1x16xi32>,
        %get3A_814 = arith.constant 0 : i32
        %get3A_815 = arith.constant 1 : i32
        %get3A_816 = arith.index_cast %get3A_814 : i32 to index
        %get3A_817 = arith.index_cast %get3A_815 : i32 to index
        %get3A_818 = arith.constant 64 : index
        %get3A_819 = tpu.vector_load %arg7[%get3A_816, %get3A_817, %get3A_818] {strides = array<i32>} : memref<2x2x80xi32, #tpu.memory_space<vmem>>, vector<1x1x16xi32>,
        %get3A_820 = vector.shape_cast %get3A_819 : vector<1x1x16xi32> to vector<16xi32>
        %add3A_821 = vector.broadcast %mul3A_2 : i32 to vector<16xi32>
        %add3A_822 = arith.addi %get3A_820, %add3A_821 : vector<16xi32>
        %swap3A_823 = arith.constant 0 : i32
        %swap3A_824 = arith.constant 1 : i32
        %swap3A_825 = arith.index_cast %swap3A_823 : i32 to index
        %swap3A_826 = arith.index_cast %swap3A_824 : i32 to index
        %swap3A_827 = arith.constant 64 : index
        %swap3A_828 = tpu.vector_load %arg7[%swap3A_825, %swap3A_826, %swap3A_827] {strides = array<i32>} : memref<2x2x80xi32, #tpu.memory_space<vmem>>, vector<1x1x16xi32>,
        %swap3A_829 = vector.shape_cast %swap3A_828 : vector<1x1x16xi32> to vector<16xi32>
        %swap3A_830 = vector.shape_cast %add3A_822 : vector<16xi32> to vector<1x1x16xi32>
        tpu.vector_store %arg7[%swap3A_825, %swap3A_826, %swap3A_827], %swap3A_830 {strides = array<i32>} : memref<2x2x80xi32, #tpu.memory_space<vmem>>, vector<1x1x16xi32>,
        %dma_start3A_831 = arith.constant 0 : i32
        %dma_start3A_832 = arith.constant 0 : i32
        %dma_start3A_833 = arith.constant 0 : i32
        %dma_start3A_834 = tpu.memref_slice %arg7[%dma_start3A_831, %dma_start3A_832, %dma_start3A_833] : memref<2x2x80xi32, #tpu.memory_space<vmem>> -> memref<1x1x80xi32, #tpu.memory_space<vmem>>
        %dma_start3A_835 = tpu.memref_squeeze %dma_start3A_834 : memref<1x1x80xi32, #tpu.memory_space<vmem>> -> memref<80xi32, #tpu.memory_space<vmem>>
        %dma_start3A_836 = arith.constant 0 : i32
        %dma_start3A_837 = arith.constant 0 : i32
        %dma_start3A_838 = tpu.memref_slice %arg2[%dma_start3A_836, %dma_start3A_837] : memref<20480x128xf32, #tpu.memory_space<hbm>> -> memref<20480x128xf32, #tpu.memory_space<hbm>>
        tpu.enqueue_indirect_dma source(%dma_start3A_838 : memref<20480x128xf32, #tpu.memory_space<hbm>>) target(%arg9 : memref<80x128xf32, #tpu.memory_space<vmem>>) offsets(%dma_start3A_835 : memref<80xi32, #tpu.memory_space<vmem>>) semaphore(%arg13 : memref<!tpu.dma_semaphore, #tpu.memory_space<semaphore_mem>>)
        %dma_start3A_839 = arith.constant 0 : i32
        %dma_start3A_840 = arith.constant 1 : i32
        %dma_start3A_841 = arith.constant 0 : i32
        %dma_start3A_842 = tpu.memref_slice %arg7[%dma_start3A_839, %dma_start3A_840, %dma_start3A_841] : memref<2x2x80xi32, #tpu.memory_space<vmem>> -> memref<1x1x80xi32, #tpu.memory_space<vmem>>
        %dma_start3A_843 = tpu.memref_squeeze %dma_start3A_842 : memref<1x1x80xi32, #tpu.memory_space<vmem>> -> memref<80xi32, #tpu.memory_space<vmem>>
        %dma_start3A_844 = arith.constant 0 : i32
        %dma_start3A_845 = arith.constant 0 : i32
        %dma_start3A_846 = tpu.memref_slice %arg2[%dma_start3A_844, %dma_start3A_845] : memref<20480x128xf32, #tpu.memory_space<hbm>> -> memref<20480x128xf32, #tpu.memory_space<hbm>>
        tpu.enqueue_indirect_dma source(%dma_start3A_846 : memref<20480x128xf32, #tpu.memory_space<hbm>>) target(%arg10 : memref<80x128xf32, #tpu.memory_space<vmem>>) offsets(%dma_start3A_843 : memref<80xi32, #tpu.memory_space<vmem>>) semaphore(%arg14 : memref<!tpu.dma_semaphore, #tpu.memory_space<semaphore_mem>>)
      } else {
      }
      %mul3A_574 = arith.constant 2 : i32
      %mul3A_575 = arith.muli %mul3A_574, %scan3A_523 : i32
      %add3A_576 = arith.constant 1 : i32
      %add3A_577 = arith.addi %mul3A_575, %add3A_576 : i32
      %add3A_578 = arith.constant 2 : i32
      %add3A_579 = arith.addi %add3A_577, %add3A_578 : i32
      %dma_wait3A_580 = arith.constant 1 : i32
      %dma_wait3A_581 = arith.constant 0 : i32
      %dma_wait3A_582 = arith.constant 0 : i32
      %dma_wait3A_583 = tpu.memref_slice %arg8[%dma_wait3A_580, %dma_wait3A_581, %dma_wait3A_582] : memref<2x2x80xi32, #tpu.memory_space<vmem>> -> memref<1x2x80xi32, #tpu.memory_space<vmem>>
      %dma_wait3A_584 = tpu.memref_squeeze %dma_wait3A_583 : memref<1x2x80xi32, #tpu.memory_space<vmem>> -> memref<2x80xi32, #tpu.memory_space<vmem>>
      %dma_wait3A_585 = arith.constant 0 : i32
      %dma_wait3A_586 = arith.constant 0 : i32
      %dma_wait3A_587 = tpu.memref_slice %arg4[%arg1, %add3A_577, %dma_wait3A_585, %dma_wait3A_586] : memref<16x125x2x80xi32, #tpu.memory_space<hbm>> -> memref<1x1x2x80xi32, #tpu.memory_space<hbm>>
      %dma_wait3A_588 = tpu.memref_squeeze %dma_wait3A_587 : memref<1x1x2x80xi32, #tpu.memory_space<hbm>> -> memref<2x80xi32, #tpu.memory_space<hbm>>
      %dma_wait3A_589 = arith.constant 0 : i32
      %dma_wait3A_590 = arith.constant 0 : i32
      %dma_wait3A_591 = tpu.memref_slice %arg8[%dma_wait3A_580, %dma_wait3A_589, %dma_wait3A_590] : memref<2x2x80xi32, #tpu.memory_space<vmem>> -> memref<1x2x80xi32, #tpu.memory_space<vmem>>
      %dma_wait3A_592 = tpu.memref_squeeze %dma_wait3A_591 : memref<1x2x80xi32, #tpu.memory_space<vmem>> -> memref<2x80xi32, #tpu.memory_space<vmem>>
      %dma_wait3A_593 = arith.constant 0 : i32
      %dma_wait3A_594 = arith.constant 0 : i32
      %dma_wait3A_595 = tpu.memref_slice %arg4[%arg1, %add3A_577, %dma_wait3A_593, %dma_wait3A_594] : memref<16x125x2x80xi32, #tpu.memory_space<hbm>> -> memref<1x1x2x80xi32, #tpu.memory_space<hbm>>
      %dma_wait3A_596 = tpu.memref_squeeze %dma_wait3A_595 : memref<1x1x2x80xi32, #tpu.memory_space<hbm>> -> memref<2x80xi32, #tpu.memory_space<hbm>>
      tpu.wait_dma2 semaphore(%arg20 : memref<!tpu.dma_semaphore, #tpu.memory_space<semaphore_mem>>) src(%dma_wait3A_596 : memref<2x80xi32, #tpu.memory_space<hbm>>) dst(%dma_wait3A_592 : memref<2x80xi32, #tpu.memory_space<vmem>>)
      %dma_wait3A_597 = arith.constant 1 : i32
      %dma_wait3A_598 = arith.constant 0 : i32
      %dma_wait3A_599 = arith.constant 0 : i32
      %dma_wait3A_600 = tpu.memref_slice %arg7[%dma_wait3A_597, %dma_wait3A_598, %dma_wait3A_599] : memref<2x2x80xi32, #tpu.memory_space<vmem>> -> memref<1x1x80xi32, #tpu.memory_space<vmem>>
      %dma_wait3A_601 = tpu.memref_squeeze %dma_wait3A_600 : memref<1x1x80xi32, #tpu.memory_space<vmem>> -> memref<80xi32, #tpu.memory_space<vmem>>
      %dma_wait3A_602 = arith.constant 0 : i32
      %dma_wait3A_603 = arith.constant 0 : i32
      %dma_wait3A_604 = tpu.memref_slice %arg2[%dma_wait3A_602, %dma_wait3A_603] : memref<20480x128xf32, #tpu.memory_space<hbm>> -> memref<20480x128xf32, #tpu.memory_space<hbm>>
      tpu.wait_indirect_dma semaphore(%arg15 : memref<!tpu.dma_semaphore, #tpu.memory_space<semaphore_mem>>) src(%dma_wait3A_604 : memref<20480x128xf32, #tpu.memory_space<hbm>>) dst(%arg11 : memref<80x128xf32, #tpu.memory_space<vmem>>)
      %run_scoped3A_605 = arith.constant 1 : i32
      %run_scoped3A_606 = arith.constant 0 : i32
      "tpu.region"() ({
        %run_scoped3A_627 = tpu.sem_alloc : memref<!tpu.dma_semaphore, #tpu.memory_space<semaphore_mem>>
        %dma_start3A_628 = arith.constant 0 : i32
        %dma_start3A_629 = tpu.memref_slice %arg8[%run_scoped3A_605, %run_scoped3A_606, %dma_start3A_628] : memref<2x2x80xi32, #tpu.memory_space<vmem>> -> memref<1x1x80xi32, #tpu.memory_space<vmem>>
        %dma_start3A_630 = tpu.memref_squeeze %dma_start3A_629 : memref<1x1x80xi32, #tpu.memory_space<vmem>> -> memref<80xi32, #tpu.memory_space<vmem>>
        %dma_start3A_631 = arith.constant 0 : i32
        %dma_start3A_632 = arith.constant 0 : i32
        %dma_start3A_633 = tpu.memref_slice %arg6[%dma_start3A_631, %dma_start3A_632] : memref<10240x128xf32, #tpu.memory_space<vmem_shared>> -> memref<10240x128xf32, #tpu.memory_space<vmem_shared>>
        tpu.enqueue_indirect_dma source(%arg11 : memref<80x128xf32, #tpu.memory_space<vmem>>) target(%dma_start3A_633 : memref<10240x128xf32, #tpu.memory_space<vmem_shared>>) offsets(%dma_start3A_630 : memref<80xi32, #tpu.memory_space<vmem>>) semaphore(%run_scoped3A_627 : memref<!tpu.dma_semaphore, #tpu.memory_space<semaphore_mem>>) {add = true}
        %dma_wait3A_634 = arith.constant 0 : i32
        %dma_wait3A_635 = tpu.memref_slice %arg8[%run_scoped3A_605, %run_scoped3A_606, %dma_wait3A_634] : memref<2x2x80xi32, #tpu.memory_space<vmem>> -> memref<1x1x80xi32, #tpu.memory_space<vmem>>
        %dma_wait3A_636 = tpu.memref_squeeze %dma_wait3A_635 : memref<1x1x80xi32, #tpu.memory_space<vmem>> -> memref<80xi32, #tpu.memory_space<vmem>>
        %dma_wait3A_637 = arith.constant 0 : i32
        %dma_wait3A_638 = arith.constant 0 : i32
        %dma_wait3A_639 = tpu.memref_slice %arg6[%dma_wait3A_637, %dma_wait3A_638] : memref<10240x128xf32, #tpu.memory_space<vmem_shared>> -> memref<10240x128xf32, #tpu.memory_space<vmem_shared>>
        tpu.wait_indirect_dma semaphore(%run_scoped3A_627 : memref<!tpu.dma_semaphore, #tpu.memory_space<semaphore_mem>>) src(%arg11 : memref<80x128xf32, #tpu.memory_space<vmem>>) dst(%dma_wait3A_639 : memref<10240x128xf32, #tpu.memory_space<vmem_shared>>)
        tpu.yield
      }) : () -> ()
      %dma_wait3A_607 = arith.constant 1 : i32
      %dma_wait3A_608 = arith.constant 1 : i32
      %dma_wait3A_609 = arith.constant 0 : i32
      %dma_wait3A_610 = tpu.memref_slice %arg7[%dma_wait3A_607, %dma_wait3A_608, %dma_wait3A_609] : memref<2x2x80xi32, #tpu.memory_space<vmem>> -> memref<1x1x80xi32, #tpu.memory_space<vmem>>
      %dma_wait3A_611 = tpu.memref_squeeze %dma_wait3A_610 : memref<1x1x80xi32, #tpu.memory_space<vmem>> -> memref<80xi32, #tpu.memory_space<vmem>>
      %dma_wait3A_612 = arith.constant 0 : i32
      %dma_wait3A_613 = arith.constant 0 : i32
      %dma_wait3A_614 = tpu.memref_slice %arg2[%dma_wait3A_612, %dma_wait3A_613] : memref<20480x128xf32, #tpu.memory_space<hbm>> -> memref<20480x128xf32, #tpu.memory_space<hbm>>
      tpu.wait_indirect_dma semaphore(%arg16 : memref<!tpu.dma_semaphore, #tpu.memory_space<semaphore_mem>>) src(%dma_wait3A_614 : memref<20480x128xf32, #tpu.memory_space<hbm>>) dst(%arg12 : memref<80x128xf32, #tpu.memory_space<vmem>>)
      %lt3A_615 = arith.constant 125 : i32
      %lt3A_616 = arith.cmpi slt, %add3A_579, %lt3A_615 : i32
      %convert_element_type3A_617 = arith.extui %lt3A_616 : i1 to i32
      %cond3A_618 = arith.constant 0 : i32
      %cond3A_619 = arith.cmpi ne, %convert_element_type3A_617, %cond3A_618 : i32
      scf.if %cond3A_619 {
        %dma_start3A_627 = arith.constant 1 : i32
        %dma_start3A_628 = arith.constant 0 : i32
        %dma_start3A_629 = arith.constant 0 : i32
        %dma_start3A_630 = tpu.memref_slice %arg7[%dma_start3A_627, %dma_start3A_628, %dma_start3A_629] : memref<2x2x80xi32, #tpu.memory_space<vmem>> -> memref<1x2x80xi32, #tpu.memory_space<vmem>>
        %dma_start3A_631 = tpu.memref_squeeze %dma_start3A_630 : memref<1x2x80xi32, #tpu.memory_space<vmem>> -> memref<2x80xi32, #tpu.memory_space<vmem>>
        %dma_start3A_632 = arith.constant 0 : i32
        %dma_start3A_633 = arith.constant 0 : i32
        %dma_start3A_634 = tpu.memref_slice %arg3[%arg1, %add3A_579, %dma_start3A_632, %dma_start3A_633] : memref<16x125x2x80xi32, #tpu.memory_space<hbm>> -> memref<1x1x2x80xi32, #tpu.memory_space<hbm>>
        %dma_start3A_635 = tpu.memref_squeeze %dma_start3A_634 : memref<1x1x2x80xi32, #tpu.memory_space<hbm>> -> memref<2x80xi32, #tpu.memory_space<hbm>>
        %dma_start3A_636 = arith.constant 0 : i32
        %dma_start3A_637 = arith.constant 0 : i32
        %dma_start3A_638 = tpu.memref_slice %arg7[%dma_start3A_627, %dma_start3A_636, %dma_start3A_637] : memref<2x2x80xi32, #tpu.memory_space<vmem>> -> memref<1x2x80xi32, #tpu.memory_space<vmem>>
        %dma_start3A_639 = tpu.memref_squeeze %dma_start3A_638 : memref<1x2x80xi32, #tpu.memory_space<vmem>> -> memref<2x80xi32, #tpu.memory_space<vmem>>
        %dma_start3A_640 = arith.constant 0 : i32
        %dma_start3A_641 = arith.constant 0 : i32
        %dma_start3A_642 = tpu.memref_slice %arg3[%arg1, %add3A_579, %dma_start3A_640, %dma_start3A_641] : memref<16x125x2x80xi32, #tpu.memory_space<hbm>> -> memref<1x1x2x80xi32, #tpu.memory_space<hbm>>
        %dma_start3A_643 = tpu.memref_squeeze %dma_start3A_642 : memref<1x1x2x80xi32, #tpu.memory_space<hbm>> -> memref<2x80xi32, #tpu.memory_space<hbm>>
        tpu.enqueue_dma source(%dma_start3A_643 : memref<2x80xi32, #tpu.memory_space<hbm>>) target(%dma_start3A_639 : memref<2x80xi32, #tpu.memory_space<vmem>>) target_semaphore(%arg18 : memref<!tpu.dma_semaphore, #tpu.memory_space<semaphore_mem>>)
      } else {
      }
      %run_scoped3A_620 = arith.constant 1 : i32
      %run_scoped3A_621 = arith.constant 1 : i32
      "tpu.region"() ({
        %run_scoped3A_627 = tpu.sem_alloc : memref<!tpu.dma_semaphore, #tpu.memory_space<semaphore_mem>>
        %dma_start3A_628 = arith.constant 0 : i32
        %dma_start3A_629 = tpu.memref_slice %arg8[%run_scoped3A_620, %run_scoped3A_621, %dma_start3A_628] : memref<2x2x80xi32, #tpu.memory_space<vmem>> -> memref<1x1x80xi32, #tpu.memory_space<vmem>>
        %dma_start3A_630 = tpu.memref_squeeze %dma_start3A_629 : memref<1x1x80xi32, #tpu.memory_space<vmem>> -> memref<80xi32, #tpu.memory_space<vmem>>
        %dma_start3A_631 = arith.constant 0 : i32
        %dma_start3A_632 = arith.constant 0 : i32
        %dma_start3A_633 = tpu.memref_slice %arg6[%dma_start3A_631, %dma_start3A_632] : memref<10240x128xf32, #tpu.memory_space<vmem_shared>> -> memref<10240x128xf32, #tpu.memory_space<vmem_shared>>
        tpu.enqueue_indirect_dma source(%arg12 : memref<80x128xf32, #tpu.memory_space<vmem>>) target(%dma_start3A_633 : memref<10240x128xf32, #tpu.memory_space<vmem_shared>>) offsets(%dma_start3A_630 : memref<80xi32, #tpu.memory_space<vmem>>) semaphore(%run_scoped3A_627 : memref<!tpu.dma_semaphore, #tpu.memory_space<semaphore_mem>>) {add = true}
        %dma_wait3A_634 = arith.constant 0 : i32
        %dma_wait3A_635 = tpu.memref_slice %arg8[%run_scoped3A_620, %run_scoped3A_621, %dma_wait3A_634] : memref<2x2x80xi32, #tpu.memory_space<vmem>> -> memref<1x1x80xi32, #tpu.memory_space<vmem>>
        %dma_wait3A_636 = tpu.memref_squeeze %dma_wait3A_635 : memref<1x1x80xi32, #tpu.memory_space<vmem>> -> memref<80xi32, #tpu.memory_space<vmem>>
        %dma_wait3A_637 = arith.constant 0 : i32
        %dma_wait3A_638 = arith.constant 0 : i32
        %dma_wait3A_639 = tpu.memref_slice %arg6[%dma_wait3A_637, %dma_wait3A_638] : memref<10240x128xf32, #tpu.memory_space<vmem_shared>> -> memref<10240x128xf32, #tpu.memory_space<vmem_shared>>
        tpu.wait_indirect_dma semaphore(%run_scoped3A_627 : memref<!tpu.dma_semaphore, #tpu.memory_space<semaphore_mem>>) src(%arg12 : memref<80x128xf32, #tpu.memory_space<vmem>>) dst(%dma_wait3A_639 : memref<10240x128xf32, #tpu.memory_space<vmem_shared>>)
        tpu.yield
      }) : () -> ()
      %lt3A_622 = arith.constant 125 : i32
      %lt3A_623 = arith.cmpi slt, %add3A_579, %lt3A_622 : i32
      %convert_element_type3A_624 = arith.extui %lt3A_623 : i1 to i32
      %cond3A_625 = arith.constant 0 : i32
      %cond3A_626 = arith.cmpi ne, %convert_element_type3A_624, %cond3A_625 : i32
      scf.if %cond3A_626 {
        %dma_start3A_627 = arith.constant 1 : i32
        %dma_start3A_628 = arith.constant 0 : i32
        %dma_start3A_629 = arith.constant 0 : i32
        %dma_start3A_630 = tpu.memref_slice %arg8[%dma_start3A_627, %dma_start3A_628, %dma_start3A_629] : memref<2x2x80xi32, #tpu.memory_space<vmem>> -> memref<1x2x80xi32, #tpu.memory_space<vmem>>
        %dma_start3A_631 = tpu.memref_squeeze %dma_start3A_630 : memref<1x2x80xi32, #tpu.memory_space<vmem>> -> memref<2x80xi32, #tpu.memory_space<vmem>>
        %dma_start3A_632 = arith.constant 0 : i32
        %dma_start3A_633 = arith.constant 0 : i32
        %dma_start3A_634 = tpu.memref_slice %arg4[%arg1, %add3A_579, %dma_start3A_632, %dma_start3A_633] : memref<16x125x2x80xi32, #tpu.memory_space<hbm>> -> memref<1x1x2x80xi32, #tpu.memory_space<hbm>>
        %dma_start3A_635 = tpu.memref_squeeze %dma_start3A_634 : memref<1x1x2x80xi32, #tpu.memory_space<hbm>> -> memref<2x80xi32, #tpu.memory_space<hbm>>
        %dma_start3A_636 = arith.constant 0 : i32
        %dma_start3A_637 = arith.constant 0 : i32
        %dma_start3A_638 = tpu.memref_slice %arg8[%dma_start3A_627, %dma_start3A_636, %dma_start3A_637] : memref<2x2x80xi32, #tpu.memory_space<vmem>> -> memref<1x2x80xi32, #tpu.memory_space<vmem>>
        %dma_start3A_639 = tpu.memref_squeeze %dma_start3A_638 : memref<1x2x80xi32, #tpu.memory_space<vmem>> -> memref<2x80xi32, #tpu.memory_space<vmem>>
        %dma_start3A_640 = arith.constant 0 : i32
        %dma_start3A_641 = arith.constant 0 : i32
        %dma_start3A_642 = tpu.memref_slice %arg4[%arg1, %add3A_579, %dma_start3A_640, %dma_start3A_641] : memref<16x125x2x80xi32, #tpu.memory_space<hbm>> -> memref<1x1x2x80xi32, #tpu.memory_space<hbm>>
        %dma_start3A_643 = tpu.memref_squeeze %dma_start3A_642 : memref<1x1x2x80xi32, #tpu.memory_space<hbm>> -> memref<2x80xi32, #tpu.memory_space<hbm>>
        tpu.enqueue_dma source(%dma_start3A_643 : memref<2x80xi32, #tpu.memory_space<hbm>>) target(%dma_start3A_639 : memref<2x80xi32, #tpu.memory_space<vmem>>) target_semaphore(%arg20 : memref<!tpu.dma_semaphore, #tpu.memory_space<semaphore_mem>>)
        %dma_wait3A_644 = arith.constant 1 : i32
        %dma_wait3A_645 = arith.constant 0 : i32
        %dma_wait3A_646 = arith.constant 0 : i32
        %dma_wait3A_647 = tpu.memref_slice %arg7[%dma_wait3A_644, %dma_wait3A_645, %dma_wait3A_646] : memref<2x2x80xi32, #tpu.memory_space<vmem>> -> memref<1x2x80xi32, #tpu.memory_space<vmem>>
        %dma_wait3A_648 = tpu.memref_squeeze %dma_wait3A_647 : memref<1x2x80xi32, #tpu.memory_space<vmem>> -> memref<2x80xi32, #tpu.memory_space<vmem>>
        %dma_wait3A_649 = arith.constant 0 : i32
        %dma_wait3A_650 = arith.constant 0 : i32
        %dma_wait3A_651 = tpu.memref_slice %arg3[%arg1, %add3A_579, %dma_wait3A_649, %dma_wait3A_650] : memref<16x125x2x80xi32, #tpu.memory_space<hbm>> -> memref<1x1x2x80xi32, #tpu.memory_space<hbm>>
        %dma_wait3A_652 = tpu.memref_squeeze %dma_wait3A_651 : memref<1x1x2x80xi32, #tpu.memory_space<hbm>> -> memref<2x80xi32, #tpu.memory_space<hbm>>
        %dma_wait3A_653 = arith.constant 0 : i32
        %dma_wait3A_654 = arith.constant 0 : i32
        %dma_wait3A_655 = tpu.memref_slice %arg7[%dma_wait3A_644, %dma_wait3A_653, %dma_wait3A_654] : memref<2x2x80xi32, #tpu.memory_space<vmem>> -> memref<1x2x80xi32, #tpu.memory_space<vmem>>
        %dma_wait3A_656 = tpu.memref_squeeze %dma_wait3A_655 : memref<1x2x80xi32, #tpu.memory_space<vmem>> -> memref<2x80xi32, #tpu.memory_space<vmem>>
        %dma_wait3A_657 = arith.constant 0 : i32
        %dma_wait3A_658 = arith.constant 0 : i32
        %dma_wait3A_659 = tpu.memref_slice %arg3[%arg1, %add3A_579, %dma_wait3A_657, %dma_wait3A_658] : memref<16x125x2x80xi32, #tpu.memory_space<hbm>> -> memref<1x1x2x80xi32, #tpu.memory_space<hbm>>
        %dma_wait3A_660 = tpu.memref_squeeze %dma_wait3A_659 : memref<1x1x2x80xi32, #tpu.memory_space<hbm>> -> memref<2x80xi32, #tpu.memory_space<hbm>>
        tpu.wait_dma2 semaphore(%arg18 : memref<!tpu.dma_semaphore, #tpu.memory_space<semaphore_mem>>) src(%dma_wait3A_660 : memref<2x80xi32, #tpu.memory_space<hbm>>) dst(%dma_wait3A_656 : memref<2x80xi32, #tpu.memory_space<vmem>>)
        %get3A_661 = arith.constant 1 : i32
        %get3A_662 = arith.constant 0 : i32
        %get3A_663 = arith.index_cast %get3A_661 : i32 to index
        %get3A_664 = arith.index_cast %get3A_662 : i32 to index
        %get3A_665 = arith.constant 0 : index
        %get3A_666 = tpu.vector_load %arg7[%get3A_663, %get3A_664, %get3A_665] {strides = array<i32>} : memref<2x2x80xi32, #tpu.memory_space<vmem>>, vector<1x1x16xi32>,
        %get3A_667 = vector.shape_cast %get3A_666 : vector<1x1x16xi32> to vector<16xi32>
        %add3A_668 = vector.broadcast %mul3A_2 : i32 to vector<16xi32>
        %add3A_669 = arith.addi %get3A_667, %add3A_668 : vector<16xi32>
        %swap3A_670 = arith.constant 1 : i32
        %swap3A_671 = arith.constant 0 : i32
        %swap3A_672 = arith.index_cast %swap3A_670 : i32 to index
        %swap3A_673 = arith.index_cast %swap3A_671 : i32 to index
        %swap3A_674 = arith.constant 0 : index
        %swap3A_675 = tpu.vector_load %arg7[%swap3A_672, %swap3A_673, %swap3A_674] {strides = array<i32>} : memref<2x2x80xi32, #tpu.memory_space<vmem>>, vector<1x1x16xi32>,
        %swap3A_676 = vector.shape_cast %swap3A_675 : vector<1x1x16xi32> to vector<16xi32>
        %swap3A_677 = vector.shape_cast %add3A_669 : vector<16xi32> to vector<1x1x16xi32>
        tpu.vector_store %arg7[%swap3A_672, %swap3A_673, %swap3A_674], %swap3A_677 {strides = array<i32>} : memref<2x2x80xi32, #tpu.memory_space<vmem>>, vector<1x1x16xi32>,
        %get3A_678 = arith.constant 1 : i32
        %get3A_679 = arith.constant 0 : i32
        %get3A_680 = arith.index_cast %get3A_678 : i32 to index
        %get3A_681 = arith.index_cast %get3A_679 : i32 to index
        %get3A_682 = arith.constant 16 : index
        %get3A_683 = tpu.vector_load %arg7[%get3A_680, %get3A_681, %get3A_682] {strides = array<i32>} : memref<2x2x80xi32, #tpu.memory_space<vmem>>, vector<1x1x16xi32>,
        %get3A_684 = vector.shape_cast %get3A_683 : vector<1x1x16xi32> to vector<16xi32>
        %add3A_685 = vector.broadcast %mul3A_2 : i32 to vector<16xi32>
        %add3A_686 = arith.addi %get3A_684, %add3A_685 : vector<16xi32>
        %swap3A_687 = arith.constant 1 : i32
        %swap3A_688 = arith.constant 0 : i32
        %swap3A_689 = arith.index_cast %swap3A_687 : i32 to index
        %swap3A_690 = arith.index_cast %swap3A_688 : i32 to index
        %swap3A_691 = arith.constant 16 : index
        %swap3A_692 = tpu.vector_load %arg7[%swap3A_689, %swap3A_690, %swap3A_691] {strides = array<i32>} : memref<2x2x80xi32, #tpu.memory_space<vmem>>, vector<1x1x16xi32>,
        %swap3A_693 = vector.shape_cast %swap3A_692 : vector<1x1x16xi32> to vector<16xi32>
        %swap3A_694 = vector.shape_cast %add3A_686 : vector<16xi32> to vector<1x1x16xi32>
        tpu.vector_store %arg7[%swap3A_689, %swap3A_690, %swap3A_691], %swap3A_694 {strides = array<i32>} : memref<2x2x80xi32, #tpu.memory_space<vmem>>, vector<1x1x16xi32>,
        %get3A_695 = arith.constant 1 : i32
        %get3A_696 = arith.constant 0 : i32
        %get3A_697 = arith.index_cast %get3A_695 : i32 to index
        %get3A_698 = arith.index_cast %get3A_696 : i32 to index
        %get3A_699 = arith.constant 32 : index
        %get3A_700 = tpu.vector_load %arg7[%get3A_697, %get3A_698, %get3A_699] {strides = array<i32>} : memref<2x2x80xi32, #tpu.memory_space<vmem>>, vector<1x1x16xi32>,
        %get3A_701 = vector.shape_cast %get3A_700 : vector<1x1x16xi32> to vector<16xi32>
        %add3A_702 = vector.broadcast %mul3A_2 : i32 to vector<16xi32>
        %add3A_703 = arith.addi %get3A_701, %add3A_702 : vector<16xi32>
        %swap3A_704 = arith.constant 1 : i32
        %swap3A_705 = arith.constant 0 : i32
        %swap3A_706 = arith.index_cast %swap3A_704 : i32 to index
        %swap3A_707 = arith.index_cast %swap3A_705 : i32 to index
        %swap3A_708 = arith.constant 32 : index
        %swap3A_709 = tpu.vector_load %arg7[%swap3A_706, %swap3A_707, %swap3A_708] {strides = array<i32>} : memref<2x2x80xi32, #tpu.memory_space<vmem>>, vector<1x1x16xi32>,
        %swap3A_710 = vector.shape_cast %swap3A_709 : vector<1x1x16xi32> to vector<16xi32>
        %swap3A_711 = vector.shape_cast %add3A_703 : vector<16xi32> to vector<1x1x16xi32>
        tpu.vector_store %arg7[%swap3A_706, %swap3A_707, %swap3A_708], %swap3A_711 {strides = array<i32>} : memref<2x2x80xi32, #tpu.memory_space<vmem>>, vector<1x1x16xi32>,
        %get3A_712 = arith.constant 1 : i32
        %get3A_713 = arith.constant 0 : i32
        %get3A_714 = arith.index_cast %get3A_712 : i32 to index
        %get3A_715 = arith.index_cast %get3A_713 : i32 to index
        %get3A_716 = arith.constant 48 : index
        %get3A_717 = tpu.vector_load %arg7[%get3A_714, %get3A_715, %get3A_716] {strides = array<i32>} : memref<2x2x80xi32, #tpu.memory_space<vmem>>, vector<1x1x16xi32>,
        %get3A_718 = vector.shape_cast %get3A_717 : vector<1x1x16xi32> to vector<16xi32>
        %add3A_719 = vector.broadcast %mul3A_2 : i32 to vector<16xi32>
        %add3A_720 = arith.addi %get3A_718, %add3A_719 : vector<16xi32>
        %swap3A_721 = arith.constant 1 : i32
        %swap3A_722 = arith.constant 0 : i32
        %swap3A_723 = arith.index_cast %swap3A_721 : i32 to index
        %swap3A_724 = arith.index_cast %swap3A_722 : i32 to index
        %swap3A_725 = arith.constant 48 : index
        %swap3A_726 = tpu.vector_load %arg7[%swap3A_723, %swap3A_724, %swap3A_725] {strides = array<i32>} : memref<2x2x80xi32, #tpu.memory_space<vmem>>, vector<1x1x16xi32>,
        %swap3A_727 = vector.shape_cast %swap3A_726 : vector<1x1x16xi32> to vector<16xi32>
        %swap3A_728 = vector.shape_cast %add3A_720 : vector<16xi32> to vector<1x1x16xi32>
        tpu.vector_store %arg7[%swap3A_723, %swap3A_724, %swap3A_725], %swap3A_728 {strides = array<i32>} : memref<2x2x80xi32, #tpu.memory_space<vmem>>, vector<1x1x16xi32>,
        %get3A_729 = arith.constant 1 : i32
        %get3A_730 = arith.constant 0 : i32
        %get3A_731 = arith.index_cast %get3A_729 : i32 to index
        %get3A_732 = arith.index_cast %get3A_730 : i32 to index
        %get3A_733 = arith.constant 64 : index
        %get3A_734 = tpu.vector_load %arg7[%get3A_731, %get3A_732, %get3A_733] {strides = array<i32>} : memref<2x2x80xi32, #tpu.memory_space<vmem>>, vector<1x1x16xi32>,
        %get3A_735 = vector.shape_cast %get3A_734 : vector<1x1x16xi32> to vector<16xi32>
        %add3A_736 = vector.broadcast %mul3A_2 : i32 to vector<16xi32>
        %add3A_737 = arith.addi %get3A_735, %add3A_736 : vector<16xi32>
        %swap3A_738 = arith.constant 1 : i32
        %swap3A_739 = arith.constant 0 : i32
        %swap3A_740 = arith.index_cast %swap3A_738 : i32 to index
        %swap3A_741 = arith.index_cast %swap3A_739 : i32 to index
        %swap3A_742 = arith.constant 64 : index
        %swap3A_743 = tpu.vector_load %arg7[%swap3A_740, %swap3A_741, %swap3A_742] {strides = array<i32>} : memref<2x2x80xi32, #tpu.memory_space<vmem>>, vector<1x1x16xi32>,
        %swap3A_744 = vector.shape_cast %swap3A_743 : vector<1x1x16xi32> to vector<16xi32>
        %swap3A_745 = vector.shape_cast %add3A_737 : vector<16xi32> to vector<1x1x16xi32>
        tpu.vector_store %arg7[%swap3A_740, %swap3A_741, %swap3A_742], %swap3A_745 {strides = array<i32>} : memref<2x2x80xi32, #tpu.memory_space<vmem>>, vector<1x1x16xi32>,
        %get3A_746 = arith.constant 1 : i32
        %get3A_747 = arith.constant 1 : i32
        %get3A_748 = arith.index_cast %get3A_746 : i32 to index
        %get3A_749 = arith.index_cast %get3A_747 : i32 to index
        %get3A_750 = arith.constant 0 : index
        %get3A_751 = tpu.vector_load %arg7[%get3A_748, %get3A_749, %get3A_750] {strides = array<i32>} : memref<2x2x80xi32, #tpu.memory_space<vmem>>, vector<1x1x16xi32>,
        %get3A_752 = vector.shape_cast %get3A_751 : vector<1x1x16xi32> to vector<16xi32>
        %add3A_753 = vector.broadcast %mul3A_2 : i32 to vector<16xi32>
        %add3A_754 = arith.addi %get3A_752, %add3A_753 : vector<16xi32>
        %swap3A_755 = arith.constant 1 : i32
        %swap3A_756 = arith.constant 1 : i32
        %swap3A_757 = arith.index_cast %swap3A_755 : i32 to index
        %swap3A_758 = arith.index_cast %swap3A_756 : i32 to index
        %swap3A_759 = arith.constant 0 : index
        %swap3A_760 = tpu.vector_load %arg7[%swap3A_757, %swap3A_758, %swap3A_759] {strides = array<i32>} : memref<2x2x80xi32, #tpu.memory_space<vmem>>, vector<1x1x16xi32>,
        %swap3A_761 = vector.shape_cast %swap3A_760 : vector<1x1x16xi32> to vector<16xi32>
        %swap3A_762 = vector.shape_cast %add3A_754 : vector<16xi32> to vector<1x1x16xi32>
        tpu.vector_store %arg7[%swap3A_757, %swap3A_758, %swap3A_759], %swap3A_762 {strides = array<i32>} : memref<2x2x80xi32, #tpu.memory_space<vmem>>, vector<1x1x16xi32>,
        %get3A_763 = arith.constant 1 : i32
        %get3A_764 = arith.constant 1 : i32
        %get3A_765 = arith.index_cast %get3A_763 : i32 to index
        %get3A_766 = arith.index_cast %get3A_764 : i32 to index
        %get3A_767 = arith.constant 16 : index
        %get3A_768 = tpu.vector_load %arg7[%get3A_765, %get3A_766, %get3A_767] {strides = array<i32>} : memref<2x2x80xi32, #tpu.memory_space<vmem>>, vector<1x1x16xi32>,
        %get3A_769 = vector.shape_cast %get3A_768 : vector<1x1x16xi32> to vector<16xi32>
        %add3A_770 = vector.broadcast %mul3A_2 : i32 to vector<16xi32>
        %add3A_771 = arith.addi %get3A_769, %add3A_770 : vector<16xi32>
        %swap3A_772 = arith.constant 1 : i32
        %swap3A_773 = arith.constant 1 : i32
        %swap3A_774 = arith.index_cast %swap3A_772 : i32 to index
        %swap3A_775 = arith.index_cast %swap3A_773 : i32 to index
        %swap3A_776 = arith.constant 16 : index
        %swap3A_777 = tpu.vector_load %arg7[%swap3A_774, %swap3A_775, %swap3A_776] {strides = array<i32>} : memref<2x2x80xi32, #tpu.memory_space<vmem>>, vector<1x1x16xi32>,
        %swap3A_778 = vector.shape_cast %swap3A_777 : vector<1x1x16xi32> to vector<16xi32>
        %swap3A_779 = vector.shape_cast %add3A_771 : vector<16xi32> to vector<1x1x16xi32>
        tpu.vector_store %arg7[%swap3A_774, %swap3A_775, %swap3A_776], %swap3A_779 {strides = array<i32>} : memref<2x2x80xi32, #tpu.memory_space<vmem>>, vector<1x1x16xi32>,
        %get3A_780 = arith.constant 1 : i32
        %get3A_781 = arith.constant 1 : i32
        %get3A_782 = arith.index_cast %get3A_780 : i32 to index
        %get3A_783 = arith.index_cast %get3A_781 : i32 to index
        %get3A_784 = arith.constant 32 : index
        %get3A_785 = tpu.vector_load %arg7[%get3A_782, %get3A_783, %get3A_784] {strides = array<i32>} : memref<2x2x80xi32, #tpu.memory_space<vmem>>, vector<1x1x16xi32>,
        %get3A_786 = vector.shape_cast %get3A_785 : vector<1x1x16xi32> to vector<16xi32>
        %add3A_787 = vector.broadcast %mul3A_2 : i32 to vector<16xi32>
        %add3A_788 = arith.addi %get3A_786, %add3A_787 : vector<16xi32>
        %swap3A_789 = arith.constant 1 : i32
        %swap3A_790 = arith.constant 1 : i32
        %swap3A_791 = arith.index_cast %swap3A_789 : i32 to index
        %swap3A_792 = arith.index_cast %swap3A_790 : i32 to index
        %swap3A_793 = arith.constant 32 : index
        %swap3A_794 = tpu.vector_load %arg7[%swap3A_791, %swap3A_792, %swap3A_793] {strides = array<i32>} : memref<2x2x80xi32, #tpu.memory_space<vmem>>, vector<1x1x16xi32>,
        %swap3A_795 = vector.shape_cast %swap3A_794 : vector<1x1x16xi32> to vector<16xi32>
        %swap3A_796 = vector.shape_cast %add3A_788 : vector<16xi32> to vector<1x1x16xi32>
        tpu.vector_store %arg7[%swap3A_791, %swap3A_792, %swap3A_793], %swap3A_796 {strides = array<i32>} : memref<2x2x80xi32, #tpu.memory_space<vmem>>, vector<1x1x16xi32>,
        %get3A_797 = arith.constant 1 : i32
        %get3A_798 = arith.constant 1 : i32
        %get3A_799 = arith.index_cast %get3A_797 : i32 to index
        %get3A_800 = arith.index_cast %get3A_798 : i32 to index
        %get3A_801 = arith.constant 48 : index
        %get3A_802 = tpu.vector_load %arg7[%get3A_799, %get3A_800, %get3A_801] {strides = array<i32>} : memref<2x2x80xi32, #tpu.memory_space<vmem>>, vector<1x1x16xi32>,
        %get3A_803 = vector.shape_cast %get3A_802 : vector<1x1x16xi32> to vector<16xi32>
        %add3A_804 = vector.broadcast %mul3A_2 : i32 to vector<16xi32>
        %add3A_805 = arith.addi %get3A_803, %add3A_804 : vector<16xi32>
        %swap3A_806 = arith.constant 1 : i32
        %swap3A_807 = arith.constant 1 : i32
        %swap3A_808 = arith.index_cast %swap3A_806 : i32 to index
        %swap3A_809 = arith.index_cast %swap3A_807 : i32 to index
        %swap3A_810 = arith.constant 48 : index
        %swap3A_811 = tpu.vector_load %arg7[%swap3A_808, %swap3A_809, %swap3A_810] {strides = array<i32>} : memref<2x2x80xi32, #tpu.memory_space<vmem>>, vector<1x1x16xi32>,
        %swap3A_812 = vector.shape_cast %swap3A_811 : vector<1x1x16xi32> to vector<16xi32>
        %swap3A_813 = vector.shape_cast %add3A_805 : vector<16xi32> to vector<1x1x16xi32>
        tpu.vector_store %arg7[%swap3A_808, %swap3A_809, %swap3A_810], %swap3A_813 {strides = array<i32>} : memref<2x2x80xi32, #tpu.memory_space<vmem>>, vector<1x1x16xi32>,
        %get3A_814 = arith.constant 1 : i32
        %get3A_815 = arith.constant 1 : i32
        %get3A_816 = arith.index_cast %get3A_814 : i32 to index
        %get3A_817 = arith.index_cast %get3A_815 : i32 to index
        %get3A_818 = arith.constant 64 : index
        %get3A_819 = tpu.vector_load %arg7[%get3A_816, %get3A_817, %get3A_818] {strides = array<i32>} : memref<2x2x80xi32, #tpu.memory_space<vmem>>, vector<1x1x16xi32>,
        %get3A_820 = vector.shape_cast %get3A_819 : vector<1x1x16xi32> to vector<16xi32>
        %add3A_821 = vector.broadcast %mul3A_2 : i32 to vector<16xi32>
        %add3A_822 = arith.addi %get3A_820, %add3A_821 : vector<16xi32>
        %swap3A_823 = arith.constant 1 : i32
        %swap3A_824 = arith.constant 1 : i32
        %swap3A_825 = arith.index_cast %swap3A_823 : i32 to index
        %swap3A_826 = arith.index_cast %swap3A_824 : i32 to index
        %swap3A_827 = arith.constant 64 : index
        %swap3A_828 = tpu.vector_load %arg7[%swap3A_825, %swap3A_826, %swap3A_827] {strides = array<i32>} : memref<2x2x80xi32, #tpu.memory_space<vmem>>, vector<1x1x16xi32>,
        %swap3A_829 = vector.shape_cast %swap3A_828 : vector<1x1x16xi32> to vector<16xi32>
        %swap3A_830 = vector.shape_cast %add3A_822 : vector<16xi32> to vector<1x1x16xi32>
        tpu.vector_store %arg7[%swap3A_825, %swap3A_826, %swap3A_827], %swap3A_830 {strides = array<i32>} : memref<2x2x80xi32, #tpu.memory_space<vmem>>, vector<1x1x16xi32>,
        %dma_start3A_831 = arith.constant 1 : i32
        %dma_start3A_832 = arith.constant 0 : i32
        %dma_start3A_833 = arith.constant 0 : i32
        %dma_start3A_834 = tpu.memref_slice %arg7[%dma_start3A_831, %dma_start3A_832, %dma_start3A_833] : memref<2x2x80xi32, #tpu.memory_space<vmem>> -> memref<1x1x80xi32, #tpu.memory_space<vmem>>
        %dma_start3A_835 = tpu.memref_squeeze %dma_start3A_834 : memref<1x1x80xi32, #tpu.memory_space<vmem>> -> memref<80xi32, #tpu.memory_space<vmem>>
        %dma_start3A_836 = arith.constant 0 : i32
        %dma_start3A_837 = arith.constant 0 : i32
        %dma_start3A_838 = tpu.memref_slice %arg2[%dma_start3A_836, %dma_start3A_837] : memref<20480x128xf32, #tpu.memory_space<hbm>> -> memref<20480x128xf32, #tpu.memory_space<hbm>>
        tpu.enqueue_indirect_dma source(%dma_start3A_838 : memref<20480x128xf32, #tpu.memory_space<hbm>>) target(%arg11 : memref<80x128xf32, #tpu.memory_space<vmem>>) offsets(%dma_start3A_835 : memref<80xi32, #tpu.memory_space<vmem>>) semaphore(%arg15 : memref<!tpu.dma_semaphore, #tpu.memory_space<semaphore_mem>>)
        %dma_start3A_839 = arith.constant 1 : i32
        %dma_start3A_840 = arith.constant 1 : i32
        %dma_start3A_841 = arith.constant 0 : i32
        %dma_start3A_842 = tpu.memref_slice %arg7[%dma_start3A_839, %dma_start3A_840, %dma_start3A_841] : memref<2x2x80xi32, #tpu.memory_space<vmem>> -> memref<1x1x80xi32, #tpu.memory_space<vmem>>
        %dma_start3A_843 = tpu.memref_squeeze %dma_start3A_842 : memref<1x1x80xi32, #tpu.memory_space<vmem>> -> memref<80xi32, #tpu.memory_space<vmem>>
        %dma_start3A_844 = arith.constant 0 : i32
        %dma_start3A_845 = arith.constant 0 : i32
        %dma_start3A_846 = tpu.memref_slice %arg2[%dma_start3A_844, %dma_start3A_845] : memref<20480x128xf32, #tpu.memory_space<hbm>> -> memref<20480x128xf32, #tpu.memory_space<hbm>>
        tpu.enqueue_indirect_dma source(%dma_start3A_846 : memref<20480x128xf32, #tpu.memory_space<hbm>>) target(%arg12 : memref<80x128xf32, #tpu.memory_space<vmem>>) offsets(%dma_start3A_843 : memref<80xi32, #tpu.memory_space<vmem>>) semaphore(%arg16 : memref<!tpu.dma_semaphore, #tpu.memory_space<semaphore_mem>>)
      } else {
      }
    }
    %scan3A_483 = arith.constant 62 : i32
    %dma_wait3A_484 = arith.constant 124 : i32
    %dma_wait3A_485 = arith.constant 0 : i32
    %dma_wait3A_486 = arith.constant 0 : i32
    %dma_wait3A_487 = arith.constant 0 : i32
    %dma_wait3A_488 = tpu.memref_slice %arg8[%dma_wait3A_485, %dma_wait3A_486, %dma_wait3A_487] : memref<2x2x80xi32, #tpu.memory_space<vmem>> -> memref<1x2x80xi32, #tpu.memory_space<vmem>>
    %dma_wait3A_489 = tpu.memref_squeeze %dma_wait3A_488 : memref<1x2x80xi32, #tpu.memory_space<vmem>> -> memref<2x80xi32, #tpu.memory_space<vmem>>
    %dma_wait3A_490 = arith.constant 0 : i32
    %dma_wait3A_491 = arith.constant 0 : i32
    %dma_wait3A_492 = tpu.memref_slice %arg4[%arg1, %dma_wait3A_484, %dma_wait3A_490, %dma_wait3A_491] : memref<16x125x2x80xi32, #tpu.memory_space<hbm>> -> memref<1x1x2x80xi32, #tpu.memory_space<hbm>>
    %dma_wait3A_493 = tpu.memref_squeeze %dma_wait3A_492 : memref<1x1x2x80xi32, #tpu.memory_space<hbm>> -> memref<2x80xi32, #tpu.memory_space<hbm>>
    %dma_wait3A_494 = arith.constant 0 : i32
    %dma_wait3A_495 = arith.constant 0 : i32
    %dma_wait3A_496 = tpu.memref_slice %arg8[%dma_wait3A_485, %dma_wait3A_494, %dma_wait3A_495] : memref<2x2x80xi32, #tpu.memory_space<vmem>> -> memref<1x2x80xi32, #tpu.memory_space<vmem>>
    %dma_wait3A_497 = tpu.memref_squeeze %dma_wait3A_496 : memref<1x2x80xi32, #tpu.memory_space<vmem>> -> memref<2x80xi32, #tpu.memory_space<vmem>>
    %dma_wait3A_498 = arith.constant 0 : i32
    %dma_wait3A_499 = arith.constant 0 : i32
    %dma_wait3A_500 = tpu.memref_slice %arg4[%arg1, %dma_wait3A_484, %dma_wait3A_498, %dma_wait3A_499] : memref<16x125x2x80xi32, #tpu.memory_space<hbm>> -> memref<1x1x2x80xi32, #tpu.memory_space<hbm>>
    %dma_wait3A_501 = tpu.memref_squeeze %dma_wait3A_500 : memref<1x1x2x80xi32, #tpu.memory_space<hbm>> -> memref<2x80xi32, #tpu.memory_space<hbm>>
    tpu.wait_dma2 semaphore(%arg19 : memref<!tpu.dma_semaphore, #tpu.memory_space<semaphore_mem>>) src(%dma_wait3A_501 : memref<2x80xi32, #tpu.memory_space<hbm>>) dst(%dma_wait3A_497 : memref<2x80xi32, #tpu.memory_space<vmem>>)
    %dma_wait3A_502 = arith.constant 0 : i32
    %dma_wait3A_503 = arith.constant 0 : i32
    %dma_wait3A_504 = arith.constant 0 : i32
    %dma_wait3A_505 = tpu.memref_slice %arg7[%dma_wait3A_502, %dma_wait3A_503, %dma_wait3A_504] : memref<2x2x80xi32, #tpu.memory_space<vmem>> -> memref<1x1x80xi32, #tpu.memory_space<vmem>>
    %dma_wait3A_506 = tpu.memref_squeeze %dma_wait3A_505 : memref<1x1x80xi32, #tpu.memory_space<vmem>> -> memref<80xi32, #tpu.memory_space<vmem>>
    %dma_wait3A_507 = arith.constant 0 : i32
    %dma_wait3A_508 = arith.constant 0 : i32
    %dma_wait3A_509 = tpu.memref_slice %arg2[%dma_wait3A_507, %dma_wait3A_508] : memref<20480x128xf32, #tpu.memory_space<hbm>> -> memref<20480x128xf32, #tpu.memory_space<hbm>>
    tpu.wait_indirect_dma semaphore(%arg13 : memref<!tpu.dma_semaphore, #tpu.memory_space<semaphore_mem>>) src(%dma_wait3A_509 : memref<20480x128xf32, #tpu.memory_space<hbm>>) dst(%arg9 : memref<80x128xf32, #tpu.memory_space<vmem>>)
    %run_scoped3A = arith.constant 0 : i32
    %run_scoped3A_510 = arith.constant 0 : i32
    "tpu.region"() ({
      %run_scoped3A_523 = tpu.sem_alloc : memref<!tpu.dma_semaphore, #tpu.memory_space<semaphore_mem>>
      %dma_start3A_524 = arith.constant 0 : i32
      %dma_start3A_525 = tpu.memref_slice %arg8[%run_scoped3A, %run_scoped3A_510, %dma_start3A_524] : memref<2x2x80xi32, #tpu.memory_space<vmem>> -> memref<1x1x80xi32, #tpu.memory_space<vmem>>
      %dma_start3A_526 = tpu.memref_squeeze %dma_start3A_525 : memref<1x1x80xi32, #tpu.memory_space<vmem>> -> memref<80xi32, #tpu.memory_space<vmem>>
      %dma_start3A_527 = arith.constant 0 : i32
      %dma_start3A_528 = arith.constant 0 : i32
      %dma_start3A_529 = tpu.memref_slice %arg6[%dma_start3A_527, %dma_start3A_528] : memref<10240x128xf32, #tpu.memory_space<vmem_shared>> -> memref<10240x128xf32, #tpu.memory_space<vmem_shared>>
      tpu.enqueue_indirect_dma source(%arg9 : memref<80x128xf32, #tpu.memory_space<vmem>>) target(%dma_start3A_529 : memref<10240x128xf32, #tpu.memory_space<vmem_shared>>) offsets(%dma_start3A_526 : memref<80xi32, #tpu.memory_space<vmem>>) semaphore(%run_scoped3A_523 : memref<!tpu.dma_semaphore, #tpu.memory_space<semaphore_mem>>) {add = true}
      %dma_wait3A_530 = arith.constant 0 : i32
      %dma_wait3A_531 = tpu.memref_slice %arg8[%run_scoped3A, %run_scoped3A_510, %dma_wait3A_530] : memref<2x2x80xi32, #tpu.memory_space<vmem>> -> memref<1x1x80xi32, #tpu.memory_space<vmem>>
      %dma_wait3A_532 = tpu.memref_squeeze %dma_wait3A_531 : memref<1x1x80xi32, #tpu.memory_space<vmem>> -> memref<80xi32, #tpu.memory_space<vmem>>
      %dma_wait3A_533 = arith.constant 0 : i32
      %dma_wait3A_534 = arith.constant 0 : i32
      %dma_wait3A_535 = tpu.memref_slice %arg6[%dma_wait3A_533, %dma_wait3A_534] : memref<10240x128xf32, #tpu.memory_space<vmem_shared>> -> memref<10240x128xf32, #tpu.memory_space<vmem_shared>>
      tpu.wait_indirect_dma semaphore(%run_scoped3A_523 : memref<!tpu.dma_semaphore, #tpu.memory_space<semaphore_mem>>) src(%arg9 : memref<80x128xf32, #tpu.memory_space<vmem>>) dst(%dma_wait3A_535 : memref<10240x128xf32, #tpu.memory_space<vmem_shared>>)
      tpu.yield
    }) : () -> ()
    %dma_wait3A_511 = arith.constant 0 : i32
    %dma_wait3A_512 = arith.constant 1 : i32
    %dma_wait3A_513 = arith.constant 0 : i32
    %dma_wait3A_514 = tpu.memref_slice %arg7[%dma_wait3A_511, %dma_wait3A_512, %dma_wait3A_513] : memref<2x2x80xi32, #tpu.memory_space<vmem>> -> memref<1x1x80xi32, #tpu.memory_space<vmem>>
    %dma_wait3A_515 = tpu.memref_squeeze %dma_wait3A_514 : memref<1x1x80xi32, #tpu.memory_space<vmem>> -> memref<80xi32, #tpu.memory_space<vmem>>
    %dma_wait3A_516 = arith.constant 0 : i32
    %dma_wait3A_517 = arith.constant 0 : i32
    %dma_wait3A_518 = tpu.memref_slice %arg2[%dma_wait3A_516, %dma_wait3A_517] : memref<20480x128xf32, #tpu.memory_space<hbm>> -> memref<20480x128xf32, #tpu.memory_space<hbm>>
    tpu.wait_indirect_dma semaphore(%arg14 : memref<!tpu.dma_semaphore, #tpu.memory_space<semaphore_mem>>) src(%dma_wait3A_518 : memref<20480x128xf32, #tpu.memory_space<hbm>>) dst(%arg10 : memref<80x128xf32, #tpu.memory_space<vmem>>)
    %run_scoped3A_519 = arith.constant 0 : i32
    %run_scoped3A_520 = arith.constant 1 : i32
    "tpu.region"() ({
      %run_scoped3A_523 = tpu.sem_alloc : memref<!tpu.dma_semaphore, #tpu.memory_space<semaphore_mem>>
      %dma_start3A_524 = arith.constant 0 : i32
      %dma_start3A_525 = tpu.memref_slice %arg8[%run_scoped3A_519, %run_scoped3A_520, %dma_start3A_524] : memref<2x2x80xi32, #tpu.memory_space<vmem>> -> memref<1x1x80xi32, #tpu.memory_space<vmem>>
      %dma_start3A_526 = tpu.memref_squeeze %dma_start3A_525 : memref<1x1x80xi32, #tpu.memory_space<vmem>> -> memref<80xi32, #tpu.memory_space<vmem>>
      %dma_start3A_527 = arith.constant 0 : i32
      %dma_start3A_528 = arith.constant 0 : i32
      %dma_start3A_529 = tpu.memref_slice %arg6[%dma_start3A_527, %dma_start3A_528] : memref<10240x128xf32, #tpu.memory_space<vmem_shared>> -> memref<10240x128xf32, #tpu.memory_space<vmem_shared>>
      tpu.enqueue_indirect_dma source(%arg10 : memref<80x128xf32, #tpu.memory_space<vmem>>) target(%dma_start3A_529 : memref<10240x128xf32, #tpu.memory_space<vmem_shared>>) offsets(%dma_start3A_526 : memref<80xi32, #tpu.memory_space<vmem>>) semaphore(%run_scoped3A_523 : memref<!tpu.dma_semaphore, #tpu.memory_space<semaphore_mem>>) {add = true}
      %dma_wait3A_530 = arith.constant 0 : i32
      %dma_wait3A_531 = tpu.memref_slice %arg8[%run_scoped3A_519, %run_scoped3A_520, %dma_wait3A_530] : memref<2x2x80xi32, #tpu.memory_space<vmem>> -> memref<1x1x80xi32, #tpu.memory_space<vmem>>
      %dma_wait3A_532 = tpu.memref_squeeze %dma_wait3A_531 : memref<1x1x80xi32, #tpu.memory_space<vmem>> -> memref<80xi32, #tpu.memory_space<vmem>>
      %dma_wait3A_533 = arith.constant 0 : i32
      %dma_wait3A_534 = arith.constant 0 : i32
      %dma_wait3A_535 = tpu.memref_slice %arg6[%dma_wait3A_533, %dma_wait3A_534] : memref<10240x128xf32, #tpu.memory_space<vmem_shared>> -> memref<10240x128xf32, #tpu.memory_space<vmem_shared>>
      tpu.wait_indirect_dma semaphore(%run_scoped3A_523 : memref<!tpu.dma_semaphore, #tpu.memory_space<semaphore_mem>>) src(%arg10 : memref<80x128xf32, #tpu.memory_space<vmem>>) dst(%dma_wait3A_535 : memref<10240x128xf32, #tpu.memory_space<vmem_shared>>)
      tpu.yield
    }) : () -> ()
    %barrier3A_521 = arith.constant 0 : index
    tpu.barrier barrier_id(%barrier3A_521)
    %add3A_522 = arith.addi %mul3A_2, %mul3A_0 : i32
    "tpu.region"() ({
      %run_scoped3A_523 = tpu.sem_alloc : memref<!tpu.dma_semaphore, #tpu.memory_space<semaphore_mem>>
      %dma_start3A_524 = arith.constant 0 : i32
      %dma_start3A_525 = tpu.memref_slice %arg5[%add3A_522, %dma_start3A_524] : memref<20480x128xf32, #tpu.memory_space<hbm>> -> memref<640x128xf32, #tpu.memory_space<hbm>>
      %dma_start3A_526 = arith.constant 0 : i32
      %dma_start3A_527 = tpu.memref_slice %arg6[%mul3A_0, %dma_start3A_526] : memref<10240x128xf32, #tpu.memory_space<vmem_shared>> -> memref<640x128xf32, #tpu.memory_space<vmem_shared>>
      tpu.enqueue_dma source(%dma_start3A_527 : memref<640x128xf32, #tpu.memory_space<vmem_shared>>) target(%dma_start3A_525 : memref<640x128xf32, #tpu.memory_space<hbm>>) target_semaphore(%run_scoped3A_523 : memref<!tpu.dma_semaphore, #tpu.memory_space<semaphore_mem>>)
      %dma_wait3A_528 = arith.constant 0 : i32
      %dma_wait3A_529 = tpu.memref_slice %arg5[%add3A_522, %dma_wait3A_528] : memref<20480x128xf32, #tpu.memory_space<hbm>> -> memref<640x128xf32, #tpu.memory_space<hbm>>
      %dma_wait3A_530 = arith.constant 0 : i32
      %dma_wait3A_531 = tpu.memref_slice %arg6[%mul3A_0, %dma_wait3A_530] : memref<10240x128xf32, #tpu.memory_space<vmem_shared>> -> memref<640x128xf32, #tpu.memory_space<vmem_shared>>
      tpu.wait_dma2 semaphore(%run_scoped3A_523 : memref<!tpu.dma_semaphore, #tpu.memory_space<semaphore_mem>>) src(%dma_wait3A_531 : memref<640x128xf32, #tpu.memory_space<vmem_shared>>) dst(%dma_wait3A_529 : memref<640x128xf32, #tpu.memory_space<hbm>>)
      tpu.yield
    }) : () -> ()
    return
  }
}

module attributes {stable_mosaic.version = 14 : i64} {
  func.func @_mm1_body(%arg0: i32, %arg1: memref<2000x128xf32, #tpu.memory_space<vmem>>, %arg2: memref<128x256xf32, #tpu.memory_space<vmem>>, %arg3: memref<2000x2xf32, #tpu.memory_space<vmem>>, %arg4: memref<2x2000x128xf32, #tpu.memory_space<vmem>>) attributes {dimension_semantics = [#tpu.dimension_semantics<arbitrary>], iteration_bounds = array<i64: 5>, scalar_prefetch = 0 : i64, scratch_operands = 0 : i64, tpu.core_type = #tpu.core_type<tc>, window_params = [{transform_indices = @transform_0, window_bounds = array<i64: 2000, 128>}, {pipeline_mode = #tpu.pipeline_mode<synchronous>, transform_indices = @transform_1, window_bounds = array<i64: 128, 256>}, {transform_indices = @transform_2, window_bounds = array<i64: 2000, 2>}, {transform_indices = @transform_3, window_bounds = array<i64: 2, 2000, 128>}]} {
    %get3A = arith.constant 0 : index
    %get3A_0 = arith.constant 0 : index
    %get3A_1 = vector.load %arg3[%get3A, %get3A_0] : memref<2000x2xf32, #tpu.memory_space<vmem>>, vector<2000x1xf32>
    %get3A_2 = arith.constant 0 : index
    %get3A_3 = arith.constant 1 : index
    %get3A_4 = vector.load %arg3[%get3A_2, %get3A_3] : memref<2000x2xf32, #tpu.memory_space<vmem>>, vector<2000x1xf32>
    %add3A = arith.addf %get3A_1, %get3A_4 : vector<2000x1xf32>
    %add3A_5 = arith.constant 1.000000e+00 : f32
    %add3A_6 = vector.broadcast %add3A_5 : f32 to vector<2000x1xf32>
    %add3A_7 = arith.addf %add3A, %add3A_6 : vector<2000x1xf32>
    %rsqrt3A = math.rsqrt %add3A_7 : vector<2000x1xf32>
    %get3A_8 = arith.constant 0 : index
    %get3A_9 = arith.constant 0 : index
    %get3A_10 = vector.load %arg1[%get3A_8, %get3A_9] : memref<2000x128xf32, #tpu.memory_space<vmem>>, vector<2000x128xf32>
    %get3A_11 = arith.constant 0 : index
    %get3A_12 = arith.constant 0 : index
    %get3A_13 = vector.load %arg2[%get3A_11, %get3A_12] : memref<128x256xf32, #tpu.memory_space<vmem>>, vector<128x256xf32>
    %dot_general3A = arith.constant dense<0.000000e+00> : vector<2000x256xf32>
    %dot_general3A_14 = tpu.matmul %get3A_10, %get3A_13, %dot_general3A {dimension_numbers = #tpu.dot_dimension_numbers<[1], [0], [0], [1], [0, 0, 1, 1], [], []>, precision = #tpu.contract_precision<fp32>, transpose_lhs_hint = false} : vector<2000x128xf32>, vector<128x256xf32>, vector<2000x256xf32> -> vector<2000x256xf32>
    %mul3A = vector.broadcast %rsqrt3A : vector<2000x1xf32> to vector<2000x256xf32>
    %mul3A_15 = arith.mulf %mul3A, %dot_general3A_14 : vector<2000x256xf32>
    %slice3A = vector.extract_strided_slice %mul3A_15 {offsets = [0, 0], sizes = [2000, 128], strides = [1, 1]} : vector<2000x256xf32> to vector<2000x128xf32>
    %swap3A = arith.constant 0 : index
    %swap3A_16 = arith.constant 0 : index
    %swap3A_17 = arith.constant 0 : index
    %swap3A_18 = vector.load %arg4[%swap3A, %swap3A_16, %swap3A_17] : memref<2x2000x128xf32, #tpu.memory_space<vmem>>, vector<1x2000x128xf32>
    %swap3A_19 = vector.shape_cast %swap3A_18 : vector<1x2000x128xf32> to vector<2000x128xf32>
    %swap3A_20 = vector.shape_cast %slice3A : vector<2000x128xf32> to vector<1x2000x128xf32>
    tpu.vector_store %arg4[%swap3A, %swap3A_16, %swap3A_17], %swap3A_20 {strides = array<i32>} : memref<2x2000x128xf32, #tpu.memory_space<vmem>>, vector<1x2000x128xf32>,
    %slice3A_21 = vector.extract_strided_slice %mul3A_15 {offsets = [0, 128], sizes = [2000, 128], strides = [1, 1]} : vector<2000x256xf32> to vector<2000x128xf32>
    %swap3A_22 = arith.constant 1 : index
    %swap3A_23 = arith.constant 0 : index
    %swap3A_24 = arith.constant 0 : index
    %swap3A_25 = vector.load %arg4[%swap3A_22, %swap3A_23, %swap3A_24] : memref<2x2000x128xf32, #tpu.memory_space<vmem>>, vector<1x2000x128xf32>
    %swap3A_26 = vector.shape_cast %swap3A_25 : vector<1x2000x128xf32> to vector<2000x128xf32>
    %swap3A_27 = vector.shape_cast %slice3A_21 : vector<2000x128xf32> to vector<1x2000x128xf32>
    tpu.vector_store %arg4[%swap3A_22, %swap3A_23, %swap3A_24], %swap3A_27 {strides = array<i32>} : memref<2x2000x128xf32, #tpu.memory_space<vmem>>, vector<1x2000x128xf32>,
    return
  }
  func.func @transform_0(%arg0: i32) -> (i32, i32) {
    %c0_i32 = arith.constant 0 : i32
    %c0_i32_0 = arith.constant 0 : i32
    return %arg0, %c0_i32 : i32, i32
  }
  func.func @transform_1(%arg0: i32) -> (i32, i32) {
    %c0_i32 = arith.constant 0 : i32
    %c0_i32_0 = arith.constant 0 : i32
    %c0_i32_1 = arith.constant 0 : i32
    return %c0_i32, %c0_i32_0 : i32, i32
  }
  func.func @transform_2(%arg0: i32) -> (i32, i32) {
    %c0_i32 = arith.constant 0 : i32
    %c0_i32_0 = arith.constant 0 : i32
    return %arg0, %c0_i32 : i32, i32
  }
  func.func @transform_3(%arg0: i32) -> (i32, i32, i32) {
    %c0_i32 = arith.constant 0 : i32
    %c0_i32_0 = arith.constant 0 : i32
    %c0_i32_1 = arith.constant 0 : i32
    return %c0_i32, %arg0, %c0_i32_0 : i32, i32, i32
  }
}

module attributes {stable_mosaic.version = 14 : i64} {
  func.func @_mm2_body(%arg0: i32, %arg1: memref<2x2000x128xf32, #tpu.memory_space<vmem>>, %arg2: memref<2000x2xf32, #tpu.memory_space<vmem>>, %arg3: memref<1x256xf32, #tpu.memory_space<vmem>>, %arg4: memref<256x256xf32, #tpu.memory_space<vmem>>, %arg5: memref<2x2000x128xf32, #tpu.memory_space<vmem>>) attributes {dimension_semantics = [#tpu.dimension_semantics<arbitrary>], iteration_bounds = array<i64: 5>, scalar_prefetch = 0 : i64, scratch_operands = 0 : i64, tpu.core_type = #tpu.core_type<tc>, window_params = [{transform_indices = @transform_0, window_bounds = array<i64: 2, 2000, 128>}, {transform_indices = @transform_1, window_bounds = array<i64: 2000, 2>}, {pipeline_mode = #tpu.pipeline_mode<synchronous>, transform_indices = @transform_2, window_bounds = array<i64: 1, 256>}, {pipeline_mode = #tpu.pipeline_mode<synchronous>, transform_indices = @transform_3, window_bounds = array<i64: 256, 256>}, {transform_indices = @transform_4, window_bounds = array<i64: 2, 2000, 128>}]} {
    %get3A = arith.constant 0 : index
    %get3A_0 = arith.constant 0 : index
    %get3A_1 = vector.load %arg2[%get3A, %get3A_0] : memref<2000x2xf32, #tpu.memory_space<vmem>>, vector<2000x1xf32>
    %get3A_2 = arith.constant 0 : index
    %get3A_3 = arith.constant 1 : index
    %get3A_4 = vector.load %arg2[%get3A_2, %get3A_3] : memref<2000x2xf32, #tpu.memory_space<vmem>>, vector<2000x1xf32>
    %add3A = arith.addf %get3A_1, %get3A_4 : vector<2000x1xf32>
    %add3A_5 = arith.constant 1.000000e+00 : f32
    %add3A_6 = vector.broadcast %add3A_5 : f32 to vector<2000x1xf32>
    %add3A_7 = arith.addf %add3A, %add3A_6 : vector<2000x1xf32>
    %rsqrt3A = math.rsqrt %add3A_7 : vector<2000x1xf32>
    %get3A_8 = arith.constant 0 : index
    %get3A_9 = arith.constant 0 : index
    %get3A_10 = arith.constant 0 : index
    %get3A_11 = vector.load %arg1[%get3A_8, %get3A_9, %get3A_10] : memref<2x2000x128xf32, #tpu.memory_space<vmem>>, vector<1x2000x128xf32>
    %get3A_12 = vector.shape_cast %get3A_11 : vector<1x2000x128xf32> to vector<2000x128xf32>
    %mul3A = vector.broadcast %rsqrt3A : vector<2000x1xf32> to vector<2000x128xf32>
    %mul3A_13 = arith.mulf %mul3A, %get3A_12 : vector<2000x128xf32>
    %get3A_14 = arith.constant 0 : index
    %get3A_15 = arith.constant 0 : index
    %get3A_16 = vector.load %arg3[%get3A_14, %get3A_15] : memref<1x256xf32, #tpu.memory_space<vmem>>, vector<1x128xf32>
    %add3A_17 = vector.broadcast %get3A_16 : vector<1x128xf32> to vector<2000x128xf32>
    %add3A_18 = arith.addf %mul3A_13, %add3A_17 : vector<2000x128xf32>
    %gt3A = arith.constant 0.000000e+00 : f32
    %gt3A_19 = vector.broadcast %gt3A : f32 to vector<2000x128xf32>
    %gt3A_20 = arith.cmpf ogt, %add3A_18, %gt3A_19 : vector<2000x128xf32>
    %exp3A = math.exp %add3A_18 : vector<2000x128xf32>
    %sub3A = arith.constant 1.000000e+00 : f32
    %sub3A_21 = vector.broadcast %sub3A : f32 to vector<2000x128xf32>
    %sub3A_22 = arith.subf %exp3A, %sub3A_21 : vector<2000x128xf32>
    %select_n3A = arith.select %gt3A_20, %add3A_18, %sub3A_22 : vector<2000x128xi1>, vector<2000x128xf32>
    %get3A_23 = arith.constant 1 : index
    %get3A_24 = arith.constant 0 : index
    %get3A_25 = arith.constant 0 : index
    %get3A_26 = vector.load %arg1[%get3A_23, %get3A_24, %get3A_25] : memref<2x2000x128xf32, #tpu.memory_space<vmem>>, vector<1x2000x128xf32>
    %get3A_27 = vector.shape_cast %get3A_26 : vector<1x2000x128xf32> to vector<2000x128xf32>
    %mul3A_28 = vector.broadcast %rsqrt3A : vector<2000x1xf32> to vector<2000x128xf32>
    %mul3A_29 = arith.mulf %mul3A_28, %get3A_27 : vector<2000x128xf32>
    %get3A_30 = arith.constant 0 : index
    %get3A_31 = arith.constant 128 : index
    %get3A_32 = vector.load %arg3[%get3A_30, %get3A_31] : memref<1x256xf32, #tpu.memory_space<vmem>>, vector<1x128xf32>
    %add3A_33 = vector.broadcast %get3A_32 : vector<1x128xf32> to vector<2000x128xf32>
    %add3A_34 = arith.addf %mul3A_29, %add3A_33 : vector<2000x128xf32>
    %gt3A_35 = arith.constant 0.000000e+00 : f32
    %gt3A_36 = vector.broadcast %gt3A_35 : f32 to vector<2000x128xf32>
    %gt3A_37 = arith.cmpf ogt, %add3A_34, %gt3A_36 : vector<2000x128xf32>
    %exp3A_38 = math.exp %add3A_34 : vector<2000x128xf32>
    %sub3A_39 = arith.constant 1.000000e+00 : f32
    %sub3A_40 = vector.broadcast %sub3A_39 : f32 to vector<2000x128xf32>
    %sub3A_41 = arith.subf %exp3A_38, %sub3A_40 : vector<2000x128xf32>
    %select_n3A_42 = arith.select %gt3A_37, %add3A_34, %sub3A_41 : vector<2000x128xi1>, vector<2000x128xf32>
    %get3A_43 = arith.constant 0 : index
    %get3A_44 = arith.constant 0 : index
    %get3A_45 = vector.load %arg4[%get3A_43, %get3A_44] : memref<256x256xf32, #tpu.memory_space<vmem>>, vector<128x256xf32>
    %dot_general3A = arith.constant dense<0.000000e+00> : vector<2000x256xf32>
    %dot_general3A_46 = tpu.matmul %select_n3A, %get3A_45, %dot_general3A {dimension_numbers = #tpu.dot_dimension_numbers<[1], [0], [0], [1], [0, 0, 1, 1], [], []>, precision = #tpu.contract_precision<fp32>, transpose_lhs_hint = false} : vector<2000x128xf32>, vector<128x256xf32>, vector<2000x256xf32> -> vector<2000x256xf32>
    %get3A_47 = arith.constant 128 : index
    %get3A_48 = arith.constant 0 : index
    %get3A_49 = vector.load %arg4[%get3A_47, %get3A_48] : memref<256x256xf32, #tpu.memory_space<vmem>>, vector<128x256xf32>
    %dot_general3A_50 = arith.constant dense<0.000000e+00> : vector<2000x256xf32>
    %dot_general3A_51 = tpu.matmul %select_n3A_42, %get3A_49, %dot_general3A_50 {dimension_numbers = #tpu.dot_dimension_numbers<[1], [0], [0], [1], [0, 0, 1, 1], [], []>, precision = #tpu.contract_precision<fp32>, transpose_lhs_hint = false} : vector<2000x128xf32>, vector<128x256xf32>, vector<2000x256xf32> -> vector<2000x256xf32>
    %add3A_52 = arith.addf %dot_general3A_46, %dot_general3A_51 : vector<2000x256xf32>
    %mul3A_53 = vector.broadcast %rsqrt3A : vector<2000x1xf32> to vector<2000x256xf32>
    %mul3A_54 = arith.mulf %mul3A_53, %add3A_52 : vector<2000x256xf32>
    %slice3A = vector.extract_strided_slice %mul3A_54 {offsets = [0, 0], sizes = [2000, 128], strides = [1, 1]} : vector<2000x256xf32> to vector<2000x128xf32>
    %swap3A = arith.constant 0 : index
    %swap3A_55 = arith.constant 0 : index
    %swap3A_56 = arith.constant 0 : index
    %swap3A_57 = vector.load %arg5[%swap3A, %swap3A_55, %swap3A_56] : memref<2x2000x128xf32, #tpu.memory_space<vmem>>, vector<1x2000x128xf32>
    %swap3A_58 = vector.shape_cast %swap3A_57 : vector<1x2000x128xf32> to vector<2000x128xf32>
    %swap3A_59 = vector.shape_cast %slice3A : vector<2000x128xf32> to vector<1x2000x128xf32>
    tpu.vector_store %arg5[%swap3A, %swap3A_55, %swap3A_56], %swap3A_59 {strides = array<i32>} : memref<2x2000x128xf32, #tpu.memory_space<vmem>>, vector<1x2000x128xf32>,
    %slice3A_60 = vector.extract_strided_slice %mul3A_54 {offsets = [0, 128], sizes = [2000, 128], strides = [1, 1]} : vector<2000x256xf32> to vector<2000x128xf32>
    %swap3A_61 = arith.constant 1 : index
    %swap3A_62 = arith.constant 0 : index
    %swap3A_63 = arith.constant 0 : index
    %swap3A_64 = vector.load %arg5[%swap3A_61, %swap3A_62, %swap3A_63] : memref<2x2000x128xf32, #tpu.memory_space<vmem>>, vector<1x2000x128xf32>
    %swap3A_65 = vector.shape_cast %swap3A_64 : vector<1x2000x128xf32> to vector<2000x128xf32>
    %swap3A_66 = vector.shape_cast %slice3A_60 : vector<2000x128xf32> to vector<1x2000x128xf32>
    tpu.vector_store %arg5[%swap3A_61, %swap3A_62, %swap3A_63], %swap3A_66 {strides = array<i32>} : memref<2x2000x128xf32, #tpu.memory_space<vmem>>, vector<1x2000x128xf32>,
    return
  }
  func.func @transform_0(%arg0: i32) -> (i32, i32, i32) {
    %c0_i32 = arith.constant 0 : i32
    %c0_i32_0 = arith.constant 0 : i32
    %c0_i32_1 = arith.constant 0 : i32
    return %c0_i32, %arg0, %c0_i32_0 : i32, i32, i32
  }
  func.func @transform_1(%arg0: i32) -> (i32, i32) {
    %c0_i32 = arith.constant 0 : i32
    %c0_i32_0 = arith.constant 0 : i32
    return %arg0, %c0_i32 : i32, i32
  }
  func.func @transform_2(%arg0: i32) -> (i32, i32) {
    %c0_i32 = arith.constant 0 : i32
    %c0_i32_0 = arith.constant 0 : i32
    %c0_i32_1 = arith.constant 0 : i32
    return %c0_i32, %c0_i32_0 : i32, i32
  }
  func.func @transform_3(%arg0: i32) -> (i32, i32) {
    %c0_i32 = arith.constant 0 : i32
    %c0_i32_0 = arith.constant 0 : i32
    %c0_i32_1 = arith.constant 0 : i32
    return %c0_i32, %c0_i32_0 : i32, i32
  }
  func.func @transform_4(%arg0: i32) -> (i32, i32, i32) {
    %c0_i32 = arith.constant 0 : i32
    %c0_i32_0 = arith.constant 0 : i32
    %c0_i32_1 = arith.constant 0 : i32
    return %c0_i32, %arg0, %c0_i32_0 : i32, i32, i32
  }
}

module attributes {stable_mosaic.version = 14 : i64} {
  func.func @_out_body(%arg0: i32, %arg1: memref<2x2000x128xf32, #tpu.memory_space<vmem>>, %arg2: memref<2000x2xf32, #tpu.memory_space<vmem>>, %arg3: memref<1x256xf32, #tpu.memory_space<vmem>>, %arg4: memref<2000x256xf32, #tpu.memory_space<vmem>>) attributes {dimension_semantics = [#tpu.dimension_semantics<arbitrary>], iteration_bounds = array<i64: 5>, scalar_prefetch = 0 : i64, scratch_operands = 0 : i64, tpu.core_type = #tpu.core_type<tc>, window_params = [{transform_indices = @transform_0, window_bounds = array<i64: 2, 2000, 128>}, {transform_indices = @transform_1, window_bounds = array<i64: 2000, 2>}, {pipeline_mode = #tpu.pipeline_mode<synchronous>, transform_indices = @transform_2, window_bounds = array<i64: 1, 256>}, {transform_indices = @transform_3, window_bounds = array<i64: 2000, 256>}]} {
    %get3A = arith.constant 0 : index
    %get3A_0 = arith.constant 0 : index
    %get3A_1 = vector.load %arg2[%get3A, %get3A_0] : memref<2000x2xf32, #tpu.memory_space<vmem>>, vector<2000x1xf32>
    %get3A_2 = arith.constant 0 : index
    %get3A_3 = arith.constant 1 : index
    %get3A_4 = vector.load %arg2[%get3A_2, %get3A_3] : memref<2000x2xf32, #tpu.memory_space<vmem>>, vector<2000x1xf32>
    %add3A = arith.addf %get3A_1, %get3A_4 : vector<2000x1xf32>
    %add3A_5 = arith.constant 1.000000e+00 : f32
    %add3A_6 = vector.broadcast %add3A_5 : f32 to vector<2000x1xf32>
    %add3A_7 = arith.addf %add3A, %add3A_6 : vector<2000x1xf32>
    %rsqrt3A = math.rsqrt %add3A_7 : vector<2000x1xf32>
    %get3A_8 = arith.constant 0 : index
    %get3A_9 = arith.constant 0 : index
    %get3A_10 = arith.constant 0 : index
    %get3A_11 = vector.load %arg1[%get3A_8, %get3A_9, %get3A_10] : memref<2x2000x128xf32, #tpu.memory_space<vmem>>, vector<1x2000x128xf32>
    %get3A_12 = vector.shape_cast %get3A_11 : vector<1x2000x128xf32> to vector<2000x128xf32>
    %mul3A = vector.broadcast %rsqrt3A : vector<2000x1xf32> to vector<2000x128xf32>
    %mul3A_13 = arith.mulf %mul3A, %get3A_12 : vector<2000x128xf32>
    %get3A_14 = arith.constant 0 : index
    %get3A_15 = arith.constant 0 : index
    %get3A_16 = vector.load %arg3[%get3A_14, %get3A_15] : memref<1x256xf32, #tpu.memory_space<vmem>>, vector<1x128xf32>
    %add3A_17 = vector.broadcast %get3A_16 : vector<1x128xf32> to vector<2000x128xf32>
    %add3A_18 = arith.addf %mul3A_13, %add3A_17 : vector<2000x128xf32>
    %gt3A = arith.constant 0.000000e+00 : f32
    %gt3A_19 = vector.broadcast %gt3A : f32 to vector<2000x128xf32>
    %gt3A_20 = arith.cmpf ogt, %add3A_18, %gt3A_19 : vector<2000x128xf32>
    %exp3A = math.exp %add3A_18 : vector<2000x128xf32>
    %sub3A = arith.constant 1.000000e+00 : f32
    %sub3A_21 = vector.broadcast %sub3A : f32 to vector<2000x128xf32>
    %sub3A_22 = arith.subf %exp3A, %sub3A_21 : vector<2000x128xf32>
    %select_n3A = arith.select %gt3A_20, %add3A_18, %sub3A_22 : vector<2000x128xi1>, vector<2000x128xf32>
    %swap3A = arith.constant 0 : index
    %swap3A_23 = arith.constant 0 : index
    %swap3A_24 = vector.load %arg4[%swap3A, %swap3A_23] : memref<2000x256xf32, #tpu.memory_space<vmem>>, vector<2000x128xf32>
    tpu.vector_store %arg4[%swap3A, %swap3A_23], %select_n3A {strides = array<i32>} : memref<2000x256xf32, #tpu.memory_space<vmem>>, vector<2000x128xf32>,
    %get3A_25 = arith.constant 1 : index
    %get3A_26 = arith.constant 0 : index
    %get3A_27 = arith.constant 0 : index
    %get3A_28 = vector.load %arg1[%get3A_25, %get3A_26, %get3A_27] : memref<2x2000x128xf32, #tpu.memory_space<vmem>>, vector<1x2000x128xf32>
    %get3A_29 = vector.shape_cast %get3A_28 : vector<1x2000x128xf32> to vector<2000x128xf32>
    %mul3A_30 = vector.broadcast %rsqrt3A : vector<2000x1xf32> to vector<2000x128xf32>
    %mul3A_31 = arith.mulf %mul3A_30, %get3A_29 : vector<2000x128xf32>
    %get3A_32 = arith.constant 0 : index
    %get3A_33 = arith.constant 128 : index
    %get3A_34 = vector.load %arg3[%get3A_32, %get3A_33] : memref<1x256xf32, #tpu.memory_space<vmem>>, vector<1x128xf32>
    %add3A_35 = vector.broadcast %get3A_34 : vector<1x128xf32> to vector<2000x128xf32>
    %add3A_36 = arith.addf %mul3A_31, %add3A_35 : vector<2000x128xf32>
    %gt3A_37 = arith.constant 0.000000e+00 : f32
    %gt3A_38 = vector.broadcast %gt3A_37 : f32 to vector<2000x128xf32>
    %gt3A_39 = arith.cmpf ogt, %add3A_36, %gt3A_38 : vector<2000x128xf32>
    %exp3A_40 = math.exp %add3A_36 : vector<2000x128xf32>
    %sub3A_41 = arith.constant 1.000000e+00 : f32
    %sub3A_42 = vector.broadcast %sub3A_41 : f32 to vector<2000x128xf32>
    %sub3A_43 = arith.subf %exp3A_40, %sub3A_42 : vector<2000x128xf32>
    %select_n3A_44 = arith.select %gt3A_39, %add3A_36, %sub3A_43 : vector<2000x128xi1>, vector<2000x128xf32>
    %swap3A_45 = arith.constant 0 : index
    %swap3A_46 = arith.constant 128 : index
    %swap3A_47 = vector.load %arg4[%swap3A_45, %swap3A_46] : memref<2000x256xf32, #tpu.memory_space<vmem>>, vector<2000x128xf32>
    tpu.vector_store %arg4[%swap3A_45, %swap3A_46], %select_n3A_44 {strides = array<i32>} : memref<2000x256xf32, #tpu.memory_space<vmem>>, vector<2000x128xf32>,
    return
  }
  func.func @transform_0(%arg0: i32) -> (i32, i32, i32) {
    %c0_i32 = arith.constant 0 : i32
    %c0_i32_0 = arith.constant 0 : i32
    %c0_i32_1 = arith.constant 0 : i32
    return %c0_i32, %arg0, %c0_i32_0 : i32, i32, i32
  }
  func.func @transform_1(%arg0: i32) -> (i32, i32) {
    %c0_i32 = arith.constant 0 : i32
    %c0_i32_0 = arith.constant 0 : i32
    return %arg0, %c0_i32 : i32, i32
  }
  func.func @transform_2(%arg0: i32) -> (i32, i32) {
    %c0_i32 = arith.constant 0 : i32
    %c0_i32_0 = arith.constant 0 : i32
    %c0_i32_1 = arith.constant 0 : i32
    return %c0_i32, %c0_i32_0 : i32, i32
  }
  func.func @transform_3(%arg0: i32) -> (i32, i32) {
    %c0_i32 = arith.constant 0 : i32
    %c0_i32_0 = arith.constant 0 : i32
    return %arg0, %c0_i32 : i32, i32
  }
}

</mosaic_0001>

<sc_bundles>
// kernel: kernel.11.cloned.1.call-start
scs
__scs_entry_jumppad:
0x0: {  	(pc) =	sbr.rel $0x88, $3  }
0x1: {  	(tag) =	ssettag $0x0;
	lr =	simm.s32 $0x1  }
0x2: {  	[smem:$0x3F9B] =	sst lr;
	_ =	strace $0xD0000000  }
0x3: {  	_ = 	snop  }
0x4: {  	_ = 	snop  }
0x5: {  	_ = 	snop  }
0x6: {  	_ = 	snop  }
0x7: {  	_ = 	snop  }
__scs_overlays_trampoline_lowered:
0x8: {  	[smem:$0x3FAA] =	sst s0  }
0x9: {  	[smem:$0x3FAB] =	sst s1  }
0xa: {  	[smem:$0x3FAC] =	sst s2  }
0xb: {  	[smem:$0x3FAD] =	sst s3  }
0xc: {  	[smem:$0x3FAE] =	sst s4  }
0xd: {  	[smem:$0x3FAF] =	sst s5  }
0xe: {  	[smem:$0x3FB0] =	sst s6  }
0xf: {  	[smem:$0x3FB1] =	sst s7  }
0x10: {  	[smem:$0x3FB2] =	sst s8  }
0x11: {  	[smem:$0x3FB3] =	sst s9;
	s0 =	simm.s32 @!p0 $0x0  }
0x12: {  	s1 =	sld [smem:$0x3F99];
	s0 =	simm.s32 @p0 $0x1  }
0x13: {  	[smem:$0x3FB4] =	sst s0;
	s0 =	simm.s32 @!p1 $0x0  }
0x14: {  	s2 =	sld [smem:$0x3F98];
	s0 =	simm.s32 @p1 $0x1  }
0x15: {  	[smem:$0x3FB5] =	sst s0;
	s0 =	simm.s32 @!p2 $0x0  }
0x16: {  	s3 =	sld [smem:$0x3FDB];
	s0 =	simm.s32 @p2 $0x1  }
0x17: {  	s4 =	simm.s32 $0x1BF5;
	[smem:$0x3FB7] =	sst s0  }
0x18: {  	s0 =	sld [smem:$0x3F9A];
	_ =	swait.ge [sflag:s4], $0x0  }
0x19: {  	s7 =	sld [smem:$0x3F9B]  }
0x1a: {  	s8 =	sadd.s32 $0xFFFFE003, lr  }
0x1b: {  	s9 =	sadd.s32 $0xFFFFFEF7, lr;
	s5 =	simm.s32 $0xFFFFFFFF;
	p2 =	slt.u32 s8, $0xFFFFF086  }
0x1c: {  	p1 =	slt.u32 s9, $0xF7A;
	s5 =	simm.s32 @!p2 $0x0  }
0x1d: {  	s5 =	simm.s32 @p1 $0x1;
	p0 =	seq.s32 s7, s2  }
0x1e: {  	s7 =	smul.u32 @!p0 $0xF7A, s2;
	p2 =	seq.s32 @!p0 s5, $0x0  }
0x1f: {  	s9 =	smul.u32 $0xF7A, s1;
	s8 =	simm.s32 @!p0 $0x1BF5;
	p2 =	por !p2, p0  }
0x20: {  	[sflag:s8] =	ssyncset.s32 @!p0 $0xFFFFF086;
	s6 =	sadd.s32 @!p0 s3, s7;
	s7 =	simm.s32 @!p0 $0x108  }
0x21: {  	s3 =	sadd.s32 s3, s9;
	s6 =	sadd.s32 @!p0 $0x88, s6;
	s7 =	simm.s32 @p2 $0x1082  }
0x22: {  	[simem:s7], [sflag:s8] =	dma.local @!p0 [hbm:s6], $0xF7A  }
0x23: {  	s9 =	sor.u32 $0xD0000000, s2;
	s6 =	simm.s32 $0x108;
	_ =	swait.ge @!p0 [sflag:s8], $0x0  }
0x24: {  	s3 =	sadd.s32 $0x88, s3;
	s6 =	simm.s32 @!p1 $0x1082;
	[sflag:s4] =	ssyncset.s32 $0xFFFFF086  }
0x25: {  	[simem:s6], [sflag:s4] =	dma.local [hbm:s3], $0xF7A  }
0x26: {  	[smem:$0x3F9B] =	sst s1;
	(tag) =	ssettag s2;
	_ =	strace s9  }
0x27: {  	s1 =	sld [smem:$0x3FAB]  }
0x28: {  	s2 =	sld [smem:$0x3FAC]  }
0x29: {  	s4 =	sld [smem:$0x3FAE]  }
0x2a: {  	p0 =	seq.s32 s5, $0x0;
	s5 =	sld [smem:$0x3FAF]  }
0x2b: {  	s6 =	sld [smem:$0x3FB0]  }
0x2c: {  	s7 =	sld [smem:$0x3FB1]  }
0x2d: {  	s3 =	simm.s32 $0x108;
	s8 =	sld [smem:$0x3FB2]  }
0x2e: {  	s3 =	simm.s32 @!p0 $0x1082;
	s9 =	sld [smem:$0x3FB3]  }
0x2f: {  	lr =	sadd.s32 s0, s3;
	s0 =	sld [smem:$0x3FAA]  }
0x30: {  	s3 =	sld [smem:$0x3FAD]  }
0x31: {  	[smem:$0x3FB6] =	sst s10  }
0x32: {  	s10 =	sld [smem:$0x3FB4];
	_ =	sdelay $0x3  }
0x33: {  	p0 =	seq.s32 s10, $0x1;
	s10 =	sld [smem:$0x3FB6];
	_ =	sdelay $0x3  }
0x34: {  	[smem:$0x3FB6] =	sst s10  }
0x35: {  	s10 =	sld [smem:$0x3FB5];
	_ =	sdelay $0x3  }
0x36: {  	p1 =	seq.s32 s10, $0x1;
	s10 =	sld [smem:$0x3FB6];
	_ =	sdelay $0x3  }
0x37: {  	[smem:$0x3FB6] =	sst s10  }
0x38: {  	s10 =	sld [smem:$0x3FB7]  }
0x39: {  	_ = 	snop;
	(pc) =	sbr.ind lr, $3  }
0x3a: {  	_ = 	snop  }
0x3b: {  	_ = 	snop  }
0x3c: {  	p2 =	seq.s32 s10, $0x1;
	s10 =	sld [smem:$0x3FB6]  }
0x3d: {  	_ =	shalt  }
0x3e: {  	_ =	shalt  }
0x3f: {  	_ =	shalt  }
0x40: {  	_ =	shalt  }
0x41: {  	_ =	shalt  }
0x42: {  	_ =	shalt  }
0x43: {  	_ =	shalt  }
0x44: {  	_ =	shalt  }
0x45: {  	_ =	shalt  }
0x46: {  	_ =	shalt  }
0x47: {  	_ =	shalt  }
0x48: {  	_ =	shalt  }
0x49: {  	_ =	shalt  }
0x4a: {  	_ =	shalt  }
0x4b: {  	_ =	shalt  }
0x4c: {  	_ =	shalt  }
0x4d: {  	_ =	shalt  }
0x4e: {  	_ =	shalt  }
0x4f: {  	_ =	shalt  }
0x50: {  	_ =	shalt  }
0x51: {  	_ =	shalt  }
0x52: {  	_ =	shalt  }
0x53: {  	_ =	shalt  }
0x54: {  	_ =	shalt  }
0x55: {  	_ =	shalt  }
0x56: {  	_ =	shalt  }
0x57: {  	_ =	shalt  }
0x58: {  	_ =	shalt  }
0x59: {  	_ =	shalt  }
0x5a: {  	_ =	shalt  }
0x5b: {  	_ =	shalt  }
0x5c: {  	_ =	shalt  }
0x5d: {  	_ =	shalt  }
0x5e: {  	_ =	shalt  }
0x5f: {  	_ =	shalt  }
0x60: {  	_ =	shalt  }
0x61: {  	_ =	shalt  }
0x62: {  	_ =	shalt  }
0x63: {  	_ =	shalt  }
0x64: {  	_ =	shalt  }
0x65: {  	_ =	shalt  }
0x66: {  	_ =	shalt  }
0x67: {  	_ =	shalt  }
0x68: {  	_ =	shalt  }
0x69: {  	_ =	shalt  }
0x6a: {  	_ =	shalt  }
0x6b: {  	_ =	shalt  }
0x6c: {  	_ =	shalt  }
0x6d: {  	_ =	shalt  }
0x6e: {  	_ =	shalt  }
0x6f: {  	_ =	shalt  }
0x70: {  	_ =	shalt  }
0x71: {  	_ =	shalt  }
0x72: {  	_ =	shalt  }
0x73: {  	_ =	shalt  }
0x74: {  	_ =	shalt  }
0x75: {  	_ =	shalt  }
0x76: {  	_ =	shalt  }
0x77: {  	_ =	shalt  }
0x78: {  	_ =	shalt  }
0x79: {  	_ =	shalt  }
0x7a: {  	_ =	shalt  }
0x7b: {  	_ =	shalt  }
0x7c: {  	_ =	shalt  }
0x7d: {  	_ =	shalt  }
0x7e: {  	_ =	shalt  }
0x7f: {  	_ =	shalt  }
0x80: {  	_ =	shalt  }
0x81: {  	_ =	shalt  }
0x82: {  	_ =	shalt  }
0x83: {  	_ =	shalt  }
0x84: {  	_ =	shalt  }
0x85: {  	_ =	shalt  }
0x86: {  	_ =	shalt  }
0x87: {  	_ =	shalt  }
.Lfunc_end0:
.L_simem_size_0:
called_computation.1_lowered:
.L_overlay_start_0:
0x88: {  	s2 =	sld [smem:$0x3FD9]  }
0x89: {  	s3 =	sld [smem:$0x3FFE];
	_ =	sdelay $0x1  }
0x8a: {  	s1 =	srdreg.scid  }
0x8b: {  	s0 =	sand.u32 $0x1, s1  }
0x8c: {  	s16 =	sshll.u32 s0, $0xA;
	s2 =	sadd.s32 s3, s2  }
0x8d: {  	s2 =	sadd.s32 s2, s16  }
0x8e: {  	[smem:$0x3FC2] =	sst s2  }
0x8f: {  	_ = 	snop  }
0x90: {  	(tm) =	ssettm $0x1  }
0x91: {  	s17 =	sld [smem:$0x3FFB];
	_ =	sdelay $0x3  }
0x92: {  	_ =	strace s17  }
0x93: {  	s2 =	sld [smem:$0x3FFC];
	_ =	sdelay $0x3  }
0x94: {  	_ =	strace s2  }
0x95: {  	s2 =	sld [smem:$0x3FFD];
	_ =	sdelay $0x3  }
0x96: {  	_ =	strace s2  }
0x97: {  	_ =	strace $0x8FFFFFFF  }
0x98: {  	s18 =	sld [smem:$0x3FDB];
	_ =	sdelay $0x1  }
0x99: {  	s19 =	simm.s32 $_scs_section_size  }
0x9a: {  	s4 =	simm.s32 $_size__tile_overlayer_lowered;
	s5 =	simm.s32 $_tile_overlayer_lowered  }
0x9b: {  	s22 =	simm.s32 $0x1BFF;
	s21 =	sshll.u32 s5, $0x1;
	s2 =	sadd.s32 s19, s18  }
0x9c: {  	s6 =	simm.s32 $0x0;
	s20 =	sshll.u32 s4, $0x1;
	s4 =	sadd.s32 s21, s2  }
0x9d: {  	[timem:s6], [sflag:s22] =	dma.local [hbm:s4], s20  }
0x9e: {  	_ =	swait.ge [sflag:s22], s20  }
0x9f: {  	s3 =	ssub.s32 $0x0, s20;
	[sflag:s22] =	ssyncset.done $0x0  }
0xa0: {  	[sflag:s22] =	ssyncadd.s32 s3;
	_ =	sdelay $0x1  }
0xa1: {  	s23 =	simm.s32 $0x1B8B  }
0xa2: {  	_ =	swait.ge [sflag:s23], $0x1  }
0xa3: {  	[sflag:s23] =	ssyncset.done $0x0  }
0xa4: {  	s25 =	simm.s32 $0x1B8E;
	s24 =	sld [smem:$0x3FFE];
	[sflag:s23] =	ssyncadd.s32 $0xFFFFFFFF  }
0xa5: {  	s26 =	simm.s32 $execute0_lowered;
	[smem:$0x3FD2] =	sst s25  }
0xa6: {  	s4 =	sshll.u32 s26, $0x1;
	_ =	strace $0x80000049;
	[dreg:$0x1] =	wrdreg $0xFFFFFFFF  }
0xa7: {  	s28 =	simm.s32 $_size_execute0_lowered;
	s2 =	sadd.s32 s2, s4;
	[dreg:$0x0] =	wrdreg $0x0  }
0xa8: {  	s4 =	sshll.u32 s28, $0x1;
	[dreg:$0x2] =	wrdreg s2  }
0xa9: {  	[dreg:$0x3] =	wrdreg s4  }
0xaa: {  	[dreg:$0x4] =	wrdreg $0xC0  }
0xab: {  	_ =	task [dreg:s6], $0x5FFFF  }
0xac: {  	[dreg:$0x1] =	wrdreg $0xFFFFFFFF  }
0xad: {  	[dreg:$0x0] =	wrdreg $0x60  }
0xae: {  	[dreg:$0x2] =	wrdreg s24  }
0xaf: {  	[dreg:$0x3] =	wrdreg $0x0  }
0xb0: {  	[dreg:$0x4] =	wrdreg $0x9  }
0xb1: {  	_ =	task.clear_ibuf [dreg:s6], $0x5FFFF;
	_ =	strace $0x90000049  }
0xb2: {  	s29 =	simm.s32 $0x9;
	_ =	strace $0x8000004B  }
0xb3: {  	_ =	swait.ge [sflag:s29], $0x1  }
0xb4: {  	[sflag:s29] =	ssyncadd.s32 $0xFFFFFFFF  }
0xb5: {  	_ =	strace $0x9000004B  }
0xb6: {  	_ =	sfence  }
0xb7: {  	s30 =	sld [smem:$0x0];
	_ =	sdelay $0x2  }
0xb8: {  	s31 =	sshll.u32 s1, $0xD;
	s1 =	sshrl.u32 s1, $0x2  }
0xb9: {  	s3 =	sand.u32 $0x4000, s31;
	s1 =	sadd.s32 s1, s30  }
0xba: {  	s0 =	sor.u32 s3, s0;
	s1 =	sshll.u32 s1, $0x11  }
0xbb: {  	s0 =	sor.u32 s1, s0  }
0xbc: {  	s0 =	sadd.s32 $0x8F2B, s0  }
0xbd: {  	[sflag:s0] =	ssyncadd.remote.s32 $0x1  }
0xbe: {  	_ =	sfence.sel $0xFFFF  }
0xbf: {  	[dreg:$0x0] =	wrdreg $0xFFFFFFFF;
	(pc) =	sbr.abs _section_cstart, $3  }
0xc0: {  	[dreg:$0x1] =	wrdreg $0xFFFFFFFF  }
0xc1: {  	_ =	task.clear_ibuf [dreg:s6], $0x2FFFF;
	_ =	strace $0x9FFFFFFF  }
0xc2: {  	(tm) =	ssettm $0x7FFFFFFF  }
0xc3: {  	_ =	shalt  }
tec
execute0_lowered:
.L_overlay_start_1:
0x0: {  	(tag) =	ssettag $0x1  }
0x1: {  	s0 =	rddreg [dreg:$0x0]  }
0x2: {  	s1 =	rddreg [dreg:$0x1]  }
0x3: {  	s3 =	simm.s32 $0x0;
	s2 =	srdreg.scid;
	s12 =	stileid.u32  }
0x4: {  	s16 =	simm.s32 $0x9;
	s17 =	simm.s32 $0x14000;
	s18 =	simm.s32 $0x14200  }
0x5: {  	s19 =	simm.s32 $0x14100;
	s20 =	simm.s32 $0x14300;
	s28 =	simm.s32 $0x19400  }
0x6: {  	s29 =	simm.s32 $0x14180;
	s30 =	simm.s32 $0x1BC00;
	s5 =	smul.u32 $0x280, s12  }
0x7: {  	s31 =	simm.s32 $0x7;
	[smem:$0x7FF] =	sst s3;
	s9 =	smul.u32 $0x50000, s12  }
0x8: {  	s2 =	sand.u32 $0x1, s2;
	s4 =	sadd.s32 $0x1A00, s0;
	s11 =	smul.u32 $0x7D00, s12  }
0x9: {  	s7 =	sadd.s32 $0x6E400, s0;
	s8 =	sadd.s32 $0x5EA00, s0;
	s25 =	smul.u32 $0xFA0, s12  }
0xa: {  	s21 =	sshll.u32 s12, $0x6;
	s12 =	simm.s32 $0x0;
	s6 =	smul.u32 $0x2800, s2  }
0xb: {  	_ =	strace $0x8000004A;
	s2 =	ssub.s32 $0x2, s2;
	s15 =	sor.u32 $0x1C09, s21  }
0xc: {  	s21 =	simm.s32 $0x5;
	s10 =	sshrl.u32 s2, $0x1;
	s9 =	sshrl.u32 s9, $0x2  }
0xd: {  	s11 =	sshrl.u32 s11, $0x3;
	s13 =	sadd.s32 s25, s8;
	s14 =	sadd.s32 s25, s7  }
0xe: {  	s25 =	simm.s32 $0x16C00;
	[dreg:$0x4] =	wrdreg s15;
	s5 =	sadd.s32 s5, s6  }
0xf: {  	s2 =	ssub.s32 s2, s10;
	s9 =	sadd.s32 s9, s1;
	s22 =	sadd.s32 s7, s11  }
0x10: {  	s23 =	sadd.s32 s8, s11;
	s24 =	sadd.s32 $0x20, s11;
	[dreg:$0x5] =	wrdreg s22  }
0x11: {  	s10 =	simm.s32 $0x14380;
	s5 =	sshll.u32 s5, $0x4;
	[dreg:$0x6] =	wrdreg s23  }
0x12: {  	s11 =	sadd.s32 s7, s24;
	s26 =	smax.u32 s2, $0x1;
	s22 =	simm.s32 $0x50  }
0x13: {  	s23 =	simm.s32 $0x14400;
	s2 =	simm.s32 $0x2;
	s7 =	simm.s32 $0x8  }
0x14: {  	s0 =	sadd.s32 s5, s0;
	s5 =	sadd.s32 s4, s5;
	[dreg:$0x7] =	wrdreg s11  }
.Ltmp0:
0x15: {  	[dreg:$0xa] =	wrdreg s26;
	s11 =	sshrl.u32 s9, $0x3;
	(pc) =	sbr.rel .LBB2_1-.Ltmp0, $4  }
0x16: {  	s26 =	simm.s32 $0x6;
	s9 =	simm.s32 $0x4;
	[dreg:$0x3] =	wrdreg s5  }
0x17: {  	s5 =	sadd.s32 s8, s24;
	s0 =	sadd.s32 $0x7DE00, s0;
	[dreg:$0xb] =	wrdreg s11  }
0x18: {  	s24 =	simm.s32 $0x14080;
	s8 =	simm.s32 $0x3;
	[dreg:$0x8] =	wrdreg s5  }
0x19: {  	v0 =	vmov s6;
	[dreg:$0x9] =	wrdreg s0;
	s0 =	simm.s32 $0x1;
	s5 =	simm.s32 $0x14280  }
.LBB2_4:
0x1a: {  	[spmem:s1] =	stream.indirect.scatter.add.f32 [tilespmem:s30], [sflag:$0x9], $0x80, s10, s22, $0xb8;
	[tilespmem:$0x1E400] =	vst v63  }
0x1b: {  	_ =	swait.ge [sflag:s16], $0x2800  }
0x1c: {  	[sflag:s16] =	ssyncset.done $0x0  }
0x1d: {  	[sflag:s16] =	ssyncadd.s32 $0xFFFFD800  }
0x1e: {  	_ =	swait.ge [sflag:s31], $0x100  }
0x1f: {  	[sflag:s31] =	ssyncset.done $0x0  }
0x20: {  	[sflag:s31] =	ssyncadd.s32 $0xFFFFFF00  }
0x21: {  	_ =	swait.ge [sflag:s0], $0x2800  }
0x22: {  	[sflag:s0] =	ssyncset.done $0x0  }
0x23: {  	[sflag:s0] =	ssyncadd.s32 $0xFFFFD800  }
0x24: {  	[spmem:s1] =	stream.indirect.scatter.add.f32 [tilespmem:s23], [sflag:$0x9], $0x80, s18, s22, $0xb8;
	[tilespmem:$0x1E400] =	vst v63  }
0x25: {  	_ =	swait.ge [sflag:s16], $0x2800  }
0x26: {  	[sflag:s16] =	ssyncset.done $0x0  }
0x27: {  	[sflag:s16] =	ssyncadd.s32 $0xFFFFD800  }
0x28: {  	_ =	swait.ge [sflag:s2], $0x2800  }
0x29: {  	[sflag:s2] =	ssyncset.done $0x0  }
0x2a: {  	[sflag:s2] =	ssyncadd.s32 $0xFFFFD800  }
0x2b: {  	[spmem:s1] =	stream.indirect.scatter.add.f32 [tilespmem:s25], [sflag:$0x9], $0x80, s5, s22, $0xb8;
	[tilespmem:$0x1E400] =	vst v63  }
0x2c: {  	_ =	swait.ge [sflag:s16], $0x2800  }
0x2d: {  	[sflag:s16] =	ssyncset.done $0x0  }
0x2e: {  	[sflag:s16] =	ssyncadd.s32 $0xFFFFD800  }
0x2f: {  	[bflag:$0x0] =	sbarrier.arrive $0xFFFF  }
0x30: {  	s15 =	rddreg [dreg:$0x4]  }
0x31: {  	s6 =	rddreg [dreg:$0x9]  }
0x32: {  	s11 =	rddreg [dreg:$0xb]  }
0x33: {  	[hbm:s6], [sflag:s15] =	dma.local [spmem:s11], $0x2800  }
0x34: {  	_ =	swait.ge [sflag:s16], $0x2800  }
0x35: {  	s12 =	rddreg [dreg:$0xc]  }
0x36: {  	s6 =	rddreg [dreg:$0xa];
	s12 =	sadd.s32 $0x1, s12  }
0x37: {  	p0 =	sne.s32 s12, s6  }
.Ltmp1:
0x38: {  	_ = 	snop;
	(pc) =	sbr.rel @!p0 .LBB2_5-.Ltmp1, $3  }
0x39: {  	_ =	sdelay $0x1  }
0x3a: {  	[sflag:s16] =	ssyncset.done $0x0  }
0x3b: {  	[sflag:s16] =	ssyncadd.s32 $0xFFFFD800  }
.LBB2_1:
0x3c: {  	[dreg:$0xc] =	wrdreg s12  }
0x3d: {  	s6 =	rddreg [dreg:$0x3]  }
0x3e: {  	[spmem:s11], [sflag:s15] =	dma.local [hbm:s6], $0x2800  }
0x3f: {  	_ =	swait.ge [sflag:s16], $0x2800  }
0x40: {  	[sflag:s16] =	ssyncset.done $0x0  }
0x41: {  	s15 =	rddreg [dreg:$0x5];
	[sflag:s16] =	ssyncadd.s32 $0xFFFFD800  }
0x42: {  	[tilespmem:s17], [sflag:$0x5] =	stream.linear.gather [hbm4b:s15+s3], $0x100, $0x38;
	[tilespmem:$0x1E400] =	vst v63  }
0x43: {  	s11 =	rddreg [dreg:$0x6]  }
0x44: {  	[tilespmem:s18], [sflag:$0x7] =	stream.linear.gather [hbm4b:s11+s3], $0x100, $0x38;
	[tilespmem:$0x1E400] =	vst v63  }
0x45: {  	s12 =	rddreg [dreg:$0x7]  }
0x46: {  	[tilespmem:s19], [sflag:$0x6] =	stream.linear.gather [hbm4b:s12+s3], $0x100, $0x38;
	[tilespmem:$0x1E400] =	vst v63  }
0x47: {  	s15 =	rddreg [dreg:$0x8]  }
0x48: {  	[tilespmem:s20], [sflag:$0x8] =	stream.linear.gather [hbm4b:s15+s3], $0x100, $0x38;
	[tilespmem:$0x1E400] =	vst v63  }
0x49: {  	_ =	swait.ge [sflag:s21], $0x100  }
0x4a: {  	[sflag:s21] =	ssyncset.done $0x0  }
0x4b: {  	[sflag:s21] =	ssyncadd.s32 $0xFFFFFF00  }
0x4c: {  	v1 =	vld [tilespmem:$0x14000]  }
0x4d: {  	v2 =	vld [tilespmem:$0x14010]  }
0x4e: {  	v3 =	vld [tilespmem:$0x14020]  }
0x4f: {  	v4 =	vld [tilespmem:$0x14030]  }
0x50: {  	v5 =	vld [tilespmem:$0x14040]  }
0x51: {  	v6 =	vld [tilespmem:$0x14080];
	v1 =	vadd.s32 v0, v1  }
0x52: {  	[tilespmem:$0x14000] =	vst v1;
	v1 =	vadd.s32 v0, v2;
	v2 =	vld [tilespmem:$0x14090]  }
0x53: {  	[tilespmem:$0x14010] =	vst v1;
	v1 =	vadd.s32 v0, v3;
	v3 =	vld [tilespmem:$0x140A0]  }
0x54: {  	v57 =	vld [tilespmem:$0x140B0];
	[tilespmem:$0x14020] =	vst v1;
	v1 =	vadd.s32 v0, v4  }
0x55: {  	v58 =	vld [tilespmem:$0x140C0];
	[tilespmem:$0x14030] =	vst v1;
	v1 =	vadd.s32 v0, v5  }
0x56: {  	[tilespmem:$0x14040] =	vst v1;
	v1 =	vadd.s32 v0, v6  }
0x57: {  	[tilespmem:$0x14080] =	vst v1;
	v1 =	vadd.s32 v0, v2  }
0x58: {  	[tilespmem:$0x14090] =	vst v1;
	v1 =	vadd.s32 v0, v3  }
0x59: {  	[tilespmem:$0x140A0] =	vst v1;
	v1 =	vadd.s32 v0, v57  }
0x5a: {  	[tilespmem:$0x140B0] =	vst v1;
	v1 =	vadd.s32 v0, v58  }
0x5b: {  	[tilespmem:$0x140C0] =	vst v1  }
0x5c: {  	[tilespmem:s23], [sflag:$0x1] =	stream.indirect.gather [hbm4b:s4+s22], $0x80, s17, s22, $0xb8;
	[tilespmem:$0x1E400] =	vst v63  }
0x5d: {  	_ = 	snop  }
0x5e: {  	[tilespmem:s25], [sflag:$0x2] =	stream.indirect.gather [hbm4b:s4+s22], $0x80, s24, s22, $0xb8;
	[tilespmem:$0x1E400] =	vst v63  }
0x5f: {  	_ =	swait.ge [sflag:s26], $0x100  }
0x60: {  	[sflag:s26] =	ssyncset.done $0x0  }
0x61: {  	[sflag:s26] =	ssyncadd.s32 $0xFFFFFF00  }
0x62: {  	v1 =	vld [tilespmem:$0x14100]  }
0x63: {  	v2 =	vld [tilespmem:$0x14110]  }
0x64: {  	v3 =	vld [tilespmem:$0x14120]  }
0x65: {  	v59 =	vld [tilespmem:$0x14130]  }
0x66: {  	v60 =	vld [tilespmem:$0x14140]  }
0x67: {  	v61 =	vld [tilespmem:$0x14180];
	v1 =	vadd.s32 v0, v1  }
0x68: {  	[tilespmem:$0x14100] =	vst v1;
	v1 =	vadd.s32 v0, v2;
	v2 =	vld [tilespmem:$0x14190]  }
0x69: {  	[tilespmem:$0x14110] =	vst v1;
	v1 =	vadd.s32 v0, v3;
	v3 =	vld [tilespmem:$0x141A0]  }
0x6a: {  	v62 =	vld [tilespmem:$0x141B0];
	[tilespmem:$0x14120] =	vst v1;
	v1 =	vadd.s32 v0, v59  }
0x6b: {  	v63 =	vld [tilespmem:$0x141C0];
	[tilespmem:$0x14130] =	vst v1;
	v1 =	vadd.s32 v0, v60  }
0x6c: {  	[tilespmem:$0x14140] =	vst v1;
	v1 =	vadd.s32 v0, v61  }
0x6d: {  	[tilespmem:$0x14180] =	vst v1;
	v1 =	vadd.s32 v0, v2  }
0x6e: {  	[tilespmem:$0x14190] =	vst v1;
	v1 =	vadd.s32 v0, v3  }
0x6f: {  	[tilespmem:$0x141A0] =	vst v1;
	v1 =	vadd.s32 v0, v62  }
0x70: {  	[tilespmem:$0x141B0] =	vst v1;
	v1 =	vadd.s32 v0, v63  }
0x71: {  	[tilespmem:$0x141C0] =	vst v1  }
0x72: {  	[tilespmem:s28], [sflag:$0x3] =	stream.indirect.gather [hbm4b:s4+s22], $0x80, s19, s22, $0xb8;
	[tilespmem:$0x1E400] =	vst v63  }
0x73: {  	_ = 	snop  }
0x74: {  	[tilespmem:s30], [sflag:$0x4] =	stream.indirect.gather [hbm4b:s4+s22], $0x80, s29, s22, $0xb8;
	[tilespmem:$0x1E400] =	vst v63  }
0x75: {  	s12 =	simm.s32 $0xFFFFF0C0;
	[bflag:$0x0] =	sbarrier.arrive $0xFFFF  }
.LBB2_2:
0x76: {  	_ =	swait.ge [sflag:s31], $0x100  }
0x77: {  	[sflag:s31] =	ssyncset.done $0x0  }
0x78: {  	[sflag:s31] =	ssyncadd.s32 $0xFFFFFF00  }
0x79: {  	_ =	swait.ge [sflag:s0], $0x2800  }
0x7a: {  	[sflag:s0] =	ssyncset.done $0x0  }
0x7b: {  	[sflag:s0] =	ssyncadd.s32 $0xFFFFD800  }
0x7c: {  	[spmem:s1] =	stream.indirect.scatter.add.f32 [tilespmem:s23], [sflag:$0x9], $0x80, s18, s22, $0xb8;
	[tilespmem:$0x1E400] =	vst v63  }
0x7d: {  	_ =	swait.ge [sflag:s16], $0x2800  }
0x7e: {  	[sflag:s16] =	ssyncset.done $0x0  }
0x7f: {  	[sflag:s16] =	ssyncadd.s32 $0xFFFFD800  }
0x80: {  	_ =	swait.ge [sflag:s2], $0x2800  }
0x81: {  	s6 =	sadd.s32 s12, s14;
	[sflag:s2] =	ssyncset.done $0x0  }
0x82: {  	s15 =	sadd.s32 $0xF80, s6;
	[sflag:s2] =	ssyncadd.s32 $0xFFFFD800  }
0x83: {  	[tilespmem:s17], [sflag:$0x5] =	stream.linear.gather [hbm4b:s15+s3], $0x100, $0x38;
	[tilespmem:$0x1E400] =	vst v63  }
0x84: {  	_ = 	snop  }
0x85: {  	[spmem:s1] =	stream.indirect.scatter.add.f32 [tilespmem:s25], [sflag:$0x9], $0x80, s5, s22, $0xb8;
	[tilespmem:$0x1E400] =	vst v63  }
0x86: {  	_ =	swait.ge [sflag:s16], $0x2800  }
0x87: {  	s15 =	sadd.s32 s12, s13;
	[sflag:s16] =	ssyncset.done $0x0  }
0x88: {  	s11 =	sadd.s32 $0xF80, s15;
	[sflag:s16] =	ssyncadd.s32 $0xFFFFD800  }
0x89: {  	[tilespmem:s18], [sflag:$0x7] =	stream.linear.gather [hbm4b:s11+s3], $0x100, $0x38;
	[tilespmem:$0x1E400] =	vst v63  }
0x8a: {  	_ =	swait.ge [sflag:s21], $0x100  }
0x8b: {  	[sflag:s21] =	ssyncset.done $0x0  }
0x8c: {  	[sflag:s21] =	ssyncadd.s32 $0xFFFFFF00  }
0x8d: {  	v1 =	vld [tilespmem:$0x14000]  }
0x8e: {  	v2 =	vld [tilespmem:$0x14010]  }
0x8f: {  	v3 =	vld [tilespmem:$0x14020]  }
0x90: {  	v4 =	vld [tilespmem:$0x14030]  }
0x91: {  	v5 =	vld [tilespmem:$0x14040]  }
0x92: {  	v6 =	vld [tilespmem:$0x14080];
	v1 =	vadd.s32 v0, v1  }
0x93: {  	[tilespmem:$0x14000] =	vst v1;
	v1 =	vadd.s32 v0, v2;
	v2 =	vld [tilespmem:$0x14090]  }
0x94: {  	[tilespmem:$0x14010] =	vst v1;
	v1 =	vadd.s32 v0, v3;
	v3 =	vld [tilespmem:$0x140A0]  }
0x95: {  	v62 =	vld [tilespmem:$0x140B0];
	[tilespmem:$0x14020] =	vst v1;
	v1 =	vadd.s32 v0, v4  }
0x96: {  	v63 =	vld [tilespmem:$0x140C0];
	[tilespmem:$0x14030] =	vst v1;
	v1 =	vadd.s32 v0, v5  }
0x97: {  	[tilespmem:$0x14040] =	vst v1;
	v1 =	vadd.s32 v0, v6  }
0x98: {  	[tilespmem:$0x14080] =	vst v1;
	v1 =	vadd.s32 v0, v2  }
0x99: {  	[tilespmem:$0x14090] =	vst v1;
	v1 =	vadd.s32 v0, v3  }
0x9a: {  	[tilespmem:$0x140A0] =	vst v1;
	v1 =	vadd.s32 v0, v62  }
0x9b: {  	[tilespmem:$0x140B0] =	vst v1;
	v1 =	vadd.s32 v0, v63  }
0x9c: {  	[tilespmem:$0x140C0] =	vst v1  }
0x9d: {  	[tilespmem:s23], [sflag:$0x1] =	stream.indirect.gather [hbm4b:s4+s22], $0x80, s17, s22, $0xb8;
	[tilespmem:$0x1E400] =	vst v63  }
0x9e: {  	_ = 	snop  }
0x9f: {  	[tilespmem:s25], [sflag:$0x2] =	stream.indirect.gather [hbm4b:s4+s22], $0x80, s24, s22, $0xb8;
	[tilespmem:$0x1E400] =	vst v63  }
0xa0: {  	_ =	swait.ge [sflag:s7], $0x100  }
0xa1: {  	[sflag:s7] =	ssyncset.done $0x0  }
0xa2: {  	[sflag:s7] =	ssyncadd.s32 $0xFFFFFF00  }
0xa3: {  	_ =	swait.ge [sflag:s8], $0x2800  }
0xa4: {  	[sflag:s8] =	ssyncset.done $0x0  }
0xa5: {  	[sflag:s8] =	ssyncadd.s32 $0xFFFFD800  }
0xa6: {  	[spmem:s1] =	stream.indirect.scatter.add.f32 [tilespmem:s28], [sflag:$0x9], $0x80, s20, s22, $0xb8;
	[tilespmem:$0x1E400] =	vst v63  }
0xa7: {  	p0 =	seq.s32 s12, $0x0;
	_ =	swait.ge [sflag:s16], $0x2800  }
.Ltmp2:
0xa8: {  	[sflag:s16] =	ssyncset.done $0x0;
	(pc) =	sbr.rel @p0 .LBB2_4-.Ltmp2, $4  }
0xa9: {  	[sflag:s16] =	ssyncadd.s32 $0xFFFFD800  }
0xaa: {  	_ =	swait.ge [sflag:s9], $0x2800  }
0xab: {  	[sflag:s9] =	ssyncset.done $0x0  }
0xac: {  	[sflag:s9] =	ssyncadd.s32 $0xFFFFD800  }
0xad: {  	s6 =	sadd.s32 $0xFA0, s6  }
0xae: {  	[tilespmem:s19], [sflag:$0x6] =	stream.linear.gather [hbm4b:s6+s3], $0x100, $0x38;
	[tilespmem:$0x1E400] =	vst v63  }
0xaf: {  	_ = 	snop  }
0xb0: {  	[spmem:s1] =	stream.indirect.scatter.add.f32 [tilespmem:s30], [sflag:$0x9], $0x80, s10, s22, $0xb8;
	[tilespmem:$0x1E400] =	vst v63  }
0xb1: {  	_ =	swait.ge [sflag:s16], $0x2800  }
0xb2: {  	[sflag:s16] =	ssyncset.done $0x0  }
0xb3: {  	s15 =	sadd.s32 $0xFA0, s15;
	[sflag:s16] =	ssyncadd.s32 $0xFFFFD800  }
0xb4: {  	[tilespmem:s20], [sflag:$0x8] =	stream.linear.gather [hbm4b:s15+s3], $0x100, $0x38;
	[tilespmem:$0x1E400] =	vst v63  }
0xb5: {  	_ =	swait.ge [sflag:s26], $0x100  }
0xb6: {  	[sflag:s26] =	ssyncset.done $0x0  }
0xb7: {  	[sflag:s26] =	ssyncadd.s32 $0xFFFFFF00  }
0xb8: {  	v1 =	vld [tilespmem:$0x14100]  }
0xb9: {  	v2 =	vld [tilespmem:$0x14110]  }
0xba: {  	v3 =	vld [tilespmem:$0x14120]  }
0xbb: {  	v4 =	vld [tilespmem:$0x14130]  }
0xbc: {  	v5 =	vld [tilespmem:$0x14140]  }
0xbd: {  	v6 =	vld [tilespmem:$0x14180];
	v1 =	vadd.s32 v0, v1  }
0xbe: {  	[tilespmem:$0x14100] =	vst v1;
	v1 =	vadd.s32 v0, v2;
	v2 =	vld [tilespmem:$0x14190]  }
0xbf: {  	[tilespmem:$0x14110] =	vst v1;
	v1 =	vadd.s32 v0, v3;
	v3 =	vld [tilespmem:$0x141A0]  }
0xc0: {  	v62 =	vld [tilespmem:$0x141B0];
	[tilespmem:$0x14120] =	vst v1;
	v1 =	vadd.s32 v0, v4  }
0xc1: {  	v63 =	vld [tilespmem:$0x141C0];
	[tilespmem:$0x14130] =	vst v1;
	v1 =	vadd.s32 v0, v5  }
0xc2: {  	[tilespmem:$0x14140] =	vst v1;
	v1 =	vadd.s32 v0, v6  }
0xc3: {  	[tilespmem:$0x14180] =	vst v1;
	v1 =	vadd.s32 v0, v2  }
0xc4: {  	[tilespmem:$0x14190] =	vst v1;
	v1 =	vadd.s32 v0, v3  }
0xc5: {  	[tilespmem:$0x141A0] =	vst v1;
	v1 =	vadd.s32 v0, v62  }
.Ltmp3:
0xc6: {  	[tilespmem:$0x141B0] =	vst v1;
	v1 =	vadd.s32 v0, v63;
	(pc) =	sbr.rel .LBB2_2-.Ltmp3, $4  }
0xc7: {  	[tilespmem:$0x141C0] =	vst v1  }
0xc8: {  	[tilespmem:s28], [sflag:$0x3] =	stream.indirect.gather [hbm4b:s4+s22], $0x80, s19, s22, $0xb8;
	[tilespmem:$0x1E400] =	vst v63  }
0xc9: {  	s12 =	sadd.s32 $0x40, s12  }
0xca: {  	[tilespmem:s30], [sflag:$0x4] =	stream.indirect.gather [hbm4b:s4+s22], $0x80, s29, s22, $0xb8;
	[tilespmem:$0x1E400] =	vst v63  }
.LBB2_5:
0xcb: {  	_ =	sfence.sel $0x180000  }
0xcc: {  	[bflag:$0x0] =	sbarrier.arrive $0xFFFF  }
0xcd: {  	_ =	strace $0x9000004A  }
0xce: {  	s0 =	stileid.u32;
	[bflag:$0x2] =	sbarrier.arrive $0xFFFF  }
0xcf: {  	p0 =	sne.s32 s0, $0x0;
	s0 =	rddreg [dreg:$0x2]  }
0xd0: {  	s0 =	sadd.s32 @!p0 $0x100000, s0  }
0xd1: {  	[sflag:s0] =	ssyncadd.tile.s32 @!p0 $0x1;
	_ =	shalt  }
.Lfunc_end2:
_tile_overlayer_lowered:
.L_overlay_start_2:
0xd2: {  	(tag) =	ssettag $0x2  }
0xd3: {  	s0 =	rddreg [dreg:$0x0];
	s2 =	stileid.u32  }
0xd4: {  	s1 =	rddreg [dreg:$0x1];
	p0 =	sne.s32 s2, $0x0  }
0xd5: {  	s3 =	rddreg [dreg:$0x2];
	[bflag:$0x3] =	sbarrier.arrive $0xFFFF;
	s2 =	simm.s32 @!p0 $0x1C09  }
0xd6: {  	[timem:s3], [sflag:s2] =	dma.local @!p0 [hbm:s0], s1  }
0xd7: {  	s0 =	simm.s32 @!p0 $0x9  }
0xd8: {  	_ =	swait.ge @!p0 [sflag:s0], s1  }
0xd9: {  	s1 =	ssub.s32 @!p0 $0x0, s1;
	[sflag:s0] =	ssyncset.done @!p0 $0x0  }
0xda: {  	[sflag:s0] =	ssyncadd.s32 @!p0 s1  }
0xdb: {  	[bflag:$0x3] =	sbarrier.arrive $0xFFFF  }
0xdc: {  	_ =	shalt  }

// kernel: kernel.14.cloned.1.call-start
scs
__scs_entry_jumppad:
0x0: {  	(pc) =	sbr.rel $0x88, $3  }
0x1: {  	(tag) =	ssettag $0x0;
	lr =	simm.s32 $0x1  }
0x2: {  	[smem:$0x3F9B] =	sst lr;
	_ =	strace $0xD0000000  }
0x3: {  	_ = 	snop  }
0x4: {  	_ = 	snop  }
0x5: {  	_ = 	snop  }
0x6: {  	_ = 	snop  }
0x7: {  	_ = 	snop  }
__scs_overlays_trampoline_lowered:
0x8: {  	[smem:$0x3FAA] =	sst s0  }
0x9: {  	[smem:$0x3FAB] =	sst s1  }
0xa: {  	[smem:$0x3FAC] =	sst s2  }
0xb: {  	[smem:$0x3FAD] =	sst s3  }
0xc: {  	[smem:$0x3FAE] =	sst s4  }
0xd: {  	[smem:$0x3FAF] =	sst s5  }
0xe: {  	[smem:$0x3FB0] =	sst s6  }
0xf: {  	[smem:$0x3FB1] =	sst s7  }
0x10: {  	[smem:$0x3FB2] =	sst s8  }
0x11: {  	[smem:$0x3FB3] =	sst s9;
	s0 =	simm.s32 @!p0 $0x0  }
0x12: {  	s1 =	sld [smem:$0x3F99];
	s0 =	simm.s32 @p0 $0x1  }
0x13: {  	[smem:$0x3FB4] =	sst s0;
	s0 =	simm.s32 @!p1 $0x0  }
0x14: {  	s2 =	sld [smem:$0x3F98];
	s0 =	simm.s32 @p1 $0x1  }
0x15: {  	[smem:$0x3FB5] =	sst s0;
	s0 =	simm.s32 @!p2 $0x0  }
0x16: {  	s3 =	sld [smem:$0x3FDB];
	s0 =	simm.s32 @p2 $0x1  }
0x17: {  	s4 =	simm.s32 $0x1BF5;
	[smem:$0x3FB7] =	sst s0  }
0x18: {  	s0 =	sld [smem:$0x3F9A];
	_ =	swait.ge [sflag:s4], $0x0  }
0x19: {  	s7 =	sld [smem:$0x3F9B]  }
0x1a: {  	s8 =	sadd.s32 $0xFFFFE003, lr  }
0x1b: {  	s9 =	sadd.s32 $0xFFFFFEF7, lr;
	s5 =	simm.s32 $0xFFFFFFFF;
	p2 =	slt.u32 s8, $0xFFFFF086  }
0x1c: {  	p1 =	slt.u32 s9, $0xF7A;
	s5 =	simm.s32 @!p2 $0x0  }
0x1d: {  	s5 =	simm.s32 @p1 $0x1;
	p0 =	seq.s32 s7, s2  }
0x1e: {  	s7 =	smul.u32 @!p0 $0xF7A, s2;
	p2 =	seq.s32 @!p0 s5, $0x0  }
0x1f: {  	s9 =	smul.u32 $0xF7A, s1;
	s8 =	simm.s32 @!p0 $0x1BF5;
	p2 =	por !p2, p0  }
0x20: {  	[sflag:s8] =	ssyncset.s32 @!p0 $0xFFFFF086;
	s6 =	sadd.s32 @!p0 s3, s7;
	s7 =	simm.s32 @!p0 $0x108  }
0x21: {  	s3 =	sadd.s32 s3, s9;
	s6 =	sadd.s32 @!p0 $0x88, s6;
	s7 =	simm.s32 @p2 $0x1082  }
0x22: {  	[simem:s7], [sflag:s8] =	dma.local @!p0 [hbm:s6], $0xF7A  }
0x23: {  	s9 =	sor.u32 $0xD0000000, s2;
	s6 =	simm.s32 $0x108;
	_ =	swait.ge @!p0 [sflag:s8], $0x0  }
0x24: {  	s3 =	sadd.s32 $0x88, s3;
	s6 =	simm.s32 @!p1 $0x1082;
	[sflag:s4] =	ssyncset.s32 $0xFFFFF086  }
0x25: {  	[simem:s6], [sflag:s4] =	dma.local [hbm:s3], $0xF7A  }
0x26: {  	[smem:$0x3F9B] =	sst s1;
	(tag) =	ssettag s2;
	_ =	strace s9  }
0x27: {  	s1 =	sld [smem:$0x3FAB]  }
0x28: {  	s2 =	sld [smem:$0x3FAC]  }
0x29: {  	s4 =	sld [smem:$0x3FAE]  }
0x2a: {  	p0 =	seq.s32 s5, $0x0;
	s5 =	sld [smem:$0x3FAF]  }
0x2b: {  	s6 =	sld [smem:$0x3FB0]  }
0x2c: {  	s7 =	sld [smem:$0x3FB1]  }
0x2d: {  	s3 =	simm.s32 $0x108;
	s8 =	sld [smem:$0x3FB2]  }
0x2e: {  	s3 =	simm.s32 @!p0 $0x1082;
	s9 =	sld [smem:$0x3FB3]  }
0x2f: {  	lr =	sadd.s32 s0, s3;
	s0 =	sld [smem:$0x3FAA]  }
0x30: {  	s3 =	sld [smem:$0x3FAD]  }
0x31: {  	[smem:$0x3FB6] =	sst s10  }
0x32: {  	s10 =	sld [smem:$0x3FB4];
	_ =	sdelay $0x3  }
0x33: {  	p0 =	seq.s32 s10, $0x1;
	s10 =	sld [smem:$0x3FB6];
	_ =	sdelay $0x3  }
0x34: {  	[smem:$0x3FB6] =	sst s10  }
0x35: {  	s10 =	sld [smem:$0x3FB5];
	_ =	sdelay $0x3  }
0x36: {  	p1 =	seq.s32 s10, $0x1;
	s10 =	sld [smem:$0x3FB6];
	_ =	sdelay $0x3  }
0x37: {  	[smem:$0x3FB6] =	sst s10  }
0x38: {  	s10 =	sld [smem:$0x3FB7]  }
0x39: {  	_ = 	snop;
	(pc) =	sbr.ind lr, $3  }
0x3a: {  	_ = 	snop  }
0x3b: {  	_ = 	snop  }
0x3c: {  	p2 =	seq.s32 s10, $0x1;
	s10 =	sld [smem:$0x3FB6]  }
0x3d: {  	_ =	shalt  }
0x3e: {  	_ =	shalt  }
0x3f: {  	_ =	shalt  }
0x40: {  	_ =	shalt  }
0x41: {  	_ =	shalt  }
0x42: {  	_ =	shalt  }
0x43: {  	_ =	shalt  }
0x44: {  	_ =	shalt  }
0x45: {  	_ =	shalt  }
0x46: {  	_ =	shalt  }
0x47: {  	_ =	shalt  }
0x48: {  	_ =	shalt  }
0x49: {  	_ =	shalt  }
0x4a: {  	_ =	shalt  }
0x4b: {  	_ =	shalt  }
0x4c: {  	_ =	shalt  }
0x4d: {  	_ =	shalt  }
0x4e: {  	_ =	shalt  }
0x4f: {  	_ =	shalt  }
0x50: {  	_ =	shalt  }
0x51: {  	_ =	shalt  }
0x52: {  	_ =	shalt  }
0x53: {  	_ =	shalt  }
0x54: {  	_ =	shalt  }
0x55: {  	_ =	shalt  }
0x56: {  	_ =	shalt  }
0x57: {  	_ =	shalt  }
0x58: {  	_ =	shalt  }
0x59: {  	_ =	shalt  }
0x5a: {  	_ =	shalt  }
0x5b: {  	_ =	shalt  }
0x5c: {  	_ =	shalt  }
0x5d: {  	_ =	shalt  }
0x5e: {  	_ =	shalt  }
0x5f: {  	_ =	shalt  }
0x60: {  	_ =	shalt  }
0x61: {  	_ =	shalt  }
0x62: {  	_ =	shalt  }
0x63: {  	_ =	shalt  }
0x64: {  	_ =	shalt  }
0x65: {  	_ =	shalt  }
0x66: {  	_ =	shalt  }
0x67: {  	_ =	shalt  }
0x68: {  	_ =	shalt  }
0x69: {  	_ =	shalt  }
0x6a: {  	_ =	shalt  }
0x6b: {  	_ =	shalt  }
0x6c: {  	_ =	shalt  }
0x6d: {  	_ =	shalt  }
0x6e: {  	_ =	shalt  }
0x6f: {  	_ =	shalt  }
0x70: {  	_ =	shalt  }
0x71: {  	_ =	shalt  }
0x72: {  	_ =	shalt  }
0x73: {  	_ =	shalt  }
0x74: {  	_ =	shalt  }
0x75: {  	_ =	shalt  }
0x76: {  	_ =	shalt  }
0x77: {  	_ =	shalt  }
0x78: {  	_ =	shalt  }
0x79: {  	_ =	shalt  }
0x7a: {  	_ =	shalt  }
0x7b: {  	_ =	shalt  }
0x7c: {  	_ =	shalt  }
0x7d: {  	_ =	shalt  }
0x7e: {  	_ =	shalt  }
0x7f: {  	_ =	shalt  }
0x80: {  	_ =	shalt  }
0x81: {  	_ =	shalt  }
0x82: {  	_ =	shalt  }
0x83: {  	_ =	shalt  }
0x84: {  	_ =	shalt  }
0x85: {  	_ =	shalt  }
0x86: {  	_ =	shalt  }
0x87: {  	_ =	shalt  }
.Lfunc_end0:
.L_simem_size_0:
called_computation.2_lowered:
.L_overlay_start_0:
0x88: {  	s2 =	sld [smem:$0x3FD9]  }
0x89: {  	s3 =	sld [smem:$0x3FFE];
	_ =	sdelay $0x1  }
0x8a: {  	s1 =	srdreg.scid  }
0x8b: {  	s0 =	sand.u32 $0x1, s1  }
0x8c: {  	s16 =	sshll.u32 s0, $0xA;
	s2 =	sadd.s32 s3, s2  }
0x8d: {  	s2 =	sadd.s32 s2, s16  }
0x8e: {  	[smem:$0x3FC2] =	sst s2  }
0x8f: {  	_ = 	snop  }
0x90: {  	(tm) =	ssettm $0x1  }
0x91: {  	s17 =	sld [smem:$0x3FFB];
	_ =	sdelay $0x3  }
0x92: {  	_ =	strace s17  }
0x93: {  	s2 =	sld [smem:$0x3FFC];
	_ =	sdelay $0x3  }
0x94: {  	_ =	strace s2  }
0x95: {  	s2 =	sld [smem:$0x3FFD];
	_ =	sdelay $0x3  }
0x96: {  	_ =	strace s2  }
0x97: {  	_ =	strace $0x8FFFFFFF  }
0x98: {  	s18 =	sld [smem:$0x3FDB];
	_ =	sdelay $0x1  }
0x99: {  	s19 =	simm.s32 $_scs_section_size  }
0x9a: {  	s4 =	simm.s32 $_size__tile_overlayer_lowered;
	s5 =	simm.s32 $_tile_overlayer_lowered  }
0x9b: {  	s22 =	simm.s32 $0x1BFF;
	s21 =	sshll.u32 s5, $0x1;
	s2 =	sadd.s32 s19, s18  }
0x9c: {  	s6 =	simm.s32 $0x0;
	s20 =	sshll.u32 s4, $0x1;
	s4 =	sadd.s32 s21, s2  }
0x9d: {  	[timem:s6], [sflag:s22] =	dma.local [hbm:s4], s20  }
0x9e: {  	_ =	swait.ge [sflag:s22], s20  }
0x9f: {  	s3 =	ssub.s32 $0x0, s20;
	[sflag:s22] =	ssyncset.done $0x0  }
0xa0: {  	[sflag:s22] =	ssyncadd.s32 s3;
	_ =	sdelay $0x1  }
0xa1: {  	s23 =	simm.s32 $0x1B8B  }
0xa2: {  	_ =	swait.ge [sflag:s23], $0x1  }
0xa3: {  	[sflag:s23] =	ssyncset.done $0x0  }
0xa4: {  	s25 =	simm.s32 $0x1B8E;
	s24 =	sld [smem:$0x3FFE];
	[sflag:s23] =	ssyncadd.s32 $0xFFFFFFFF  }
0xa5: {  	s26 =	simm.s32 $execute0_lowered;
	[smem:$0x3FD2] =	sst s25  }
0xa6: {  	s4 =	sshll.u32 s26, $0x1;
	_ =	strace $0x8000004C;
	[dreg:$0x1] =	wrdreg $0xFFFFFFFF  }
0xa7: {  	s28 =	simm.s32 $_size_execute0_lowered;
	s2 =	sadd.s32 s2, s4;
	[dreg:$0x0] =	wrdreg $0x0  }
0xa8: {  	s4 =	sshll.u32 s28, $0x1;
	[dreg:$0x2] =	wrdreg s2  }
0xa9: {  	[dreg:$0x3] =	wrdreg s4  }
0xaa: {  	[dreg:$0x4] =	wrdreg $0xC0  }
0xab: {  	_ =	task [dreg:s6], $0x5FFFF  }
0xac: {  	[dreg:$0x1] =	wrdreg $0xFFFFFFFF  }
0xad: {  	[dreg:$0x0] =	wrdreg $0x60  }
0xae: {  	[dreg:$0x2] =	wrdreg s24  }
0xaf: {  	[dreg:$0x3] =	wrdreg $0x0  }
0xb0: {  	[dreg:$0x4] =	wrdreg $0x9  }
0xb1: {  	_ =	task.clear_ibuf [dreg:s6], $0x5FFFF;
	_ =	strace $0x9000004C  }
0xb2: {  	s29 =	simm.s32 $0x9;
	_ =	strace $0x8000004E  }
0xb3: {  	_ =	swait.ge [sflag:s29], $0x1  }
0xb4: {  	[sflag:s29] =	ssyncadd.s32 $0xFFFFFFFF  }
0xb5: {  	_ =	strace $0x9000004E  }
0xb6: {  	_ =	sfence  }
0xb7: {  	s30 =	sld [smem:$0x0];
	_ =	sdelay $0x2  }
0xb8: {  	s31 =	sshll.u32 s1, $0xD;
	s1 =	sshrl.u32 s1, $0x2  }
0xb9: {  	s3 =	sand.u32 $0x4000, s31;
	s1 =	sadd.s32 s1, s30  }
0xba: {  	s0 =	sor.u32 s3, s0;
	s1 =	sshll.u32 s1, $0x11  }
0xbb: {  	s0 =	sor.u32 s1, s0  }
0xbc: {  	s0 =	sadd.s32 $0x8F2B, s0  }
0xbd: {  	[sflag:s0] =	ssyncadd.remote.s32 $0x1  }
0xbe: {  	_ =	sfence.sel $0xFFFF  }
0xbf: {  	[dreg:$0x0] =	wrdreg $0xFFFFFFFF;
	(pc) =	sbr.abs _section_cstart, $3  }
0xc0: {  	[dreg:$0x1] =	wrdreg $0xFFFFFFFF  }
0xc1: {  	_ =	task.clear_ibuf [dreg:s6], $0x2FFFF;
	_ =	strace $0x9FFFFFFF  }
0xc2: {  	(tm) =	ssettm $0x7FFFFFFF  }
0xc3: {  	_ =	shalt  }
tec
execute0_lowered:
.L_overlay_start_1:
0x0: {  	(tag) =	ssettag $0x1  }
0x1: {  	s0 =	rddreg [dreg:$0x0]  }
0x2: {  	s1 =	rddreg [dreg:$0x1]  }
0x3: {  	s3 =	simm.s32 $0x0;
	s2 =	srdreg.scid;
	s12 =	stileid.u32  }
0x4: {  	s16 =	simm.s32 $0x9;
	s17 =	simm.s32 $0x14000;
	s18 =	simm.s32 $0x14200  }
0x5: {  	s19 =	simm.s32 $0x14100;
	s20 =	simm.s32 $0x14300;
	s28 =	simm.s32 $0x19400  }
0x6: {  	s29 =	simm.s32 $0x14180;
	s30 =	simm.s32 $0x1BC00;
	s5 =	smul.u32 $0x280, s12  }
0x7: {  	s31 =	simm.s32 $0x7;
	[smem:$0x7FF] =	sst s3;
	s9 =	smul.u32 $0x50000, s12  }
0x8: {  	s2 =	sand.u32 $0x1, s2;
	s4 =	sadd.s32 $0x1A00, s0;
	s11 =	smul.u32 $0x7D00, s12  }
0x9: {  	s7 =	sadd.s32 $0x6E400, s0;
	s8 =	sadd.s32 $0x5EA00, s0;
	s25 =	smul.u32 $0xFA0, s12  }
0xa: {  	s21 =	sshll.u32 s12, $0x6;
	s12 =	simm.s32 $0x0;
	s6 =	smul.u32 $0x2800, s2  }
0xb: {  	_ =	strace $0x8000004D;
	s2 =	ssub.s32 $0x2, s2;
	s15 =	sor.u32 $0x1C09, s21  }
0xc: {  	s21 =	simm.s32 $0x5;
	s10 =	sshrl.u32 s2, $0x1;
	s9 =	sshrl.u32 s9, $0x2  }
0xd: {  	s11 =	sshrl.u32 s11, $0x3;
	s13 =	sadd.s32 s25, s8;
	s14 =	sadd.s32 s25, s7  }
0xe: {  	s25 =	simm.s32 $0x16C00;
	[dreg:$0x4] =	wrdreg s15;
	s5 =	sadd.s32 s5, s6  }
0xf: {  	s2 =	ssub.s32 s2, s10;
	s9 =	sadd.s32 s9, s1;
	s22 =	sadd.s32 s7, s11  }
0x10: {  	s23 =	sadd.s32 s8, s11;
	s24 =	sadd.s32 $0x20, s11;
	[dreg:$0x5] =	wrdreg s22  }
0x11: {  	s10 =	simm.s32 $0x14380;
	s5 =	sshll.u32 s5, $0x4;
	[dreg:$0x6] =	wrdreg s23  }
0x12: {  	s11 =	sadd.s32 s7, s24;
	s26 =	smax.u32 s2, $0x1;
	s22 =	simm.s32 $0x50  }
0x13: {  	s23 =	simm.s32 $0x14400;
	s2 =	simm.s32 $0x2;
	s7 =	simm.s32 $0x8  }
0x14: {  	s0 =	sadd.s32 s5, s0;
	s5 =	sadd.s32 s4, s5;
	[dreg:$0x7] =	wrdreg s11  }
.Ltmp0:
0x15: {  	[dreg:$0xa] =	wrdreg s26;
	s11 =	sshrl.u32 s9, $0x3;
	(pc) =	sbr.rel .LBB2_1-.Ltmp0, $4  }
0x16: {  	s26 =	simm.s32 $0x6;
	s9 =	simm.s32 $0x4;
	[dreg:$0x3] =	wrdreg s5  }
0x17: {  	s5 =	sadd.s32 s8, s24;
	s0 =	sadd.s32 $0x7DE00, s0;
	[dreg:$0xb] =	wrdreg s11  }
0x18: {  	s24 =	simm.s32 $0x14080;
	s8 =	simm.s32 $0x3;
	[dreg:$0x8] =	wrdreg s5  }
0x19: {  	v0 =	vmov s6;
	[dreg:$0x9] =	wrdreg s0;
	s0 =	simm.s32 $0x1;
	s5 =	simm.s32 $0x14280  }
.LBB2_4:
0x1a: {  	[spmem:s1] =	stream.indirect.scatter.add.f32 [tilespmem:s30], [sflag:$0x9], $0x80, s10, s22, $0xb8;
	[tilespmem:$0x1E400] =	vst v63  }
0x1b: {  	_ =	swait.ge [sflag:s16], $0x2800  }
0x1c: {  	[sflag:s16] =	ssyncset.done $0x0  }
0x1d: {  	[sflag:s16] =	ssyncadd.s32 $0xFFFFD800  }
0x1e: {  	_ =	swait.ge [sflag:s31], $0x100  }
0x1f: {  	[sflag:s31] =	ssyncset.done $0x0  }
0x20: {  	[sflag:s31] =	ssyncadd.s32 $0xFFFFFF00  }
0x21: {  	_ =	swait.ge [sflag:s0], $0x2800  }
0x22: {  	[sflag:s0] =	ssyncset.done $0x0  }
0x23: {  	[sflag:s0] =	ssyncadd.s32 $0xFFFFD800  }
0x24: {  	[spmem:s1] =	stream.indirect.scatter.add.f32 [tilespmem:s23], [sflag:$0x9], $0x80, s18, s22, $0xb8;
	[tilespmem:$0x1E400] =	vst v63  }
0x25: {  	_ =	swait.ge [sflag:s16], $0x2800  }
0x26: {  	[sflag:s16] =	ssyncset.done $0x0  }
0x27: {  	[sflag:s16] =	ssyncadd.s32 $0xFFFFD800  }
0x28: {  	_ =	swait.ge [sflag:s2], $0x2800  }
0x29: {  	[sflag:s2] =	ssyncset.done $0x0  }
0x2a: {  	[sflag:s2] =	ssyncadd.s32 $0xFFFFD800  }
0x2b: {  	[spmem:s1] =	stream.indirect.scatter.add.f32 [tilespmem:s25], [sflag:$0x9], $0x80, s5, s22, $0xb8;
	[tilespmem:$0x1E400] =	vst v63  }
0x2c: {  	_ =	swait.ge [sflag:s16], $0x2800  }
0x2d: {  	[sflag:s16] =	ssyncset.done $0x0  }
0x2e: {  	[sflag:s16] =	ssyncadd.s32 $0xFFFFD800  }
0x2f: {  	[bflag:$0x0] =	sbarrier.arrive $0xFFFF  }
0x30: {  	s15 =	rddreg [dreg:$0x4]  }
0x31: {  	s6 =	rddreg [dreg:$0x9]  }
0x32: {  	s11 =	rddreg [dreg:$0xb]  }
0x33: {  	[hbm:s6], [sflag:s15] =	dma.local [spmem:s11], $0x2800  }
0x34: {  	_ =	swait.ge [sflag:s16], $0x2800  }
0x35: {  	s12 =	rddreg [dreg:$0xc]  }
0x36: {  	s6 =	rddreg [dreg:$0xa];
	s12 =	sadd.s32 $0x1, s12  }
0x37: {  	p0 =	sne.s32 s12, s6  }
.Ltmp1:
0x38: {  	_ = 	snop;
	(pc) =	sbr.rel @!p0 .LBB2_5-.Ltmp1, $3  }
0x39: {  	_ =	sdelay $0x1  }
0x3a: {  	[sflag:s16] =	ssyncset.done $0x0  }
0x3b: {  	[sflag:s16] =	ssyncadd.s32 $0xFFFFD800  }
.LBB2_1:
0x3c: {  	[dreg:$0xc] =	wrdreg s12  }
0x3d: {  	s6 =	rddreg [dreg:$0x3]  }
0x3e: {  	[spmem:s11], [sflag:s15] =	dma.local [hbm:s6], $0x2800  }
0x3f: {  	_ =	swait.ge [sflag:s16], $0x2800  }
0x40: {  	[sflag:s16] =	ssyncset.done $0x0  }
0x41: {  	s15 =	rddreg [dreg:$0x5];
	[sflag:s16] =	ssyncadd.s32 $0xFFFFD800  }
0x42: {  	[tilespmem:s17], [sflag:$0x5] =	stream.linear.gather [hbm4b:s15+s3], $0x100, $0x38;
	[tilespmem:$0x1E400] =	vst v63  }
0x43: {  	s11 =	rddreg [dreg:$0x6]  }
0x44: {  	[tilespmem:s18], [sflag:$0x7] =	stream.linear.gather [hbm4b:s11+s3], $0x100, $0x38;
	[tilespmem:$0x1E400] =	vst v63  }
0x45: {  	s12 =	rddreg [dreg:$0x7]  }
0x46: {  	[tilespmem:s19], [sflag:$0x6] =	stream.linear.gather [hbm4b:s12+s3], $0x100, $0x38;
	[tilespmem:$0x1E400] =	vst v63  }
0x47: {  	s15 =	rddreg [dreg:$0x8]  }
0x48: {  	[tilespmem:s20], [sflag:$0x8] =	stream.linear.gather [hbm4b:s15+s3], $0x100, $0x38;
	[tilespmem:$0x1E400] =	vst v63  }
0x49: {  	_ =	swait.ge [sflag:s21], $0x100  }
0x4a: {  	[sflag:s21] =	ssyncset.done $0x0  }
0x4b: {  	[sflag:s21] =	ssyncadd.s32 $0xFFFFFF00  }
0x4c: {  	v1 =	vld [tilespmem:$0x14000]  }
0x4d: {  	v2 =	vld [tilespmem:$0x14010]  }
0x4e: {  	v3 =	vld [tilespmem:$0x14020]  }
0x4f: {  	v4 =	vld [tilespmem:$0x14030]  }
0x50: {  	v5 =	vld [tilespmem:$0x14040]  }
0x51: {  	v6 =	vld [tilespmem:$0x14080];
	v1 =	vadd.s32 v0, v1  }
0x52: {  	[tilespmem:$0x14000] =	vst v1;
	v1 =	vadd.s32 v0, v2;
	v2 =	vld [tilespmem:$0x14090]  }
0x53: {  	[tilespmem:$0x14010] =	vst v1;
	v1 =	vadd.s32 v0, v3;
	v3 =	vld [tilespmem:$0x140A0]  }
0x54: {  	v57 =	vld [tilespmem:$0x140B0];
	[tilespmem:$0x14020] =	vst v1;
	v1 =	vadd.s32 v0, v4  }
0x55: {  	v58 =	vld [tilespmem:$0x140C0];
	[tilespmem:$0x14030] =	vst v1;
	v1 =	vadd.s32 v0, v5  }
0x56: {  	[tilespmem:$0x14040] =	vst v1;
	v1 =	vadd.s32 v0, v6  }
0x57: {  	[tilespmem:$0x14080] =	vst v1;
	v1 =	vadd.s32 v0, v2  }
0x58: {  	[tilespmem:$0x14090] =	vst v1;
	v1 =	vadd.s32 v0, v3  }
0x59: {  	[tilespmem:$0x140A0] =	vst v1;
	v1 =	vadd.s32 v0, v57  }
0x5a: {  	[tilespmem:$0x140B0] =	vst v1;
	v1 =	vadd.s32 v0, v58  }
0x5b: {  	[tilespmem:$0x140C0] =	vst v1  }
0x5c: {  	[tilespmem:s23], [sflag:$0x1] =	stream.indirect.gather [hbm4b:s4+s22], $0x80, s17, s22, $0xb8;
	[tilespmem:$0x1E400] =	vst v63  }
0x5d: {  	_ = 	snop  }
0x5e: {  	[tilespmem:s25], [sflag:$0x2] =	stream.indirect.gather [hbm4b:s4+s22], $0x80, s24, s22, $0xb8;
	[tilespmem:$0x1E400] =	vst v63  }
0x5f: {  	_ =	swait.ge [sflag:s26], $0x100  }
0x60: {  	[sflag:s26] =	ssyncset.done $0x0  }
0x61: {  	[sflag:s26] =	ssyncadd.s32 $0xFFFFFF00  }
0x62: {  	v1 =	vld [tilespmem:$0x14100]  }
0x63: {  	v2 =	vld [tilespmem:$0x14110]  }
0x64: {  	v3 =	vld [tilespmem:$0x14120]  }
0x65: {  	v59 =	vld [tilespmem:$0x14130]  }
0x66: {  	v60 =	vld [tilespmem:$0x14140]  }
0x67: {  	v61 =	vld [tilespmem:$0x14180];
	v1 =	vadd.s32 v0, v1  }
0x68: {  	[tilespmem:$0x14100] =	vst v1;
	v1 =	vadd.s32 v0, v2;
	v2 =	vld [tilespmem:$0x14190]  }
0x69: {  	[tilespmem:$0x14110] =	vst v1;
	v1 =	vadd.s32 v0, v3;
	v3 =	vld [tilespmem:$0x141A0]  }
0x6a: {  	v62 =	vld [tilespmem:$0x141B0];
	[tilespmem:$0x14120] =	vst v1;
	v1 =	vadd.s32 v0, v59  }
0x6b: {  	v63 =	vld [tilespmem:$0x141C0];
	[tilespmem:$0x14130] =	vst v1;
	v1 =	vadd.s32 v0, v60  }
0x6c: {  	[tilespmem:$0x14140] =	vst v1;
	v1 =	vadd.s32 v0, v61  }
0x6d: {  	[tilespmem:$0x14180] =	vst v1;
	v1 =	vadd.s32 v0, v2  }
0x6e: {  	[tilespmem:$0x14190] =	vst v1;
	v1 =	vadd.s32 v0, v3  }
0x6f: {  	[tilespmem:$0x141A0] =	vst v1;
	v1 =	vadd.s32 v0, v62  }
0x70: {  	[tilespmem:$0x141B0] =	vst v1;
	v1 =	vadd.s32 v0, v63  }
0x71: {  	[tilespmem:$0x141C0] =	vst v1  }
0x72: {  	[tilespmem:s28], [sflag:$0x3] =	stream.indirect.gather [hbm4b:s4+s22], $0x80, s19, s22, $0xb8;
	[tilespmem:$0x1E400] =	vst v63  }
0x73: {  	_ = 	snop  }
0x74: {  	[tilespmem:s30], [sflag:$0x4] =	stream.indirect.gather [hbm4b:s4+s22], $0x80, s29, s22, $0xb8;
	[tilespmem:$0x1E400] =	vst v63  }
0x75: {  	s12 =	simm.s32 $0xFFFFF0C0;
	[bflag:$0x0] =	sbarrier.arrive $0xFFFF  }
.LBB2_2:
0x76: {  	_ =	swait.ge [sflag:s31], $0x100  }
0x77: {  	[sflag:s31] =	ssyncset.done $0x0  }
0x78: {  	[sflag:s31] =	ssyncadd.s32 $0xFFFFFF00  }
0x79: {  	_ =	swait.ge [sflag:s0], $0x2800  }
0x7a: {  	[sflag:s0] =	ssyncset.done $0x0  }
0x7b: {  	[sflag:s0] =	ssyncadd.s32 $0xFFFFD800  }
0x7c: {  	[spmem:s1] =	stream.indirect.scatter.add.f32 [tilespmem:s23], [sflag:$0x9], $0x80, s18, s22, $0xb8;
	[tilespmem:$0x1E400] =	vst v63  }
0x7d: {  	_ =	swait.ge [sflag:s16], $0x2800  }
0x7e: {  	[sflag:s16] =	ssyncset.done $0x0  }
0x7f: {  	[sflag:s16] =	ssyncadd.s32 $0xFFFFD800  }
0x80: {  	_ =	swait.ge [sflag:s2], $0x2800  }
0x81: {  	s6 =	sadd.s32 s12, s14;
	[sflag:s2] =	ssyncset.done $0x0  }
0x82: {  	s15 =	sadd.s32 $0xF80, s6;
	[sflag:s2] =	ssyncadd.s32 $0xFFFFD800  }
0x83: {  	[tilespmem:s17], [sflag:$0x5] =	stream.linear.gather [hbm4b:s15+s3], $0x100, $0x38;
	[tilespmem:$0x1E400] =	vst v63  }
0x84: {  	_ = 	snop  }
0x85: {  	[spmem:s1] =	stream.indirect.scatter.add.f32 [tilespmem:s25], [sflag:$0x9], $0x80, s5, s22, $0xb8;
	[tilespmem:$0x1E400] =	vst v63  }
0x86: {  	_ =	swait.ge [sflag:s16], $0x2800  }
0x87: {  	s15 =	sadd.s32 s12, s13;
	[sflag:s16] =	ssyncset.done $0x0  }
0x88: {  	s11 =	sadd.s32 $0xF80, s15;
	[sflag:s16] =	ssyncadd.s32 $0xFFFFD800  }
0x89: {  	[tilespmem:s18], [sflag:$0x7] =	stream.linear.gather [hbm4b:s11+s3], $0x100, $0x38;
	[tilespmem:$0x1E400] =	vst v63  }
0x8a: {  	_ =	swait.ge [sflag:s21], $0x100  }
0x8b: {  	[sflag:s21] =	ssyncset.done $0x0  }
0x8c: {  	[sflag:s21] =	ssyncadd.s32 $0xFFFFFF00  }
0x8d: {  	v1 =	vld [tilespmem:$0x14000]  }
0x8e: {  	v2 =	vld [tilespmem:$0x14010]  }
0x8f: {  	v3 =	vld [tilespmem:$0x14020]  }
0x90: {  	v4 =	vld [tilespmem:$0x14030]  }
0x91: {  	v5 =	vld [tilespmem:$0x14040]  }
0x92: {  	v6 =	vld [tilespmem:$0x14080];
	v1 =	vadd.s32 v0, v1  }
0x93: {  	[tilespmem:$0x14000] =	vst v1;
	v1 =	vadd.s32 v0, v2;
	v2 =	vld [tilespmem:$0x14090]  }
0x94: {  	[tilespmem:$0x14010] =	vst v1;
	v1 =	vadd.s32 v0, v3;
	v3 =	vld [tilespmem:$0x140A0]  }
0x95: {  	v62 =	vld [tilespmem:$0x140B0];
	[tilespmem:$0x14020] =	vst v1;
	v1 =	vadd.s32 v0, v4  }
0x96: {  	v63 =	vld [tilespmem:$0x140C0];
	[tilespmem:$0x14030] =	vst v1;
	v1 =	vadd.s32 v0, v5  }
0x97: {  	[tilespmem:$0x14040] =	vst v1;
	v1 =	vadd.s32 v0, v6  }
0x98: {  	[tilespmem:$0x14080] =	vst v1;
	v1 =	vadd.s32 v0, v2  }
0x99: {  	[tilespmem:$0x14090] =	vst v1;
	v1 =	vadd.s32 v0, v3  }
0x9a: {  	[tilespmem:$0x140A0] =	vst v1;
	v1 =	vadd.s32 v0, v62  }
0x9b: {  	[tilespmem:$0x140B0] =	vst v1;
	v1 =	vadd.s32 v0, v63  }
0x9c: {  	[tilespmem:$0x140C0] =	vst v1  }
0x9d: {  	[tilespmem:s23], [sflag:$0x1] =	stream.indirect.gather [hbm4b:s4+s22], $0x80, s17, s22, $0xb8;
	[tilespmem:$0x1E400] =	vst v63  }
0x9e: {  	_ = 	snop  }
0x9f: {  	[tilespmem:s25], [sflag:$0x2] =	stream.indirect.gather [hbm4b:s4+s22], $0x80, s24, s22, $0xb8;
	[tilespmem:$0x1E400] =	vst v63  }
0xa0: {  	_ =	swait.ge [sflag:s7], $0x100  }
0xa1: {  	[sflag:s7] =	ssyncset.done $0x0  }
0xa2: {  	[sflag:s7] =	ssyncadd.s32 $0xFFFFFF00  }
0xa3: {  	_ =	swait.ge [sflag:s8], $0x2800  }
0xa4: {  	[sflag:s8] =	ssyncset.done $0x0  }
0xa5: {  	[sflag:s8] =	ssyncadd.s32 $0xFFFFD800  }
0xa6: {  	[spmem:s1] =	stream.indirect.scatter.add.f32 [tilespmem:s28], [sflag:$0x9], $0x80, s20, s22, $0xb8;
	[tilespmem:$0x1E400] =	vst v63  }
0xa7: {  	p0 =	seq.s32 s12, $0x0;
	_ =	swait.ge [sflag:s16], $0x2800  }
.Ltmp2:
0xa8: {  	[sflag:s16] =	ssyncset.done $0x0;
	(pc) =	sbr.rel @p0 .LBB2_4-.Ltmp2, $4  }
0xa9: {  	[sflag:s16] =	ssyncadd.s32 $0xFFFFD800  }
0xaa: {  	_ =	swait.ge [sflag:s9], $0x2800  }
0xab: {  	[sflag:s9] =	ssyncset.done $0x0  }
0xac: {  	[sflag:s9] =	ssyncadd.s32 $0xFFFFD800  }
0xad: {  	s6 =	sadd.s32 $0xFA0, s6  }
0xae: {  	[tilespmem:s19], [sflag:$0x6] =	stream.linear.gather [hbm4b:s6+s3], $0x100, $0x38;
	[tilespmem:$0x1E400] =	vst v63  }
0xaf: {  	_ = 	snop  }
0xb0: {  	[spmem:s1] =	stream.indirect.scatter.add.f32 [tilespmem:s30], [sflag:$0x9], $0x80, s10, s22, $0xb8;
	[tilespmem:$0x1E400] =	vst v63  }
0xb1: {  	_ =	swait.ge [sflag:s16], $0x2800  }
0xb2: {  	[sflag:s16] =	ssyncset.done $0x0  }
0xb3: {  	s15 =	sadd.s32 $0xFA0, s15;
	[sflag:s16] =	ssyncadd.s32 $0xFFFFD800  }
0xb4: {  	[tilespmem:s20], [sflag:$0x8] =	stream.linear.gather [hbm4b:s15+s3], $0x100, $0x38;
	[tilespmem:$0x1E400] =	vst v63  }
0xb5: {  	_ =	swait.ge [sflag:s26], $0x100  }
0xb6: {  	[sflag:s26] =	ssyncset.done $0x0  }
0xb7: {  	[sflag:s26] =	ssyncadd.s32 $0xFFFFFF00  }
0xb8: {  	v1 =	vld [tilespmem:$0x14100]  }
0xb9: {  	v2 =	vld [tilespmem:$0x14110]  }
0xba: {  	v3 =	vld [tilespmem:$0x14120]  }
0xbb: {  	v4 =	vld [tilespmem:$0x14130]  }
0xbc: {  	v5 =	vld [tilespmem:$0x14140]  }
0xbd: {  	v6 =	vld [tilespmem:$0x14180];
	v1 =	vadd.s32 v0, v1  }
0xbe: {  	[tilespmem:$0x14100] =	vst v1;
	v1 =	vadd.s32 v0, v2;
	v2 =	vld [tilespmem:$0x14190]  }
0xbf: {  	[tilespmem:$0x14110] =	vst v1;
	v1 =	vadd.s32 v0, v3;
	v3 =	vld [tilespmem:$0x141A0]  }
0xc0: {  	v62 =	vld [tilespmem:$0x141B0];
	[tilespmem:$0x14120] =	vst v1;
	v1 =	vadd.s32 v0, v4  }
0xc1: {  	v63 =	vld [tilespmem:$0x141C0];
	[tilespmem:$0x14130] =	vst v1;
	v1 =	vadd.s32 v0, v5  }
0xc2: {  	[tilespmem:$0x14140] =	vst v1;
	v1 =	vadd.s32 v0, v6  }
0xc3: {  	[tilespmem:$0x14180] =	vst v1;
	v1 =	vadd.s32 v0, v2  }
0xc4: {  	[tilespmem:$0x14190] =	vst v1;
	v1 =	vadd.s32 v0, v3  }
0xc5: {  	[tilespmem:$0x141A0] =	vst v1;
	v1 =	vadd.s32 v0, v62  }
.Ltmp3:
0xc6: {  	[tilespmem:$0x141B0] =	vst v1;
	v1 =	vadd.s32 v0, v63;
	(pc) =	sbr.rel .LBB2_2-.Ltmp3, $4  }
0xc7: {  	[tilespmem:$0x141C0] =	vst v1  }
0xc8: {  	[tilespmem:s28], [sflag:$0x3] =	stream.indirect.gather [hbm4b:s4+s22], $0x80, s19, s22, $0xb8;
	[tilespmem:$0x1E400] =	vst v63  }
0xc9: {  	s12 =	sadd.s32 $0x40, s12  }
0xca: {  	[tilespmem:s30], [sflag:$0x4] =	stream.indirect.gather [hbm4b:s4+s22], $0x80, s29, s22, $0xb8;
	[tilespmem:$0x1E400] =	vst v63  }
.LBB2_5:
0xcb: {  	_ =	sfence.sel $0x180000  }
0xcc: {  	[bflag:$0x0] =	sbarrier.arrive $0xFFFF  }
0xcd: {  	_ =	strace $0x9000004D  }
0xce: {  	s0 =	stileid.u32;
	[bflag:$0x2] =	sbarrier.arrive $0xFFFF  }
0xcf: {  	p0 =	sne.s32 s0, $0x0;
	s0 =	rddreg [dreg:$0x2]  }
0xd0: {  	s0 =	sadd.s32 @!p0 $0x100000, s0  }
0xd1: {  	[sflag:s0] =	ssyncadd.tile.s32 @!p0 $0x1;
	_ =	shalt  }
.Lfunc_end2:
_tile_overlayer_lowered:
.L_overlay_start_2:
0xd2: {  	(tag) =	ssettag $0x2  }
0xd3: {  	s0 =	rddreg [dreg:$0x0];
	s2 =	stileid.u32  }
0xd4: {  	s1 =	rddreg [dreg:$0x1];
	p0 =	sne.s32 s2, $0x0  }
0xd5: {  	s3 =	rddreg [dreg:$0x2];
	[bflag:$0x3] =	sbarrier.arrive $0xFFFF;
	s2 =	simm.s32 @!p0 $0x1C09  }
0xd6: {  	[timem:s3], [sflag:s2] =	dma.local @!p0 [hbm:s0], s1  }
0xd7: {  	s0 =	simm.s32 @!p0 $0x9  }
0xd8: {  	_ =	swait.ge @!p0 [sflag:s0], s1  }
0xd9: {  	s1 =	ssub.s32 @!p0 $0x0, s1;
	[sflag:s0] =	ssyncset.done @!p0 $0x0  }
0xda: {  	[sflag:s0] =	ssyncadd.s32 @!p0 s1  }
0xdb: {  	[bflag:$0x3] =	sbarrier.arrive $0xFFFF  }
0xdc: {  	_ =	shalt  }

// kernel: kernel.8.cloned.1.call-start
scs
__scs_entry_jumppad:
0x0: {  	(pc) =	sbr.rel $0x88, $3  }
0x1: {  	(tag) =	ssettag $0x0;
	lr =	simm.s32 $0x1  }
0x2: {  	[smem:$0x3F9B] =	sst lr;
	_ =	strace $0xD0000000  }
0x3: {  	_ = 	snop  }
0x4: {  	_ = 	snop  }
0x5: {  	_ = 	snop  }
0x6: {  	_ = 	snop  }
0x7: {  	_ = 	snop  }
__scs_overlays_trampoline_lowered:
0x8: {  	[smem:$0x3FAA] =	sst s0  }
0x9: {  	[smem:$0x3FAB] =	sst s1  }
0xa: {  	[smem:$0x3FAC] =	sst s2  }
0xb: {  	[smem:$0x3FAD] =	sst s3  }
0xc: {  	[smem:$0x3FAE] =	sst s4  }
0xd: {  	[smem:$0x3FAF] =	sst s5  }
0xe: {  	[smem:$0x3FB0] =	sst s6  }
0xf: {  	[smem:$0x3FB1] =	sst s7  }
0x10: {  	[smem:$0x3FB2] =	sst s8  }
0x11: {  	[smem:$0x3FB3] =	sst s9;
	s0 =	simm.s32 @!p0 $0x0  }
0x12: {  	s1 =	sld [smem:$0x3F99];
	s0 =	simm.s32 @p0 $0x1  }
0x13: {  	[smem:$0x3FB4] =	sst s0;
	s0 =	simm.s32 @!p1 $0x0  }
0x14: {  	s2 =	sld [smem:$0x3F98];
	s0 =	simm.s32 @p1 $0x1  }
0x15: {  	[smem:$0x3FB5] =	sst s0;
	s0 =	simm.s32 @!p2 $0x0  }
0x16: {  	s3 =	sld [smem:$0x3FDB];
	s0 =	simm.s32 @p2 $0x1  }
0x17: {  	s4 =	simm.s32 $0x1BF5;
	[smem:$0x3FB7] =	sst s0  }
0x18: {  	s0 =	sld [smem:$0x3F9A];
	_ =	swait.ge [sflag:s4], $0x0  }
0x19: {  	s7 =	sld [smem:$0x3F9B]  }
0x1a: {  	s8 =	sadd.s32 $0xFFFFE003, lr  }
0x1b: {  	s9 =	sadd.s32 $0xFFFFFEF7, lr;
	s5 =	simm.s32 $0xFFFFFFFF;
	p2 =	slt.u32 s8, $0xFFFFF086  }
0x1c: {  	p1 =	slt.u32 s9, $0xF7A;
	s5 =	simm.s32 @!p2 $0x0  }
0x1d: {  	s5 =	simm.s32 @p1 $0x1;
	p0 =	seq.s32 s7, s2  }
0x1e: {  	s7 =	smul.u32 @!p0 $0xF7A, s2;
	p2 =	seq.s32 @!p0 s5, $0x0  }
0x1f: {  	s9 =	smul.u32 $0xF7A, s1;
	s8 =	simm.s32 @!p0 $0x1BF5;
	p2 =	por !p2, p0  }
0x20: {  	[sflag:s8] =	ssyncset.s32 @!p0 $0xFFFFF086;
	s6 =	sadd.s32 @!p0 s3, s7;
	s7 =	simm.s32 @!p0 $0x108  }
0x21: {  	s3 =	sadd.s32 s3, s9;
	s6 =	sadd.s32 @!p0 $0x88, s6;
	s7 =	simm.s32 @p2 $0x1082  }
0x22: {  	[simem:s7], [sflag:s8] =	dma.local @!p0 [hbm:s6], $0xF7A  }
0x23: {  	s9 =	sor.u32 $0xD0000000, s2;
	s6 =	simm.s32 $0x108;
	_ =	swait.ge @!p0 [sflag:s8], $0x0  }
0x24: {  	s3 =	sadd.s32 $0x88, s3;
	s6 =	simm.s32 @!p1 $0x1082;
	[sflag:s4] =	ssyncset.s32 $0xFFFFF086  }
0x25: {  	[simem:s6], [sflag:s4] =	dma.local [hbm:s3], $0xF7A  }
0x26: {  	[smem:$0x3F9B] =	sst s1;
	(tag) =	ssettag s2;
	_ =	strace s9  }
0x27: {  	s1 =	sld [smem:$0x3FAB]  }
0x28: {  	s2 =	sld [smem:$0x3FAC]  }
0x29: {  	s4 =	sld [smem:$0x3FAE]  }
0x2a: {  	p0 =	seq.s32 s5, $0x0;
	s5 =	sld [smem:$0x3FAF]  }
0x2b: {  	s6 =	sld [smem:$0x3FB0]  }
0x2c: {  	s7 =	sld [smem:$0x3FB1]  }
0x2d: {  	s3 =	simm.s32 $0x108;
	s8 =	sld [smem:$0x3FB2]  }
0x2e: {  	s3 =	simm.s32 @!p0 $0x1082;
	s9 =	sld [smem:$0x3FB3]  }
0x2f: {  	lr =	sadd.s32 s0, s3;
	s0 =	sld [smem:$0x3FAA]  }
0x30: {  	s3 =	sld [smem:$0x3FAD]  }
0x31: {  	[smem:$0x3FB6] =	sst s10  }
0x32: {  	s10 =	sld [smem:$0x3FB4];
	_ =	sdelay $0x3  }
0x33: {  	p0 =	seq.s32 s10, $0x1;
	s10 =	sld [smem:$0x3FB6];
	_ =	sdelay $0x3  }
0x34: {  	[smem:$0x3FB6] =	sst s10  }
0x35: {  	s10 =	sld [smem:$0x3FB5];
	_ =	sdelay $0x3  }
0x36: {  	p1 =	seq.s32 s10, $0x1;
	s10 =	sld [smem:$0x3FB6];
	_ =	sdelay $0x3  }
0x37: {  	[smem:$0x3FB6] =	sst s10  }
0x38: {  	s10 =	sld [smem:$0x3FB7]  }
0x39: {  	_ = 	snop;
	(pc) =	sbr.ind lr, $3  }
0x3a: {  	_ = 	snop  }
0x3b: {  	_ = 	snop  }
0x3c: {  	p2 =	seq.s32 s10, $0x1;
	s10 =	sld [smem:$0x3FB6]  }
0x3d: {  	_ =	shalt  }
0x3e: {  	_ =	shalt  }
0x3f: {  	_ =	shalt  }
0x40: {  	_ =	shalt  }
0x41: {  	_ =	shalt  }
0x42: {  	_ =	shalt  }
0x43: {  	_ =	shalt  }
0x44: {  	_ =	shalt  }
0x45: {  	_ =	shalt  }
0x46: {  	_ =	shalt  }
0x47: {  	_ =	shalt  }
0x48: {  	_ =	shalt  }
0x49: {  	_ =	shalt  }
0x4a: {  	_ =	shalt  }
0x4b: {  	_ =	shalt  }
0x4c: {  	_ =	shalt  }
0x4d: {  	_ =	shalt  }
0x4e: {  	_ =	shalt  }
0x4f: {  	_ =	shalt  }
0x50: {  	_ =	shalt  }
0x51: {  	_ =	shalt  }
0x52: {  	_ =	shalt  }
0x53: {  	_ =	shalt  }
0x54: {  	_ =	shalt  }
0x55: {  	_ =	shalt  }
0x56: {  	_ =	shalt  }
0x57: {  	_ =	shalt  }
0x58: {  	_ =	shalt  }
0x59: {  	_ =	shalt  }
0x5a: {  	_ =	shalt  }
0x5b: {  	_ =	shalt  }
0x5c: {  	_ =	shalt  }
0x5d: {  	_ =	shalt  }
0x5e: {  	_ =	shalt  }
0x5f: {  	_ =	shalt  }
0x60: {  	_ =	shalt  }
0x61: {  	_ =	shalt  }
0x62: {  	_ =	shalt  }
0x63: {  	_ =	shalt  }
0x64: {  	_ =	shalt  }
0x65: {  	_ =	shalt  }
0x66: {  	_ =	shalt  }
0x67: {  	_ =	shalt  }
0x68: {  	_ =	shalt  }
0x69: {  	_ =	shalt  }
0x6a: {  	_ =	shalt  }
0x6b: {  	_ =	shalt  }
0x6c: {  	_ =	shalt  }
0x6d: {  	_ =	shalt  }
0x6e: {  	_ =	shalt  }
0x6f: {  	_ =	shalt  }
0x70: {  	_ =	shalt  }
0x71: {  	_ =	shalt  }
0x72: {  	_ =	shalt  }
0x73: {  	_ =	shalt  }
0x74: {  	_ =	shalt  }
0x75: {  	_ =	shalt  }
0x76: {  	_ =	shalt  }
0x77: {  	_ =	shalt  }
0x78: {  	_ =	shalt  }
0x79: {  	_ =	shalt  }
0x7a: {  	_ =	shalt  }
0x7b: {  	_ =	shalt  }
0x7c: {  	_ =	shalt  }
0x7d: {  	_ =	shalt  }
0x7e: {  	_ =	shalt  }
0x7f: {  	_ =	shalt  }
0x80: {  	_ =	shalt  }
0x81: {  	_ =	shalt  }
0x82: {  	_ =	shalt  }
0x83: {  	_ =	shalt  }
0x84: {  	_ =	shalt  }
0x85: {  	_ =	shalt  }
0x86: {  	_ =	shalt  }
0x87: {  	_ =	shalt  }
.Lfunc_end0:
.L_simem_size_0:
called_computation_lowered:
.L_overlay_start_0:
0x88: {  	s2 =	sld [smem:$0x3FD9]  }
0x89: {  	s3 =	sld [smem:$0x3FFE];
	_ =	sdelay $0x1  }
0x8a: {  	s1 =	srdreg.scid  }
0x8b: {  	s0 =	sand.u32 $0x1, s1  }
0x8c: {  	s17 =	sshll.u32 s0, $0xA;
	s2 =	sadd.s32 s3, s2  }
0x8d: {  	s2 =	sadd.s32 s2, s17  }
0x8e: {  	[smem:$0x3FC2] =	sst s2  }
0x8f: {  	_ = 	snop  }
0x90: {  	s2 =	sld [smem:$0x3FD0];
	(tm) =	ssettm $0x1  }
0x91: {  	s18 =	sld [smem:$0x3FFB];
	_ =	sdelay $0x3  }
0x92: {  	_ =	strace s18  }
0x93: {  	s3 =	sld [smem:$0x3FFC];
	_ =	sdelay $0x3  }
0x94: {  	_ =	strace s3  }
0x95: {  	s3 =	sld [smem:$0x3FFD];
	_ =	sdelay $0x3  }
0x96: {  	_ =	strace s3  }
0x97: {  	_ =	strace $0x8FFFFFFF  }
0x98: {  	s19 =	sld [smem:$0x3FDB];
	_ =	sdelay $0x1  }
0x99: {  	s4 =	simm.s32 $_scs_section_size  }
0x9a: {  	s5 =	simm.s32 $_size__tile_overlayer_lowered;
	s6 =	simm.s32 $_tile_overlayer_lowered  }
0x9b: {  	s22 =	simm.s32 $0x1BFF;
	s21 =	sshll.u32 s6, $0x1;
	s3 =	sadd.s32 s4, s19  }
0x9c: {  	s7 =	simm.s32 $0x0;
	s20 =	sshll.u32 s5, $0x1;
	s5 =	sadd.s32 s21, s3  }
0x9d: {  	[timem:s7], [sflag:s22] =	dma.local [hbm:s5], s20  }
0x9e: {  	_ =	swait.ge [sflag:s22], s20  }
0x9f: {  	s4 =	ssub.s32 $0x0, s20;
	[sflag:s22] =	ssyncset.done $0x0  }
0xa0: {  	[sflag:s22] =	ssyncadd.s32 s4;
	_ =	sdelay $0x1  }
0xa1: {  	s23 =	simm.s32 $0x1B8B  }
0xa2: {  	_ =	swait.ge [sflag:s23], $0x1  }
0xa3: {  	[sflag:s23] =	ssyncset.done $0x0  }
0xa4: {  	s25 =	simm.s32 $0x1B8E;
	s24 =	sld [smem:$0x3FFE];
	[sflag:s23] =	ssyncadd.s32 $0xFFFFFFFF  }
0xa5: {  	s26 =	simm.s32 $execute0_lowered;
	[smem:$0x3FD2] =	sst s25  }
0xa6: {  	s5 =	sshll.u32 s26, $0x1;
	_ =	strace $0x80000046;
	[dreg:$0x1] =	wrdreg $0xFFFFFFFF  }
0xa7: {  	s28 =	simm.s32 $_size_execute0_lowered;
	s3 =	sadd.s32 s3, s5;
	[dreg:$0x0] =	wrdreg $0x0  }
0xa8: {  	s5 =	sshll.u32 s28, $0x1;
	[dreg:$0x2] =	wrdreg s3  }
0xa9: {  	[dreg:$0x3] =	wrdreg s5  }
0xaa: {  	[dreg:$0x4] =	wrdreg $0xC0  }
0xab: {  	_ =	task [dreg:s7], $0x5FFFF  }
0xac: {  	[dreg:$0x1] =	wrdreg $0xFFFFFFFF  }
0xad: {  	[dreg:$0x0] =	wrdreg $0x60  }
0xae: {  	[dreg:$0x2] =	wrdreg s24  }
0xaf: {  	[dreg:$0x3] =	wrdreg s2  }
0xb0: {  	[dreg:$0x4] =	wrdreg $0x0  }
0xb1: {  	[dreg:$0x5] =	wrdreg $0x9  }
0xb2: {  	_ =	task.clear_ibuf [dreg:s7], $0x6FFFF;
	_ =	strace $0x90000046  }
0xb3: {  	s29 =	simm.s32 $0x9;
	_ =	strace $0x80000048  }
0xb4: {  	_ =	swait.ge [sflag:s29], $0x1  }
0xb5: {  	[sflag:s29] =	ssyncadd.s32 $0xFFFFFFFF  }
0xb6: {  	_ =	strace $0x90000048  }
0xb7: {  	_ =	sfence  }
0xb8: {  	s30 =	sld [smem:$0x0];
	_ =	sdelay $0x2  }
0xb9: {  	s31 =	sshll.u32 s1, $0xD;
	s1 =	sshrl.u32 s1, $0x2  }
0xba: {  	s3 =	sand.u32 $0x4000, s31;
	s1 =	sadd.s32 s1, s30  }
0xbb: {  	s0 =	sor.u32 s3, s0;
	s1 =	sshll.u32 s1, $0x11  }
0xbc: {  	s0 =	sor.u32 s1, s0  }
0xbd: {  	s0 =	sadd.s32 $0x8F2B, s0  }
0xbe: {  	[sflag:s0] =	ssyncadd.remote.s32 $0x1  }
0xbf: {  	_ =	sfence.sel $0xFFFF  }
0xc0: {  	[dreg:$0x0] =	wrdreg $0xFFFFFFFF;
	(pc) =	sbr.abs _section_cstart, $3  }
0xc1: {  	[dreg:$0x1] =	wrdreg $0xFFFFFFFF  }
0xc2: {  	_ =	task.clear_ibuf [dreg:s7], $0x2FFFF;
	_ =	strace $0x9FFFFFFF  }
0xc3: {  	(tm) =	ssettm $0x7FFFFFFF  }
tec
execute0_lowered:
.L_overlay_start_1:
0x0: {  	(tag) =	ssettag $0x1  }
0x1: {  	s6 =	rddreg [dreg:$0x0]  }
0x2: {  	s7 =	rddreg [dreg:$0x1]  }
0x3: {  	s2 =	rddreg [dreg:$0x2]  }
0x4: {  	s0 =	rddreg [dreg:$0x3]  }
0x5: {  	s4 =	srdreg.scid;
	s1 =	stileid.u32  }
0x6: {  	s3 =	simm.s32 $0x0;
	s16 =	simm.s32 $0x14200;
	s17 =	simm.s32 $0x14000  }
0x7: {  	s18 =	simm.s32 $0x14100;
	s19 =	simm.s32 $0x1;
	s20 =	simm.s32 $0x64  }
0x8: {  	s21 =	simm.s32 $0x14080;
	s22 =	simm.s32 $0x2;
	s9 =	smul.u32 $0x2800, s1  }
0x9: {  	s23 =	simm.s32 $0x14180;
	s24 =	simm.s32 $0x0;
	s11 =	smul.u32 $0x50000, s1  }
0xa: {  	s8 =	sand.u32 $0x1, s4;
	[smem:$0x7FF] =	sst s3;
	s15 =	smul.u32 $0x3200, s1  }
0xb: {  	s5 =	sadd.s32 $0xE200, s6;
	s29 =	sshll.u32 s1, $0x6;
	s10 =	smul.u32 $0x28000, s8  }
0xc: {  	s4 =	sshll.u32 s8, $0x4;
	_ =	strace $0x80000047;
	s13 =	ssub.s32 $0x2, s8  }
0xd: {  	s8 =	smul.u32 $0x32000, s8;
	s12 =	sor.u32 s1, s4;
	s4 =	sadd.s32 $0x1A00, s6  }
0xe: {  	s14 =	sshrl.u32 s13, $0x1;
	s11 =	sshrl.u32 s11, $0x2;
	s12 =	smul.u32 $0x3200, s12  }
0xf: {  	s10 =	sadd.s32 s9, s10;
	s13 =	ssub.s32 s13, s14;
	s26 =	sadd.s32 s11, s2  }
0x10: {  	s15 =	sadd.s32 s15, s8;
	s8 =	sor.u32 $0x1C03, s29;
	s10 =	sadd.s32 s10, s6  }
0x11: {  	s6 =	sadd.s32 s7, s9;
	s30 =	sadd.s32 $0x300, s15;
	s11 =	smax.u32 s13, $0x1  }
0x12: {  	s13 =	sadd.s32 $0x200, s15;
	s14 =	sshrl.u32 s26, $0x3;
	s28 =	sshrl.u32 s12, $0x3  }
0x13: {  	s15 =	simm.s32 $0x3;
	s31 =	sshrl.u32 s30, $0x3;
	s7 =	sadd.s32 s4, s28  }
0x14: {  	s10 =	sadd.s32 $0xEA00, s10;
	s12 =	sadd.s32 s31, s4;
	s9 =	sadd.s32 $0x20, s7  }
.LBB2_1:
0x15: {  	[spmem:s14], [sflag:s8] =	dma.local [hbm:s6], $0x2800  }
0x16: {  	_ =	swait.ge [sflag:s15], $0x2800  }
0x17: {  	[sflag:s15] =	ssyncset.done $0x0  }
0x18: {  	[sflag:s15] =	ssyncadd.s32 $0xFFFFD800  }
0x19: {  	[tilespmem:s16], [sflag:$0x3] =	stream.linear.gather [hbm4b:s5+s3], $0x3200, $0x38;
	[tilespmem:$0x17600] =	vst v63  }
0x1a: {  	_ =	swait.ge [sflag:s15], $0x3200  }
0x1b: {  	[sflag:s15] =	ssyncset.done $0x0  }
0x1c: {  	[sflag:s15] =	ssyncadd.s32 $0xFFFFCE00  }
0x1d: {  	[tilespmem:s17], [sflag:$0x1] =	stream.linear.gather [hbm4b:s7+s3], $0x100, $0x38;
	[tilespmem:$0x17600] =	vst v63  }
0x1e: {  	_ = 	snop  }
0x1f: {  	[tilespmem:s18], [sflag:$0x2] =	stream.linear.gather [hbm4b:s9+s3], $0x100, $0x38;
	[tilespmem:$0x17600] =	vst v63  }
0x20: {  	[bflag:$0x0] =	sbarrier.arrive $0xFFFF  }
0x21: {  	_ =	swait.ge [sflag:s19], $0x100  }
0x22: {  	[sflag:s19] =	ssyncset.done $0x0  }
0x23: {  	[sflag:s19] =	ssyncadd.s32 $0xFFFFFF00  }
0x24: {  	[spmem:s2] =	stream.indirect.scatter.add.f32 [tilespmem:s16], [sflag:$0x3], $0x80, s17, s20, $0xb8;
	[tilespmem:$0x17600] =	vst v63  }
0x25: {  	_ =	swait.ge [sflag:s15], $0x3200  }
0x26: {  	[sflag:s15] =	ssyncset.done $0x0  }
0x27: {  	[sflag:s15] =	ssyncadd.s32 $0xFFFFCE00  }
0x28: {  	[spmem:s2] =	stream.indirect.scatter.add.f32 [tilespmem:s16], [sflag:$0x3], $0x80, s21, s20, $0xb8;
	[tilespmem:$0x17600] =	vst v63  }
0x29: {  	_ =	swait.ge [sflag:s15], $0x3200  }
0x2a: {  	s25 =	sshrl.u32 s13, $0x3;
	[sflag:s15] =	ssyncset.done $0x0  }
0x2b: {  	s25 =	sadd.s32 s4, s25;
	[sflag:s15] =	ssyncadd.s32 $0xFFFFCE00  }
0x2c: {  	[tilespmem:s17], [sflag:$0x1] =	stream.linear.gather [hbm4b:s25+s3], $0x100, $0x38;
	[tilespmem:$0x17600] =	vst v63  }
0x2d: {  	_ =	swait.ge [sflag:s22], $0x100  }
0x2e: {  	[sflag:s22] =	ssyncset.done $0x0  }
0x2f: {  	[sflag:s22] =	ssyncadd.s32 $0xFFFFFF00  }
0x30: {  	[spmem:s2] =	stream.indirect.scatter.add.f32 [tilespmem:s16], [sflag:$0x3], $0x80, s18, s20, $0xb8;
	[tilespmem:$0x17600] =	vst v63  }
0x31: {  	_ =	swait.ge [sflag:s15], $0x3200  }
0x32: {  	[sflag:s15] =	ssyncset.done $0x0  }
0x33: {  	[sflag:s15] =	ssyncadd.s32 $0xFFFFCE00  }
0x34: {  	[spmem:s2] =	stream.indirect.scatter.add.f32 [tilespmem:s16], [sflag:$0x3], $0x80, s23, s20, $0xb8;
	[tilespmem:$0x17600] =	vst v63  }
0x35: {  	_ =	swait.ge [sflag:s15], $0x3200  }
0x36: {  	s28 =	sadd.s32 $0x0, s12;
	[sflag:s15] =	ssyncset.done $0x0  }
0x37: {  	s26 =	sadd.s32 $0x200, s13;
	s25 =	simm.s32 $0x40;
	[sflag:s15] =	ssyncadd.s32 $0xFFFFCE00  }
.LBB2_2:
0x38: {  	[tilespmem:s18], [sflag:$0x2] =	stream.linear.gather [hbm4b:s28+s3], $0x100, $0x38;
	[tilespmem:$0x17600] =	vst v63  }
0x39: {  	s28 =	smov.u32 s25  }
0x3a: {  	p0 =	sne.s32 s25, $0x5C0;
	s25 =	sadd.s32 $0x40, s25;
	_ =	swait.ge [sflag:s19], $0x100  }
0x3b: {  	[sflag:s19] =	ssyncset.done $0x0  }
0x3c: {  	[sflag:s19] =	ssyncadd.s32 $0xFFFFFF00  }
0x3d: {  	[spmem:s2] =	stream.indirect.scatter.add.f32 [tilespmem:s16], [sflag:$0x3], $0x80, s17, s20, $0xb8;
	[tilespmem:$0x17600] =	vst v63  }
0x3e: {  	_ =	swait.ge [sflag:s15], $0x3200  }
0x3f: {  	[sflag:s15] =	ssyncset.done $0x0  }
0x40: {  	[sflag:s15] =	ssyncadd.s32 $0xFFFFCE00  }
0x41: {  	[spmem:s2] =	stream.indirect.scatter.add.f32 [tilespmem:s16], [sflag:$0x3], $0x80, s21, s20, $0xb8;
	[tilespmem:$0x17600] =	vst v63  }
0x42: {  	_ =	swait.ge [sflag:s15], $0x3200  }
0x43: {  	s29 =	sshrl.u32 s26, $0x3;
	[sflag:s15] =	ssyncset.done $0x0  }
0x44: {  	s29 =	sadd.s32 s4, s29;
	[sflag:s15] =	ssyncadd.s32 $0xFFFFCE00  }
0x45: {  	[tilespmem:s17], [sflag:$0x1] =	stream.linear.gather [hbm4b:s29+s3], $0x100, $0x38;
	[tilespmem:$0x17600] =	vst v63  }
0x46: {  	_ =	swait.ge [sflag:s22], $0x100  }
0x47: {  	[sflag:s22] =	ssyncset.done $0x0  }
0x48: {  	[sflag:s22] =	ssyncadd.s32 $0xFFFFFF00  }
0x49: {  	[spmem:s2] =	stream.indirect.scatter.add.f32 [tilespmem:s16], [sflag:$0x3], $0x80, s18, s20, $0xb8;
	[tilespmem:$0x17600] =	vst v63  }
0x4a: {  	_ =	swait.ge [sflag:s15], $0x3200  }
0x4b: {  	[sflag:s15] =	ssyncset.done $0x0  }
.Ltmp0:
0x4c: {  	[sflag:s15] =	ssyncadd.s32 $0xFFFFCE00;
	(pc) =	sbr.rel @p0 .LBB2_2-.Ltmp0, $4  }
0x4d: {  	[spmem:s2] =	stream.indirect.scatter.add.f32 [tilespmem:s16], [sflag:$0x3], $0x80, s23, s20, $0xb8;
	[tilespmem:$0x17600] =	vst v63  }
0x4e: {  	_ =	swait.ge [sflag:s15], $0x3200  }
0x4f: {  	[sflag:s15] =	ssyncset.done $0x0  }
0x50: {  	s26 =	sadd.s32 $0x200, s26;
	s28 =	sadd.s32 s28, s12;
	[sflag:s15] =	ssyncadd.s32 $0xFFFFCE00  }
0x51: {  	[tilespmem:s18], [sflag:$0x2] =	stream.linear.gather [hbm4b:s28+s3], $0x100, $0x38;
	[tilespmem:$0x17600] =	vst v63  }
0x52: {  	_ =	swait.ge [sflag:s19], $0x100  }
0x53: {  	[sflag:s19] =	ssyncset.done $0x0  }
0x54: {  	[sflag:s19] =	ssyncadd.s32 $0xFFFFFF00  }
0x55: {  	[spmem:s2] =	stream.indirect.scatter.add.f32 [tilespmem:s16], [sflag:$0x3], $0x80, s17, s20, $0xb8;
	[tilespmem:$0x17600] =	vst v63  }
0x56: {  	_ =	swait.ge [sflag:s15], $0x3200  }
0x57: {  	[sflag:s15] =	ssyncset.done $0x0  }
0x58: {  	[sflag:s15] =	ssyncadd.s32 $0xFFFFCE00  }
0x59: {  	[spmem:s2] =	stream.indirect.scatter.add.f32 [tilespmem:s16], [sflag:$0x3], $0x80, s21, s20, $0xb8;
	[tilespmem:$0x17600] =	vst v63  }
0x5a: {  	_ =	swait.ge [sflag:s15], $0x3200  }
0x5b: {  	[sflag:s15] =	ssyncset.done $0x0  }
0x5c: {  	[sflag:s15] =	ssyncadd.s32 $0xFFFFCE00  }
0x5d: {  	_ =	swait.ge [sflag:s22], $0x100  }
0x5e: {  	[sflag:s22] =	ssyncset.done $0x0  }
0x5f: {  	[sflag:s22] =	ssyncadd.s32 $0xFFFFFF00  }
0x60: {  	[spmem:s2] =	stream.indirect.scatter.add.f32 [tilespmem:s16], [sflag:$0x3], $0x80, s18, s20, $0xb8;
	[tilespmem:$0x17600] =	vst v63  }
0x61: {  	_ =	swait.ge [sflag:s15], $0x3200  }
0x62: {  	[sflag:s15] =	ssyncset.done $0x0  }
0x63: {  	[sflag:s15] =	ssyncadd.s32 $0xFFFFCE00  }
0x64: {  	[spmem:s2] =	stream.indirect.scatter.add.f32 [tilespmem:s16], [sflag:$0x3], $0x80, s23, s20, $0xb8;
	[tilespmem:$0x17600] =	vst v63  }
0x65: {  	_ =	swait.ge [sflag:s15], $0x3200  }
0x66: {  	s24 =	sadd.s32 $0x1, s24;
	[sflag:s15] =	ssyncset.done $0x0  }
0x67: {  	p0 =	sne.s32 s24, s11;
	[sflag:s15] =	ssyncadd.s32 $0xFFFFCE00  }
.Ltmp1:
0x68: {  	[bflag:$0x0] =	sbarrier.arrive $0xFFFF;
	(pc) =	sbr.rel @p0 .LBB2_1-.Ltmp1, $4  }
0x69: {  	[hbm:s10], [sflag:s8] =	dma.local [spmem:s14], $0x2800  }
0x6a: {  	_ =	swait.ge [sflag:s15], $0x2800  }
0x6b: {  	[sflag:s15] =	ssyncset.done $0x0  }
0x6c: {  	[sflag:s15] =	ssyncadd.s32 $0xFFFFD800  }
0x6d: {  	_ =	sfence.sel $0x180000  }
0x6e: {  	[bflag:$0x0] =	sbarrier.arrive $0xFFFF  }
0x6f: {  	p0 =	sne.s32 s1, $0x0;
	_ =	strace $0x90000047  }
0x70: {  	s0 =	sadd.s32 @!p0 $0x100000, s0;
	[bflag:$0x2] =	sbarrier.arrive $0xFFFF  }
0x71: {  	[sflag:s0] =	ssyncadd.tile.s32 @!p0 $0x1;
	_ =	shalt  }
.Lfunc_end2:
_tile_overlayer_lowered:
.L_overlay_start_2:
0x72: {  	(tag) =	ssettag $0x2  }
0x73: {  	s0 =	rddreg [dreg:$0x0];
	s2 =	stileid.u32  }
0x74: {  	s1 =	rddreg [dreg:$0x1];
	p0 =	sne.s32 s2, $0x0  }
0x75: {  	s3 =	rddreg [dreg:$0x2];
	[bflag:$0x3] =	sbarrier.arrive $0xFFFF;
	s2 =	simm.s32 @!p0 $0x1C03  }
0x76: {  	[timem:s3], [sflag:s2] =	dma.local @!p0 [hbm:s0], s1  }
0x77: {  	s0 =	simm.s32 @!p0 $0x3  }
0x78: {  	_ =	swait.ge @!p0 [sflag:s0], s1  }
0x79: {  	s1 =	ssub.s32 @!p0 $0x0, s1;
	[sflag:s0] =	ssyncset.done @!p0 $0x0  }
0x7a: {  	[sflag:s0] =	ssyncadd.s32 @!p0 s1  }
0x7b: {  	[bflag:$0x3] =	sbarrier.arrive $0xFFFF  }
0x7c: {  	_ =	shalt  }

</sc_bundles>
